<compile_context>
chip_gen: v7x
topology: tpu7x:2x2x1
jax: 0.10.2.dev20260603
libtpu: 0.0.44.dev20260713+nightly
codegen_flags: <defaults>
</compile_context>

<pallas_src>
import functools
import math

import jax
import jax.numpy as jnp
from jax import lax
from jax.experimental import pallas as pl
from jax.experimental.pallas import tpu as pltpu
from jax.experimental.pallas import tpu_sc as plsc

D_M = 1024
K_REP = 6
TEMP = 0.1
N_HEADS = 8
HEAD_DIM = D_M // N_HEADS
TB = 512
B_SZ = 2


def _dot_t(x, w):
    return lax.dot_general(x, w, (((1,), (1,)), ((), ())),
                           preferred_element_type=jnp.float32)


def _fused_kernel(f_blk, qe, mu_w1, mu_b1, mu_g1, mu_be1, mu_w2, mu_b2,
                  sg_w1, sg_b1, sg_g1, sg_be1, sg_w2, sg_b2,
                  wq, bq, wk,
                  idx_ref, comb_ref, gidx_ref, ell_ref, mu_out, isg_out,
                  mu_sc, isg_sc, u_sc, dist_sc, hl_sc):
    B = qe.shape[0]
    T = dist_sc.shape[1]
    NT = T // TB
    i = pl.program_id(0)

    @pl.when(i == 0)
    def _stage_q():
        def layernorm(x, g, b):
            m = jnp.mean(x, axis=-1, keepdims=True)
            v = jnp.mean((x - m) ** 2, axis=-1, keepdims=True)
            return (x - m) / jnp.sqrt(v + 1e-5) * g + b

        def mlp(x, w1, b1, g, be, w2, b2):
            h = _dot_t(x, w1[...]) + b1[...][None, :]
            h = jnp.maximum(layernorm(h, g[...][None, :], be[...][None, :]),
                            0.0)
            return _dot_t(h, w2[...]) + b2[...][None, :]

        x = qe[...]
        mu = mlp(x, mu_w1, mu_b1, mu_g1, mu_be1, mu_w2, mu_b2)
        sg_pre = mlp(x, sg_w1, sg_b1, sg_g1, sg_be1, sg_w2, sg_b2)
        sigma = jnp.maximum(sg_pre, 0.0) + jnp.log1p(jnp.exp(-jnp.abs(sg_pre)))
        sigma = sigma + 1e-6
        mu_sc[...] = mu
        isg_sc[...] = 1.0 / sigma

        q = _dot_t(mu, wq[...]) + bq[...][None, :]
        nrow = B * N_HEADS
        qb = jnp.broadcast_to(q[:, None, :], (B, N_HEADS, D_M)).reshape(
            nrow, D_M)
        col_h = lax.broadcasted_iota(jnp.int32, (nrow, D_M), 1) // HEAD_DIM
        row_h = lax.broadcasted_iota(jnp.int32, (nrow, D_M), 0) % N_HEADS
        q8 = jnp.where(col_h == row_h, qb, 0.0)
        scale = 1.0 / math.sqrt(HEAD_DIM)
        u_sc[...] = jnp.dot(q8, wk[...],
                            preferred_element_type=jnp.float32) * scale

    @pl.when((i >= 1) & (i <= NT))
    def _stage_stream():
        t0 = (i - 1) * TB
        for b in range(B):
            f = f_blk[b]
            cen = f - mu_sc[b][None, :]
            dist_sc[b, pl.ds(t0, TB)] = jnp.sum(
                cen * cen * isg_sc[b][None, :], axis=1)
            hl = lax.dot_general(
                u_sc[pl.ds(b * N_HEADS, N_HEADS), :], f,
                (((1,), (1,)), ((), ())),
                preferred_element_type=jnp.float32)
            hl_sc[pl.ds(b * N_HEADS, N_HEADS), pl.ds(t0, TB)] = hl

    @pl.when(i == NT + 1)
    def _stage_final():
        pos = lax.broadcasted_iota(jnp.int32, (B, T), 1)
        posf = pos.astype(jnp.float32)
        dist = dist_sc[...]

        bits = lax.bitcast_convert_type(dist, jnp.int32)
        bp = bits.reshape(B * T // 128, 128)
        rank = (T - 1) // 2
        rows = T // 128
        med_s = []
        for b in range(B):
            bpb = bp[b * rows:(b + 1) * rows]

            def count_lt(cand, _bpb=bpb):
                return jnp.sum((_bpb < cand).astype(jnp.int32))

            m = jnp.int32(0)
            b30 = jnp.int32(1 << 30)
            m = jnp.where(count_lt(m | b30) <= rank, m | b30, m)
            for k in range(29, 0, -2):
                hi = jnp.int32(1 << k)
                lo = jnp.int32(1 << (k - 1))
                c_lo = count_lt(m | lo) <= rank
                c_hi = count_lt(m | hi) <= rank
                c_both = count_lt(m | hi | lo) <= rank
                m = m | jnp.where(c_hi, hi, jnp.int32(0))
                m = m | jnp.where(jnp.where(c_hi, c_both, c_lo), lo,
                                  jnp.int32(0))
            med_s.append(lax.bitcast_convert_type(m, jnp.float32))
        row_id = lax.broadcasted_iota(jnp.int32, (B, 1), 0)
        med = jnp.where(row_id == 0, med_s[0], med_s[1])

        dw = jnp.exp(-jnp.abs(dist - med) / TEMP)

        hl = hl_sc[...]
        mx = jnp.max(hl, axis=1, keepdims=True)
        e = jnp.exp(hl - mx)
        attn = e / jnp.sum(e, axis=1, keepdims=True)
        attn_mean = jnp.mean(attn.reshape(B, N_HEADS, T), axis=1)

        w = dw * attn_mean
        comb_ref[...] = w

        def first_argmax(v):
            mv = jnp.max(v, axis=1, keepdims=True)
            return jnp.min(jnp.where(v == mv, pos, T), axis=1, keepdims=True)

        idxv = [first_argmax(w)]
        min_dist = jnp.abs(posf - idxv[0].astype(jnp.float32))
        sel = pos == idxv[0]
        for _ in range(K_REP - 1):
            score = jnp.where(sel, -jnp.inf, min_dist * w)
            nxt = first_argmax(score)
            idxv.append(nxt)
            min_dist = jnp.minimum(min_dist,
                                   jnp.abs(posf - nxt.astype(jnp.float32)))
            sel = sel | (pos == nxt)

        rd = [jnp.sum(jnp.where(pos == idxv[k], dist, 0.0), axis=1,
                      keepdims=True) for k in range(K_REP)]
        t_rank = (K_REP - 1) // 2
        target = jnp.zeros((B, 1), jnp.float32)
        for a in range(K_REP):
            r_a = jnp.zeros((B, 1), jnp.int32)
            for j in range(K_REP):
                if j == a:
                    continue
                less = rd[j] < rd[a]
                if j < a:
                    less = less | (rd[j] == rd[a])
                r_a = r_a + less.astype(jnp.int32)
            target = target + jnp.where(r_a == t_rank, rd[a], 0.0)
        ell_sum = 0.0
        for k in range(K_REP):
            ell_sum = ell_sum + jnp.sum((rd[k] - target) ** 2)

        bsel = [lax.broadcasted_iota(jnp.int32, (B, 1), 0) == b
                for b in range(B)]
        lane16 = lax.broadcasted_iota(jnp.int32, (16,), 0)
        gidx = jnp.zeros((16,), jnp.int32)
        for b in range(B):
            for k in range(K_REP):
                s = jnp.sum(jnp.where(bsel[b], idxv[k], 0))
                idx_ref[b, k] = s
                gidx = jnp.where(lane16 == b * K_REP + k, s + b * T, gidx)
        gidx_ref[...] = gidx
        ell = ell_sum / (B * K_REP)
        ell_ref[...] = jnp.where(lane16 == 0, ell, 0.0)
        mu_out[...] = mu_sc[...]
        isg_out[...] = isg_sc[...]


def _sc_body(feats_hbm, gidx_hbm, mu_hbm, isg_hbm, ell_hbm,
             rep_out, loss_out,
             idx_v, rows_v, mu_v, isg_v, loss_v, sem):
    cid = lax.axis_index("c")
    sid = lax.axis_index("s")
    is_lead = (cid == 0) & (sid == 0)
    nk = B_SZ * K_REP

    pltpu.sync_copy(gidx_hbm, idx_v)
    pltpu.async_copy(feats_hbm.at[idx_v], rows_v, sem).wait()
    pltpu.sync_copy(mu_hbm, mu_v)
    pltpu.sync_copy(isg_hbm, isg_v)

    nch = D_M // 16
    zero = jnp.zeros((16,), jnp.float32)
    pairs = [(b, i2, j2) for b in range(B_SZ)
             for i2 in range(K_REP) for j2 in range(i2 + 1, K_REP)]

    def body(j, carry):
        con = carry[0]
        pacc = carry[1:]
        sl = pl.ds(j * 16, 16)
        row = [[rows_v[b * K_REP + r, sl] for r in range(K_REP)]
               for b in range(B_SZ)]
        for b in range(B_SZ):
            mub = mu_v[b, sl]
            isb = isg_v[b, sl]
            for r in range(K_REP):
                cen = row[b][r] - mub
                con = con + cen * cen * isb
        new_p = []
        for p, (b, i2, j2) in enumerate(pairs):
            new_p.append(pacc[p] + row[b][i2] * row[b][j2])
        return (con,) + tuple(new_p)

    init = (zero,) + tuple(zero for _ in pairs)
    res = lax.fori_loop(0, nch, body, init)

    def sum16(v):
        s = v[0]
        for q in range(1, 16):
            s = s + v[q]
        return s

    con_s = sum16(res[0])
    div_s = jnp.float32(0.0)
    for p in range(len(pairs)):
        d = sum16(res[1 + p])
        div_s = div_s + d * d
    pltpu.sync_copy(ell_hbm, loss_v)
    ell_s = loss_v[...][0]
    loss = (ell_s + 0.1 * (con_s * (1.0 / nk))
            + 0.05 * (div_s * (1.0 / (B_SZ * K_REP * K_REP))))
    loss_v[...] = jnp.broadcast_to(loss, (16,))

    @pl.when(is_lead)
    def _():
        pltpu.sync_copy(rows_v, rep_out)
        pltpu.sync_copy(loss_v, loss_out)


def _sc_gather_loss(feats_flat, gidx, mu_q, inv_sigma, ell):
    nk = B_SZ * K_REP
    run = pl.kernel(
        _sc_body,
        mesh=plsc.VectorSubcoreMesh(core_axis_name="c", subcore_axis_name="s"),
        out_type=[
            jax.ShapeDtypeStruct((16, D_M), jnp.float32),
            jax.ShapeDtypeStruct((16,), jnp.float32),
        ],
        scratch_types=[
            pltpu.VMEM((16,), jnp.int32),
            pltpu.VMEM((16, D_M), jnp.float32),
            pltpu.VMEM((B_SZ, D_M), jnp.float32),
            pltpu.VMEM((B_SZ, D_M), jnp.float32),
            pltpu.VMEM((16,), jnp.float32),
            pltpu.SemaphoreType.DMA,
        ],
    )
    return run(feats_flat, gidx, mu_q, inv_sigma, ell)


def kernel(video_features, query_embedding, mu_w1, mu_b1, mu_g1, mu_be1,
           mu_w2, mu_b2, sg_w1, sg_b1, sg_g1, sg_be1, sg_w2, sg_b2,
           in_proj_w, in_proj_b, out_w, out_b):
    B, T, D = video_features.shape
    NT = T // TB

    def const2(_):
        return (0, 0)

    def const1(_):
        return (0,)

    full2 = pl.BlockSpec((D, D), const2)
    full1 = pl.BlockSpec((D,), const1)

    indices, combined, gidx, ell, mu_q, inv_sigma = pl.pallas_call(
        _fused_kernel,
        grid=(NT + 2,),
        in_specs=[
            pl.BlockSpec((B, TB, D),
                         lambda i: (0, jnp.clip(i - 1, 0, NT - 1), 0)),
            pl.BlockSpec((B, D), const2),
            full2, full1, full1, full1, full2, full1,
            full2, full1, full1, full1, full2, full1,
            pl.BlockSpec((D, D), lambda i: (0, 0)),
            pl.BlockSpec((D,), lambda i: (0,)),
            pl.BlockSpec((D, D), lambda i: (1, 0)),
        ],
        out_specs=(
            pl.BlockSpec(memory_space=pltpu.SMEM),
            pl.BlockSpec((B, T), const2),
            pl.BlockSpec((16,), const1),
            pl.BlockSpec((16,), const1),
            pl.BlockSpec((B, D), const2),
            pl.BlockSpec((B, D), const2),
        ),
        out_shape=(
            jax.ShapeDtypeStruct((B, K_REP), jnp.int32),
            jax.ShapeDtypeStruct((B, T), jnp.float32),
            jax.ShapeDtypeStruct((16,), jnp.int32),
            jax.ShapeDtypeStruct((16,), jnp.float32),
            jax.ShapeDtypeStruct((B, D), jnp.float32),
            jax.ShapeDtypeStruct((B, D), jnp.float32),
        ),
        scratch_shapes=[
            pltpu.VMEM((B, D), jnp.float32),
            pltpu.VMEM((B, D), jnp.float32),
            pltpu.VMEM((B * N_HEADS, D), jnp.float32),
            pltpu.VMEM((B, T), jnp.float32),
            pltpu.VMEM((B * N_HEADS, T), jnp.float32),
        ],
    )(video_features, query_embedding, mu_w1, mu_b1, mu_g1, mu_be1,
      mu_w2, mu_b2, sg_w1, sg_b1, sg_g1, sg_be1, sg_w2, sg_b2,
      in_proj_w, in_proj_b, in_proj_w)

    feats_flat = video_features.reshape(B * T, D)
    rep_flat, loss_vec = _sc_gather_loss(feats_flat, gidx, mu_q, inv_sigma,
                                         ell)
    rep = rep_flat[:B * K_REP].reshape(B, K_REP, D)
    return rep, loss_vec[0], indices, combined

# --- scband reference (transcript-rebuilt; emitter-appended) ---
"""Pipeline reference for scband-ntlbgrepresentative-selector-17428977287680 (READ-ONLY COPY).

The authoritative reference and input builder live on the scoring server;
editing this copy changes nothing except your own understanding.
"""

import jax, jax.numpy as jnp
import numpy as np

D_MODEL = 1024
K_REP = 6
TEMP = 0.1
N_HEADS = 8
B, T = 2, 4096


def _layernorm(x, g, b):
    m = jnp.mean(x, axis=-1, keepdims=True)
    v = jnp.var(x, axis=-1, keepdims=True)
    return (x - m) / jnp.sqrt(v + 1e-5) * g + b


def _mu_net(x, w1, b1, g, be, w2, b2):
    h = x @ w1.T + b1
    h = jax.nn.relu(_layernorm(h, g, be))
    return h @ w2.T + b2


def _sigma_net(x, w1, b1, g, be, w2, b2):
    return jax.nn.softplus(_mu_net(x, w1, b1, g, be, w2, b2))


def _mha(query, feats, ipw, ipb, ow, ob):
    Bq, Lq, D = query.shape
    Tk = feats.shape[1]
    hd = D // N_HEADS
    q = query @ ipw[:D].T + ipb[:D]
    k = feats @ ipw[D:2 * D].T + ipb[D:2 * D]
    v = feats @ ipw[2 * D:].T + ipb[2 * D:]
    q = q.reshape(Bq, Lq, N_HEADS, hd).transpose(0, 2, 1, 3)
    k = k.reshape(Bq, Tk, N_HEADS, hd).transpose(0, 2, 1, 3)
    v = v.reshape(Bq, Tk, N_HEADS, hd).transpose(0, 2, 1, 3)
    logits = jnp.einsum('bhqd,bhkd->bhqk', q, k) / float(np.sqrt(hd))
    attn = jax.nn.softmax(logits, axis=-1)
    out = jnp.einsum('bhqk,bhkd->bhqd', attn, v)
    out = out.transpose(0, 2, 1, 3).reshape(Bq, Lq, D)
    return out @ ow.T + ob, jnp.mean(attn, axis=1)


def _greedy_select(w, k):
    Bw, Tw = w.shape
    pos = jnp.arange(Tw)
    first = jnp.argmax(w, axis=1)
    idxs = [first]
    min_dist = jnp.abs(pos[None, :] - first[:, None]).astype(w.dtype)
    sel = pos[None, :] == first[:, None]
    for _ in range(k - 1):
        score = jnp.where(sel, -jnp.inf, min_dist * w)
        nxt = jnp.argmax(score, axis=1)
        idxs.append(nxt)
        min_dist = jnp.minimum(min_dist, jnp.abs(pos[None, :] - nxt[:, None]).astype(w.dtype))
        sel = sel | (pos[None, :] == nxt[:, None])
    return jnp.stack(idxs, axis=1)


def _forward(video_features, query_embedding, mu_w1, mu_b1, mu_g1, mu_be1, mu_w2, mu_b2, sg_w1, sg_b1, sg_g1, sg_be1, sg_w2, sg_b2, in_proj_w, in_proj_b, out_w, out_b):
    Bv, Tv, D = video_features.shape
    mu_q = _mu_net(query_embedding, mu_w1, mu_b1, mu_g1, mu_be1, mu_w2, mu_b2)
    sigma_q = _sigma_net(query_embedding, sg_w1, sg_b1, sg_g1, sg_be1, sg_w2, sg_b2) + 1e-6
    centered = video_features - mu_q[:, None, :]
    dist = jnp.sum(centered ** 2 / sigma_q[:, None, :], axis=-1)
    # torch.median returns the LOWER median for even length
    med = jnp.sort(dist, axis=1)[:, (Tv - 1) // 2][:, None]
    dw = jnp.exp(-jnp.abs(dist - med) / TEMP)
    _, attn_w = _mha(mu_q[:, None, :], video_features, in_proj_w, in_proj_b, out_w, out_b)
    combined = dw * attn_w[:, 0, :]
    indices = _greedy_select(combined, K_REP)
    rep = jnp.take_along_axis(video_features, indices[:, :, None], axis=1)
    rep_dist = jnp.take_along_axis(dist, indices, axis=1)
    target = jnp.sort(rep_dist, axis=1)[:, (K_REP - 1) // 2][:, None]
    ellipsoid = jnp.mean((rep_dist - target) ** 2)
    centered_rep = rep - mu_q[:, None, :]
    consistency = jnp.mean(jnp.sum(centered_rep ** 2 / sigma_q[:, None, :], axis=-1))
    sim = jnp.einsum('bkd,bjd->bkj', rep, rep)
    mask = jnp.triu(jnp.ones((K_REP, K_REP), dtype=sim.dtype), k=1)
    diversity = jnp.mean((sim * mask) ** 2)
    loss = ellipsoid + 0.1 * consistency + 0.05 * diversity
    return rep, loss, indices, combined


def setup_inputs(seed: int = 0):
    key = jax.random.key(seed)
    ks = jax.random.split(key, 8)
    s = 0.02
    D = D_MODEL
    return {
        'video_features': jax.random.normal(ks[0], (B, T, D), dtype=jnp.float32),
        'query_embedding': jax.random.normal(ks[1], (B, D), dtype=jnp.float32),
        'mu_w1': jax.random.normal(ks[2], (D, D), dtype=jnp.float32) * s,
        'mu_b1': jnp.zeros((D,), jnp.float32),
        'mu_g1': jnp.ones((D,), jnp.float32),
        'mu_be1': jnp.zeros((D,), jnp.float32),
        'mu_w2': jax.random.normal(ks[3], (D, D), dtype=jnp.float32) * s,
        'mu_b2': jnp.zeros((D,), jnp.float32),
        'sg_w1': jax.random.normal(ks[4], (D, D), dtype=jnp.float32) * s,
        'sg_b1': jnp.zeros((D,), jnp.float32),
        'sg_g1': jnp.ones((D,), jnp.float32),
        'sg_be1': jnp.zeros((D,), jnp.float32),
        'sg_w2': jax.random.normal(ks[5], (D, D), dtype=jnp.float32) * s,
        'sg_b2': jnp.zeros((D,), jnp.float32),
        'in_proj_w': jax.random.normal(ks[6], (3 * D, D), dtype=jnp.float32) * s,
        'in_proj_b': jnp.zeros((3 * D,), jnp.float32),
        'out_w': jax.random.normal(ks[7], (D, D), dtype=jnp.float32) * s,
        'out_b': jnp.zeros((D,), jnp.float32),
    }


def reference(video_features, query_embedding, mu_w1, mu_b1, mu_g1, mu_be1, mu_w2, mu_b2, sg_w1, sg_b1, sg_g1, sg_be1, sg_w2, sg_b2, in_proj_w, in_proj_b, out_w, out_b):
    return _forward(video_features, query_embedding, mu_w1, mu_b1, mu_g1, mu_be1, mu_w2, mu_b2, sg_w1, sg_b1, sg_g1, sg_be1, sg_w2, sg_b2, in_proj_w, in_proj_b, out_w, out_b)

if __name__ == "__main__":
    import jax
    _d = setup_inputs()
    print(jax.jit(kernel)(*tuple(_d.values())))

</pallas_src>

<mosaic_0001>
#map = affine_map<(d0, d1) -> (0, 0)>
#map1 = affine_map<(d0, d1) -> (0)>
module attributes {stable_mosaic.version = 14 : i64} {
  func.func @_sc_body(%arg0: i32, %arg1: i32, %arg2: memref<8192x1024xf32, #tpu.memory_space<hbm>>, %arg3: memref<16xi32, #tpu.memory_space<hbm>>, %arg4: memref<2x1024xf32, #tpu.memory_space<hbm>>, %arg5: memref<2x1024xf32, #tpu.memory_space<hbm>>, %arg6: memref<16xf32, #tpu.memory_space<hbm>>, %arg7: memref<16x1024xf32, #tpu.memory_space<hbm>>, %arg8: memref<16xf32, #tpu.memory_space<hbm>>, %arg9: memref<16xi32, #tpu.memory_space<vmem>>, %arg10: memref<16x1024xf32, #tpu.memory_space<vmem>>, %arg11: memref<2x1024xf32, #tpu.memory_space<vmem>>, %arg12: memref<2x1024xf32, #tpu.memory_space<vmem>>, %arg13: memref<16xf32, #tpu.memory_space<vmem>>, %arg14: memref<!tpu.dma_semaphore, #tpu.memory_space<semaphore_mem>>) attributes {dimension_semantics = [#tpu.dimension_semantics<core_parallel>, #tpu.dimension_semantics<subcore_parallel>], iteration_bounds = array<i64: 2, 16>, scalar_prefetch = 0 : i64, scratch_operands = 6 : i64, tpu.core_type = #tpu.core_type<sc_vector_subcore>, window_params = [{transform_indices = #map}, {transform_indices = #map1}, {transform_indices = #map}, {transform_indices = #map}, {transform_indices = #map1}, {transform_indices = #map}, {transform_indices = #map1}]} {
    %eq3A = arith.constant 0 : i32
    %eq3A_0 = arith.cmpi eq, %arg0, %eq3A : i32
    %eq3A_1 = arith.constant 0 : i32
    %eq3A_2 = arith.cmpi eq, %arg1, %eq3A_1 : i32
    %and3A = arith.andi %eq3A_0, %eq3A_2 : i1
    "tpu.region"() ({
      %run_scoped3A = tpu.sem_alloc : memref<!tpu.dma_semaphore, #tpu.memory_space<semaphore_mem>>
      tpu.enqueue_dma source(%arg3 : memref<16xi32, #tpu.memory_space<hbm>>) target(%arg9 : memref<16xi32, #tpu.memory_space<vmem>>) target_semaphore(%run_scoped3A : memref<!tpu.dma_semaphore, #tpu.memory_space<semaphore_mem>>)
      tpu.wait_dma2 semaphore(%run_scoped3A : memref<!tpu.dma_semaphore, #tpu.memory_space<semaphore_mem>>) src(%arg3 : memref<16xi32, #tpu.memory_space<hbm>>) dst(%arg9 : memref<16xi32, #tpu.memory_space<vmem>>)
      tpu.yield
    }) : () -> ()
    %dma_start3A = arith.constant 0 : i32
    %dma_start3A_3 = arith.constant 0 : i32
    %dma_start3A_4 = tpu.memref_slice %arg2[%dma_start3A, %dma_start3A_3] : memref<8192x1024xf32, #tpu.memory_space<hbm>> -> memref<8192x1024xf32, #tpu.memory_space<hbm>>
    tpu.enqueue_indirect_dma source(%dma_start3A_4 : memref<8192x1024xf32, #tpu.memory_space<hbm>>) target(%arg10 : memref<16x1024xf32, #tpu.memory_space<vmem>>) offsets(%arg9 : memref<16xi32, #tpu.memory_space<vmem>>) semaphore(%arg14 : memref<!tpu.dma_semaphore, #tpu.memory_space<semaphore_mem>>)
    %dma_wait3A = arith.constant 0 : i32
    %dma_wait3A_5 = arith.constant 0 : i32
    %dma_wait3A_6 = tpu.memref_slice %arg2[%dma_wait3A, %dma_wait3A_5] : memref<8192x1024xf32, #tpu.memory_space<hbm>> -> memref<8192x1024xf32, #tpu.memory_space<hbm>>
    tpu.wait_indirect_dma semaphore(%arg14 : memref<!tpu.dma_semaphore, #tpu.memory_space<semaphore_mem>>) src(%dma_wait3A_6 : memref<8192x1024xf32, #tpu.memory_space<hbm>>) dst(%arg10 : memref<16x1024xf32, #tpu.memory_space<vmem>>)
    "tpu.region"() ({
      %run_scoped3A = tpu.sem_alloc : memref<!tpu.dma_semaphore, #tpu.memory_space<semaphore_mem>>
      tpu.enqueue_dma source(%arg4 : memref<2x1024xf32, #tpu.memory_space<hbm>>) target(%arg11 : memref<2x1024xf32, #tpu.memory_space<vmem>>) target_semaphore(%run_scoped3A : memref<!tpu.dma_semaphore, #tpu.memory_space<semaphore_mem>>)
      tpu.wait_dma2 semaphore(%run_scoped3A : memref<!tpu.dma_semaphore, #tpu.memory_space<semaphore_mem>>) src(%arg4 : memref<2x1024xf32, #tpu.memory_space<hbm>>) dst(%arg11 : memref<2x1024xf32, #tpu.memory_space<vmem>>)
      tpu.yield
    }) : () -> ()
    "tpu.region"() ({
      %run_scoped3A = tpu.sem_alloc : memref<!tpu.dma_semaphore, #tpu.memory_space<semaphore_mem>>
      tpu.enqueue_dma source(%arg5 : memref<2x1024xf32, #tpu.memory_space<hbm>>) target(%arg12 : memref<2x1024xf32, #tpu.memory_space<vmem>>) target_semaphore(%run_scoped3A : memref<!tpu.dma_semaphore, #tpu.memory_space<semaphore_mem>>)
      tpu.wait_dma2 semaphore(%run_scoped3A : memref<!tpu.dma_semaphore, #tpu.memory_space<semaphore_mem>>) src(%arg5 : memref<2x1024xf32, #tpu.memory_space<hbm>>) dst(%arg12 : memref<2x1024xf32, #tpu.memory_space<vmem>>)
      tpu.yield
    }) : () -> ()
    %broadcast_in_dim3A = arith.constant 0.000000e+00 : f32
    %broadcast_in_dim3A_7 = vector.broadcast %broadcast_in_dim3A : f32 to vector<16xf32>
    %scan3A = arith.constant 0 : i32
    %scan3A_8 = arith.constant 64 : i32
    %scan3A_9 = arith.addi %scan3A, %scan3A_8 : i32
    %scan3A_10 = arith.constant 1 : i32
    %scan3A_11:31 = scf.for %scan3A_1546 = %scan3A to %scan3A_9 step %scan3A_10 iter_args(%scan3A_1547 = %broadcast_in_dim3A_7, %scan3A_1548 = %broadcast_in_dim3A_7, %scan3A_1549 = %broadcast_in_dim3A_7, %scan3A_1550 = %broadcast_in_dim3A_7, %scan3A_1551 = %broadcast_in_dim3A_7, %scan3A_1552 = %broadcast_in_dim3A_7, %scan3A_1553 = %broadcast_in_dim3A_7, %scan3A_1554 = %broadcast_in_dim3A_7, %scan3A_1555 = %broadcast_in_dim3A_7, %scan3A_1556 = %broadcast_in_dim3A_7, %scan3A_1557 = %broadcast_in_dim3A_7, %scan3A_1558 = %broadcast_in_dim3A_7, %scan3A_1559 = %broadcast_in_dim3A_7, %scan3A_1560 = %broadcast_in_dim3A_7, %scan3A_1561 = %broadcast_in_dim3A_7, %scan3A_1562 = %broadcast_in_dim3A_7, %scan3A_1563 = %broadcast_in_dim3A_7, %scan3A_1564 = %broadcast_in_dim3A_7, %scan3A_1565 = %broadcast_in_dim3A_7, %scan3A_1566 = %broadcast_in_dim3A_7, %scan3A_1567 = %broadcast_in_dim3A_7, %scan3A_1568 = %broadcast_in_dim3A_7, %scan3A_1569 = %broadcast_in_dim3A_7, %scan3A_1570 = %broadcast_in_dim3A_7, %scan3A_1571 = %broadcast_in_dim3A_7, %scan3A_1572 = %broadcast_in_dim3A_7, %scan3A_1573 = %broadcast_in_dim3A_7, %scan3A_1574 = %broadcast_in_dim3A_7, %scan3A_1575 = %broadcast_in_dim3A_7, %scan3A_1576 = %broadcast_in_dim3A_7, %scan3A_1577 = %broadcast_in_dim3A_7) -> (vector<16xf32>, vector<16xf32>, vector<16xf32>, vector<16xf32>, vector<16xf32>, vector<16xf32>, vector<16xf32>, vector<16xf32>, vector<16xf32>, vector<16xf32>, vector<16xf32>, vector<16xf32>, vector<16xf32>, vector<16xf32>, vector<16xf32>, vector<16xf32>, vector<16xf32>, vector<16xf32>, vector<16xf32>, vector<16xf32>, vector<16xf32>, vector<16xf32>, vector<16xf32>, vector<16xf32>, vector<16xf32>, vector<16xf32>, vector<16xf32>, vector<16xf32>, vector<16xf32>, vector<16xf32>, vector<16xf32>)  : i32 {
      %mul3A_1578 = arith.constant 16 : i32
      %mul3A_1579 = arith.muli %scan3A_1546, %mul3A_1578 : i32
      %get3A_1580 = arith.constant 0 : i32
      %get3A_1581 = arith.index_cast %get3A_1580 : i32 to index
      %get3A_1582 = arith.index_cast %mul3A_1579 : i32 to index
      %get3A_1583 = tpu.vector_load %arg10[%get3A_1581, %get3A_1582] {strides = array<i32>} : memref<16x1024xf32, #tpu.memory_space<vmem>>, vector<1x16xf32>,
      %get3A_1584 = vector.shape_cast %get3A_1583 : vector<1x16xf32> to vector<16xf32>
      %get3A_1585 = arith.constant 1 : i32
      %get3A_1586 = arith.index_cast %get3A_1585 : i32 to index
      %get3A_1587 = arith.index_cast %mul3A_1579 : i32 to index
      %get3A_1588 = tpu.vector_load %arg10[%get3A_1586, %get3A_1587] {strides = array<i32>} : memref<16x1024xf32, #tpu.memory_space<vmem>>, vector<1x16xf32>,
      %get3A_1589 = vector.shape_cast %get3A_1588 : vector<1x16xf32> to vector<16xf32>
      %get3A_1590 = arith.constant 2 : i32
      %get3A_1591 = arith.index_cast %get3A_1590 : i32 to index
      %get3A_1592 = arith.index_cast %mul3A_1579 : i32 to index
      %get3A_1593 = tpu.vector_load %arg10[%get3A_1591, %get3A_1592] {strides = array<i32>} : memref<16x1024xf32, #tpu.memory_space<vmem>>, vector<1x16xf32>,
      %get3A_1594 = vector.shape_cast %get3A_1593 : vector<1x16xf32> to vector<16xf32>
      %get3A_1595 = arith.constant 3 : i32
      %get3A_1596 = arith.index_cast %get3A_1595 : i32 to index
      %get3A_1597 = arith.index_cast %mul3A_1579 : i32 to index
      %get3A_1598 = tpu.vector_load %arg10[%get3A_1596, %get3A_1597] {strides = array<i32>} : memref<16x1024xf32, #tpu.memory_space<vmem>>, vector<1x16xf32>,
      %get3A_1599 = vector.shape_cast %get3A_1598 : vector<1x16xf32> to vector<16xf32>
      %get3A_1600 = arith.constant 4 : i32
      %get3A_1601 = arith.index_cast %get3A_1600 : i32 to index
      %get3A_1602 = arith.index_cast %mul3A_1579 : i32 to index
      %get3A_1603 = tpu.vector_load %arg10[%get3A_1601, %get3A_1602] {strides = array<i32>} : memref<16x1024xf32, #tpu.memory_space<vmem>>, vector<1x16xf32>,
      %get3A_1604 = vector.shape_cast %get3A_1603 : vector<1x16xf32> to vector<16xf32>
      %get3A_1605 = arith.constant 5 : i32
      %get3A_1606 = arith.index_cast %get3A_1605 : i32 to index
      %get3A_1607 = arith.index_cast %mul3A_1579 : i32 to index
      %get3A_1608 = tpu.vector_load %arg10[%get3A_1606, %get3A_1607] {strides = array<i32>} : memref<16x1024xf32, #tpu.memory_space<vmem>>, vector<1x16xf32>,
      %get3A_1609 = vector.shape_cast %get3A_1608 : vector<1x16xf32> to vector<16xf32>
      %get3A_1610 = arith.constant 6 : i32
      %get3A_1611 = arith.index_cast %get3A_1610 : i32 to index
      %get3A_1612 = arith.index_cast %mul3A_1579 : i32 to index
      %get3A_1613 = tpu.vector_load %arg10[%get3A_1611, %get3A_1612] {strides = array<i32>} : memref<16x1024xf32, #tpu.memory_space<vmem>>, vector<1x16xf32>,
      %get3A_1614 = vector.shape_cast %get3A_1613 : vector<1x16xf32> to vector<16xf32>
      %get3A_1615 = arith.constant 7 : i32
      %get3A_1616 = arith.index_cast %get3A_1615 : i32 to index
      %get3A_1617 = arith.index_cast %mul3A_1579 : i32 to index
      %get3A_1618 = tpu.vector_load %arg10[%get3A_1616, %get3A_1617] {strides = array<i32>} : memref<16x1024xf32, #tpu.memory_space<vmem>>, vector<1x16xf32>,
      %get3A_1619 = vector.shape_cast %get3A_1618 : vector<1x16xf32> to vector<16xf32>
      %get3A_1620 = arith.constant 8 : i32
      %get3A_1621 = arith.index_cast %get3A_1620 : i32 to index
      %get3A_1622 = arith.index_cast %mul3A_1579 : i32 to index
      %get3A_1623 = tpu.vector_load %arg10[%get3A_1621, %get3A_1622] {strides = array<i32>} : memref<16x1024xf32, #tpu.memory_space<vmem>>, vector<1x16xf32>,
      %get3A_1624 = vector.shape_cast %get3A_1623 : vector<1x16xf32> to vector<16xf32>
      %get3A_1625 = arith.constant 9 : i32
      %get3A_1626 = arith.index_cast %get3A_1625 : i32 to index
      %get3A_1627 = arith.index_cast %mul3A_1579 : i32 to index
      %get3A_1628 = tpu.vector_load %arg10[%get3A_1626, %get3A_1627] {strides = array<i32>} : memref<16x1024xf32, #tpu.memory_space<vmem>>, vector<1x16xf32>,
      %get3A_1629 = vector.shape_cast %get3A_1628 : vector<1x16xf32> to vector<16xf32>
      %get3A_1630 = arith.constant 10 : i32
      %get3A_1631 = arith.index_cast %get3A_1630 : i32 to index
      %get3A_1632 = arith.index_cast %mul3A_1579 : i32 to index
      %get3A_1633 = tpu.vector_load %arg10[%get3A_1631, %get3A_1632] {strides = array<i32>} : memref<16x1024xf32, #tpu.memory_space<vmem>>, vector<1x16xf32>,
      %get3A_1634 = vector.shape_cast %get3A_1633 : vector<1x16xf32> to vector<16xf32>
      %get3A_1635 = arith.constant 11 : i32
      %get3A_1636 = arith.index_cast %get3A_1635 : i32 to index
      %get3A_1637 = arith.index_cast %mul3A_1579 : i32 to index
      %get3A_1638 = tpu.vector_load %arg10[%get3A_1636, %get3A_1637] {strides = array<i32>} : memref<16x1024xf32, #tpu.memory_space<vmem>>, vector<1x16xf32>,
      %get3A_1639 = vector.shape_cast %get3A_1638 : vector<1x16xf32> to vector<16xf32>
      %get3A_1640 = arith.constant 0 : i32
      %get3A_1641 = arith.index_cast %get3A_1640 : i32 to index
      %get3A_1642 = arith.index_cast %mul3A_1579 : i32 to index
      %get3A_1643 = tpu.vector_load %arg11[%get3A_1641, %get3A_1642] {strides = array<i32>} : memref<2x1024xf32, #tpu.memory_space<vmem>>, vector<1x16xf32>,
      %get3A_1644 = vector.shape_cast %get3A_1643 : vector<1x16xf32> to vector<16xf32>
      %get3A_1645 = arith.constant 0 : i32
      %get3A_1646 = arith.index_cast %get3A_1645 : i32 to index
      %get3A_1647 = arith.index_cast %mul3A_1579 : i32 to index
      %get3A_1648 = tpu.vector_load %arg12[%get3A_1646, %get3A_1647] {strides = array<i32>} : memref<2x1024xf32, #tpu.memory_space<vmem>>, vector<1x16xf32>,
      %get3A_1649 = vector.shape_cast %get3A_1648 : vector<1x16xf32> to vector<16xf32>
      %sub3A = arith.subf %get3A_1584, %get3A_1644 : vector<16xf32>
      %mul3A_1650 = arith.mulf %sub3A, %sub3A : vector<16xf32>
      %mul3A_1651 = arith.mulf %mul3A_1650, %get3A_1649 : vector<16xf32>
      %add3A_1652 = arith.addf %scan3A_1547, %mul3A_1651 : vector<16xf32>
      %sub3A_1653 = arith.subf %get3A_1589, %get3A_1644 : vector<16xf32>
      %mul3A_1654 = arith.mulf %sub3A_1653, %sub3A_1653 : vector<16xf32>
      %mul3A_1655 = arith.mulf %mul3A_1654, %get3A_1649 : vector<16xf32>
      %add3A_1656 = arith.addf %add3A_1652, %mul3A_1655 : vector<16xf32>
      %sub3A_1657 = arith.subf %get3A_1594, %get3A_1644 : vector<16xf32>
      %mul3A_1658 = arith.mulf %sub3A_1657, %sub3A_1657 : vector<16xf32>
      %mul3A_1659 = arith.mulf %mul3A_1658, %get3A_1649 : vector<16xf32>
      %add3A_1660 = arith.addf %add3A_1656, %mul3A_1659 : vector<16xf32>
      %sub3A_1661 = arith.subf %get3A_1599, %get3A_1644 : vector<16xf32>
      %mul3A_1662 = arith.mulf %sub3A_1661, %sub3A_1661 : vector<16xf32>
      %mul3A_1663 = arith.mulf %mul3A_1662, %get3A_1649 : vector<16xf32>
      %add3A_1664 = arith.addf %add3A_1660, %mul3A_1663 : vector<16xf32>
      %sub3A_1665 = arith.subf %get3A_1604, %get3A_1644 : vector<16xf32>
      %mul3A_1666 = arith.mulf %sub3A_1665, %sub3A_1665 : vector<16xf32>
      %mul3A_1667 = arith.mulf %mul3A_1666, %get3A_1649 : vector<16xf32>
      %add3A_1668 = arith.addf %add3A_1664, %mul3A_1667 : vector<16xf32>
      %sub3A_1669 = arith.subf %get3A_1609, %get3A_1644 : vector<16xf32>
      %mul3A_1670 = arith.mulf %sub3A_1669, %sub3A_1669 : vector<16xf32>
      %mul3A_1671 = arith.mulf %mul3A_1670, %get3A_1649 : vector<16xf32>
      %add3A_1672 = arith.addf %add3A_1668, %mul3A_1671 : vector<16xf32>
      %get3A_1673 = arith.constant 1 : i32
      %get3A_1674 = arith.index_cast %get3A_1673 : i32 to index
      %get3A_1675 = arith.index_cast %mul3A_1579 : i32 to index
      %get3A_1676 = tpu.vector_load %arg11[%get3A_1674, %get3A_1675] {strides = array<i32>} : memref<2x1024xf32, #tpu.memory_space<vmem>>, vector<1x16xf32>,
      %get3A_1677 = vector.shape_cast %get3A_1676 : vector<1x16xf32> to vector<16xf32>
      %get3A_1678 = arith.constant 1 : i32
      %get3A_1679 = arith.index_cast %get3A_1678 : i32 to index
      %get3A_1680 = arith.index_cast %mul3A_1579 : i32 to index
      %get3A_1681 = tpu.vector_load %arg12[%get3A_1679, %get3A_1680] {strides = array<i32>} : memref<2x1024xf32, #tpu.memory_space<vmem>>, vector<1x16xf32>,
      %get3A_1682 = vector.shape_cast %get3A_1681 : vector<1x16xf32> to vector<16xf32>
      %sub3A_1683 = arith.subf %get3A_1614, %get3A_1677 : vector<16xf32>
      %mul3A_1684 = arith.mulf %sub3A_1683, %sub3A_1683 : vector<16xf32>
      %mul3A_1685 = arith.mulf %mul3A_1684, %get3A_1682 : vector<16xf32>
      %add3A_1686 = arith.addf %add3A_1672, %mul3A_1685 : vector<16xf32>
      %sub3A_1687 = arith.subf %get3A_1619, %get3A_1677 : vector<16xf32>
      %mul3A_1688 = arith.mulf %sub3A_1687, %sub3A_1687 : vector<16xf32>
      %mul3A_1689 = arith.mulf %mul3A_1688, %get3A_1682 : vector<16xf32>
      %add3A_1690 = arith.addf %add3A_1686, %mul3A_1689 : vector<16xf32>
      %sub3A_1691 = arith.subf %get3A_1624, %get3A_1677 : vector<16xf32>
      %mul3A_1692 = arith.mulf %sub3A_1691, %sub3A_1691 : vector<16xf32>
      %mul3A_1693 = arith.mulf %mul3A_1692, %get3A_1682 : vector<16xf32>
      %add3A_1694 = arith.addf %add3A_1690, %mul3A_1693 : vector<16xf32>
      %sub3A_1695 = arith.subf %get3A_1629, %get3A_1677 : vector<16xf32>
      %mul3A_1696 = arith.mulf %sub3A_1695, %sub3A_1695 : vector<16xf32>
      %mul3A_1697 = arith.mulf %mul3A_1696, %get3A_1682 : vector<16xf32>
      %add3A_1698 = arith.addf %add3A_1694, %mul3A_1697 : vector<16xf32>
      %sub3A_1699 = arith.subf %get3A_1634, %get3A_1677 : vector<16xf32>
      %mul3A_1700 = arith.mulf %sub3A_1699, %sub3A_1699 : vector<16xf32>
      %mul3A_1701 = arith.mulf %mul3A_1700, %get3A_1682 : vector<16xf32>
      %add3A_1702 = arith.addf %add3A_1698, %mul3A_1701 : vector<16xf32>
      %sub3A_1703 = arith.subf %get3A_1639, %get3A_1677 : vector<16xf32>
      %mul3A_1704 = arith.mulf %sub3A_1703, %sub3A_1703 : vector<16xf32>
      %mul3A_1705 = arith.mulf %mul3A_1704, %get3A_1682 : vector<16xf32>
      %add3A_1706 = arith.addf %add3A_1702, %mul3A_1705 : vector<16xf32>
      %mul3A_1707 = arith.mulf %get3A_1584, %get3A_1589 : vector<16xf32>
      %add3A_1708 = arith.addf %scan3A_1548, %mul3A_1707 : vector<16xf32>
      %mul3A_1709 = arith.mulf %get3A_1584, %get3A_1594 : vector<16xf32>
      %add3A_1710 = arith.addf %scan3A_1549, %mul3A_1709 : vector<16xf32>
      %mul3A_1711 = arith.mulf %get3A_1584, %get3A_1599 : vector<16xf32>
      %add3A_1712 = arith.addf %scan3A_1550, %mul3A_1711 : vector<16xf32>
      %mul3A_1713 = arith.mulf %get3A_1584, %get3A_1604 : vector<16xf32>
      %add3A_1714 = arith.addf %scan3A_1551, %mul3A_1713 : vector<16xf32>
      %mul3A_1715 = arith.mulf %get3A_1584, %get3A_1609 : vector<16xf32>
      %add3A_1716 = arith.addf %scan3A_1552, %mul3A_1715 : vector<16xf32>
      %mul3A_1717 = arith.mulf %get3A_1589, %get3A_1594 : vector<16xf32>
      %add3A_1718 = arith.addf %scan3A_1553, %mul3A_1717 : vector<16xf32>
      %mul3A_1719 = arith.mulf %get3A_1589, %get3A_1599 : vector<16xf32>
      %add3A_1720 = arith.addf %scan3A_1554, %mul3A_1719 : vector<16xf32>
      %mul3A_1721 = arith.mulf %get3A_1589, %get3A_1604 : vector<16xf32>
      %add3A_1722 = arith.addf %scan3A_1555, %mul3A_1721 : vector<16xf32>
      %mul3A_1723 = arith.mulf %get3A_1589, %get3A_1609 : vector<16xf32>
      %add3A_1724 = arith.addf %scan3A_1556, %mul3A_1723 : vector<16xf32>
      %mul3A_1725 = arith.mulf %get3A_1594, %get3A_1599 : vector<16xf32>
      %add3A_1726 = arith.addf %scan3A_1557, %mul3A_1725 : vector<16xf32>
      %mul3A_1727 = arith.mulf %get3A_1594, %get3A_1604 : vector<16xf32>
      %add3A_1728 = arith.addf %scan3A_1558, %mul3A_1727 : vector<16xf32>
      %mul3A_1729 = arith.mulf %get3A_1594, %get3A_1609 : vector<16xf32>
      %add3A_1730 = arith.addf %scan3A_1559, %mul3A_1729 : vector<16xf32>
      %mul3A_1731 = arith.mulf %get3A_1599, %get3A_1604 : vector<16xf32>
      %add3A_1732 = arith.addf %scan3A_1560, %mul3A_1731 : vector<16xf32>
      %mul3A_1733 = arith.mulf %get3A_1599, %get3A_1609 : vector<16xf32>
      %add3A_1734 = arith.addf %scan3A_1561, %mul3A_1733 : vector<16xf32>
      %mul3A_1735 = arith.mulf %get3A_1604, %get3A_1609 : vector<16xf32>
      %add3A_1736 = arith.addf %scan3A_1562, %mul3A_1735 : vector<16xf32>
      %mul3A_1737 = arith.mulf %get3A_1614, %get3A_1619 : vector<16xf32>
      %add3A_1738 = arith.addf %scan3A_1563, %mul3A_1737 : vector<16xf32>
      %mul3A_1739 = arith.mulf %get3A_1614, %get3A_1624 : vector<16xf32>
      %add3A_1740 = arith.addf %scan3A_1564, %mul3A_1739 : vector<16xf32>
      %mul3A_1741 = arith.mulf %get3A_1614, %get3A_1629 : vector<16xf32>
      %add3A_1742 = arith.addf %scan3A_1565, %mul3A_1741 : vector<16xf32>
      %mul3A_1743 = arith.mulf %get3A_1614, %get3A_1634 : vector<16xf32>
      %add3A_1744 = arith.addf %scan3A_1566, %mul3A_1743 : vector<16xf32>
      %mul3A_1745 = arith.mulf %get3A_1614, %get3A_1639 : vector<16xf32>
      %add3A_1746 = arith.addf %scan3A_1567, %mul3A_1745 : vector<16xf32>
      %mul3A_1747 = arith.mulf %get3A_1619, %get3A_1624 : vector<16xf32>
      %add3A_1748 = arith.addf %scan3A_1568, %mul3A_1747 : vector<16xf32>
      %mul3A_1749 = arith.mulf %get3A_1619, %get3A_1629 : vector<16xf32>
      %add3A_1750 = arith.addf %scan3A_1569, %mul3A_1749 : vector<16xf32>
      %mul3A_1751 = arith.mulf %get3A_1619, %get3A_1634 : vector<16xf32>
      %add3A_1752 = arith.addf %scan3A_1570, %mul3A_1751 : vector<16xf32>
      %mul3A_1753 = arith.mulf %get3A_1619, %get3A_1639 : vector<16xf32>
      %add3A_1754 = arith.addf %scan3A_1571, %mul3A_1753 : vector<16xf32>
      %mul3A_1755 = arith.mulf %get3A_1624, %get3A_1629 : vector<16xf32>
      %add3A_1756 = arith.addf %scan3A_1572, %mul3A_1755 : vector<16xf32>
      %mul3A_1757 = arith.mulf %get3A_1624, %get3A_1634 : vector<16xf32>
      %add3A_1758 = arith.addf %scan3A_1573, %mul3A_1757 : vector<16xf32>
      %mul3A_1759 = arith.mulf %get3A_1624, %get3A_1639 : vector<16xf32>
      %add3A_1760 = arith.addf %scan3A_1574, %mul3A_1759 : vector<16xf32>
      %mul3A_1761 = arith.mulf %get3A_1629, %get3A_1634 : vector<16xf32>
      %add3A_1762 = arith.addf %scan3A_1575, %mul3A_1761 : vector<16xf32>
      %mul3A_1763 = arith.mulf %get3A_1629, %get3A_1639 : vector<16xf32>
      %add3A_1764 = arith.addf %scan3A_1576, %mul3A_1763 : vector<16xf32>
      %mul3A_1765 = arith.mulf %get3A_1634, %get3A_1639 : vector<16xf32>
      %add3A_1766 = arith.addf %scan3A_1577, %mul3A_1765 : vector<16xf32>
      scf.yield %add3A_1706, %add3A_1708, %add3A_1710, %add3A_1712, %add3A_1714, %add3A_1716, %add3A_1718, %add3A_1720, %add3A_1722, %add3A_1724, %add3A_1726, %add3A_1728, %add3A_1730, %add3A_1732, %add3A_1734, %add3A_1736, %add3A_1738, %add3A_1740, %add3A_1742, %add3A_1744, %add3A_1746, %add3A_1748, %add3A_1750, %add3A_1752, %add3A_1754, %add3A_1756, %add3A_1758, %add3A_1760, %add3A_1762, %add3A_1764, %add3A_1766 : vector<16xf32>, vector<16xf32>, vector<16xf32>, vector<16xf32>, vector<16xf32>, vector<16xf32>, vector<16xf32>, vector<16xf32>, vector<16xf32>, vector<16xf32>, vector<16xf32>, vector<16xf32>, vector<16xf32>, vector<16xf32>, vector<16xf32>, vector<16xf32>, vector<16xf32>, vector<16xf32>, vector<16xf32>, vector<16xf32>, vector<16xf32>, vector<16xf32>, vector<16xf32>, vector<16xf32>, vector<16xf32>, vector<16xf32>, vector<16xf32>, vector<16xf32>, vector<16xf32>, vector<16xf32>, vector<16xf32>
    }
    %scan3A_12 = arith.constant 64 : i32
    %slice3A = vector.extract_strided_slice %scan3A_11#0 {offsets = [0], sizes = [1], strides = [1]} : vector<16xf32> to vector<1xf32>
    %squeeze3A = vector.extract %slice3A[0] : f32 from vector<1xf32>
    %slice3A_13 = vector.extract_strided_slice %scan3A_11#0 {offsets = [1], sizes = [1], strides = [1]} : vector<16xf32> to vector<1xf32>
    %squeeze3A_14 = vector.extract %slice3A_13[0] : f32 from vector<1xf32>
    %add3A = arith.addf %squeeze3A, %squeeze3A_14 : f32
    %slice3A_15 = vector.extract_strided_slice %scan3A_11#0 {offsets = [2], sizes = [1], strides = [1]} : vector<16xf32> to vector<1xf32>
    %squeeze3A_16 = vector.extract %slice3A_15[0] : f32 from vector<1xf32>
    %add3A_17 = arith.addf %add3A, %squeeze3A_16 : f32
    %slice3A_18 = vector.extract_strided_slice %scan3A_11#0 {offsets = [3], sizes = [1], strides = [1]} : vector<16xf32> to vector<1xf32>
    %squeeze3A_19 = vector.extract %slice3A_18[0] : f32 from vector<1xf32>
    %add3A_20 = arith.addf %add3A_17, %squeeze3A_19 : f32
    %slice3A_21 = vector.extract_strided_slice %scan3A_11#0 {offsets = [4], sizes = [1], strides = [1]} : vector<16xf32> to vector<1xf32>
    %squeeze3A_22 = vector.extract %slice3A_21[0] : f32 from vector<1xf32>
    %add3A_23 = arith.addf %add3A_20, %squeeze3A_22 : f32
    %slice3A_24 = vector.extract_strided_slice %scan3A_11#0 {offsets = [5], sizes = [1], strides = [1]} : vector<16xf32> to vector<1xf32>
    %squeeze3A_25 = vector.extract %slice3A_24[0] : f32 from vector<1xf32>
    %add3A_26 = arith.addf %add3A_23, %squeeze3A_25 : f32
    %slice3A_27 = vector.extract_strided_slice %scan3A_11#0 {offsets = [6], sizes = [1], strides = [1]} : vector<16xf32> to vector<1xf32>
    %squeeze3A_28 = vector.extract %slice3A_27[0] : f32 from vector<1xf32>
    %add3A_29 = arith.addf %add3A_26, %squeeze3A_28 : f32
    %slice3A_30 = vector.extract_strided_slice %scan3A_11#0 {offsets = [7], sizes = [1], strides = [1]} : vector<16xf32> to vector<1xf32>
    %squeeze3A_31 = vector.extract %slice3A_30[0] : f32 from vector<1xf32>
    %add3A_32 = arith.addf %add3A_29, %squeeze3A_31 : f32
    %slice3A_33 = vector.extract_strided_slice %scan3A_11#0 {offsets = [8], sizes = [1], strides = [1]} : vector<16xf32> to vector<1xf32>
    %squeeze3A_34 = vector.extract %slice3A_33[0] : f32 from vector<1xf32>
    %add3A_35 = arith.addf %add3A_32, %squeeze3A_34 : f32
    %slice3A_36 = vector.extract_strided_slice %scan3A_11#0 {offsets = [9], sizes = [1], strides = [1]} : vector<16xf32> to vector<1xf32>
    %squeeze3A_37 = vector.extract %slice3A_36[0] : f32 from vector<1xf32>
    %add3A_38 = arith.addf %add3A_35, %squeeze3A_37 : f32
    %slice3A_39 = vector.extract_strided_slice %scan3A_11#0 {offsets = [10], sizes = [1], strides = [1]} : vector<16xf32> to vector<1xf32>
    %squeeze3A_40 = vector.extract %slice3A_39[0] : f32 from vector<1xf32>
    %add3A_41 = arith.addf %add3A_38, %squeeze3A_40 : f32
    %slice3A_42 = vector.extract_strided_slice %scan3A_11#0 {offsets = [11], sizes = [1], strides = [1]} : vector<16xf32> to vector<1xf32>
    %squeeze3A_43 = vector.extract %slice3A_42[0] : f32 from vector<1xf32>
    %add3A_44 = arith.addf %add3A_41, %squeeze3A_43 : f32
    %slice3A_45 = vector.extract_strided_slice %scan3A_11#0 {offsets = [12], sizes = [1], strides = [1]} : vector<16xf32> to vector<1xf32>
    %squeeze3A_46 = vector.extract %slice3A_45[0] : f32 from vector<1xf32>
    %add3A_47 = arith.addf %add3A_44, %squeeze3A_46 : f32
    %slice3A_48 = vector.extract_strided_slice %scan3A_11#0 {offsets = [13], sizes = [1], strides = [1]} : vector<16xf32> to vector<1xf32>
    %squeeze3A_49 = vector.extract %slice3A_48[0] : f32 from vector<1xf32>
    %add3A_50 = arith.addf %add3A_47, %squeeze3A_49 : f32
    %slice3A_51 = vector.extract_strided_slice %scan3A_11#0 {offsets = [14], sizes = [1], strides = [1]} : vector<16xf32> to vector<1xf32>
    %squeeze3A_52 = vector.extract %slice3A_51[0] : f32 from vector<1xf32>
    %add3A_53 = arith.addf %add3A_50, %squeeze3A_52 : f32
    %slice3A_54 = vector.extract_strided_slice %scan3A_11#0 {offsets = [15], sizes = [1], strides = [1]} : vector<16xf32> to vector<1xf32>
    %squeeze3A_55 = vector.extract %slice3A_54[0] : f32 from vector<1xf32>
    %add3A_56 = arith.addf %add3A_53, %squeeze3A_55 : f32
    %slice3A_57 = vector.extract_strided_slice %scan3A_11#1 {offsets = [0], sizes = [1], strides = [1]} : vector<16xf32> to vector<1xf32>
    %squeeze3A_58 = vector.extract %slice3A_57[0] : f32 from vector<1xf32>
    %slice3A_59 = vector.extract_strided_slice %scan3A_11#1 {offsets = [1], sizes = [1], strides = [1]} : vector<16xf32> to vector<1xf32>
    %squeeze3A_60 = vector.extract %slice3A_59[0] : f32 from vector<1xf32>
    %add3A_61 = arith.addf %squeeze3A_58, %squeeze3A_60 : f32
    %slice3A_62 = vector.extract_strided_slice %scan3A_11#1 {offsets = [2], sizes = [1], strides = [1]} : vector<16xf32> to vector<1xf32>
    %squeeze3A_63 = vector.extract %slice3A_62[0] : f32 from vector<1xf32>
    %add3A_64 = arith.addf %add3A_61, %squeeze3A_63 : f32
    %slice3A_65 = vector.extract_strided_slice %scan3A_11#1 {offsets = [3], sizes = [1], strides = [1]} : vector<16xf32> to vector<1xf32>
    %squeeze3A_66 = vector.extract %slice3A_65[0] : f32 from vector<1xf32>
    %add3A_67 = arith.addf %add3A_64, %squeeze3A_66 : f32
    %slice3A_68 = vector.extract_strided_slice %scan3A_11#1 {offsets = [4], sizes = [1], strides = [1]} : vector<16xf32> to vector<1xf32>
    %squeeze3A_69 = vector.extract %slice3A_68[0] : f32 from vector<1xf32>
    %add3A_70 = arith.addf %add3A_67, %squeeze3A_69 : f32
    %slice3A_71 = vector.extract_strided_slice %scan3A_11#1 {offsets = [5], sizes = [1], strides = [1]} : vector<16xf32> to vector<1xf32>
    %squeeze3A_72 = vector.extract %slice3A_71[0] : f32 from vector<1xf32>
    %add3A_73 = arith.addf %add3A_70, %squeeze3A_72 : f32
    %slice3A_74 = vector.extract_strided_slice %scan3A_11#1 {offsets = [6], sizes = [1], strides = [1]} : vector<16xf32> to vector<1xf32>
    %squeeze3A_75 = vector.extract %slice3A_74[0] : f32 from vector<1xf32>
    %add3A_76 = arith.addf %add3A_73, %squeeze3A_75 : f32
    %slice3A_77 = vector.extract_strided_slice %scan3A_11#1 {offsets = [7], sizes = [1], strides = [1]} : vector<16xf32> to vector<1xf32>
    %squeeze3A_78 = vector.extract %slice3A_77[0] : f32 from vector<1xf32>
    %add3A_79 = arith.addf %add3A_76, %squeeze3A_78 : f32
    %slice3A_80 = vector.extract_strided_slice %scan3A_11#1 {offsets = [8], sizes = [1], strides = [1]} : vector<16xf32> to vector<1xf32>
    %squeeze3A_81 = vector.extract %slice3A_80[0] : f32 from vector<1xf32>
    %add3A_82 = arith.addf %add3A_79, %squeeze3A_81 : f32
    %slice3A_83 = vector.extract_strided_slice %scan3A_11#1 {offsets = [9], sizes = [1], strides = [1]} : vector<16xf32> to vector<1xf32>
    %squeeze3A_84 = vector.extract %slice3A_83[0] : f32 from vector<1xf32>
    %add3A_85 = arith.addf %add3A_82, %squeeze3A_84 : f32
    %slice3A_86 = vector.extract_strided_slice %scan3A_11#1 {offsets = [10], sizes = [1], strides = [1]} : vector<16xf32> to vector<1xf32>
    %squeeze3A_87 = vector.extract %slice3A_86[0] : f32 from vector<1xf32>
    %add3A_88 = arith.addf %add3A_85, %squeeze3A_87 : f32
    %slice3A_89 = vector.extract_strided_slice %scan3A_11#1 {offsets = [11], sizes = [1], strides = [1]} : vector<16xf32> to vector<1xf32>
    %squeeze3A_90 = vector.extract %slice3A_89[0] : f32 from vector<1xf32>
    %add3A_91 = arith.addf %add3A_88, %squeeze3A_90 : f32
    %slice3A_92 = vector.extract_strided_slice %scan3A_11#1 {offsets = [12], sizes = [1], strides = [1]} : vector<16xf32> to vector<1xf32>
    %squeeze3A_93 = vector.extract %slice3A_92[0] : f32 from vector<1xf32>
    %add3A_94 = arith.addf %add3A_91, %squeeze3A_93 : f32
    %slice3A_95 = vector.extract_strided_slice %scan3A_11#1 {offsets = [13], sizes = [1], strides = [1]} : vector<16xf32> to vector<1xf32>
    %squeeze3A_96 = vector.extract %slice3A_95[0] : f32 from vector<1xf32>
    %add3A_97 = arith.addf %add3A_94, %squeeze3A_96 : f32
    %slice3A_98 = vector.extract_strided_slice %scan3A_11#1 {offsets = [14], sizes = [1], strides = [1]} : vector<16xf32> to vector<1xf32>
    %squeeze3A_99 = vector.extract %slice3A_98[0] : f32 from vector<1xf32>
    %add3A_100 = arith.addf %add3A_97, %squeeze3A_99 : f32
    %slice3A_101 = vector.extract_strided_slice %scan3A_11#1 {offsets = [15], sizes = [1], strides = [1]} : vector<16xf32> to vector<1xf32>
    %squeeze3A_102 = vector.extract %slice3A_101[0] : f32 from vector<1xf32>
    %add3A_103 = arith.addf %add3A_100, %squeeze3A_102 : f32
    %mul3A = arith.mulf %add3A_103, %add3A_103 : f32
    %add3A_104 = arith.constant 0.000000e+00 : f32
    %add3A_105 = arith.addf %add3A_104, %mul3A : f32
    %slice3A_106 = vector.extract_strided_slice %scan3A_11#2 {offsets = [0], sizes = [1], strides = [1]} : vector<16xf32> to vector<1xf32>
    %squeeze3A_107 = vector.extract %slice3A_106[0] : f32 from vector<1xf32>
    %slice3A_108 = vector.extract_strided_slice %scan3A_11#2 {offsets = [1], sizes = [1], strides = [1]} : vector<16xf32> to vector<1xf32>
    %squeeze3A_109 = vector.extract %slice3A_108[0] : f32 from vector<1xf32>
    %add3A_110 = arith.addf %squeeze3A_107, %squeeze3A_109 : f32
    %slice3A_111 = vector.extract_strided_slice %scan3A_11#2 {offsets = [2], sizes = [1], strides = [1]} : vector<16xf32> to vector<1xf32>
    %squeeze3A_112 = vector.extract %slice3A_111[0] : f32 from vector<1xf32>
    %add3A_113 = arith.addf %add3A_110, %squeeze3A_112 : f32
    %slice3A_114 = vector.extract_strided_slice %scan3A_11#2 {offsets = [3], sizes = [1], strides = [1]} : vector<16xf32> to vector<1xf32>
    %squeeze3A_115 = vector.extract %slice3A_114[0] : f32 from vector<1xf32>
    %add3A_116 = arith.addf %add3A_113, %squeeze3A_115 : f32
    %slice3A_117 = vector.extract_strided_slice %scan3A_11#2 {offsets = [4], sizes = [1], strides = [1]} : vector<16xf32> to vector<1xf32>
    %squeeze3A_118 = vector.extract %slice3A_117[0] : f32 from vector<1xf32>
    %add3A_119 = arith.addf %add3A_116, %squeeze3A_118 : f32
    %slice3A_120 = vector.extract_strided_slice %scan3A_11#2 {offsets = [5], sizes = [1], strides = [1]} : vector<16xf32> to vector<1xf32>
    %squeeze3A_121 = vector.extract %slice3A_120[0] : f32 from vector<1xf32>
    %add3A_122 = arith.addf %add3A_119, %squeeze3A_121 : f32
    %slice3A_123 = vector.extract_strided_slice %scan3A_11#2 {offsets = [6], sizes = [1], strides = [1]} : vector<16xf32> to vector<1xf32>
    %squeeze3A_124 = vector.extract %slice3A_123[0] : f32 from vector<1xf32>
    %add3A_125 = arith.addf %add3A_122, %squeeze3A_124 : f32
    %slice3A_126 = vector.extract_strided_slice %scan3A_11#2 {offsets = [7], sizes = [1], strides = [1]} : vector<16xf32> to vector<1xf32>
    %squeeze3A_127 = vector.extract %slice3A_126[0] : f32 from vector<1xf32>
    %add3A_128 = arith.addf %add3A_125, %squeeze3A_127 : f32
    %slice3A_129 = vector.extract_strided_slice %scan3A_11#2 {offsets = [8], sizes = [1], strides = [1]} : vector<16xf32> to vector<1xf32>
    %squeeze3A_130 = vector.extract %slice3A_129[0] : f32 from vector<1xf32>
    %add3A_131 = arith.addf %add3A_128, %squeeze3A_130 : f32
    %slice3A_132 = vector.extract_strided_slice %scan3A_11#2 {offsets = [9], sizes = [1], strides = [1]} : vector<16xf32> to vector<1xf32>
    %squeeze3A_133 = vector.extract %slice3A_132[0] : f32 from vector<1xf32>
    %add3A_134 = arith.addf %add3A_131, %squeeze3A_133 : f32
    %slice3A_135 = vector.extract_strided_slice %scan3A_11#2 {offsets = [10], sizes = [1], strides = [1]} : vector<16xf32> to vector<1xf32>
    %squeeze3A_136 = vector.extract %slice3A_135[0] : f32 from vector<1xf32>
    %add3A_137 = arith.addf %add3A_134, %squeeze3A_136 : f32
    %slice3A_138 = vector.extract_strided_slice %scan3A_11#2 {offsets = [11], sizes = [1], strides = [1]} : vector<16xf32> to vector<1xf32>
    %squeeze3A_139 = vector.extract %slice3A_138[0] : f32 from vector<1xf32>
    %add3A_140 = arith.addf %add3A_137, %squeeze3A_139 : f32
    %slice3A_141 = vector.extract_strided_slice %scan3A_11#2 {offsets = [12], sizes = [1], strides = [1]} : vector<16xf32> to vector<1xf32>
    %squeeze3A_142 = vector.extract %slice3A_141[0] : f32 from vector<1xf32>
    %add3A_143 = arith.addf %add3A_140, %squeeze3A_142 : f32
    %slice3A_144 = vector.extract_strided_slice %scan3A_11#2 {offsets = [13], sizes = [1], strides = [1]} : vector<16xf32> to vector<1xf32>
    %squeeze3A_145 = vector.extract %slice3A_144[0] : f32 from vector<1xf32>
    %add3A_146 = arith.addf %add3A_143, %squeeze3A_145 : f32
    %slice3A_147 = vector.extract_strided_slice %scan3A_11#2 {offsets = [14], sizes = [1], strides = [1]} : vector<16xf32> to vector<1xf32>
    %squeeze3A_148 = vector.extract %slice3A_147[0] : f32 from vector<1xf32>
    %add3A_149 = arith.addf %add3A_146, %squeeze3A_148 : f32
    %slice3A_150 = vector.extract_strided_slice %scan3A_11#2 {offsets = [15], sizes = [1], strides = [1]} : vector<16xf32> to vector<1xf32>
    %squeeze3A_151 = vector.extract %slice3A_150[0] : f32 from vector<1xf32>
    %add3A_152 = arith.addf %add3A_149, %squeeze3A_151 : f32
    %mul3A_153 = arith.mulf %add3A_152, %add3A_152 : f32
    %add3A_154 = arith.addf %add3A_105, %mul3A_153 : f32
    %slice3A_155 = vector.extract_strided_slice %scan3A_11#3 {offsets = [0], sizes = [1], strides = [1]} : vector<16xf32> to vector<1xf32>
    %squeeze3A_156 = vector.extract %slice3A_155[0] : f32 from vector<1xf32>
    %slice3A_157 = vector.extract_strided_slice %scan3A_11#3 {offsets = [1], sizes = [1], strides = [1]} : vector<16xf32> to vector<1xf32>
    %squeeze3A_158 = vector.extract %slice3A_157[0] : f32 from vector<1xf32>
    %add3A_159 = arith.addf %squeeze3A_156, %squeeze3A_158 : f32
    %slice3A_160 = vector.extract_strided_slice %scan3A_11#3 {offsets = [2], sizes = [1], strides = [1]} : vector<16xf32> to vector<1xf32>
    %squeeze3A_161 = vector.extract %slice3A_160[0] : f32 from vector<1xf32>
    %add3A_162 = arith.addf %add3A_159, %squeeze3A_161 : f32
    %slice3A_163 = vector.extract_strided_slice %scan3A_11#3 {offsets = [3], sizes = [1], strides = [1]} : vector<16xf32> to vector<1xf32>
    %squeeze3A_164 = vector.extract %slice3A_163[0] : f32 from vector<1xf32>
    %add3A_165 = arith.addf %add3A_162, %squeeze3A_164 : f32
    %slice3A_166 = vector.extract_strided_slice %scan3A_11#3 {offsets = [4], sizes = [1], strides = [1]} : vector<16xf32> to vector<1xf32>
    %squeeze3A_167 = vector.extract %slice3A_166[0] : f32 from vector<1xf32>
    %add3A_168 = arith.addf %add3A_165, %squeeze3A_167 : f32
    %slice3A_169 = vector.extract_strided_slice %scan3A_11#3 {offsets = [5], sizes = [1], strides = [1]} : vector<16xf32> to vector<1xf32>
    %squeeze3A_170 = vector.extract %slice3A_169[0] : f32 from vector<1xf32>
    %add3A_171 = arith.addf %add3A_168, %squeeze3A_170 : f32
    %slice3A_172 = vector.extract_strided_slice %scan3A_11#3 {offsets = [6], sizes = [1], strides = [1]} : vector<16xf32> to vector<1xf32>
    %squeeze3A_173 = vector.extract %slice3A_172[0] : f32 from vector<1xf32>
    %add3A_174 = arith.addf %add3A_171, %squeeze3A_173 : f32
    %slice3A_175 = vector.extract_strided_slice %scan3A_11#3 {offsets = [7], sizes = [1], strides = [1]} : vector<16xf32> to vector<1xf32>
    %squeeze3A_176 = vector.extract %slice3A_175[0] : f32 from vector<1xf32>
    %add3A_177 = arith.addf %add3A_174, %squeeze3A_176 : f32
    %slice3A_178 = vector.extract_strided_slice %scan3A_11#3 {offsets = [8], sizes = [1], strides = [1]} : vector<16xf32> to vector<1xf32>
    %squeeze3A_179 = vector.extract %slice3A_178[0] : f32 from vector<1xf32>
    %add3A_180 = arith.addf %add3A_177, %squeeze3A_179 : f32
    %slice3A_181 = vector.extract_strided_slice %scan3A_11#3 {offsets = [9], sizes = [1], strides = [1]} : vector<16xf32> to vector<1xf32>
    %squeeze3A_182 = vector.extract %slice3A_181[0] : f32 from vector<1xf32>
    %add3A_183 = arith.addf %add3A_180, %squeeze3A_182 : f32
    %slice3A_184 = vector.extract_strided_slice %scan3A_11#3 {offsets = [10], sizes = [1], strides = [1]} : vector<16xf32> to vector<1xf32>
    %squeeze3A_185 = vector.extract %slice3A_184[0] : f32 from vector<1xf32>
    %add3A_186 = arith.addf %add3A_183, %squeeze3A_185 : f32
    %slice3A_187 = vector.extract_strided_slice %scan3A_11#3 {offsets = [11], sizes = [1], strides = [1]} : vector<16xf32> to vector<1xf32>
    %squeeze3A_188 = vector.extract %slice3A_187[0] : f32 from vector<1xf32>
    %add3A_189 = arith.addf %add3A_186, %squeeze3A_188 : f32
    %slice3A_190 = vector.extract_strided_slice %scan3A_11#3 {offsets = [12], sizes = [1], strides = [1]} : vector<16xf32> to vector<1xf32>
    %squeeze3A_191 = vector.extract %slice3A_190[0] : f32 from vector<1xf32>
    %add3A_192 = arith.addf %add3A_189, %squeeze3A_191 : f32
    %slice3A_193 = vector.extract_strided_slice %scan3A_11#3 {offsets = [13], sizes = [1], strides = [1]} : vector<16xf32> to vector<1xf32>
    %squeeze3A_194 = vector.extract %slice3A_193[0] : f32 from vector<1xf32>
    %add3A_195 = arith.addf %add3A_192, %squeeze3A_194 : f32
    %slice3A_196 = vector.extract_strided_slice %scan3A_11#3 {offsets = [14], sizes = [1], strides = [1]} : vector<16xf32> to vector<1xf32>
    %squeeze3A_197 = vector.extract %slice3A_196[0] : f32 from vector<1xf32>
    %add3A_198 = arith.addf %add3A_195, %squeeze3A_197 : f32
    %slice3A_199 = vector.extract_strided_slice %scan3A_11#3 {offsets = [15], sizes = [1], strides = [1]} : vector<16xf32> to vector<1xf32>
    %squeeze3A_200 = vector.extract %slice3A_199[0] : f32 from vector<1xf32>
    %add3A_201 = arith.addf %add3A_198, %squeeze3A_200 : f32
    %mul3A_202 = arith.mulf %add3A_201, %add3A_201 : f32
    %add3A_203 = arith.addf %add3A_154, %mul3A_202 : f32
    %slice3A_204 = vector.extract_strided_slice %scan3A_11#4 {offsets = [0], sizes = [1], strides = [1]} : vector<16xf32> to vector<1xf32>
    %squeeze3A_205 = vector.extract %slice3A_204[0] : f32 from vector<1xf32>
    %slice3A_206 = vector.extract_strided_slice %scan3A_11#4 {offsets = [1], sizes = [1], strides = [1]} : vector<16xf32> to vector<1xf32>
    %squeeze3A_207 = vector.extract %slice3A_206[0] : f32 from vector<1xf32>
    %add3A_208 = arith.addf %squeeze3A_205, %squeeze3A_207 : f32
    %slice3A_209 = vector.extract_strided_slice %scan3A_11#4 {offsets = [2], sizes = [1], strides = [1]} : vector<16xf32> to vector<1xf32>
    %squeeze3A_210 = vector.extract %slice3A_209[0] : f32 from vector<1xf32>
    %add3A_211 = arith.addf %add3A_208, %squeeze3A_210 : f32
    %slice3A_212 = vector.extract_strided_slice %scan3A_11#4 {offsets = [3], sizes = [1], strides = [1]} : vector<16xf32> to vector<1xf32>
    %squeeze3A_213 = vector.extract %slice3A_212[0] : f32 from vector<1xf32>
    %add3A_214 = arith.addf %add3A_211, %squeeze3A_213 : f32
    %slice3A_215 = vector.extract_strided_slice %scan3A_11#4 {offsets = [4], sizes = [1], strides = [1]} : vector<16xf32> to vector<1xf32>
    %squeeze3A_216 = vector.extract %slice3A_215[0] : f32 from vector<1xf32>
    %add3A_217 = arith.addf %add3A_214, %squeeze3A_216 : f32
    %slice3A_218 = vector.extract_strided_slice %scan3A_11#4 {offsets = [5], sizes = [1], strides = [1]} : vector<16xf32> to vector<1xf32>
    %squeeze3A_219 = vector.extract %slice3A_218[0] : f32 from vector<1xf32>
    %add3A_220 = arith.addf %add3A_217, %squeeze3A_219 : f32
    %slice3A_221 = vector.extract_strided_slice %scan3A_11#4 {offsets = [6], sizes = [1], strides = [1]} : vector<16xf32> to vector<1xf32>
    %squeeze3A_222 = vector.extract %slice3A_221[0] : f32 from vector<1xf32>
    %add3A_223 = arith.addf %add3A_220, %squeeze3A_222 : f32
    %slice3A_224 = vector.extract_strided_slice %scan3A_11#4 {offsets = [7], sizes = [1], strides = [1]} : vector<16xf32> to vector<1xf32>
    %squeeze3A_225 = vector.extract %slice3A_224[0] : f32 from vector<1xf32>
    %add3A_226 = arith.addf %add3A_223, %squeeze3A_225 : f32
    %slice3A_227 = vector.extract_strided_slice %scan3A_11#4 {offsets = [8], sizes = [1], strides = [1]} : vector<16xf32> to vector<1xf32>
    %squeeze3A_228 = vector.extract %slice3A_227[0] : f32 from vector<1xf32>
    %add3A_229 = arith.addf %add3A_226, %squeeze3A_228 : f32
    %slice3A_230 = vector.extract_strided_slice %scan3A_11#4 {offsets = [9], sizes = [1], strides = [1]} : vector<16xf32> to vector<1xf32>
    %squeeze3A_231 = vector.extract %slice3A_230[0] : f32 from vector<1xf32>
    %add3A_232 = arith.addf %add3A_229, %squeeze3A_231 : f32
    %slice3A_233 = vector.extract_strided_slice %scan3A_11#4 {offsets = [10], sizes = [1], strides = [1]} : vector<16xf32> to vector<1xf32>
    %squeeze3A_234 = vector.extract %slice3A_233[0] : f32 from vector<1xf32>
    %add3A_235 = arith.addf %add3A_232, %squeeze3A_234 : f32
    %slice3A_236 = vector.extract_strided_slice %scan3A_11#4 {offsets = [11], sizes = [1], strides = [1]} : vector<16xf32> to vector<1xf32>
    %squeeze3A_237 = vector.extract %slice3A_236[0] : f32 from vector<1xf32>
    %add3A_238 = arith.addf %add3A_235, %squeeze3A_237 : f32
    %slice3A_239 = vector.extract_strided_slice %scan3A_11#4 {offsets = [12], sizes = [1], strides = [1]} : vector<16xf32> to vector<1xf32>
    %squeeze3A_240 = vector.extract %slice3A_239[0] : f32 from vector<1xf32>
    %add3A_241 = arith.addf %add3A_238, %squeeze3A_240 : f32
    %slice3A_242 = vector.extract_strided_slice %scan3A_11#4 {offsets = [13], sizes = [1], strides = [1]} : vector<16xf32> to vector<1xf32>
    %squeeze3A_243 = vector.extract %slice3A_242[0] : f32 from vector<1xf32>
    %add3A_244 = arith.addf %add3A_241, %squeeze3A_243 : f32
    %slice3A_245 = vector.extract_strided_slice %scan3A_11#4 {offsets = [14], sizes = [1], strides = [1]} : vector<16xf32> to vector<1xf32>
    %squeeze3A_246 = vector.extract %slice3A_245[0] : f32 from vector<1xf32>
    %add3A_247 = arith.addf %add3A_244, %squeeze3A_246 : f32
    %slice3A_248 = vector.extract_strided_slice %scan3A_11#4 {offsets = [15], sizes = [1], strides = [1]} : vector<16xf32> to vector<1xf32>
    %squeeze3A_249 = vector.extract %slice3A_248[0] : f32 from vector<1xf32>
    %add3A_250 = arith.addf %add3A_247, %squeeze3A_249 : f32
    %mul3A_251 = arith.mulf %add3A_250, %add3A_250 : f32
    %add3A_252 = arith.addf %add3A_203, %mul3A_251 : f32
    %slice3A_253 = vector.extract_strided_slice %scan3A_11#5 {offsets = [0], sizes = [1], strides = [1]} : vector<16xf32> to vector<1xf32>
    %squeeze3A_254 = vector.extract %slice3A_253[0] : f32 from vector<1xf32>
    %slice3A_255 = vector.extract_strided_slice %scan3A_11#5 {offsets = [1], sizes = [1], strides = [1]} : vector<16xf32> to vector<1xf32>
    %squeeze3A_256 = vector.extract %slice3A_255[0] : f32 from vector<1xf32>
    %add3A_257 = arith.addf %squeeze3A_254, %squeeze3A_256 : f32
    %slice3A_258 = vector.extract_strided_slice %scan3A_11#5 {offsets = [2], sizes = [1], strides = [1]} : vector<16xf32> to vector<1xf32>
    %squeeze3A_259 = vector.extract %slice3A_258[0] : f32 from vector<1xf32>
    %add3A_260 = arith.addf %add3A_257, %squeeze3A_259 : f32
    %slice3A_261 = vector.extract_strided_slice %scan3A_11#5 {offsets = [3], sizes = [1], strides = [1]} : vector<16xf32> to vector<1xf32>
    %squeeze3A_262 = vector.extract %slice3A_261[0] : f32 from vector<1xf32>
    %add3A_263 = arith.addf %add3A_260, %squeeze3A_262 : f32
    %slice3A_264 = vector.extract_strided_slice %scan3A_11#5 {offsets = [4], sizes = [1], strides = [1]} : vector<16xf32> to vector<1xf32>
    %squeeze3A_265 = vector.extract %slice3A_264[0] : f32 from vector<1xf32>
    %add3A_266 = arith.addf %add3A_263, %squeeze3A_265 : f32
    %slice3A_267 = vector.extract_strided_slice %scan3A_11#5 {offsets = [5], sizes = [1], strides = [1]} : vector<16xf32> to vector<1xf32>
    %squeeze3A_268 = vector.extract %slice3A_267[0] : f32 from vector<1xf32>
    %add3A_269 = arith.addf %add3A_266, %squeeze3A_268 : f32
    %slice3A_270 = vector.extract_strided_slice %scan3A_11#5 {offsets = [6], sizes = [1], strides = [1]} : vector<16xf32> to vector<1xf32>
    %squeeze3A_271 = vector.extract %slice3A_270[0] : f32 from vector<1xf32>
    %add3A_272 = arith.addf %add3A_269, %squeeze3A_271 : f32
    %slice3A_273 = vector.extract_strided_slice %scan3A_11#5 {offsets = [7], sizes = [1], strides = [1]} : vector<16xf32> to vector<1xf32>
    %squeeze3A_274 = vector.extract %slice3A_273[0] : f32 from vector<1xf32>
    %add3A_275 = arith.addf %add3A_272, %squeeze3A_274 : f32
    %slice3A_276 = vector.extract_strided_slice %scan3A_11#5 {offsets = [8], sizes = [1], strides = [1]} : vector<16xf32> to vector<1xf32>
    %squeeze3A_277 = vector.extract %slice3A_276[0] : f32 from vector<1xf32>
    %add3A_278 = arith.addf %add3A_275, %squeeze3A_277 : f32
    %slice3A_279 = vector.extract_strided_slice %scan3A_11#5 {offsets = [9], sizes = [1], strides = [1]} : vector<16xf32> to vector<1xf32>
    %squeeze3A_280 = vector.extract %slice3A_279[0] : f32 from vector<1xf32>
    %add3A_281 = arith.addf %add3A_278, %squeeze3A_280 : f32
    %slice3A_282 = vector.extract_strided_slice %scan3A_11#5 {offsets = [10], sizes = [1], strides = [1]} : vector<16xf32> to vector<1xf32>
    %squeeze3A_283 = vector.extract %slice3A_282[0] : f32 from vector<1xf32>
    %add3A_284 = arith.addf %add3A_281, %squeeze3A_283 : f32
    %slice3A_285 = vector.extract_strided_slice %scan3A_11#5 {offsets = [11], sizes = [1], strides = [1]} : vector<16xf32> to vector<1xf32>
    %squeeze3A_286 = vector.extract %slice3A_285[0] : f32 from vector<1xf32>
    %add3A_287 = arith.addf %add3A_284, %squeeze3A_286 : f32
    %slice3A_288 = vector.extract_strided_slice %scan3A_11#5 {offsets = [12], sizes = [1], strides = [1]} : vector<16xf32> to vector<1xf32>
    %squeeze3A_289 = vector.extract %slice3A_288[0] : f32 from vector<1xf32>
    %add3A_290 = arith.addf %add3A_287, %squeeze3A_289 : f32
    %slice3A_291 = vector.extract_strided_slice %scan3A_11#5 {offsets = [13], sizes = [1], strides = [1]} : vector<16xf32> to vector<1xf32>
    %squeeze3A_292 = vector.extract %slice3A_291[0] : f32 from vector<1xf32>
    %add3A_293 = arith.addf %add3A_290, %squeeze3A_292 : f32
    %slice3A_294 = vector.extract_strided_slice %scan3A_11#5 {offsets = [14], sizes = [1], strides = [1]} : vector<16xf32> to vector<1xf32>
    %squeeze3A_295 = vector.extract %slice3A_294[0] : f32 from vector<1xf32>
    %add3A_296 = arith.addf %add3A_293, %squeeze3A_295 : f32
    %slice3A_297 = vector.extract_strided_slice %scan3A_11#5 {offsets = [15], sizes = [1], strides = [1]} : vector<16xf32> to vector<1xf32>
    %squeeze3A_298 = vector.extract %slice3A_297[0] : f32 from vector<1xf32>
    %add3A_299 = arith.addf %add3A_296, %squeeze3A_298 : f32
    %mul3A_300 = arith.mulf %add3A_299, %add3A_299 : f32
    %add3A_301 = arith.addf %add3A_252, %mul3A_300 : f32
    %slice3A_302 = vector.extract_strided_slice %scan3A_11#6 {offsets = [0], sizes = [1], strides = [1]} : vector<16xf32> to vector<1xf32>
    %squeeze3A_303 = vector.extract %slice3A_302[0] : f32 from vector<1xf32>
    %slice3A_304 = vector.extract_strided_slice %scan3A_11#6 {offsets = [1], sizes = [1], strides = [1]} : vector<16xf32> to vector<1xf32>
    %squeeze3A_305 = vector.extract %slice3A_304[0] : f32 from vector<1xf32>
    %add3A_306 = arith.addf %squeeze3A_303, %squeeze3A_305 : f32
    %slice3A_307 = vector.extract_strided_slice %scan3A_11#6 {offsets = [2], sizes = [1], strides = [1]} : vector<16xf32> to vector<1xf32>
    %squeeze3A_308 = vector.extract %slice3A_307[0] : f32 from vector<1xf32>
    %add3A_309 = arith.addf %add3A_306, %squeeze3A_308 : f32
    %slice3A_310 = vector.extract_strided_slice %scan3A_11#6 {offsets = [3], sizes = [1], strides = [1]} : vector<16xf32> to vector<1xf32>
    %squeeze3A_311 = vector.extract %slice3A_310[0] : f32 from vector<1xf32>
    %add3A_312 = arith.addf %add3A_309, %squeeze3A_311 : f32
    %slice3A_313 = vector.extract_strided_slice %scan3A_11#6 {offsets = [4], sizes = [1], strides = [1]} : vector<16xf32> to vector<1xf32>
    %squeeze3A_314 = vector.extract %slice3A_313[0] : f32 from vector<1xf32>
    %add3A_315 = arith.addf %add3A_312, %squeeze3A_314 : f32
    %slice3A_316 = vector.extract_strided_slice %scan3A_11#6 {offsets = [5], sizes = [1], strides = [1]} : vector<16xf32> to vector<1xf32>
    %squeeze3A_317 = vector.extract %slice3A_316[0] : f32 from vector<1xf32>
    %add3A_318 = arith.addf %add3A_315, %squeeze3A_317 : f32
    %slice3A_319 = vector.extract_strided_slice %scan3A_11#6 {offsets = [6], sizes = [1], strides = [1]} : vector<16xf32> to vector<1xf32>
    %squeeze3A_320 = vector.extract %slice3A_319[0] : f32 from vector<1xf32>
    %add3A_321 = arith.addf %add3A_318, %squeeze3A_320 : f32
    %slice3A_322 = vector.extract_strided_slice %scan3A_11#6 {offsets = [7], sizes = [1], strides = [1]} : vector<16xf32> to vector<1xf32>
    %squeeze3A_323 = vector.extract %slice3A_322[0] : f32 from vector<1xf32>
    %add3A_324 = arith.addf %add3A_321, %squeeze3A_323 : f32
    %slice3A_325 = vector.extract_strided_slice %scan3A_11#6 {offsets = [8], sizes = [1], strides = [1]} : vector<16xf32> to vector<1xf32>
    %squeeze3A_326 = vector.extract %slice3A_325[0] : f32 from vector<1xf32>
    %add3A_327 = arith.addf %add3A_324, %squeeze3A_326 : f32
    %slice3A_328 = vector.extract_strided_slice %scan3A_11#6 {offsets = [9], sizes = [1], strides = [1]} : vector<16xf32> to vector<1xf32>
    %squeeze3A_329 = vector.extract %slice3A_328[0] : f32 from vector<1xf32>
    %add3A_330 = arith.addf %add3A_327, %squeeze3A_329 : f32
    %slice3A_331 = vector.extract_strided_slice %scan3A_11#6 {offsets = [10], sizes = [1], strides = [1]} : vector<16xf32> to vector<1xf32>
    %squeeze3A_332 = vector.extract %slice3A_331[0] : f32 from vector<1xf32>
    %add3A_333 = arith.addf %add3A_330, %squeeze3A_332 : f32
    %slice3A_334 = vector.extract_strided_slice %scan3A_11#6 {offsets = [11], sizes = [1], strides = [1]} : vector<16xf32> to vector<1xf32>
    %squeeze3A_335 = vector.extract %slice3A_334[0] : f32 from vector<1xf32>
    %add3A_336 = arith.addf %add3A_333, %squeeze3A_335 : f32
    %slice3A_337 = vector.extract_strided_slice %scan3A_11#6 {offsets = [12], sizes = [1], strides = [1]} : vector<16xf32> to vector<1xf32>
    %squeeze3A_338 = vector.extract %slice3A_337[0] : f32 from vector<1xf32>
    %add3A_339 = arith.addf %add3A_336, %squeeze3A_338 : f32
    %slice3A_340 = vector.extract_strided_slice %scan3A_11#6 {offsets = [13], sizes = [1], strides = [1]} : vector<16xf32> to vector<1xf32>
    %squeeze3A_341 = vector.extract %slice3A_340[0] : f32 from vector<1xf32>
    %add3A_342 = arith.addf %add3A_339, %squeeze3A_341 : f32
    %slice3A_343 = vector.extract_strided_slice %scan3A_11#6 {offsets = [14], sizes = [1], strides = [1]} : vector<16xf32> to vector<1xf32>
    %squeeze3A_344 = vector.extract %slice3A_343[0] : f32 from vector<1xf32>
    %add3A_345 = arith.addf %add3A_342, %squeeze3A_344 : f32
    %slice3A_346 = vector.extract_strided_slice %scan3A_11#6 {offsets = [15], sizes = [1], strides = [1]} : vector<16xf32> to vector<1xf32>
    %squeeze3A_347 = vector.extract %slice3A_346[0] : f32 from vector<1xf32>
    %add3A_348 = arith.addf %add3A_345, %squeeze3A_347 : f32
    %mul3A_349 = arith.mulf %add3A_348, %add3A_348 : f32
    %add3A_350 = arith.addf %add3A_301, %mul3A_349 : f32
    %slice3A_351 = vector.extract_strided_slice %scan3A_11#7 {offsets = [0], sizes = [1], strides = [1]} : vector<16xf32> to vector<1xf32>
    %squeeze3A_352 = vector.extract %slice3A_351[0] : f32 from vector<1xf32>
    %slice3A_353 = vector.extract_strided_slice %scan3A_11#7 {offsets = [1], sizes = [1], strides = [1]} : vector<16xf32> to vector<1xf32>
    %squeeze3A_354 = vector.extract %slice3A_353[0] : f32 from vector<1xf32>
    %add3A_355 = arith.addf %squeeze3A_352, %squeeze3A_354 : f32
    %slice3A_356 = vector.extract_strided_slice %scan3A_11#7 {offsets = [2], sizes = [1], strides = [1]} : vector<16xf32> to vector<1xf32>
    %squeeze3A_357 = vector.extract %slice3A_356[0] : f32 from vector<1xf32>
    %add3A_358 = arith.addf %add3A_355, %squeeze3A_357 : f32
    %slice3A_359 = vector.extract_strided_slice %scan3A_11#7 {offsets = [3], sizes = [1], strides = [1]} : vector<16xf32> to vector<1xf32>
    %squeeze3A_360 = vector.extract %slice3A_359[0] : f32 from vector<1xf32>
    %add3A_361 = arith.addf %add3A_358, %squeeze3A_360 : f32
    %slice3A_362 = vector.extract_strided_slice %scan3A_11#7 {offsets = [4], sizes = [1], strides = [1]} : vector<16xf32> to vector<1xf32>
    %squeeze3A_363 = vector.extract %slice3A_362[0] : f32 from vector<1xf32>
    %add3A_364 = arith.addf %add3A_361, %squeeze3A_363 : f32
    %slice3A_365 = vector.extract_strided_slice %scan3A_11#7 {offsets = [5], sizes = [1], strides = [1]} : vector<16xf32> to vector<1xf32>
    %squeeze3A_366 = vector.extract %slice3A_365[0] : f32 from vector<1xf32>
    %add3A_367 = arith.addf %add3A_364, %squeeze3A_366 : f32
    %slice3A_368 = vector.extract_strided_slice %scan3A_11#7 {offsets = [6], sizes = [1], strides = [1]} : vector<16xf32> to vector<1xf32>
    %squeeze3A_369 = vector.extract %slice3A_368[0] : f32 from vector<1xf32>
    %add3A_370 = arith.addf %add3A_367, %squeeze3A_369 : f32
    %slice3A_371 = vector.extract_strided_slice %scan3A_11#7 {offsets = [7], sizes = [1], strides = [1]} : vector<16xf32> to vector<1xf32>
    %squeeze3A_372 = vector.extract %slice3A_371[0] : f32 from vector<1xf32>
    %add3A_373 = arith.addf %add3A_370, %squeeze3A_372 : f32
    %slice3A_374 = vector.extract_strided_slice %scan3A_11#7 {offsets = [8], sizes = [1], strides = [1]} : vector<16xf32> to vector<1xf32>
    %squeeze3A_375 = vector.extract %slice3A_374[0] : f32 from vector<1xf32>
    %add3A_376 = arith.addf %add3A_373, %squeeze3A_375 : f32
    %slice3A_377 = vector.extract_strided_slice %scan3A_11#7 {offsets = [9], sizes = [1], strides = [1]} : vector<16xf32> to vector<1xf32>
    %squeeze3A_378 = vector.extract %slice3A_377[0] : f32 from vector<1xf32>
    %add3A_379 = arith.addf %add3A_376, %squeeze3A_378 : f32
    %slice3A_380 = vector.extract_strided_slice %scan3A_11#7 {offsets = [10], sizes = [1], strides = [1]} : vector<16xf32> to vector<1xf32>
    %squeeze3A_381 = vector.extract %slice3A_380[0] : f32 from vector<1xf32>
    %add3A_382 = arith.addf %add3A_379, %squeeze3A_381 : f32
    %slice3A_383 = vector.extract_strided_slice %scan3A_11#7 {offsets = [11], sizes = [1], strides = [1]} : vector<16xf32> to vector<1xf32>
    %squeeze3A_384 = vector.extract %slice3A_383[0] : f32 from vector<1xf32>
    %add3A_385 = arith.addf %add3A_382, %squeeze3A_384 : f32
    %slice3A_386 = vector.extract_strided_slice %scan3A_11#7 {offsets = [12], sizes = [1], strides = [1]} : vector<16xf32> to vector<1xf32>
    %squeeze3A_387 = vector.extract %slice3A_386[0] : f32 from vector<1xf32>
    %add3A_388 = arith.addf %add3A_385, %squeeze3A_387 : f32
    %slice3A_389 = vector.extract_strided_slice %scan3A_11#7 {offsets = [13], sizes = [1], strides = [1]} : vector<16xf32> to vector<1xf32>
    %squeeze3A_390 = vector.extract %slice3A_389[0] : f32 from vector<1xf32>
    %add3A_391 = arith.addf %add3A_388, %squeeze3A_390 : f32
    %slice3A_392 = vector.extract_strided_slice %scan3A_11#7 {offsets = [14], sizes = [1], strides = [1]} : vector<16xf32> to vector<1xf32>
    %squeeze3A_393 = vector.extract %slice3A_392[0] : f32 from vector<1xf32>
    %add3A_394 = arith.addf %add3A_391, %squeeze3A_393 : f32
    %slice3A_395 = vector.extract_strided_slice %scan3A_11#7 {offsets = [15], sizes = [1], strides = [1]} : vector<16xf32> to vector<1xf32>
    %squeeze3A_396 = vector.extract %slice3A_395[0] : f32 from vector<1xf32>
    %add3A_397 = arith.addf %add3A_394, %squeeze3A_396 : f32
    %mul3A_398 = arith.mulf %add3A_397, %add3A_397 : f32
    %add3A_399 = arith.addf %add3A_350, %mul3A_398 : f32
    %slice3A_400 = vector.extract_strided_slice %scan3A_11#8 {offsets = [0], sizes = [1], strides = [1]} : vector<16xf32> to vector<1xf32>
    %squeeze3A_401 = vector.extract %slice3A_400[0] : f32 from vector<1xf32>
    %slice3A_402 = vector.extract_strided_slice %scan3A_11#8 {offsets = [1], sizes = [1], strides = [1]} : vector<16xf32> to vector<1xf32>
    %squeeze3A_403 = vector.extract %slice3A_402[0] : f32 from vector<1xf32>
    %add3A_404 = arith.addf %squeeze3A_401, %squeeze3A_403 : f32
    %slice3A_405 = vector.extract_strided_slice %scan3A_11#8 {offsets = [2], sizes = [1], strides = [1]} : vector<16xf32> to vector<1xf32>
    %squeeze3A_406 = vector.extract %slice3A_405[0] : f32 from vector<1xf32>
    %add3A_407 = arith.addf %add3A_404, %squeeze3A_406 : f32
    %slice3A_408 = vector.extract_strided_slice %scan3A_11#8 {offsets = [3], sizes = [1], strides = [1]} : vector<16xf32> to vector<1xf32>
    %squeeze3A_409 = vector.extract %slice3A_408[0] : f32 from vector<1xf32>
    %add3A_410 = arith.addf %add3A_407, %squeeze3A_409 : f32
    %slice3A_411 = vector.extract_strided_slice %scan3A_11#8 {offsets = [4], sizes = [1], strides = [1]} : vector<16xf32> to vector<1xf32>
    %squeeze3A_412 = vector.extract %slice3A_411[0] : f32 from vector<1xf32>
    %add3A_413 = arith.addf %add3A_410, %squeeze3A_412 : f32
    %slice3A_414 = vector.extract_strided_slice %scan3A_11#8 {offsets = [5], sizes = [1], strides = [1]} : vector<16xf32> to vector<1xf32>
    %squeeze3A_415 = vector.extract %slice3A_414[0] : f32 from vector<1xf32>
    %add3A_416 = arith.addf %add3A_413, %squeeze3A_415 : f32
    %slice3A_417 = vector.extract_strided_slice %scan3A_11#8 {offsets = [6], sizes = [1], strides = [1]} : vector<16xf32> to vector<1xf32>
    %squeeze3A_418 = vector.extract %slice3A_417[0] : f32 from vector<1xf32>
    %add3A_419 = arith.addf %add3A_416, %squeeze3A_418 : f32
    %slice3A_420 = vector.extract_strided_slice %scan3A_11#8 {offsets = [7], sizes = [1], strides = [1]} : vector<16xf32> to vector<1xf32>
    %squeeze3A_421 = vector.extract %slice3A_420[0] : f32 from vector<1xf32>
    %add3A_422 = arith.addf %add3A_419, %squeeze3A_421 : f32
    %slice3A_423 = vector.extract_strided_slice %scan3A_11#8 {offsets = [8], sizes = [1], strides = [1]} : vector<16xf32> to vector<1xf32>
    %squeeze3A_424 = vector.extract %slice3A_423[0] : f32 from vector<1xf32>
    %add3A_425 = arith.addf %add3A_422, %squeeze3A_424 : f32
    %slice3A_426 = vector.extract_strided_slice %scan3A_11#8 {offsets = [9], sizes = [1], strides = [1]} : vector<16xf32> to vector<1xf32>
    %squeeze3A_427 = vector.extract %slice3A_426[0] : f32 from vector<1xf32>
    %add3A_428 = arith.addf %add3A_425, %squeeze3A_427 : f32
    %slice3A_429 = vector.extract_strided_slice %scan3A_11#8 {offsets = [10], sizes = [1], strides = [1]} : vector<16xf32> to vector<1xf32>
    %squeeze3A_430 = vector.extract %slice3A_429[0] : f32 from vector<1xf32>
    %add3A_431 = arith.addf %add3A_428, %squeeze3A_430 : f32
    %slice3A_432 = vector.extract_strided_slice %scan3A_11#8 {offsets = [11], sizes = [1], strides = [1]} : vector<16xf32> to vector<1xf32>
    %squeeze3A_433 = vector.extract %slice3A_432[0] : f32 from vector<1xf32>
    %add3A_434 = arith.addf %add3A_431, %squeeze3A_433 : f32
    %slice3A_435 = vector.extract_strided_slice %scan3A_11#8 {offsets = [12], sizes = [1], strides = [1]} : vector<16xf32> to vector<1xf32>
    %squeeze3A_436 = vector.extract %slice3A_435[0] : f32 from vector<1xf32>
    %add3A_437 = arith.addf %add3A_434, %squeeze3A_436 : f32
    %slice3A_438 = vector.extract_strided_slice %scan3A_11#8 {offsets = [13], sizes = [1], strides = [1]} : vector<16xf32> to vector<1xf32>
    %squeeze3A_439 = vector.extract %slice3A_438[0] : f32 from vector<1xf32>
    %add3A_440 = arith.addf %add3A_437, %squeeze3A_439 : f32
    %slice3A_441 = vector.extract_strided_slice %scan3A_11#8 {offsets = [14], sizes = [1], strides = [1]} : vector<16xf32> to vector<1xf32>
    %squeeze3A_442 = vector.extract %slice3A_441[0] : f32 from vector<1xf32>
    %add3A_443 = arith.addf %add3A_440, %squeeze3A_442 : f32
    %slice3A_444 = vector.extract_strided_slice %scan3A_11#8 {offsets = [15], sizes = [1], strides = [1]} : vector<16xf32> to vector<1xf32>
    %squeeze3A_445 = vector.extract %slice3A_444[0] : f32 from vector<1xf32>
    %add3A_446 = arith.addf %add3A_443, %squeeze3A_445 : f32
    %mul3A_447 = arith.mulf %add3A_446, %add3A_446 : f32
    %add3A_448 = arith.addf %add3A_399, %mul3A_447 : f32
    %slice3A_449 = vector.extract_strided_slice %scan3A_11#9 {offsets = [0], sizes = [1], strides = [1]} : vector<16xf32> to vector<1xf32>
    %squeeze3A_450 = vector.extract %slice3A_449[0] : f32 from vector<1xf32>
    %slice3A_451 = vector.extract_strided_slice %scan3A_11#9 {offsets = [1], sizes = [1], strides = [1]} : vector<16xf32> to vector<1xf32>
    %squeeze3A_452 = vector.extract %slice3A_451[0] : f32 from vector<1xf32>
    %add3A_453 = arith.addf %squeeze3A_450, %squeeze3A_452 : f32
    %slice3A_454 = vector.extract_strided_slice %scan3A_11#9 {offsets = [2], sizes = [1], strides = [1]} : vector<16xf32> to vector<1xf32>
    %squeeze3A_455 = vector.extract %slice3A_454[0] : f32 from vector<1xf32>
    %add3A_456 = arith.addf %add3A_453, %squeeze3A_455 : f32
    %slice3A_457 = vector.extract_strided_slice %scan3A_11#9 {offsets = [3], sizes = [1], strides = [1]} : vector<16xf32> to vector<1xf32>
    %squeeze3A_458 = vector.extract %slice3A_457[0] : f32 from vector<1xf32>
    %add3A_459 = arith.addf %add3A_456, %squeeze3A_458 : f32
    %slice3A_460 = vector.extract_strided_slice %scan3A_11#9 {offsets = [4], sizes = [1], strides = [1]} : vector<16xf32> to vector<1xf32>
    %squeeze3A_461 = vector.extract %slice3A_460[0] : f32 from vector<1xf32>
    %add3A_462 = arith.addf %add3A_459, %squeeze3A_461 : f32
    %slice3A_463 = vector.extract_strided_slice %scan3A_11#9 {offsets = [5], sizes = [1], strides = [1]} : vector<16xf32> to vector<1xf32>
    %squeeze3A_464 = vector.extract %slice3A_463[0] : f32 from vector<1xf32>
    %add3A_465 = arith.addf %add3A_462, %squeeze3A_464 : f32
    %slice3A_466 = vector.extract_strided_slice %scan3A_11#9 {offsets = [6], sizes = [1], strides = [1]} : vector<16xf32> to vector<1xf32>
    %squeeze3A_467 = vector.extract %slice3A_466[0] : f32 from vector<1xf32>
    %add3A_468 = arith.addf %add3A_465, %squeeze3A_467 : f32
    %slice3A_469 = vector.extract_strided_slice %scan3A_11#9 {offsets = [7], sizes = [1], strides = [1]} : vector<16xf32> to vector<1xf32>
    %squeeze3A_470 = vector.extract %slice3A_469[0] : f32 from vector<1xf32>
    %add3A_471 = arith.addf %add3A_468, %squeeze3A_470 : f32
    %slice3A_472 = vector.extract_strided_slice %scan3A_11#9 {offsets = [8], sizes = [1], strides = [1]} : vector<16xf32> to vector<1xf32>
    %squeeze3A_473 = vector.extract %slice3A_472[0] : f32 from vector<1xf32>
    %add3A_474 = arith.addf %add3A_471, %squeeze3A_473 : f32
    %slice3A_475 = vector.extract_strided_slice %scan3A_11#9 {offsets = [9], sizes = [1], strides = [1]} : vector<16xf32> to vector<1xf32>
    %squeeze3A_476 = vector.extract %slice3A_475[0] : f32 from vector<1xf32>
    %add3A_477 = arith.addf %add3A_474, %squeeze3A_476 : f32
    %slice3A_478 = vector.extract_strided_slice %scan3A_11#9 {offsets = [10], sizes = [1], strides = [1]} : vector<16xf32> to vector<1xf32>
    %squeeze3A_479 = vector.extract %slice3A_478[0] : f32 from vector<1xf32>
    %add3A_480 = arith.addf %add3A_477, %squeeze3A_479 : f32
    %slice3A_481 = vector.extract_strided_slice %scan3A_11#9 {offsets = [11], sizes = [1], strides = [1]} : vector<16xf32> to vector<1xf32>
    %squeeze3A_482 = vector.extract %slice3A_481[0] : f32 from vector<1xf32>
    %add3A_483 = arith.addf %add3A_480, %squeeze3A_482 : f32
    %slice3A_484 = vector.extract_strided_slice %scan3A_11#9 {offsets = [12], sizes = [1], strides = [1]} : vector<16xf32> to vector<1xf32>
    %squeeze3A_485 = vector.extract %slice3A_484[0] : f32 from vector<1xf32>
    %add3A_486 = arith.addf %add3A_483, %squeeze3A_485 : f32
    %slice3A_487 = vector.extract_strided_slice %scan3A_11#9 {offsets = [13], sizes = [1], strides = [1]} : vector<16xf32> to vector<1xf32>
    %squeeze3A_488 = vector.extract %slice3A_487[0] : f32 from vector<1xf32>
    %add3A_489 = arith.addf %add3A_486, %squeeze3A_488 : f32
    %slice3A_490 = vector.extract_strided_slice %scan3A_11#9 {offsets = [14], sizes = [1], strides = [1]} : vector<16xf32> to vector<1xf32>
    %squeeze3A_491 = vector.extract %slice3A_490[0] : f32 from vector<1xf32>
    %add3A_492 = arith.addf %add3A_489, %squeeze3A_491 : f32
    %slice3A_493 = vector.extract_strided_slice %scan3A_11#9 {offsets = [15], sizes = [1], strides = [1]} : vector<16xf32> to vector<1xf32>
    %squeeze3A_494 = vector.extract %slice3A_493[0] : f32 from vector<1xf32>
    %add3A_495 = arith.addf %add3A_492, %squeeze3A_494 : f32
    %mul3A_496 = arith.mulf %add3A_495, %add3A_495 : f32
    %add3A_497 = arith.addf %add3A_448, %mul3A_496 : f32
    %slice3A_498 = vector.extract_strided_slice %scan3A_11#10 {offsets = [0], sizes = [1], strides = [1]} : vector<16xf32> to vector<1xf32>
    %squeeze3A_499 = vector.extract %slice3A_498[0] : f32 from vector<1xf32>
    %slice3A_500 = vector.extract_strided_slice %scan3A_11#10 {offsets = [1], sizes = [1], strides = [1]} : vector<16xf32> to vector<1xf32>
    %squeeze3A_501 = vector.extract %slice3A_500[0] : f32 from vector<1xf32>
    %add3A_502 = arith.addf %squeeze3A_499, %squeeze3A_501 : f32
    %slice3A_503 = vector.extract_strided_slice %scan3A_11#10 {offsets = [2], sizes = [1], strides = [1]} : vector<16xf32> to vector<1xf32>
    %squeeze3A_504 = vector.extract %slice3A_503[0] : f32 from vector<1xf32>
    %add3A_505 = arith.addf %add3A_502, %squeeze3A_504 : f32
    %slice3A_506 = vector.extract_strided_slice %scan3A_11#10 {offsets = [3], sizes = [1], strides = [1]} : vector<16xf32> to vector<1xf32>
    %squeeze3A_507 = vector.extract %slice3A_506[0] : f32 from vector<1xf32>
    %add3A_508 = arith.addf %add3A_505, %squeeze3A_507 : f32
    %slice3A_509 = vector.extract_strided_slice %scan3A_11#10 {offsets = [4], sizes = [1], strides = [1]} : vector<16xf32> to vector<1xf32>
    %squeeze3A_510 = vector.extract %slice3A_509[0] : f32 from vector<1xf32>
    %add3A_511 = arith.addf %add3A_508, %squeeze3A_510 : f32
    %slice3A_512 = vector.extract_strided_slice %scan3A_11#10 {offsets = [5], sizes = [1], strides = [1]} : vector<16xf32> to vector<1xf32>
    %squeeze3A_513 = vector.extract %slice3A_512[0] : f32 from vector<1xf32>
    %add3A_514 = arith.addf %add3A_511, %squeeze3A_513 : f32
    %slice3A_515 = vector.extract_strided_slice %scan3A_11#10 {offsets = [6], sizes = [1], strides = [1]} : vector<16xf32> to vector<1xf32>
    %squeeze3A_516 = vector.extract %slice3A_515[0] : f32 from vector<1xf32>
    %add3A_517 = arith.addf %add3A_514, %squeeze3A_516 : f32
    %slice3A_518 = vector.extract_strided_slice %scan3A_11#10 {offsets = [7], sizes = [1], strides = [1]} : vector<16xf32> to vector<1xf32>
    %squeeze3A_519 = vector.extract %slice3A_518[0] : f32 from vector<1xf32>
    %add3A_520 = arith.addf %add3A_517, %squeeze3A_519 : f32
    %slice3A_521 = vector.extract_strided_slice %scan3A_11#10 {offsets = [8], sizes = [1], strides = [1]} : vector<16xf32> to vector<1xf32>
    %squeeze3A_522 = vector.extract %slice3A_521[0] : f32 from vector<1xf32>
    %add3A_523 = arith.addf %add3A_520, %squeeze3A_522 : f32
    %slice3A_524 = vector.extract_strided_slice %scan3A_11#10 {offsets = [9], sizes = [1], strides = [1]} : vector<16xf32> to vector<1xf32>
    %squeeze3A_525 = vector.extract %slice3A_524[0] : f32 from vector<1xf32>
    %add3A_526 = arith.addf %add3A_523, %squeeze3A_525 : f32
    %slice3A_527 = vector.extract_strided_slice %scan3A_11#10 {offsets = [10], sizes = [1], strides = [1]} : vector<16xf32> to vector<1xf32>
    %squeeze3A_528 = vector.extract %slice3A_527[0] : f32 from vector<1xf32>
    %add3A_529 = arith.addf %add3A_526, %squeeze3A_528 : f32
    %slice3A_530 = vector.extract_strided_slice %scan3A_11#10 {offsets = [11], sizes = [1], strides = [1]} : vector<16xf32> to vector<1xf32>
    %squeeze3A_531 = vector.extract %slice3A_530[0] : f32 from vector<1xf32>
    %add3A_532 = arith.addf %add3A_529, %squeeze3A_531 : f32
    %slice3A_533 = vector.extract_strided_slice %scan3A_11#10 {offsets = [12], sizes = [1], strides = [1]} : vector<16xf32> to vector<1xf32>
    %squeeze3A_534 = vector.extract %slice3A_533[0] : f32 from vector<1xf32>
    %add3A_535 = arith.addf %add3A_532, %squeeze3A_534 : f32
    %slice3A_536 = vector.extract_strided_slice %scan3A_11#10 {offsets = [13], sizes = [1], strides = [1]} : vector<16xf32> to vector<1xf32>
    %squeeze3A_537 = vector.extract %slice3A_536[0] : f32 from vector<1xf32>
    %add3A_538 = arith.addf %add3A_535, %squeeze3A_537 : f32
    %slice3A_539 = vector.extract_strided_slice %scan3A_11#10 {offsets = [14], sizes = [1], strides = [1]} : vector<16xf32> to vector<1xf32>
    %squeeze3A_540 = vector.extract %slice3A_539[0] : f32 from vector<1xf32>
    %add3A_541 = arith.addf %add3A_538, %squeeze3A_540 : f32
    %slice3A_542 = vector.extract_strided_slice %scan3A_11#10 {offsets = [15], sizes = [1], strides = [1]} : vector<16xf32> to vector<1xf32>
    %squeeze3A_543 = vector.extract %slice3A_542[0] : f32 from vector<1xf32>
    %add3A_544 = arith.addf %add3A_541, %squeeze3A_543 : f32
    %mul3A_545 = arith.mulf %add3A_544, %add3A_544 : f32
    %add3A_546 = arith.addf %add3A_497, %mul3A_545 : f32
    %slice3A_547 = vector.extract_strided_slice %scan3A_11#11 {offsets = [0], sizes = [1], strides = [1]} : vector<16xf32> to vector<1xf32>
    %squeeze3A_548 = vector.extract %slice3A_547[0] : f32 from vector<1xf32>
    %slice3A_549 = vector.extract_strided_slice %scan3A_11#11 {offsets = [1], sizes = [1], strides = [1]} : vector<16xf32> to vector<1xf32>
    %squeeze3A_550 = vector.extract %slice3A_549[0] : f32 from vector<1xf32>
    %add3A_551 = arith.addf %squeeze3A_548, %squeeze3A_550 : f32
    %slice3A_552 = vector.extract_strided_slice %scan3A_11#11 {offsets = [2], sizes = [1], strides = [1]} : vector<16xf32> to vector<1xf32>
    %squeeze3A_553 = vector.extract %slice3A_552[0] : f32 from vector<1xf32>
    %add3A_554 = arith.addf %add3A_551, %squeeze3A_553 : f32
    %slice3A_555 = vector.extract_strided_slice %scan3A_11#11 {offsets = [3], sizes = [1], strides = [1]} : vector<16xf32> to vector<1xf32>
    %squeeze3A_556 = vector.extract %slice3A_555[0] : f32 from vector<1xf32>
    %add3A_557 = arith.addf %add3A_554, %squeeze3A_556 : f32
    %slice3A_558 = vector.extract_strided_slice %scan3A_11#11 {offsets = [4], sizes = [1], strides = [1]} : vector<16xf32> to vector<1xf32>
    %squeeze3A_559 = vector.extract %slice3A_558[0] : f32 from vector<1xf32>
    %add3A_560 = arith.addf %add3A_557, %squeeze3A_559 : f32
    %slice3A_561 = vector.extract_strided_slice %scan3A_11#11 {offsets = [5], sizes = [1], strides = [1]} : vector<16xf32> to vector<1xf32>
    %squeeze3A_562 = vector.extract %slice3A_561[0] : f32 from vector<1xf32>
    %add3A_563 = arith.addf %add3A_560, %squeeze3A_562 : f32
    %slice3A_564 = vector.extract_strided_slice %scan3A_11#11 {offsets = [6], sizes = [1], strides = [1]} : vector<16xf32> to vector<1xf32>
    %squeeze3A_565 = vector.extract %slice3A_564[0] : f32 from vector<1xf32>
    %add3A_566 = arith.addf %add3A_563, %squeeze3A_565 : f32
    %slice3A_567 = vector.extract_strided_slice %scan3A_11#11 {offsets = [7], sizes = [1], strides = [1]} : vector<16xf32> to vector<1xf32>
    %squeeze3A_568 = vector.extract %slice3A_567[0] : f32 from vector<1xf32>
    %add3A_569 = arith.addf %add3A_566, %squeeze3A_568 : f32
    %slice3A_570 = vector.extract_strided_slice %scan3A_11#11 {offsets = [8], sizes = [1], strides = [1]} : vector<16xf32> to vector<1xf32>
    %squeeze3A_571 = vector.extract %slice3A_570[0] : f32 from vector<1xf32>
    %add3A_572 = arith.addf %add3A_569, %squeeze3A_571 : f32
    %slice3A_573 = vector.extract_strided_slice %scan3A_11#11 {offsets = [9], sizes = [1], strides = [1]} : vector<16xf32> to vector<1xf32>
    %squeeze3A_574 = vector.extract %slice3A_573[0] : f32 from vector<1xf32>
    %add3A_575 = arith.addf %add3A_572, %squeeze3A_574 : f32
    %slice3A_576 = vector.extract_strided_slice %scan3A_11#11 {offsets = [10], sizes = [1], strides = [1]} : vector<16xf32> to vector<1xf32>
    %squeeze3A_577 = vector.extract %slice3A_576[0] : f32 from vector<1xf32>
    %add3A_578 = arith.addf %add3A_575, %squeeze3A_577 : f32
    %slice3A_579 = vector.extract_strided_slice %scan3A_11#11 {offsets = [11], sizes = [1], strides = [1]} : vector<16xf32> to vector<1xf32>
    %squeeze3A_580 = vector.extract %slice3A_579[0] : f32 from vector<1xf32>
    %add3A_581 = arith.addf %add3A_578, %squeeze3A_580 : f32
    %slice3A_582 = vector.extract_strided_slice %scan3A_11#11 {offsets = [12], sizes = [1], strides = [1]} : vector<16xf32> to vector<1xf32>
    %squeeze3A_583 = vector.extract %slice3A_582[0] : f32 from vector<1xf32>
    %add3A_584 = arith.addf %add3A_581, %squeeze3A_583 : f32
    %slice3A_585 = vector.extract_strided_slice %scan3A_11#11 {offsets = [13], sizes = [1], strides = [1]} : vector<16xf32> to vector<1xf32>
    %squeeze3A_586 = vector.extract %slice3A_585[0] : f32 from vector<1xf32>
    %add3A_587 = arith.addf %add3A_584, %squeeze3A_586 : f32
    %slice3A_588 = vector.extract_strided_slice %scan3A_11#11 {offsets = [14], sizes = [1], strides = [1]} : vector<16xf32> to vector<1xf32>
    %squeeze3A_589 = vector.extract %slice3A_588[0] : f32 from vector<1xf32>
    %add3A_590 = arith.addf %add3A_587, %squeeze3A_589 : f32
    %slice3A_591 = vector.extract_strided_slice %scan3A_11#11 {offsets = [15], sizes = [1], strides = [1]} : vector<16xf32> to vector<1xf32>
    %squeeze3A_592 = vector.extract %slice3A_591[0] : f32 from vector<1xf32>
    %add3A_593 = arith.addf %add3A_590, %squeeze3A_592 : f32
    %mul3A_594 = arith.mulf %add3A_593, %add3A_593 : f32
    %add3A_595 = arith.addf %add3A_546, %mul3A_594 : f32
    %slice3A_596 = vector.extract_strided_slice %scan3A_11#12 {offsets = [0], sizes = [1], strides = [1]} : vector<16xf32> to vector<1xf32>
    %squeeze3A_597 = vector.extract %slice3A_596[0] : f32 from vector<1xf32>
    %slice3A_598 = vector.extract_strided_slice %scan3A_11#12 {offsets = [1], sizes = [1], strides = [1]} : vector<16xf32> to vector<1xf32>
    %squeeze3A_599 = vector.extract %slice3A_598[0] : f32 from vector<1xf32>
    %add3A_600 = arith.addf %squeeze3A_597, %squeeze3A_599 : f32
    %slice3A_601 = vector.extract_strided_slice %scan3A_11#12 {offsets = [2], sizes = [1], strides = [1]} : vector<16xf32> to vector<1xf32>
    %squeeze3A_602 = vector.extract %slice3A_601[0] : f32 from vector<1xf32>
    %add3A_603 = arith.addf %add3A_600, %squeeze3A_602 : f32
    %slice3A_604 = vector.extract_strided_slice %scan3A_11#12 {offsets = [3], sizes = [1], strides = [1]} : vector<16xf32> to vector<1xf32>
    %squeeze3A_605 = vector.extract %slice3A_604[0] : f32 from vector<1xf32>
    %add3A_606 = arith.addf %add3A_603, %squeeze3A_605 : f32
    %slice3A_607 = vector.extract_strided_slice %scan3A_11#12 {offsets = [4], sizes = [1], strides = [1]} : vector<16xf32> to vector<1xf32>
    %squeeze3A_608 = vector.extract %slice3A_607[0] : f32 from vector<1xf32>
    %add3A_609 = arith.addf %add3A_606, %squeeze3A_608 : f32
    %slice3A_610 = vector.extract_strided_slice %scan3A_11#12 {offsets = [5], sizes = [1], strides = [1]} : vector<16xf32> to vector<1xf32>
    %squeeze3A_611 = vector.extract %slice3A_610[0] : f32 from vector<1xf32>
    %add3A_612 = arith.addf %add3A_609, %squeeze3A_611 : f32
    %slice3A_613 = vector.extract_strided_slice %scan3A_11#12 {offsets = [6], sizes = [1], strides = [1]} : vector<16xf32> to vector<1xf32>
    %squeeze3A_614 = vector.extract %slice3A_613[0] : f32 from vector<1xf32>
    %add3A_615 = arith.addf %add3A_612, %squeeze3A_614 : f32
    %slice3A_616 = vector.extract_strided_slice %scan3A_11#12 {offsets = [7], sizes = [1], strides = [1]} : vector<16xf32> to vector<1xf32>
    %squeeze3A_617 = vector.extract %slice3A_616[0] : f32 from vector<1xf32>
    %add3A_618 = arith.addf %add3A_615, %squeeze3A_617 : f32
    %slice3A_619 = vector.extract_strided_slice %scan3A_11#12 {offsets = [8], sizes = [1], strides = [1]} : vector<16xf32> to vector<1xf32>
    %squeeze3A_620 = vector.extract %slice3A_619[0] : f32 from vector<1xf32>
    %add3A_621 = arith.addf %add3A_618, %squeeze3A_620 : f32
    %slice3A_622 = vector.extract_strided_slice %scan3A_11#12 {offsets = [9], sizes = [1], strides = [1]} : vector<16xf32> to vector<1xf32>
    %squeeze3A_623 = vector.extract %slice3A_622[0] : f32 from vector<1xf32>
    %add3A_624 = arith.addf %add3A_621, %squeeze3A_623 : f32
    %slice3A_625 = vector.extract_strided_slice %scan3A_11#12 {offsets = [10], sizes = [1], strides = [1]} : vector<16xf32> to vector<1xf32>
    %squeeze3A_626 = vector.extract %slice3A_625[0] : f32 from vector<1xf32>
    %add3A_627 = arith.addf %add3A_624, %squeeze3A_626 : f32
    %slice3A_628 = vector.extract_strided_slice %scan3A_11#12 {offsets = [11], sizes = [1], strides = [1]} : vector<16xf32> to vector<1xf32>
    %squeeze3A_629 = vector.extract %slice3A_628[0] : f32 from vector<1xf32>
    %add3A_630 = arith.addf %add3A_627, %squeeze3A_629 : f32
    %slice3A_631 = vector.extract_strided_slice %scan3A_11#12 {offsets = [12], sizes = [1], strides = [1]} : vector<16xf32> to vector<1xf32>
    %squeeze3A_632 = vector.extract %slice3A_631[0] : f32 from vector<1xf32>
    %add3A_633 = arith.addf %add3A_630, %squeeze3A_632 : f32
    %slice3A_634 = vector.extract_strided_slice %scan3A_11#12 {offsets = [13], sizes = [1], strides = [1]} : vector<16xf32> to vector<1xf32>
    %squeeze3A_635 = vector.extract %slice3A_634[0] : f32 from vector<1xf32>
    %add3A_636 = arith.addf %add3A_633, %squeeze3A_635 : f32
    %slice3A_637 = vector.extract_strided_slice %scan3A_11#12 {offsets = [14], sizes = [1], strides = [1]} : vector<16xf32> to vector<1xf32>
    %squeeze3A_638 = vector.extract %slice3A_637[0] : f32 from vector<1xf32>
    %add3A_639 = arith.addf %add3A_636, %squeeze3A_638 : f32
    %slice3A_640 = vector.extract_strided_slice %scan3A_11#12 {offsets = [15], sizes = [1], strides = [1]} : vector<16xf32> to vector<1xf32>
    %squeeze3A_641 = vector.extract %slice3A_640[0] : f32 from vector<1xf32>
    %add3A_642 = arith.addf %add3A_639, %squeeze3A_641 : f32
    %mul3A_643 = arith.mulf %add3A_642, %add3A_642 : f32
    %add3A_644 = arith.addf %add3A_595, %mul3A_643 : f32
    %slice3A_645 = vector.extract_strided_slice %scan3A_11#13 {offsets = [0], sizes = [1], strides = [1]} : vector<16xf32> to vector<1xf32>
    %squeeze3A_646 = vector.extract %slice3A_645[0] : f32 from vector<1xf32>
    %slice3A_647 = vector.extract_strided_slice %scan3A_11#13 {offsets = [1], sizes = [1], strides = [1]} : vector<16xf32> to vector<1xf32>
    %squeeze3A_648 = vector.extract %slice3A_647[0] : f32 from vector<1xf32>
    %add3A_649 = arith.addf %squeeze3A_646, %squeeze3A_648 : f32
    %slice3A_650 = vector.extract_strided_slice %scan3A_11#13 {offsets = [2], sizes = [1], strides = [1]} : vector<16xf32> to vector<1xf32>
    %squeeze3A_651 = vector.extract %slice3A_650[0] : f32 from vector<1xf32>
    %add3A_652 = arith.addf %add3A_649, %squeeze3A_651 : f32
    %slice3A_653 = vector.extract_strided_slice %scan3A_11#13 {offsets = [3], sizes = [1], strides = [1]} : vector<16xf32> to vector<1xf32>
    %squeeze3A_654 = vector.extract %slice3A_653[0] : f32 from vector<1xf32>
    %add3A_655 = arith.addf %add3A_652, %squeeze3A_654 : f32
    %slice3A_656 = vector.extract_strided_slice %scan3A_11#13 {offsets = [4], sizes = [1], strides = [1]} : vector<16xf32> to vector<1xf32>
    %squeeze3A_657 = vector.extract %slice3A_656[0] : f32 from vector<1xf32>
    %add3A_658 = arith.addf %add3A_655, %squeeze3A_657 : f32
    %slice3A_659 = vector.extract_strided_slice %scan3A_11#13 {offsets = [5], sizes = [1], strides = [1]} : vector<16xf32> to vector<1xf32>
    %squeeze3A_660 = vector.extract %slice3A_659[0] : f32 from vector<1xf32>
    %add3A_661 = arith.addf %add3A_658, %squeeze3A_660 : f32
    %slice3A_662 = vector.extract_strided_slice %scan3A_11#13 {offsets = [6], sizes = [1], strides = [1]} : vector<16xf32> to vector<1xf32>
    %squeeze3A_663 = vector.extract %slice3A_662[0] : f32 from vector<1xf32>
    %add3A_664 = arith.addf %add3A_661, %squeeze3A_663 : f32
    %slice3A_665 = vector.extract_strided_slice %scan3A_11#13 {offsets = [7], sizes = [1], strides = [1]} : vector<16xf32> to vector<1xf32>
    %squeeze3A_666 = vector.extract %slice3A_665[0] : f32 from vector<1xf32>
    %add3A_667 = arith.addf %add3A_664, %squeeze3A_666 : f32
    %slice3A_668 = vector.extract_strided_slice %scan3A_11#13 {offsets = [8], sizes = [1], strides = [1]} : vector<16xf32> to vector<1xf32>
    %squeeze3A_669 = vector.extract %slice3A_668[0] : f32 from vector<1xf32>
    %add3A_670 = arith.addf %add3A_667, %squeeze3A_669 : f32
    %slice3A_671 = vector.extract_strided_slice %scan3A_11#13 {offsets = [9], sizes = [1], strides = [1]} : vector<16xf32> to vector<1xf32>
    %squeeze3A_672 = vector.extract %slice3A_671[0] : f32 from vector<1xf32>
    %add3A_673 = arith.addf %add3A_670, %squeeze3A_672 : f32
    %slice3A_674 = vector.extract_strided_slice %scan3A_11#13 {offsets = [10], sizes = [1], strides = [1]} : vector<16xf32> to vector<1xf32>
    %squeeze3A_675 = vector.extract %slice3A_674[0] : f32 from vector<1xf32>
    %add3A_676 = arith.addf %add3A_673, %squeeze3A_675 : f32
    %slice3A_677 = vector.extract_strided_slice %scan3A_11#13 {offsets = [11], sizes = [1], strides = [1]} : vector<16xf32> to vector<1xf32>
    %squeeze3A_678 = vector.extract %slice3A_677[0] : f32 from vector<1xf32>
    %add3A_679 = arith.addf %add3A_676, %squeeze3A_678 : f32
    %slice3A_680 = vector.extract_strided_slice %scan3A_11#13 {offsets = [12], sizes = [1], strides = [1]} : vector<16xf32> to vector<1xf32>
    %squeeze3A_681 = vector.extract %slice3A_680[0] : f32 from vector<1xf32>
    %add3A_682 = arith.addf %add3A_679, %squeeze3A_681 : f32
    %slice3A_683 = vector.extract_strided_slice %scan3A_11#13 {offsets = [13], sizes = [1], strides = [1]} : vector<16xf32> to vector<1xf32>
    %squeeze3A_684 = vector.extract %slice3A_683[0] : f32 from vector<1xf32>
    %add3A_685 = arith.addf %add3A_682, %squeeze3A_684 : f32
    %slice3A_686 = vector.extract_strided_slice %scan3A_11#13 {offsets = [14], sizes = [1], strides = [1]} : vector<16xf32> to vector<1xf32>
    %squeeze3A_687 = vector.extract %slice3A_686[0] : f32 from vector<1xf32>
    %add3A_688 = arith.addf %add3A_685, %squeeze3A_687 : f32
    %slice3A_689 = vector.extract_strided_slice %scan3A_11#13 {offsets = [15], sizes = [1], strides = [1]} : vector<16xf32> to vector<1xf32>
    %squeeze3A_690 = vector.extract %slice3A_689[0] : f32 from vector<1xf32>
    %add3A_691 = arith.addf %add3A_688, %squeeze3A_690 : f32
    %mul3A_692 = arith.mulf %add3A_691, %add3A_691 : f32
    %add3A_693 = arith.addf %add3A_644, %mul3A_692 : f32
    %slice3A_694 = vector.extract_strided_slice %scan3A_11#14 {offsets = [0], sizes = [1], strides = [1]} : vector<16xf32> to vector<1xf32>
    %squeeze3A_695 = vector.extract %slice3A_694[0] : f32 from vector<1xf32>
    %slice3A_696 = vector.extract_strided_slice %scan3A_11#14 {offsets = [1], sizes = [1], strides = [1]} : vector<16xf32> to vector<1xf32>
    %squeeze3A_697 = vector.extract %slice3A_696[0] : f32 from vector<1xf32>
    %add3A_698 = arith.addf %squeeze3A_695, %squeeze3A_697 : f32
    %slice3A_699 = vector.extract_strided_slice %scan3A_11#14 {offsets = [2], sizes = [1], strides = [1]} : vector<16xf32> to vector<1xf32>
    %squeeze3A_700 = vector.extract %slice3A_699[0] : f32 from vector<1xf32>
    %add3A_701 = arith.addf %add3A_698, %squeeze3A_700 : f32
    %slice3A_702 = vector.extract_strided_slice %scan3A_11#14 {offsets = [3], sizes = [1], strides = [1]} : vector<16xf32> to vector<1xf32>
    %squeeze3A_703 = vector.extract %slice3A_702[0] : f32 from vector<1xf32>
    %add3A_704 = arith.addf %add3A_701, %squeeze3A_703 : f32
    %slice3A_705 = vector.extract_strided_slice %scan3A_11#14 {offsets = [4], sizes = [1], strides = [1]} : vector<16xf32> to vector<1xf32>
    %squeeze3A_706 = vector.extract %slice3A_705[0] : f32 from vector<1xf32>
    %add3A_707 = arith.addf %add3A_704, %squeeze3A_706 : f32
    %slice3A_708 = vector.extract_strided_slice %scan3A_11#14 {offsets = [5], sizes = [1], strides = [1]} : vector<16xf32> to vector<1xf32>
    %squeeze3A_709 = vector.extract %slice3A_708[0] : f32 from vector<1xf32>
    %add3A_710 = arith.addf %add3A_707, %squeeze3A_709 : f32
    %slice3A_711 = vector.extract_strided_slice %scan3A_11#14 {offsets = [6], sizes = [1], strides = [1]} : vector<16xf32> to vector<1xf32>
    %squeeze3A_712 = vector.extract %slice3A_711[0] : f32 from vector<1xf32>
    %add3A_713 = arith.addf %add3A_710, %squeeze3A_712 : f32
    %slice3A_714 = vector.extract_strided_slice %scan3A_11#14 {offsets = [7], sizes = [1], strides = [1]} : vector<16xf32> to vector<1xf32>
    %squeeze3A_715 = vector.extract %slice3A_714[0] : f32 from vector<1xf32>
    %add3A_716 = arith.addf %add3A_713, %squeeze3A_715 : f32
    %slice3A_717 = vector.extract_strided_slice %scan3A_11#14 {offsets = [8], sizes = [1], strides = [1]} : vector<16xf32> to vector<1xf32>
    %squeeze3A_718 = vector.extract %slice3A_717[0] : f32 from vector<1xf32>
    %add3A_719 = arith.addf %add3A_716, %squeeze3A_718 : f32
    %slice3A_720 = vector.extract_strided_slice %scan3A_11#14 {offsets = [9], sizes = [1], strides = [1]} : vector<16xf32> to vector<1xf32>
    %squeeze3A_721 = vector.extract %slice3A_720[0] : f32 from vector<1xf32>
    %add3A_722 = arith.addf %add3A_719, %squeeze3A_721 : f32
    %slice3A_723 = vector.extract_strided_slice %scan3A_11#14 {offsets = [10], sizes = [1], strides = [1]} : vector<16xf32> to vector<1xf32>
    %squeeze3A_724 = vector.extract %slice3A_723[0] : f32 from vector<1xf32>
    %add3A_725 = arith.addf %add3A_722, %squeeze3A_724 : f32
    %slice3A_726 = vector.extract_strided_slice %scan3A_11#14 {offsets = [11], sizes = [1], strides = [1]} : vector<16xf32> to vector<1xf32>
    %squeeze3A_727 = vector.extract %slice3A_726[0] : f32 from vector<1xf32>
    %add3A_728 = arith.addf %add3A_725, %squeeze3A_727 : f32
    %slice3A_729 = vector.extract_strided_slice %scan3A_11#14 {offsets = [12], sizes = [1], strides = [1]} : vector<16xf32> to vector<1xf32>
    %squeeze3A_730 = vector.extract %slice3A_729[0] : f32 from vector<1xf32>
    %add3A_731 = arith.addf %add3A_728, %squeeze3A_730 : f32
    %slice3A_732 = vector.extract_strided_slice %scan3A_11#14 {offsets = [13], sizes = [1], strides = [1]} : vector<16xf32> to vector<1xf32>
    %squeeze3A_733 = vector.extract %slice3A_732[0] : f32 from vector<1xf32>
    %add3A_734 = arith.addf %add3A_731, %squeeze3A_733 : f32
    %slice3A_735 = vector.extract_strided_slice %scan3A_11#14 {offsets = [14], sizes = [1], strides = [1]} : vector<16xf32> to vector<1xf32>
    %squeeze3A_736 = vector.extract %slice3A_735[0] : f32 from vector<1xf32>
    %add3A_737 = arith.addf %add3A_734, %squeeze3A_736 : f32
    %slice3A_738 = vector.extract_strided_slice %scan3A_11#14 {offsets = [15], sizes = [1], strides = [1]} : vector<16xf32> to vector<1xf32>
    %squeeze3A_739 = vector.extract %slice3A_738[0] : f32 from vector<1xf32>
    %add3A_740 = arith.addf %add3A_737, %squeeze3A_739 : f32
    %mul3A_741 = arith.mulf %add3A_740, %add3A_740 : f32
    %add3A_742 = arith.addf %add3A_693, %mul3A_741 : f32
    %slice3A_743 = vector.extract_strided_slice %scan3A_11#15 {offsets = [0], sizes = [1], strides = [1]} : vector<16xf32> to vector<1xf32>
    %squeeze3A_744 = vector.extract %slice3A_743[0] : f32 from vector<1xf32>
    %slice3A_745 = vector.extract_strided_slice %scan3A_11#15 {offsets = [1], sizes = [1], strides = [1]} : vector<16xf32> to vector<1xf32>
    %squeeze3A_746 = vector.extract %slice3A_745[0] : f32 from vector<1xf32>
    %add3A_747 = arith.addf %squeeze3A_744, %squeeze3A_746 : f32
    %slice3A_748 = vector.extract_strided_slice %scan3A_11#15 {offsets = [2], sizes = [1], strides = [1]} : vector<16xf32> to vector<1xf32>
    %squeeze3A_749 = vector.extract %slice3A_748[0] : f32 from vector<1xf32>
    %add3A_750 = arith.addf %add3A_747, %squeeze3A_749 : f32
    %slice3A_751 = vector.extract_strided_slice %scan3A_11#15 {offsets = [3], sizes = [1], strides = [1]} : vector<16xf32> to vector<1xf32>
    %squeeze3A_752 = vector.extract %slice3A_751[0] : f32 from vector<1xf32>
    %add3A_753 = arith.addf %add3A_750, %squeeze3A_752 : f32
    %slice3A_754 = vector.extract_strided_slice %scan3A_11#15 {offsets = [4], sizes = [1], strides = [1]} : vector<16xf32> to vector<1xf32>
    %squeeze3A_755 = vector.extract %slice3A_754[0] : f32 from vector<1xf32>
    %add3A_756 = arith.addf %add3A_753, %squeeze3A_755 : f32
    %slice3A_757 = vector.extract_strided_slice %scan3A_11#15 {offsets = [5], sizes = [1], strides = [1]} : vector<16xf32> to vector<1xf32>
    %squeeze3A_758 = vector.extract %slice3A_757[0] : f32 from vector<1xf32>
    %add3A_759 = arith.addf %add3A_756, %squeeze3A_758 : f32
    %slice3A_760 = vector.extract_strided_slice %scan3A_11#15 {offsets = [6], sizes = [1], strides = [1]} : vector<16xf32> to vector<1xf32>
    %squeeze3A_761 = vector.extract %slice3A_760[0] : f32 from vector<1xf32>
    %add3A_762 = arith.addf %add3A_759, %squeeze3A_761 : f32
    %slice3A_763 = vector.extract_strided_slice %scan3A_11#15 {offsets = [7], sizes = [1], strides = [1]} : vector<16xf32> to vector<1xf32>
    %squeeze3A_764 = vector.extract %slice3A_763[0] : f32 from vector<1xf32>
    %add3A_765 = arith.addf %add3A_762, %squeeze3A_764 : f32
    %slice3A_766 = vector.extract_strided_slice %scan3A_11#15 {offsets = [8], sizes = [1], strides = [1]} : vector<16xf32> to vector<1xf32>
    %squeeze3A_767 = vector.extract %slice3A_766[0] : f32 from vector<1xf32>
    %add3A_768 = arith.addf %add3A_765, %squeeze3A_767 : f32
    %slice3A_769 = vector.extract_strided_slice %scan3A_11#15 {offsets = [9], sizes = [1], strides = [1]} : vector<16xf32> to vector<1xf32>
    %squeeze3A_770 = vector.extract %slice3A_769[0] : f32 from vector<1xf32>
    %add3A_771 = arith.addf %add3A_768, %squeeze3A_770 : f32
    %slice3A_772 = vector.extract_strided_slice %scan3A_11#15 {offsets = [10], sizes = [1], strides = [1]} : vector<16xf32> to vector<1xf32>
    %squeeze3A_773 = vector.extract %slice3A_772[0] : f32 from vector<1xf32>
    %add3A_774 = arith.addf %add3A_771, %squeeze3A_773 : f32
    %slice3A_775 = vector.extract_strided_slice %scan3A_11#15 {offsets = [11], sizes = [1], strides = [1]} : vector<16xf32> to vector<1xf32>
    %squeeze3A_776 = vector.extract %slice3A_775[0] : f32 from vector<1xf32>
    %add3A_777 = arith.addf %add3A_774, %squeeze3A_776 : f32
    %slice3A_778 = vector.extract_strided_slice %scan3A_11#15 {offsets = [12], sizes = [1], strides = [1]} : vector<16xf32> to vector<1xf32>
    %squeeze3A_779 = vector.extract %slice3A_778[0] : f32 from vector<1xf32>
    %add3A_780 = arith.addf %add3A_777, %squeeze3A_779 : f32
    %slice3A_781 = vector.extract_strided_slice %scan3A_11#15 {offsets = [13], sizes = [1], strides = [1]} : vector<16xf32> to vector<1xf32>
    %squeeze3A_782 = vector.extract %slice3A_781[0] : f32 from vector<1xf32>
    %add3A_783 = arith.addf %add3A_780, %squeeze3A_782 : f32
    %slice3A_784 = vector.extract_strided_slice %scan3A_11#15 {offsets = [14], sizes = [1], strides = [1]} : vector<16xf32> to vector<1xf32>
    %squeeze3A_785 = vector.extract %slice3A_784[0] : f32 from vector<1xf32>
    %add3A_786 = arith.addf %add3A_783, %squeeze3A_785 : f32
    %slice3A_787 = vector.extract_strided_slice %scan3A_11#15 {offsets = [15], sizes = [1], strides = [1]} : vector<16xf32> to vector<1xf32>
    %squeeze3A_788 = vector.extract %slice3A_787[0] : f32 from vector<1xf32>
    %add3A_789 = arith.addf %add3A_786, %squeeze3A_788 : f32
    %mul3A_790 = arith.mulf %add3A_789, %add3A_789 : f32
    %add3A_791 = arith.addf %add3A_742, %mul3A_790 : f32
    %slice3A_792 = vector.extract_strided_slice %scan3A_11#16 {offsets = [0], sizes = [1], strides = [1]} : vector<16xf32> to vector<1xf32>
    %squeeze3A_793 = vector.extract %slice3A_792[0] : f32 from vector<1xf32>
    %slice3A_794 = vector.extract_strided_slice %scan3A_11#16 {offsets = [1], sizes = [1], strides = [1]} : vector<16xf32> to vector<1xf32>
    %squeeze3A_795 = vector.extract %slice3A_794[0] : f32 from vector<1xf32>
    %add3A_796 = arith.addf %squeeze3A_793, %squeeze3A_795 : f32
    %slice3A_797 = vector.extract_strided_slice %scan3A_11#16 {offsets = [2], sizes = [1], strides = [1]} : vector<16xf32> to vector<1xf32>
    %squeeze3A_798 = vector.extract %slice3A_797[0] : f32 from vector<1xf32>
    %add3A_799 = arith.addf %add3A_796, %squeeze3A_798 : f32
    %slice3A_800 = vector.extract_strided_slice %scan3A_11#16 {offsets = [3], sizes = [1], strides = [1]} : vector<16xf32> to vector<1xf32>
    %squeeze3A_801 = vector.extract %slice3A_800[0] : f32 from vector<1xf32>
    %add3A_802 = arith.addf %add3A_799, %squeeze3A_801 : f32
    %slice3A_803 = vector.extract_strided_slice %scan3A_11#16 {offsets = [4], sizes = [1], strides = [1]} : vector<16xf32> to vector<1xf32>
    %squeeze3A_804 = vector.extract %slice3A_803[0] : f32 from vector<1xf32>
    %add3A_805 = arith.addf %add3A_802, %squeeze3A_804 : f32
    %slice3A_806 = vector.extract_strided_slice %scan3A_11#16 {offsets = [5], sizes = [1], strides = [1]} : vector<16xf32> to vector<1xf32>
    %squeeze3A_807 = vector.extract %slice3A_806[0] : f32 from vector<1xf32>
    %add3A_808 = arith.addf %add3A_805, %squeeze3A_807 : f32
    %slice3A_809 = vector.extract_strided_slice %scan3A_11#16 {offsets = [6], sizes = [1], strides = [1]} : vector<16xf32> to vector<1xf32>
    %squeeze3A_810 = vector.extract %slice3A_809[0] : f32 from vector<1xf32>
    %add3A_811 = arith.addf %add3A_808, %squeeze3A_810 : f32
    %slice3A_812 = vector.extract_strided_slice %scan3A_11#16 {offsets = [7], sizes = [1], strides = [1]} : vector<16xf32> to vector<1xf32>
    %squeeze3A_813 = vector.extract %slice3A_812[0] : f32 from vector<1xf32>
    %add3A_814 = arith.addf %add3A_811, %squeeze3A_813 : f32
    %slice3A_815 = vector.extract_strided_slice %scan3A_11#16 {offsets = [8], sizes = [1], strides = [1]} : vector<16xf32> to vector<1xf32>
    %squeeze3A_816 = vector.extract %slice3A_815[0] : f32 from vector<1xf32>
    %add3A_817 = arith.addf %add3A_814, %squeeze3A_816 : f32
    %slice3A_818 = vector.extract_strided_slice %scan3A_11#16 {offsets = [9], sizes = [1], strides = [1]} : vector<16xf32> to vector<1xf32>
    %squeeze3A_819 = vector.extract %slice3A_818[0] : f32 from vector<1xf32>
    %add3A_820 = arith.addf %add3A_817, %squeeze3A_819 : f32
    %slice3A_821 = vector.extract_strided_slice %scan3A_11#16 {offsets = [10], sizes = [1], strides = [1]} : vector<16xf32> to vector<1xf32>
    %squeeze3A_822 = vector.extract %slice3A_821[0] : f32 from vector<1xf32>
    %add3A_823 = arith.addf %add3A_820, %squeeze3A_822 : f32
    %slice3A_824 = vector.extract_strided_slice %scan3A_11#16 {offsets = [11], sizes = [1], strides = [1]} : vector<16xf32> to vector<1xf32>
    %squeeze3A_825 = vector.extract %slice3A_824[0] : f32 from vector<1xf32>
    %add3A_826 = arith.addf %add3A_823, %squeeze3A_825 : f32
    %slice3A_827 = vector.extract_strided_slice %scan3A_11#16 {offsets = [12], sizes = [1], strides = [1]} : vector<16xf32> to vector<1xf32>
    %squeeze3A_828 = vector.extract %slice3A_827[0] : f32 from vector<1xf32>
    %add3A_829 = arith.addf %add3A_826, %squeeze3A_828 : f32
    %slice3A_830 = vector.extract_strided_slice %scan3A_11#16 {offsets = [13], sizes = [1], strides = [1]} : vector<16xf32> to vector<1xf32>
    %squeeze3A_831 = vector.extract %slice3A_830[0] : f32 from vector<1xf32>
    %add3A_832 = arith.addf %add3A_829, %squeeze3A_831 : f32
    %slice3A_833 = vector.extract_strided_slice %scan3A_11#16 {offsets = [14], sizes = [1], strides = [1]} : vector<16xf32> to vector<1xf32>
    %squeeze3A_834 = vector.extract %slice3A_833[0] : f32 from vector<1xf32>
    %add3A_835 = arith.addf %add3A_832, %squeeze3A_834 : f32
    %slice3A_836 = vector.extract_strided_slice %scan3A_11#16 {offsets = [15], sizes = [1], strides = [1]} : vector<16xf32> to vector<1xf32>
    %squeeze3A_837 = vector.extract %slice3A_836[0] : f32 from vector<1xf32>
    %add3A_838 = arith.addf %add3A_835, %squeeze3A_837 : f32
    %mul3A_839 = arith.mulf %add3A_838, %add3A_838 : f32
    %add3A_840 = arith.addf %add3A_791, %mul3A_839 : f32
    %slice3A_841 = vector.extract_strided_slice %scan3A_11#17 {offsets = [0], sizes = [1], strides = [1]} : vector<16xf32> to vector<1xf32>
    %squeeze3A_842 = vector.extract %slice3A_841[0] : f32 from vector<1xf32>
    %slice3A_843 = vector.extract_strided_slice %scan3A_11#17 {offsets = [1], sizes = [1], strides = [1]} : vector<16xf32> to vector<1xf32>
    %squeeze3A_844 = vector.extract %slice3A_843[0] : f32 from vector<1xf32>
    %add3A_845 = arith.addf %squeeze3A_842, %squeeze3A_844 : f32
    %slice3A_846 = vector.extract_strided_slice %scan3A_11#17 {offsets = [2], sizes = [1], strides = [1]} : vector<16xf32> to vector<1xf32>
    %squeeze3A_847 = vector.extract %slice3A_846[0] : f32 from vector<1xf32>
    %add3A_848 = arith.addf %add3A_845, %squeeze3A_847 : f32
    %slice3A_849 = vector.extract_strided_slice %scan3A_11#17 {offsets = [3], sizes = [1], strides = [1]} : vector<16xf32> to vector<1xf32>
    %squeeze3A_850 = vector.extract %slice3A_849[0] : f32 from vector<1xf32>
    %add3A_851 = arith.addf %add3A_848, %squeeze3A_850 : f32
    %slice3A_852 = vector.extract_strided_slice %scan3A_11#17 {offsets = [4], sizes = [1], strides = [1]} : vector<16xf32> to vector<1xf32>
    %squeeze3A_853 = vector.extract %slice3A_852[0] : f32 from vector<1xf32>
    %add3A_854 = arith.addf %add3A_851, %squeeze3A_853 : f32
    %slice3A_855 = vector.extract_strided_slice %scan3A_11#17 {offsets = [5], sizes = [1], strides = [1]} : vector<16xf32> to vector<1xf32>
    %squeeze3A_856 = vector.extract %slice3A_855[0] : f32 from vector<1xf32>
    %add3A_857 = arith.addf %add3A_854, %squeeze3A_856 : f32
    %slice3A_858 = vector.extract_strided_slice %scan3A_11#17 {offsets = [6], sizes = [1], strides = [1]} : vector<16xf32> to vector<1xf32>
    %squeeze3A_859 = vector.extract %slice3A_858[0] : f32 from vector<1xf32>
    %add3A_860 = arith.addf %add3A_857, %squeeze3A_859 : f32
    %slice3A_861 = vector.extract_strided_slice %scan3A_11#17 {offsets = [7], sizes = [1], strides = [1]} : vector<16xf32> to vector<1xf32>
    %squeeze3A_862 = vector.extract %slice3A_861[0] : f32 from vector<1xf32>
    %add3A_863 = arith.addf %add3A_860, %squeeze3A_862 : f32
    %slice3A_864 = vector.extract_strided_slice %scan3A_11#17 {offsets = [8], sizes = [1], strides = [1]} : vector<16xf32> to vector<1xf32>
    %squeeze3A_865 = vector.extract %slice3A_864[0] : f32 from vector<1xf32>
    %add3A_866 = arith.addf %add3A_863, %squeeze3A_865 : f32
    %slice3A_867 = vector.extract_strided_slice %scan3A_11#17 {offsets = [9], sizes = [1], strides = [1]} : vector<16xf32> to vector<1xf32>
    %squeeze3A_868 = vector.extract %slice3A_867[0] : f32 from vector<1xf32>
    %add3A_869 = arith.addf %add3A_866, %squeeze3A_868 : f32
    %slice3A_870 = vector.extract_strided_slice %scan3A_11#17 {offsets = [10], sizes = [1], strides = [1]} : vector<16xf32> to vector<1xf32>
    %squeeze3A_871 = vector.extract %slice3A_870[0] : f32 from vector<1xf32>
    %add3A_872 = arith.addf %add3A_869, %squeeze3A_871 : f32
    %slice3A_873 = vector.extract_strided_slice %scan3A_11#17 {offsets = [11], sizes = [1], strides = [1]} : vector<16xf32> to vector<1xf32>
    %squeeze3A_874 = vector.extract %slice3A_873[0] : f32 from vector<1xf32>
    %add3A_875 = arith.addf %add3A_872, %squeeze3A_874 : f32
    %slice3A_876 = vector.extract_strided_slice %scan3A_11#17 {offsets = [12], sizes = [1], strides = [1]} : vector<16xf32> to vector<1xf32>
    %squeeze3A_877 = vector.extract %slice3A_876[0] : f32 from vector<1xf32>
    %add3A_878 = arith.addf %add3A_875, %squeeze3A_877 : f32
    %slice3A_879 = vector.extract_strided_slice %scan3A_11#17 {offsets = [13], sizes = [1], strides = [1]} : vector<16xf32> to vector<1xf32>
    %squeeze3A_880 = vector.extract %slice3A_879[0] : f32 from vector<1xf32>
    %add3A_881 = arith.addf %add3A_878, %squeeze3A_880 : f32
    %slice3A_882 = vector.extract_strided_slice %scan3A_11#17 {offsets = [14], sizes = [1], strides = [1]} : vector<16xf32> to vector<1xf32>
    %squeeze3A_883 = vector.extract %slice3A_882[0] : f32 from vector<1xf32>
    %add3A_884 = arith.addf %add3A_881, %squeeze3A_883 : f32
    %slice3A_885 = vector.extract_strided_slice %scan3A_11#17 {offsets = [15], sizes = [1], strides = [1]} : vector<16xf32> to vector<1xf32>
    %squeeze3A_886 = vector.extract %slice3A_885[0] : f32 from vector<1xf32>
    %add3A_887 = arith.addf %add3A_884, %squeeze3A_886 : f32
    %mul3A_888 = arith.mulf %add3A_887, %add3A_887 : f32
    %add3A_889 = arith.addf %add3A_840, %mul3A_888 : f32
    %slice3A_890 = vector.extract_strided_slice %scan3A_11#18 {offsets = [0], sizes = [1], strides = [1]} : vector<16xf32> to vector<1xf32>
    %squeeze3A_891 = vector.extract %slice3A_890[0] : f32 from vector<1xf32>
    %slice3A_892 = vector.extract_strided_slice %scan3A_11#18 {offsets = [1], sizes = [1], strides = [1]} : vector<16xf32> to vector<1xf32>
    %squeeze3A_893 = vector.extract %slice3A_892[0] : f32 from vector<1xf32>
    %add3A_894 = arith.addf %squeeze3A_891, %squeeze3A_893 : f32
    %slice3A_895 = vector.extract_strided_slice %scan3A_11#18 {offsets = [2], sizes = [1], strides = [1]} : vector<16xf32> to vector<1xf32>
    %squeeze3A_896 = vector.extract %slice3A_895[0] : f32 from vector<1xf32>
    %add3A_897 = arith.addf %add3A_894, %squeeze3A_896 : f32
    %slice3A_898 = vector.extract_strided_slice %scan3A_11#18 {offsets = [3], sizes = [1], strides = [1]} : vector<16xf32> to vector<1xf32>
    %squeeze3A_899 = vector.extract %slice3A_898[0] : f32 from vector<1xf32>
    %add3A_900 = arith.addf %add3A_897, %squeeze3A_899 : f32
    %slice3A_901 = vector.extract_strided_slice %scan3A_11#18 {offsets = [4], sizes = [1], strides = [1]} : vector<16xf32> to vector<1xf32>
    %squeeze3A_902 = vector.extract %slice3A_901[0] : f32 from vector<1xf32>
    %add3A_903 = arith.addf %add3A_900, %squeeze3A_902 : f32
    %slice3A_904 = vector.extract_strided_slice %scan3A_11#18 {offsets = [5], sizes = [1], strides = [1]} : vector<16xf32> to vector<1xf32>
    %squeeze3A_905 = vector.extract %slice3A_904[0] : f32 from vector<1xf32>
    %add3A_906 = arith.addf %add3A_903, %squeeze3A_905 : f32
    %slice3A_907 = vector.extract_strided_slice %scan3A_11#18 {offsets = [6], sizes = [1], strides = [1]} : vector<16xf32> to vector<1xf32>
    %squeeze3A_908 = vector.extract %slice3A_907[0] : f32 from vector<1xf32>
    %add3A_909 = arith.addf %add3A_906, %squeeze3A_908 : f32
    %slice3A_910 = vector.extract_strided_slice %scan3A_11#18 {offsets = [7], sizes = [1], strides = [1]} : vector<16xf32> to vector<1xf32>
    %squeeze3A_911 = vector.extract %slice3A_910[0] : f32 from vector<1xf32>
    %add3A_912 = arith.addf %add3A_909, %squeeze3A_911 : f32
    %slice3A_913 = vector.extract_strided_slice %scan3A_11#18 {offsets = [8], sizes = [1], strides = [1]} : vector<16xf32> to vector<1xf32>
    %squeeze3A_914 = vector.extract %slice3A_913[0] : f32 from vector<1xf32>
    %add3A_915 = arith.addf %add3A_912, %squeeze3A_914 : f32
    %slice3A_916 = vector.extract_strided_slice %scan3A_11#18 {offsets = [9], sizes = [1], strides = [1]} : vector<16xf32> to vector<1xf32>
    %squeeze3A_917 = vector.extract %slice3A_916[0] : f32 from vector<1xf32>
    %add3A_918 = arith.addf %add3A_915, %squeeze3A_917 : f32
    %slice3A_919 = vector.extract_strided_slice %scan3A_11#18 {offsets = [10], sizes = [1], strides = [1]} : vector<16xf32> to vector<1xf32>
    %squeeze3A_920 = vector.extract %slice3A_919[0] : f32 from vector<1xf32>
    %add3A_921 = arith.addf %add3A_918, %squeeze3A_920 : f32
    %slice3A_922 = vector.extract_strided_slice %scan3A_11#18 {offsets = [11], sizes = [1], strides = [1]} : vector<16xf32> to vector<1xf32>
    %squeeze3A_923 = vector.extract %slice3A_922[0] : f32 from vector<1xf32>
    %add3A_924 = arith.addf %add3A_921, %squeeze3A_923 : f32
    %slice3A_925 = vector.extract_strided_slice %scan3A_11#18 {offsets = [12], sizes = [1], strides = [1]} : vector<16xf32> to vector<1xf32>
    %squeeze3A_926 = vector.extract %slice3A_925[0] : f32 from vector<1xf32>
    %add3A_927 = arith.addf %add3A_924, %squeeze3A_926 : f32
    %slice3A_928 = vector.extract_strided_slice %scan3A_11#18 {offsets = [13], sizes = [1], strides = [1]} : vector<16xf32> to vector<1xf32>
    %squeeze3A_929 = vector.extract %slice3A_928[0] : f32 from vector<1xf32>
    %add3A_930 = arith.addf %add3A_927, %squeeze3A_929 : f32
    %slice3A_931 = vector.extract_strided_slice %scan3A_11#18 {offsets = [14], sizes = [1], strides = [1]} : vector<16xf32> to vector<1xf32>
    %squeeze3A_932 = vector.extract %slice3A_931[0] : f32 from vector<1xf32>
    %add3A_933 = arith.addf %add3A_930, %squeeze3A_932 : f32
    %slice3A_934 = vector.extract_strided_slice %scan3A_11#18 {offsets = [15], sizes = [1], strides = [1]} : vector<16xf32> to vector<1xf32>
    %squeeze3A_935 = vector.extract %slice3A_934[0] : f32 from vector<1xf32>
    %add3A_936 = arith.addf %add3A_933, %squeeze3A_935 : f32
    %mul3A_937 = arith.mulf %add3A_936, %add3A_936 : f32
    %add3A_938 = arith.addf %add3A_889, %mul3A_937 : f32
    %slice3A_939 = vector.extract_strided_slice %scan3A_11#19 {offsets = [0], sizes = [1], strides = [1]} : vector<16xf32> to vector<1xf32>
    %squeeze3A_940 = vector.extract %slice3A_939[0] : f32 from vector<1xf32>
    %slice3A_941 = vector.extract_strided_slice %scan3A_11#19 {offsets = [1], sizes = [1], strides = [1]} : vector<16xf32> to vector<1xf32>
    %squeeze3A_942 = vector.extract %slice3A_941[0] : f32 from vector<1xf32>
    %add3A_943 = arith.addf %squeeze3A_940, %squeeze3A_942 : f32
    %slice3A_944 = vector.extract_strided_slice %scan3A_11#19 {offsets = [2], sizes = [1], strides = [1]} : vector<16xf32> to vector<1xf32>
    %squeeze3A_945 = vector.extract %slice3A_944[0] : f32 from vector<1xf32>
    %add3A_946 = arith.addf %add3A_943, %squeeze3A_945 : f32
    %slice3A_947 = vector.extract_strided_slice %scan3A_11#19 {offsets = [3], sizes = [1], strides = [1]} : vector<16xf32> to vector<1xf32>
    %squeeze3A_948 = vector.extract %slice3A_947[0] : f32 from vector<1xf32>
    %add3A_949 = arith.addf %add3A_946, %squeeze3A_948 : f32
    %slice3A_950 = vector.extract_strided_slice %scan3A_11#19 {offsets = [4], sizes = [1], strides = [1]} : vector<16xf32> to vector<1xf32>
    %squeeze3A_951 = vector.extract %slice3A_950[0] : f32 from vector<1xf32>
    %add3A_952 = arith.addf %add3A_949, %squeeze3A_951 : f32
    %slice3A_953 = vector.extract_strided_slice %scan3A_11#19 {offsets = [5], sizes = [1], strides = [1]} : vector<16xf32> to vector<1xf32>
    %squeeze3A_954 = vector.extract %slice3A_953[0] : f32 from vector<1xf32>
    %add3A_955 = arith.addf %add3A_952, %squeeze3A_954 : f32
    %slice3A_956 = vector.extract_strided_slice %scan3A_11#19 {offsets = [6], sizes = [1], strides = [1]} : vector<16xf32> to vector<1xf32>
    %squeeze3A_957 = vector.extract %slice3A_956[0] : f32 from vector<1xf32>
    %add3A_958 = arith.addf %add3A_955, %squeeze3A_957 : f32
    %slice3A_959 = vector.extract_strided_slice %scan3A_11#19 {offsets = [7], sizes = [1], strides = [1]} : vector<16xf32> to vector<1xf32>
    %squeeze3A_960 = vector.extract %slice3A_959[0] : f32 from vector<1xf32>
    %add3A_961 = arith.addf %add3A_958, %squeeze3A_960 : f32
    %slice3A_962 = vector.extract_strided_slice %scan3A_11#19 {offsets = [8], sizes = [1], strides = [1]} : vector<16xf32> to vector<1xf32>
    %squeeze3A_963 = vector.extract %slice3A_962[0] : f32 from vector<1xf32>
    %add3A_964 = arith.addf %add3A_961, %squeeze3A_963 : f32
    %slice3A_965 = vector.extract_strided_slice %scan3A_11#19 {offsets = [9], sizes = [1], strides = [1]} : vector<16xf32> to vector<1xf32>
    %squeeze3A_966 = vector.extract %slice3A_965[0] : f32 from vector<1xf32>
    %add3A_967 = arith.addf %add3A_964, %squeeze3A_966 : f32
    %slice3A_968 = vector.extract_strided_slice %scan3A_11#19 {offsets = [10], sizes = [1], strides = [1]} : vector<16xf32> to vector<1xf32>
    %squeeze3A_969 = vector.extract %slice3A_968[0] : f32 from vector<1xf32>
    %add3A_970 = arith.addf %add3A_967, %squeeze3A_969 : f32
    %slice3A_971 = vector.extract_strided_slice %scan3A_11#19 {offsets = [11], sizes = [1], strides = [1]} : vector<16xf32> to vector<1xf32>
    %squeeze3A_972 = vector.extract %slice3A_971[0] : f32 from vector<1xf32>
    %add3A_973 = arith.addf %add3A_970, %squeeze3A_972 : f32
    %slice3A_974 = vector.extract_strided_slice %scan3A_11#19 {offsets = [12], sizes = [1], strides = [1]} : vector<16xf32> to vector<1xf32>
    %squeeze3A_975 = vector.extract %slice3A_974[0] : f32 from vector<1xf32>
    %add3A_976 = arith.addf %add3A_973, %squeeze3A_975 : f32
    %slice3A_977 = vector.extract_strided_slice %scan3A_11#19 {offsets = [13], sizes = [1], strides = [1]} : vector<16xf32> to vector<1xf32>
    %squeeze3A_978 = vector.extract %slice3A_977[0] : f32 from vector<1xf32>
    %add3A_979 = arith.addf %add3A_976, %squeeze3A_978 : f32
    %slice3A_980 = vector.extract_strided_slice %scan3A_11#19 {offsets = [14], sizes = [1], strides = [1]} : vector<16xf32> to vector<1xf32>
    %squeeze3A_981 = vector.extract %slice3A_980[0] : f32 from vector<1xf32>
    %add3A_982 = arith.addf %add3A_979, %squeeze3A_981 : f32
    %slice3A_983 = vector.extract_strided_slice %scan3A_11#19 {offsets = [15], sizes = [1], strides = [1]} : vector<16xf32> to vector<1xf32>
    %squeeze3A_984 = vector.extract %slice3A_983[0] : f32 from vector<1xf32>
    %add3A_985 = arith.addf %add3A_982, %squeeze3A_984 : f32
    %mul3A_986 = arith.mulf %add3A_985, %add3A_985 : f32
    %add3A_987 = arith.addf %add3A_938, %mul3A_986 : f32
    %slice3A_988 = vector.extract_strided_slice %scan3A_11#20 {offsets = [0], sizes = [1], strides = [1]} : vector<16xf32> to vector<1xf32>
    %squeeze3A_989 = vector.extract %slice3A_988[0] : f32 from vector<1xf32>
    %slice3A_990 = vector.extract_strided_slice %scan3A_11#20 {offsets = [1], sizes = [1], strides = [1]} : vector<16xf32> to vector<1xf32>
    %squeeze3A_991 = vector.extract %slice3A_990[0] : f32 from vector<1xf32>
    %add3A_992 = arith.addf %squeeze3A_989, %squeeze3A_991 : f32
    %slice3A_993 = vector.extract_strided_slice %scan3A_11#20 {offsets = [2], sizes = [1], strides = [1]} : vector<16xf32> to vector<1xf32>
    %squeeze3A_994 = vector.extract %slice3A_993[0] : f32 from vector<1xf32>
    %add3A_995 = arith.addf %add3A_992, %squeeze3A_994 : f32
    %slice3A_996 = vector.extract_strided_slice %scan3A_11#20 {offsets = [3], sizes = [1], strides = [1]} : vector<16xf32> to vector<1xf32>
    %squeeze3A_997 = vector.extract %slice3A_996[0] : f32 from vector<1xf32>
    %add3A_998 = arith.addf %add3A_995, %squeeze3A_997 : f32
    %slice3A_999 = vector.extract_strided_slice %scan3A_11#20 {offsets = [4], sizes = [1], strides = [1]} : vector<16xf32> to vector<1xf32>
    %squeeze3A_1000 = vector.extract %slice3A_999[0] : f32 from vector<1xf32>
    %add3A_1001 = arith.addf %add3A_998, %squeeze3A_1000 : f32
    %slice3A_1002 = vector.extract_strided_slice %scan3A_11#20 {offsets = [5], sizes = [1], strides = [1]} : vector<16xf32> to vector<1xf32>
    %squeeze3A_1003 = vector.extract %slice3A_1002[0] : f32 from vector<1xf32>
    %add3A_1004 = arith.addf %add3A_1001, %squeeze3A_1003 : f32
    %slice3A_1005 = vector.extract_strided_slice %scan3A_11#20 {offsets = [6], sizes = [1], strides = [1]} : vector<16xf32> to vector<1xf32>
    %squeeze3A_1006 = vector.extract %slice3A_1005[0] : f32 from vector<1xf32>
    %add3A_1007 = arith.addf %add3A_1004, %squeeze3A_1006 : f32
    %slice3A_1008 = vector.extract_strided_slice %scan3A_11#20 {offsets = [7], sizes = [1], strides = [1]} : vector<16xf32> to vector<1xf32>
    %squeeze3A_1009 = vector.extract %slice3A_1008[0] : f32 from vector<1xf32>
    %add3A_1010 = arith.addf %add3A_1007, %squeeze3A_1009 : f32
    %slice3A_1011 = vector.extract_strided_slice %scan3A_11#20 {offsets = [8], sizes = [1], strides = [1]} : vector<16xf32> to vector<1xf32>
    %squeeze3A_1012 = vector.extract %slice3A_1011[0] : f32 from vector<1xf32>
    %add3A_1013 = arith.addf %add3A_1010, %squeeze3A_1012 : f32
    %slice3A_1014 = vector.extract_strided_slice %scan3A_11#20 {offsets = [9], sizes = [1], strides = [1]} : vector<16xf32> to vector<1xf32>
    %squeeze3A_1015 = vector.extract %slice3A_1014[0] : f32 from vector<1xf32>
    %add3A_1016 = arith.addf %add3A_1013, %squeeze3A_1015 : f32
    %slice3A_1017 = vector.extract_strided_slice %scan3A_11#20 {offsets = [10], sizes = [1], strides = [1]} : vector<16xf32> to vector<1xf32>
    %squeeze3A_1018 = vector.extract %slice3A_1017[0] : f32 from vector<1xf32>
    %add3A_1019 = arith.addf %add3A_1016, %squeeze3A_1018 : f32
    %slice3A_1020 = vector.extract_strided_slice %scan3A_11#20 {offsets = [11], sizes = [1], strides = [1]} : vector<16xf32> to vector<1xf32>
    %squeeze3A_1021 = vector.extract %slice3A_1020[0] : f32 from vector<1xf32>
    %add3A_1022 = arith.addf %add3A_1019, %squeeze3A_1021 : f32
    %slice3A_1023 = vector.extract_strided_slice %scan3A_11#20 {offsets = [12], sizes = [1], strides = [1]} : vector<16xf32> to vector<1xf32>
    %squeeze3A_1024 = vector.extract %slice3A_1023[0] : f32 from vector<1xf32>
    %add3A_1025 = arith.addf %add3A_1022, %squeeze3A_1024 : f32
    %slice3A_1026 = vector.extract_strided_slice %scan3A_11#20 {offsets = [13], sizes = [1], strides = [1]} : vector<16xf32> to vector<1xf32>
    %squeeze3A_1027 = vector.extract %slice3A_1026[0] : f32 from vector<1xf32>
    %add3A_1028 = arith.addf %add3A_1025, %squeeze3A_1027 : f32
    %slice3A_1029 = vector.extract_strided_slice %scan3A_11#20 {offsets = [14], sizes = [1], strides = [1]} : vector<16xf32> to vector<1xf32>
    %squeeze3A_1030 = vector.extract %slice3A_1029[0] : f32 from vector<1xf32>
    %add3A_1031 = arith.addf %add3A_1028, %squeeze3A_1030 : f32
    %slice3A_1032 = vector.extract_strided_slice %scan3A_11#20 {offsets = [15], sizes = [1], strides = [1]} : vector<16xf32> to vector<1xf32>
    %squeeze3A_1033 = vector.extract %slice3A_1032[0] : f32 from vector<1xf32>
    %add3A_1034 = arith.addf %add3A_1031, %squeeze3A_1033 : f32
    %mul3A_1035 = arith.mulf %add3A_1034, %add3A_1034 : f32
    %add3A_1036 = arith.addf %add3A_987, %mul3A_1035 : f32
    %slice3A_1037 = vector.extract_strided_slice %scan3A_11#21 {offsets = [0], sizes = [1], strides = [1]} : vector<16xf32> to vector<1xf32>
    %squeeze3A_1038 = vector.extract %slice3A_1037[0] : f32 from vector<1xf32>
    %slice3A_1039 = vector.extract_strided_slice %scan3A_11#21 {offsets = [1], sizes = [1], strides = [1]} : vector<16xf32> to vector<1xf32>
    %squeeze3A_1040 = vector.extract %slice3A_1039[0] : f32 from vector<1xf32>
    %add3A_1041 = arith.addf %squeeze3A_1038, %squeeze3A_1040 : f32
    %slice3A_1042 = vector.extract_strided_slice %scan3A_11#21 {offsets = [2], sizes = [1], strides = [1]} : vector<16xf32> to vector<1xf32>
    %squeeze3A_1043 = vector.extract %slice3A_1042[0] : f32 from vector<1xf32>
    %add3A_1044 = arith.addf %add3A_1041, %squeeze3A_1043 : f32
    %slice3A_1045 = vector.extract_strided_slice %scan3A_11#21 {offsets = [3], sizes = [1], strides = [1]} : vector<16xf32> to vector<1xf32>
    %squeeze3A_1046 = vector.extract %slice3A_1045[0] : f32 from vector<1xf32>
    %add3A_1047 = arith.addf %add3A_1044, %squeeze3A_1046 : f32
    %slice3A_1048 = vector.extract_strided_slice %scan3A_11#21 {offsets = [4], sizes = [1], strides = [1]} : vector<16xf32> to vector<1xf32>
    %squeeze3A_1049 = vector.extract %slice3A_1048[0] : f32 from vector<1xf32>
    %add3A_1050 = arith.addf %add3A_1047, %squeeze3A_1049 : f32
    %slice3A_1051 = vector.extract_strided_slice %scan3A_11#21 {offsets = [5], sizes = [1], strides = [1]} : vector<16xf32> to vector<1xf32>
    %squeeze3A_1052 = vector.extract %slice3A_1051[0] : f32 from vector<1xf32>
    %add3A_1053 = arith.addf %add3A_1050, %squeeze3A_1052 : f32
    %slice3A_1054 = vector.extract_strided_slice %scan3A_11#21 {offsets = [6], sizes = [1], strides = [1]} : vector<16xf32> to vector<1xf32>
    %squeeze3A_1055 = vector.extract %slice3A_1054[0] : f32 from vector<1xf32>
    %add3A_1056 = arith.addf %add3A_1053, %squeeze3A_1055 : f32
    %slice3A_1057 = vector.extract_strided_slice %scan3A_11#21 {offsets = [7], sizes = [1], strides = [1]} : vector<16xf32> to vector<1xf32>
    %squeeze3A_1058 = vector.extract %slice3A_1057[0] : f32 from vector<1xf32>
    %add3A_1059 = arith.addf %add3A_1056, %squeeze3A_1058 : f32
    %slice3A_1060 = vector.extract_strided_slice %scan3A_11#21 {offsets = [8], sizes = [1], strides = [1]} : vector<16xf32> to vector<1xf32>
    %squeeze3A_1061 = vector.extract %slice3A_1060[0] : f32 from vector<1xf32>
    %add3A_1062 = arith.addf %add3A_1059, %squeeze3A_1061 : f32
    %slice3A_1063 = vector.extract_strided_slice %scan3A_11#21 {offsets = [9], sizes = [1], strides = [1]} : vector<16xf32> to vector<1xf32>
    %squeeze3A_1064 = vector.extract %slice3A_1063[0] : f32 from vector<1xf32>
    %add3A_1065 = arith.addf %add3A_1062, %squeeze3A_1064 : f32
    %slice3A_1066 = vector.extract_strided_slice %scan3A_11#21 {offsets = [10], sizes = [1], strides = [1]} : vector<16xf32> to vector<1xf32>
    %squeeze3A_1067 = vector.extract %slice3A_1066[0] : f32 from vector<1xf32>
    %add3A_1068 = arith.addf %add3A_1065, %squeeze3A_1067 : f32
    %slice3A_1069 = vector.extract_strided_slice %scan3A_11#21 {offsets = [11], sizes = [1], strides = [1]} : vector<16xf32> to vector<1xf32>
    %squeeze3A_1070 = vector.extract %slice3A_1069[0] : f32 from vector<1xf32>
    %add3A_1071 = arith.addf %add3A_1068, %squeeze3A_1070 : f32
    %slice3A_1072 = vector.extract_strided_slice %scan3A_11#21 {offsets = [12], sizes = [1], strides = [1]} : vector<16xf32> to vector<1xf32>
    %squeeze3A_1073 = vector.extract %slice3A_1072[0] : f32 from vector<1xf32>
    %add3A_1074 = arith.addf %add3A_1071, %squeeze3A_1073 : f32
    %slice3A_1075 = vector.extract_strided_slice %scan3A_11#21 {offsets = [13], sizes = [1], strides = [1]} : vector<16xf32> to vector<1xf32>
    %squeeze3A_1076 = vector.extract %slice3A_1075[0] : f32 from vector<1xf32>
    %add3A_1077 = arith.addf %add3A_1074, %squeeze3A_1076 : f32
    %slice3A_1078 = vector.extract_strided_slice %scan3A_11#21 {offsets = [14], sizes = [1], strides = [1]} : vector<16xf32> to vector<1xf32>
    %squeeze3A_1079 = vector.extract %slice3A_1078[0] : f32 from vector<1xf32>
    %add3A_1080 = arith.addf %add3A_1077, %squeeze3A_1079 : f32
    %slice3A_1081 = vector.extract_strided_slice %scan3A_11#21 {offsets = [15], sizes = [1], strides = [1]} : vector<16xf32> to vector<1xf32>
    %squeeze3A_1082 = vector.extract %slice3A_1081[0] : f32 from vector<1xf32>
    %add3A_1083 = arith.addf %add3A_1080, %squeeze3A_1082 : f32
    %mul3A_1084 = arith.mulf %add3A_1083, %add3A_1083 : f32
    %add3A_1085 = arith.addf %add3A_1036, %mul3A_1084 : f32
    %slice3A_1086 = vector.extract_strided_slice %scan3A_11#22 {offsets = [0], sizes = [1], strides = [1]} : vector<16xf32> to vector<1xf32>
    %squeeze3A_1087 = vector.extract %slice3A_1086[0] : f32 from vector<1xf32>
    %slice3A_1088 = vector.extract_strided_slice %scan3A_11#22 {offsets = [1], sizes = [1], strides = [1]} : vector<16xf32> to vector<1xf32>
    %squeeze3A_1089 = vector.extract %slice3A_1088[0] : f32 from vector<1xf32>
    %add3A_1090 = arith.addf %squeeze3A_1087, %squeeze3A_1089 : f32
    %slice3A_1091 = vector.extract_strided_slice %scan3A_11#22 {offsets = [2], sizes = [1], strides = [1]} : vector<16xf32> to vector<1xf32>
    %squeeze3A_1092 = vector.extract %slice3A_1091[0] : f32 from vector<1xf32>
    %add3A_1093 = arith.addf %add3A_1090, %squeeze3A_1092 : f32
    %slice3A_1094 = vector.extract_strided_slice %scan3A_11#22 {offsets = [3], sizes = [1], strides = [1]} : vector<16xf32> to vector<1xf32>
    %squeeze3A_1095 = vector.extract %slice3A_1094[0] : f32 from vector<1xf32>
    %add3A_1096 = arith.addf %add3A_1093, %squeeze3A_1095 : f32
    %slice3A_1097 = vector.extract_strided_slice %scan3A_11#22 {offsets = [4], sizes = [1], strides = [1]} : vector<16xf32> to vector<1xf32>
    %squeeze3A_1098 = vector.extract %slice3A_1097[0] : f32 from vector<1xf32>
    %add3A_1099 = arith.addf %add3A_1096, %squeeze3A_1098 : f32
    %slice3A_1100 = vector.extract_strided_slice %scan3A_11#22 {offsets = [5], sizes = [1], strides = [1]} : vector<16xf32> to vector<1xf32>
    %squeeze3A_1101 = vector.extract %slice3A_1100[0] : f32 from vector<1xf32>
    %add3A_1102 = arith.addf %add3A_1099, %squeeze3A_1101 : f32
    %slice3A_1103 = vector.extract_strided_slice %scan3A_11#22 {offsets = [6], sizes = [1], strides = [1]} : vector<16xf32> to vector<1xf32>
    %squeeze3A_1104 = vector.extract %slice3A_1103[0] : f32 from vector<1xf32>
    %add3A_1105 = arith.addf %add3A_1102, %squeeze3A_1104 : f32
    %slice3A_1106 = vector.extract_strided_slice %scan3A_11#22 {offsets = [7], sizes = [1], strides = [1]} : vector<16xf32> to vector<1xf32>
    %squeeze3A_1107 = vector.extract %slice3A_1106[0] : f32 from vector<1xf32>
    %add3A_1108 = arith.addf %add3A_1105, %squeeze3A_1107 : f32
    %slice3A_1109 = vector.extract_strided_slice %scan3A_11#22 {offsets = [8], sizes = [1], strides = [1]} : vector<16xf32> to vector<1xf32>
    %squeeze3A_1110 = vector.extract %slice3A_1109[0] : f32 from vector<1xf32>
    %add3A_1111 = arith.addf %add3A_1108, %squeeze3A_1110 : f32
    %slice3A_1112 = vector.extract_strided_slice %scan3A_11#22 {offsets = [9], sizes = [1], strides = [1]} : vector<16xf32> to vector<1xf32>
    %squeeze3A_1113 = vector.extract %slice3A_1112[0] : f32 from vector<1xf32>
    %add3A_1114 = arith.addf %add3A_1111, %squeeze3A_1113 : f32
    %slice3A_1115 = vector.extract_strided_slice %scan3A_11#22 {offsets = [10], sizes = [1], strides = [1]} : vector<16xf32> to vector<1xf32>
    %squeeze3A_1116 = vector.extract %slice3A_1115[0] : f32 from vector<1xf32>
    %add3A_1117 = arith.addf %add3A_1114, %squeeze3A_1116 : f32
    %slice3A_1118 = vector.extract_strided_slice %scan3A_11#22 {offsets = [11], sizes = [1], strides = [1]} : vector<16xf32> to vector<1xf32>
    %squeeze3A_1119 = vector.extract %slice3A_1118[0] : f32 from vector<1xf32>
    %add3A_1120 = arith.addf %add3A_1117, %squeeze3A_1119 : f32
    %slice3A_1121 = vector.extract_strided_slice %scan3A_11#22 {offsets = [12], sizes = [1], strides = [1]} : vector<16xf32> to vector<1xf32>
    %squeeze3A_1122 = vector.extract %slice3A_1121[0] : f32 from vector<1xf32>
    %add3A_1123 = arith.addf %add3A_1120, %squeeze3A_1122 : f32
    %slice3A_1124 = vector.extract_strided_slice %scan3A_11#22 {offsets = [13], sizes = [1], strides = [1]} : vector<16xf32> to vector<1xf32>
    %squeeze3A_1125 = vector.extract %slice3A_1124[0] : f32 from vector<1xf32>
    %add3A_1126 = arith.addf %add3A_1123, %squeeze3A_1125 : f32
    %slice3A_1127 = vector.extract_strided_slice %scan3A_11#22 {offsets = [14], sizes = [1], strides = [1]} : vector<16xf32> to vector<1xf32>
    %squeeze3A_1128 = vector.extract %slice3A_1127[0] : f32 from vector<1xf32>
    %add3A_1129 = arith.addf %add3A_1126, %squeeze3A_1128 : f32
    %slice3A_1130 = vector.extract_strided_slice %scan3A_11#22 {offsets = [15], sizes = [1], strides = [1]} : vector<16xf32> to vector<1xf32>
    %squeeze3A_1131 = vector.extract %slice3A_1130[0] : f32 from vector<1xf32>
    %add3A_1132 = arith.addf %add3A_1129, %squeeze3A_1131 : f32
    %mul3A_1133 = arith.mulf %add3A_1132, %add3A_1132 : f32
    %add3A_1134 = arith.addf %add3A_1085, %mul3A_1133 : f32
    %slice3A_1135 = vector.extract_strided_slice %scan3A_11#23 {offsets = [0], sizes = [1], strides = [1]} : vector<16xf32> to vector<1xf32>
    %squeeze3A_1136 = vector.extract %slice3A_1135[0] : f32 from vector<1xf32>
    %slice3A_1137 = vector.extract_strided_slice %scan3A_11#23 {offsets = [1], sizes = [1], strides = [1]} : vector<16xf32> to vector<1xf32>
    %squeeze3A_1138 = vector.extract %slice3A_1137[0] : f32 from vector<1xf32>
    %add3A_1139 = arith.addf %squeeze3A_1136, %squeeze3A_1138 : f32
    %slice3A_1140 = vector.extract_strided_slice %scan3A_11#23 {offsets = [2], sizes = [1], strides = [1]} : vector<16xf32> to vector<1xf32>
    %squeeze3A_1141 = vector.extract %slice3A_1140[0] : f32 from vector<1xf32>
    %add3A_1142 = arith.addf %add3A_1139, %squeeze3A_1141 : f32
    %slice3A_1143 = vector.extract_strided_slice %scan3A_11#23 {offsets = [3], sizes = [1], strides = [1]} : vector<16xf32> to vector<1xf32>
    %squeeze3A_1144 = vector.extract %slice3A_1143[0] : f32 from vector<1xf32>
    %add3A_1145 = arith.addf %add3A_1142, %squeeze3A_1144 : f32
    %slice3A_1146 = vector.extract_strided_slice %scan3A_11#23 {offsets = [4], sizes = [1], strides = [1]} : vector<16xf32> to vector<1xf32>
    %squeeze3A_1147 = vector.extract %slice3A_1146[0] : f32 from vector<1xf32>
    %add3A_1148 = arith.addf %add3A_1145, %squeeze3A_1147 : f32
    %slice3A_1149 = vector.extract_strided_slice %scan3A_11#23 {offsets = [5], sizes = [1], strides = [1]} : vector<16xf32> to vector<1xf32>
    %squeeze3A_1150 = vector.extract %slice3A_1149[0] : f32 from vector<1xf32>
    %add3A_1151 = arith.addf %add3A_1148, %squeeze3A_1150 : f32
    %slice3A_1152 = vector.extract_strided_slice %scan3A_11#23 {offsets = [6], sizes = [1], strides = [1]} : vector<16xf32> to vector<1xf32>
    %squeeze3A_1153 = vector.extract %slice3A_1152[0] : f32 from vector<1xf32>
    %add3A_1154 = arith.addf %add3A_1151, %squeeze3A_1153 : f32
    %slice3A_1155 = vector.extract_strided_slice %scan3A_11#23 {offsets = [7], sizes = [1], strides = [1]} : vector<16xf32> to vector<1xf32>
    %squeeze3A_1156 = vector.extract %slice3A_1155[0] : f32 from vector<1xf32>
    %add3A_1157 = arith.addf %add3A_1154, %squeeze3A_1156 : f32
    %slice3A_1158 = vector.extract_strided_slice %scan3A_11#23 {offsets = [8], sizes = [1], strides = [1]} : vector<16xf32> to vector<1xf32>
    %squeeze3A_1159 = vector.extract %slice3A_1158[0] : f32 from vector<1xf32>
    %add3A_1160 = arith.addf %add3A_1157, %squeeze3A_1159 : f32
    %slice3A_1161 = vector.extract_strided_slice %scan3A_11#23 {offsets = [9], sizes = [1], strides = [1]} : vector<16xf32> to vector<1xf32>
    %squeeze3A_1162 = vector.extract %slice3A_1161[0] : f32 from vector<1xf32>
    %add3A_1163 = arith.addf %add3A_1160, %squeeze3A_1162 : f32
    %slice3A_1164 = vector.extract_strided_slice %scan3A_11#23 {offsets = [10], sizes = [1], strides = [1]} : vector<16xf32> to vector<1xf32>
    %squeeze3A_1165 = vector.extract %slice3A_1164[0] : f32 from vector<1xf32>
    %add3A_1166 = arith.addf %add3A_1163, %squeeze3A_1165 : f32
    %slice3A_1167 = vector.extract_strided_slice %scan3A_11#23 {offsets = [11], sizes = [1], strides = [1]} : vector<16xf32> to vector<1xf32>
    %squeeze3A_1168 = vector.extract %slice3A_1167[0] : f32 from vector<1xf32>
    %add3A_1169 = arith.addf %add3A_1166, %squeeze3A_1168 : f32
    %slice3A_1170 = vector.extract_strided_slice %scan3A_11#23 {offsets = [12], sizes = [1], strides = [1]} : vector<16xf32> to vector<1xf32>
    %squeeze3A_1171 = vector.extract %slice3A_1170[0] : f32 from vector<1xf32>
    %add3A_1172 = arith.addf %add3A_1169, %squeeze3A_1171 : f32
    %slice3A_1173 = vector.extract_strided_slice %scan3A_11#23 {offsets = [13], sizes = [1], strides = [1]} : vector<16xf32> to vector<1xf32>
    %squeeze3A_1174 = vector.extract %slice3A_1173[0] : f32 from vector<1xf32>
    %add3A_1175 = arith.addf %add3A_1172, %squeeze3A_1174 : f32
    %slice3A_1176 = vector.extract_strided_slice %scan3A_11#23 {offsets = [14], sizes = [1], strides = [1]} : vector<16xf32> to vector<1xf32>
    %squeeze3A_1177 = vector.extract %slice3A_1176[0] : f32 from vector<1xf32>
    %add3A_1178 = arith.addf %add3A_1175, %squeeze3A_1177 : f32
    %slice3A_1179 = vector.extract_strided_slice %scan3A_11#23 {offsets = [15], sizes = [1], strides = [1]} : vector<16xf32> to vector<1xf32>
    %squeeze3A_1180 = vector.extract %slice3A_1179[0] : f32 from vector<1xf32>
    %add3A_1181 = arith.addf %add3A_1178, %squeeze3A_1180 : f32
    %mul3A_1182 = arith.mulf %add3A_1181, %add3A_1181 : f32
    %add3A_1183 = arith.addf %add3A_1134, %mul3A_1182 : f32
    %slice3A_1184 = vector.extract_strided_slice %scan3A_11#24 {offsets = [0], sizes = [1], strides = [1]} : vector<16xf32> to vector<1xf32>
    %squeeze3A_1185 = vector.extract %slice3A_1184[0] : f32 from vector<1xf32>
    %slice3A_1186 = vector.extract_strided_slice %scan3A_11#24 {offsets = [1], sizes = [1], strides = [1]} : vector<16xf32> to vector<1xf32>
    %squeeze3A_1187 = vector.extract %slice3A_1186[0] : f32 from vector<1xf32>
    %add3A_1188 = arith.addf %squeeze3A_1185, %squeeze3A_1187 : f32
    %slice3A_1189 = vector.extract_strided_slice %scan3A_11#24 {offsets = [2], sizes = [1], strides = [1]} : vector<16xf32> to vector<1xf32>
    %squeeze3A_1190 = vector.extract %slice3A_1189[0] : f32 from vector<1xf32>
    %add3A_1191 = arith.addf %add3A_1188, %squeeze3A_1190 : f32
    %slice3A_1192 = vector.extract_strided_slice %scan3A_11#24 {offsets = [3], sizes = [1], strides = [1]} : vector<16xf32> to vector<1xf32>
    %squeeze3A_1193 = vector.extract %slice3A_1192[0] : f32 from vector<1xf32>
    %add3A_1194 = arith.addf %add3A_1191, %squeeze3A_1193 : f32
    %slice3A_1195 = vector.extract_strided_slice %scan3A_11#24 {offsets = [4], sizes = [1], strides = [1]} : vector<16xf32> to vector<1xf32>
    %squeeze3A_1196 = vector.extract %slice3A_1195[0] : f32 from vector<1xf32>
    %add3A_1197 = arith.addf %add3A_1194, %squeeze3A_1196 : f32
    %slice3A_1198 = vector.extract_strided_slice %scan3A_11#24 {offsets = [5], sizes = [1], strides = [1]} : vector<16xf32> to vector<1xf32>
    %squeeze3A_1199 = vector.extract %slice3A_1198[0] : f32 from vector<1xf32>
    %add3A_1200 = arith.addf %add3A_1197, %squeeze3A_1199 : f32
    %slice3A_1201 = vector.extract_strided_slice %scan3A_11#24 {offsets = [6], sizes = [1], strides = [1]} : vector<16xf32> to vector<1xf32>
    %squeeze3A_1202 = vector.extract %slice3A_1201[0] : f32 from vector<1xf32>
    %add3A_1203 = arith.addf %add3A_1200, %squeeze3A_1202 : f32
    %slice3A_1204 = vector.extract_strided_slice %scan3A_11#24 {offsets = [7], sizes = [1], strides = [1]} : vector<16xf32> to vector<1xf32>
    %squeeze3A_1205 = vector.extract %slice3A_1204[0] : f32 from vector<1xf32>
    %add3A_1206 = arith.addf %add3A_1203, %squeeze3A_1205 : f32
    %slice3A_1207 = vector.extract_strided_slice %scan3A_11#24 {offsets = [8], sizes = [1], strides = [1]} : vector<16xf32> to vector<1xf32>
    %squeeze3A_1208 = vector.extract %slice3A_1207[0] : f32 from vector<1xf32>
    %add3A_1209 = arith.addf %add3A_1206, %squeeze3A_1208 : f32
    %slice3A_1210 = vector.extract_strided_slice %scan3A_11#24 {offsets = [9], sizes = [1], strides = [1]} : vector<16xf32> to vector<1xf32>
    %squeeze3A_1211 = vector.extract %slice3A_1210[0] : f32 from vector<1xf32>
    %add3A_1212 = arith.addf %add3A_1209, %squeeze3A_1211 : f32
    %slice3A_1213 = vector.extract_strided_slice %scan3A_11#24 {offsets = [10], sizes = [1], strides = [1]} : vector<16xf32> to vector<1xf32>
    %squeeze3A_1214 = vector.extract %slice3A_1213[0] : f32 from vector<1xf32>
    %add3A_1215 = arith.addf %add3A_1212, %squeeze3A_1214 : f32
    %slice3A_1216 = vector.extract_strided_slice %scan3A_11#24 {offsets = [11], sizes = [1], strides = [1]} : vector<16xf32> to vector<1xf32>
    %squeeze3A_1217 = vector.extract %slice3A_1216[0] : f32 from vector<1xf32>
    %add3A_1218 = arith.addf %add3A_1215, %squeeze3A_1217 : f32
    %slice3A_1219 = vector.extract_strided_slice %scan3A_11#24 {offsets = [12], sizes = [1], strides = [1]} : vector<16xf32> to vector<1xf32>
    %squeeze3A_1220 = vector.extract %slice3A_1219[0] : f32 from vector<1xf32>
    %add3A_1221 = arith.addf %add3A_1218, %squeeze3A_1220 : f32
    %slice3A_1222 = vector.extract_strided_slice %scan3A_11#24 {offsets = [13], sizes = [1], strides = [1]} : vector<16xf32> to vector<1xf32>
    %squeeze3A_1223 = vector.extract %slice3A_1222[0] : f32 from vector<1xf32>
    %add3A_1224 = arith.addf %add3A_1221, %squeeze3A_1223 : f32
    %slice3A_1225 = vector.extract_strided_slice %scan3A_11#24 {offsets = [14], sizes = [1], strides = [1]} : vector<16xf32> to vector<1xf32>
    %squeeze3A_1226 = vector.extract %slice3A_1225[0] : f32 from vector<1xf32>
    %add3A_1227 = arith.addf %add3A_1224, %squeeze3A_1226 : f32
    %slice3A_1228 = vector.extract_strided_slice %scan3A_11#24 {offsets = [15], sizes = [1], strides = [1]} : vector<16xf32> to vector<1xf32>
    %squeeze3A_1229 = vector.extract %slice3A_1228[0] : f32 from vector<1xf32>
    %add3A_1230 = arith.addf %add3A_1227, %squeeze3A_1229 : f32
    %mul3A_1231 = arith.mulf %add3A_1230, %add3A_1230 : f32
    %add3A_1232 = arith.addf %add3A_1183, %mul3A_1231 : f32
    %slice3A_1233 = vector.extract_strided_slice %scan3A_11#25 {offsets = [0], sizes = [1], strides = [1]} : vector<16xf32> to vector<1xf32>
    %squeeze3A_1234 = vector.extract %slice3A_1233[0] : f32 from vector<1xf32>
    %slice3A_1235 = vector.extract_strided_slice %scan3A_11#25 {offsets = [1], sizes = [1], strides = [1]} : vector<16xf32> to vector<1xf32>
    %squeeze3A_1236 = vector.extract %slice3A_1235[0] : f32 from vector<1xf32>
    %add3A_1237 = arith.addf %squeeze3A_1234, %squeeze3A_1236 : f32
    %slice3A_1238 = vector.extract_strided_slice %scan3A_11#25 {offsets = [2], sizes = [1], strides = [1]} : vector<16xf32> to vector<1xf32>
    %squeeze3A_1239 = vector.extract %slice3A_1238[0] : f32 from vector<1xf32>
    %add3A_1240 = arith.addf %add3A_1237, %squeeze3A_1239 : f32
    %slice3A_1241 = vector.extract_strided_slice %scan3A_11#25 {offsets = [3], sizes = [1], strides = [1]} : vector<16xf32> to vector<1xf32>
    %squeeze3A_1242 = vector.extract %slice3A_1241[0] : f32 from vector<1xf32>
    %add3A_1243 = arith.addf %add3A_1240, %squeeze3A_1242 : f32
    %slice3A_1244 = vector.extract_strided_slice %scan3A_11#25 {offsets = [4], sizes = [1], strides = [1]} : vector<16xf32> to vector<1xf32>
    %squeeze3A_1245 = vector.extract %slice3A_1244[0] : f32 from vector<1xf32>
    %add3A_1246 = arith.addf %add3A_1243, %squeeze3A_1245 : f32
    %slice3A_1247 = vector.extract_strided_slice %scan3A_11#25 {offsets = [5], sizes = [1], strides = [1]} : vector<16xf32> to vector<1xf32>
    %squeeze3A_1248 = vector.extract %slice3A_1247[0] : f32 from vector<1xf32>
    %add3A_1249 = arith.addf %add3A_1246, %squeeze3A_1248 : f32
    %slice3A_1250 = vector.extract_strided_slice %scan3A_11#25 {offsets = [6], sizes = [1], strides = [1]} : vector<16xf32> to vector<1xf32>
    %squeeze3A_1251 = vector.extract %slice3A_1250[0] : f32 from vector<1xf32>
    %add3A_1252 = arith.addf %add3A_1249, %squeeze3A_1251 : f32
    %slice3A_1253 = vector.extract_strided_slice %scan3A_11#25 {offsets = [7], sizes = [1], strides = [1]} : vector<16xf32> to vector<1xf32>
    %squeeze3A_1254 = vector.extract %slice3A_1253[0] : f32 from vector<1xf32>
    %add3A_1255 = arith.addf %add3A_1252, %squeeze3A_1254 : f32
    %slice3A_1256 = vector.extract_strided_slice %scan3A_11#25 {offsets = [8], sizes = [1], strides = [1]} : vector<16xf32> to vector<1xf32>
    %squeeze3A_1257 = vector.extract %slice3A_1256[0] : f32 from vector<1xf32>
    %add3A_1258 = arith.addf %add3A_1255, %squeeze3A_1257 : f32
    %slice3A_1259 = vector.extract_strided_slice %scan3A_11#25 {offsets = [9], sizes = [1], strides = [1]} : vector<16xf32> to vector<1xf32>
    %squeeze3A_1260 = vector.extract %slice3A_1259[0] : f32 from vector<1xf32>
    %add3A_1261 = arith.addf %add3A_1258, %squeeze3A_1260 : f32
    %slice3A_1262 = vector.extract_strided_slice %scan3A_11#25 {offsets = [10], sizes = [1], strides = [1]} : vector<16xf32> to vector<1xf32>
    %squeeze3A_1263 = vector.extract %slice3A_1262[0] : f32 from vector<1xf32>
    %add3A_1264 = arith.addf %add3A_1261, %squeeze3A_1263 : f32
    %slice3A_1265 = vector.extract_strided_slice %scan3A_11#25 {offsets = [11], sizes = [1], strides = [1]} : vector<16xf32> to vector<1xf32>
    %squeeze3A_1266 = vector.extract %slice3A_1265[0] : f32 from vector<1xf32>
    %add3A_1267 = arith.addf %add3A_1264, %squeeze3A_1266 : f32
    %slice3A_1268 = vector.extract_strided_slice %scan3A_11#25 {offsets = [12], sizes = [1], strides = [1]} : vector<16xf32> to vector<1xf32>
    %squeeze3A_1269 = vector.extract %slice3A_1268[0] : f32 from vector<1xf32>
    %add3A_1270 = arith.addf %add3A_1267, %squeeze3A_1269 : f32
    %slice3A_1271 = vector.extract_strided_slice %scan3A_11#25 {offsets = [13], sizes = [1], strides = [1]} : vector<16xf32> to vector<1xf32>
    %squeeze3A_1272 = vector.extract %slice3A_1271[0] : f32 from vector<1xf32>
    %add3A_1273 = arith.addf %add3A_1270, %squeeze3A_1272 : f32
    %slice3A_1274 = vector.extract_strided_slice %scan3A_11#25 {offsets = [14], sizes = [1], strides = [1]} : vector<16xf32> to vector<1xf32>
    %squeeze3A_1275 = vector.extract %slice3A_1274[0] : f32 from vector<1xf32>
    %add3A_1276 = arith.addf %add3A_1273, %squeeze3A_1275 : f32
    %slice3A_1277 = vector.extract_strided_slice %scan3A_11#25 {offsets = [15], sizes = [1], strides = [1]} : vector<16xf32> to vector<1xf32>
    %squeeze3A_1278 = vector.extract %slice3A_1277[0] : f32 from vector<1xf32>
    %add3A_1279 = arith.addf %add3A_1276, %squeeze3A_1278 : f32
    %mul3A_1280 = arith.mulf %add3A_1279, %add3A_1279 : f32
    %add3A_1281 = arith.addf %add3A_1232, %mul3A_1280 : f32
    %slice3A_1282 = vector.extract_strided_slice %scan3A_11#26 {offsets = [0], sizes = [1], strides = [1]} : vector<16xf32> to vector<1xf32>
    %squeeze3A_1283 = vector.extract %slice3A_1282[0] : f32 from vector<1xf32>
    %slice3A_1284 = vector.extract_strided_slice %scan3A_11#26 {offsets = [1], sizes = [1], strides = [1]} : vector<16xf32> to vector<1xf32>
    %squeeze3A_1285 = vector.extract %slice3A_1284[0] : f32 from vector<1xf32>
    %add3A_1286 = arith.addf %squeeze3A_1283, %squeeze3A_1285 : f32
    %slice3A_1287 = vector.extract_strided_slice %scan3A_11#26 {offsets = [2], sizes = [1], strides = [1]} : vector<16xf32> to vector<1xf32>
    %squeeze3A_1288 = vector.extract %slice3A_1287[0] : f32 from vector<1xf32>
    %add3A_1289 = arith.addf %add3A_1286, %squeeze3A_1288 : f32
    %slice3A_1290 = vector.extract_strided_slice %scan3A_11#26 {offsets = [3], sizes = [1], strides = [1]} : vector<16xf32> to vector<1xf32>
    %squeeze3A_1291 = vector.extract %slice3A_1290[0] : f32 from vector<1xf32>
    %add3A_1292 = arith.addf %add3A_1289, %squeeze3A_1291 : f32
    %slice3A_1293 = vector.extract_strided_slice %scan3A_11#26 {offsets = [4], sizes = [1], strides = [1]} : vector<16xf32> to vector<1xf32>
    %squeeze3A_1294 = vector.extract %slice3A_1293[0] : f32 from vector<1xf32>
    %add3A_1295 = arith.addf %add3A_1292, %squeeze3A_1294 : f32
    %slice3A_1296 = vector.extract_strided_slice %scan3A_11#26 {offsets = [5], sizes = [1], strides = [1]} : vector<16xf32> to vector<1xf32>
    %squeeze3A_1297 = vector.extract %slice3A_1296[0] : f32 from vector<1xf32>
    %add3A_1298 = arith.addf %add3A_1295, %squeeze3A_1297 : f32
    %slice3A_1299 = vector.extract_strided_slice %scan3A_11#26 {offsets = [6], sizes = [1], strides = [1]} : vector<16xf32> to vector<1xf32>
    %squeeze3A_1300 = vector.extract %slice3A_1299[0] : f32 from vector<1xf32>
    %add3A_1301 = arith.addf %add3A_1298, %squeeze3A_1300 : f32
    %slice3A_1302 = vector.extract_strided_slice %scan3A_11#26 {offsets = [7], sizes = [1], strides = [1]} : vector<16xf32> to vector<1xf32>
    %squeeze3A_1303 = vector.extract %slice3A_1302[0] : f32 from vector<1xf32>
    %add3A_1304 = arith.addf %add3A_1301, %squeeze3A_1303 : f32
    %slice3A_1305 = vector.extract_strided_slice %scan3A_11#26 {offsets = [8], sizes = [1], strides = [1]} : vector<16xf32> to vector<1xf32>
    %squeeze3A_1306 = vector.extract %slice3A_1305[0] : f32 from vector<1xf32>
    %add3A_1307 = arith.addf %add3A_1304, %squeeze3A_1306 : f32
    %slice3A_1308 = vector.extract_strided_slice %scan3A_11#26 {offsets = [9], sizes = [1], strides = [1]} : vector<16xf32> to vector<1xf32>
    %squeeze3A_1309 = vector.extract %slice3A_1308[0] : f32 from vector<1xf32>
    %add3A_1310 = arith.addf %add3A_1307, %squeeze3A_1309 : f32
    %slice3A_1311 = vector.extract_strided_slice %scan3A_11#26 {offsets = [10], sizes = [1], strides = [1]} : vector<16xf32> to vector<1xf32>
    %squeeze3A_1312 = vector.extract %slice3A_1311[0] : f32 from vector<1xf32>
    %add3A_1313 = arith.addf %add3A_1310, %squeeze3A_1312 : f32
    %slice3A_1314 = vector.extract_strided_slice %scan3A_11#26 {offsets = [11], sizes = [1], strides = [1]} : vector<16xf32> to vector<1xf32>
    %squeeze3A_1315 = vector.extract %slice3A_1314[0] : f32 from vector<1xf32>
    %add3A_1316 = arith.addf %add3A_1313, %squeeze3A_1315 : f32
    %slice3A_1317 = vector.extract_strided_slice %scan3A_11#26 {offsets = [12], sizes = [1], strides = [1]} : vector<16xf32> to vector<1xf32>
    %squeeze3A_1318 = vector.extract %slice3A_1317[0] : f32 from vector<1xf32>
    %add3A_1319 = arith.addf %add3A_1316, %squeeze3A_1318 : f32
    %slice3A_1320 = vector.extract_strided_slice %scan3A_11#26 {offsets = [13], sizes = [1], strides = [1]} : vector<16xf32> to vector<1xf32>
    %squeeze3A_1321 = vector.extract %slice3A_1320[0] : f32 from vector<1xf32>
    %add3A_1322 = arith.addf %add3A_1319, %squeeze3A_1321 : f32
    %slice3A_1323 = vector.extract_strided_slice %scan3A_11#26 {offsets = [14], sizes = [1], strides = [1]} : vector<16xf32> to vector<1xf32>
    %squeeze3A_1324 = vector.extract %slice3A_1323[0] : f32 from vector<1xf32>
    %add3A_1325 = arith.addf %add3A_1322, %squeeze3A_1324 : f32
    %slice3A_1326 = vector.extract_strided_slice %scan3A_11#26 {offsets = [15], sizes = [1], strides = [1]} : vector<16xf32> to vector<1xf32>
    %squeeze3A_1327 = vector.extract %slice3A_1326[0] : f32 from vector<1xf32>
    %add3A_1328 = arith.addf %add3A_1325, %squeeze3A_1327 : f32
    %mul3A_1329 = arith.mulf %add3A_1328, %add3A_1328 : f32
    %add3A_1330 = arith.addf %add3A_1281, %mul3A_1329 : f32
    %slice3A_1331 = vector.extract_strided_slice %scan3A_11#27 {offsets = [0], sizes = [1], strides = [1]} : vector<16xf32> to vector<1xf32>
    %squeeze3A_1332 = vector.extract %slice3A_1331[0] : f32 from vector<1xf32>
    %slice3A_1333 = vector.extract_strided_slice %scan3A_11#27 {offsets = [1], sizes = [1], strides = [1]} : vector<16xf32> to vector<1xf32>
    %squeeze3A_1334 = vector.extract %slice3A_1333[0] : f32 from vector<1xf32>
    %add3A_1335 = arith.addf %squeeze3A_1332, %squeeze3A_1334 : f32
    %slice3A_1336 = vector.extract_strided_slice %scan3A_11#27 {offsets = [2], sizes = [1], strides = [1]} : vector<16xf32> to vector<1xf32>
    %squeeze3A_1337 = vector.extract %slice3A_1336[0] : f32 from vector<1xf32>
    %add3A_1338 = arith.addf %add3A_1335, %squeeze3A_1337 : f32
    %slice3A_1339 = vector.extract_strided_slice %scan3A_11#27 {offsets = [3], sizes = [1], strides = [1]} : vector<16xf32> to vector<1xf32>
    %squeeze3A_1340 = vector.extract %slice3A_1339[0] : f32 from vector<1xf32>
    %add3A_1341 = arith.addf %add3A_1338, %squeeze3A_1340 : f32
    %slice3A_1342 = vector.extract_strided_slice %scan3A_11#27 {offsets = [4], sizes = [1], strides = [1]} : vector<16xf32> to vector<1xf32>
    %squeeze3A_1343 = vector.extract %slice3A_1342[0] : f32 from vector<1xf32>
    %add3A_1344 = arith.addf %add3A_1341, %squeeze3A_1343 : f32
    %slice3A_1345 = vector.extract_strided_slice %scan3A_11#27 {offsets = [5], sizes = [1], strides = [1]} : vector<16xf32> to vector<1xf32>
    %squeeze3A_1346 = vector.extract %slice3A_1345[0] : f32 from vector<1xf32>
    %add3A_1347 = arith.addf %add3A_1344, %squeeze3A_1346 : f32
    %slice3A_1348 = vector.extract_strided_slice %scan3A_11#27 {offsets = [6], sizes = [1], strides = [1]} : vector<16xf32> to vector<1xf32>
    %squeeze3A_1349 = vector.extract %slice3A_1348[0] : f32 from vector<1xf32>
    %add3A_1350 = arith.addf %add3A_1347, %squeeze3A_1349 : f32
    %slice3A_1351 = vector.extract_strided_slice %scan3A_11#27 {offsets = [7], sizes = [1], strides = [1]} : vector<16xf32> to vector<1xf32>
    %squeeze3A_1352 = vector.extract %slice3A_1351[0] : f32 from vector<1xf32>
    %add3A_1353 = arith.addf %add3A_1350, %squeeze3A_1352 : f32
    %slice3A_1354 = vector.extract_strided_slice %scan3A_11#27 {offsets = [8], sizes = [1], strides = [1]} : vector<16xf32> to vector<1xf32>
    %squeeze3A_1355 = vector.extract %slice3A_1354[0] : f32 from vector<1xf32>
    %add3A_1356 = arith.addf %add3A_1353, %squeeze3A_1355 : f32
    %slice3A_1357 = vector.extract_strided_slice %scan3A_11#27 {offsets = [9], sizes = [1], strides = [1]} : vector<16xf32> to vector<1xf32>
    %squeeze3A_1358 = vector.extract %slice3A_1357[0] : f32 from vector<1xf32>
    %add3A_1359 = arith.addf %add3A_1356, %squeeze3A_1358 : f32
    %slice3A_1360 = vector.extract_strided_slice %scan3A_11#27 {offsets = [10], sizes = [1], strides = [1]} : vector<16xf32> to vector<1xf32>
    %squeeze3A_1361 = vector.extract %slice3A_1360[0] : f32 from vector<1xf32>
    %add3A_1362 = arith.addf %add3A_1359, %squeeze3A_1361 : f32
    %slice3A_1363 = vector.extract_strided_slice %scan3A_11#27 {offsets = [11], sizes = [1], strides = [1]} : vector<16xf32> to vector<1xf32>
    %squeeze3A_1364 = vector.extract %slice3A_1363[0] : f32 from vector<1xf32>
    %add3A_1365 = arith.addf %add3A_1362, %squeeze3A_1364 : f32
    %slice3A_1366 = vector.extract_strided_slice %scan3A_11#27 {offsets = [12], sizes = [1], strides = [1]} : vector<16xf32> to vector<1xf32>
    %squeeze3A_1367 = vector.extract %slice3A_1366[0] : f32 from vector<1xf32>
    %add3A_1368 = arith.addf %add3A_1365, %squeeze3A_1367 : f32
    %slice3A_1369 = vector.extract_strided_slice %scan3A_11#27 {offsets = [13], sizes = [1], strides = [1]} : vector<16xf32> to vector<1xf32>
    %squeeze3A_1370 = vector.extract %slice3A_1369[0] : f32 from vector<1xf32>
    %add3A_1371 = arith.addf %add3A_1368, %squeeze3A_1370 : f32
    %slice3A_1372 = vector.extract_strided_slice %scan3A_11#27 {offsets = [14], sizes = [1], strides = [1]} : vector<16xf32> to vector<1xf32>
    %squeeze3A_1373 = vector.extract %slice3A_1372[0] : f32 from vector<1xf32>
    %add3A_1374 = arith.addf %add3A_1371, %squeeze3A_1373 : f32
    %slice3A_1375 = vector.extract_strided_slice %scan3A_11#27 {offsets = [15], sizes = [1], strides = [1]} : vector<16xf32> to vector<1xf32>
    %squeeze3A_1376 = vector.extract %slice3A_1375[0] : f32 from vector<1xf32>
    %add3A_1377 = arith.addf %add3A_1374, %squeeze3A_1376 : f32
    %mul3A_1378 = arith.mulf %add3A_1377, %add3A_1377 : f32
    %add3A_1379 = arith.addf %add3A_1330, %mul3A_1378 : f32
    %slice3A_1380 = vector.extract_strided_slice %scan3A_11#28 {offsets = [0], sizes = [1], strides = [1]} : vector<16xf32> to vector<1xf32>
    %squeeze3A_1381 = vector.extract %slice3A_1380[0] : f32 from vector<1xf32>
    %slice3A_1382 = vector.extract_strided_slice %scan3A_11#28 {offsets = [1], sizes = [1], strides = [1]} : vector<16xf32> to vector<1xf32>
    %squeeze3A_1383 = vector.extract %slice3A_1382[0] : f32 from vector<1xf32>
    %add3A_1384 = arith.addf %squeeze3A_1381, %squeeze3A_1383 : f32
    %slice3A_1385 = vector.extract_strided_slice %scan3A_11#28 {offsets = [2], sizes = [1], strides = [1]} : vector<16xf32> to vector<1xf32>
    %squeeze3A_1386 = vector.extract %slice3A_1385[0] : f32 from vector<1xf32>
    %add3A_1387 = arith.addf %add3A_1384, %squeeze3A_1386 : f32
    %slice3A_1388 = vector.extract_strided_slice %scan3A_11#28 {offsets = [3], sizes = [1], strides = [1]} : vector<16xf32> to vector<1xf32>
    %squeeze3A_1389 = vector.extract %slice3A_1388[0] : f32 from vector<1xf32>
    %add3A_1390 = arith.addf %add3A_1387, %squeeze3A_1389 : f32
    %slice3A_1391 = vector.extract_strided_slice %scan3A_11#28 {offsets = [4], sizes = [1], strides = [1]} : vector<16xf32> to vector<1xf32>
    %squeeze3A_1392 = vector.extract %slice3A_1391[0] : f32 from vector<1xf32>
    %add3A_1393 = arith.addf %add3A_1390, %squeeze3A_1392 : f32
    %slice3A_1394 = vector.extract_strided_slice %scan3A_11#28 {offsets = [5], sizes = [1], strides = [1]} : vector<16xf32> to vector<1xf32>
    %squeeze3A_1395 = vector.extract %slice3A_1394[0] : f32 from vector<1xf32>
    %add3A_1396 = arith.addf %add3A_1393, %squeeze3A_1395 : f32
    %slice3A_1397 = vector.extract_strided_slice %scan3A_11#28 {offsets = [6], sizes = [1], strides = [1]} : vector<16xf32> to vector<1xf32>
    %squeeze3A_1398 = vector.extract %slice3A_1397[0] : f32 from vector<1xf32>
    %add3A_1399 = arith.addf %add3A_1396, %squeeze3A_1398 : f32
    %slice3A_1400 = vector.extract_strided_slice %scan3A_11#28 {offsets = [7], sizes = [1], strides = [1]} : vector<16xf32> to vector<1xf32>
    %squeeze3A_1401 = vector.extract %slice3A_1400[0] : f32 from vector<1xf32>
    %add3A_1402 = arith.addf %add3A_1399, %squeeze3A_1401 : f32
    %slice3A_1403 = vector.extract_strided_slice %scan3A_11#28 {offsets = [8], sizes = [1], strides = [1]} : vector<16xf32> to vector<1xf32>
    %squeeze3A_1404 = vector.extract %slice3A_1403[0] : f32 from vector<1xf32>
    %add3A_1405 = arith.addf %add3A_1402, %squeeze3A_1404 : f32
    %slice3A_1406 = vector.extract_strided_slice %scan3A_11#28 {offsets = [9], sizes = [1], strides = [1]} : vector<16xf32> to vector<1xf32>
    %squeeze3A_1407 = vector.extract %slice3A_1406[0] : f32 from vector<1xf32>
    %add3A_1408 = arith.addf %add3A_1405, %squeeze3A_1407 : f32
    %slice3A_1409 = vector.extract_strided_slice %scan3A_11#28 {offsets = [10], sizes = [1], strides = [1]} : vector<16xf32> to vector<1xf32>
    %squeeze3A_1410 = vector.extract %slice3A_1409[0] : f32 from vector<1xf32>
    %add3A_1411 = arith.addf %add3A_1408, %squeeze3A_1410 : f32
    %slice3A_1412 = vector.extract_strided_slice %scan3A_11#28 {offsets = [11], sizes = [1], strides = [1]} : vector<16xf32> to vector<1xf32>
    %squeeze3A_1413 = vector.extract %slice3A_1412[0] : f32 from vector<1xf32>
    %add3A_1414 = arith.addf %add3A_1411, %squeeze3A_1413 : f32
    %slice3A_1415 = vector.extract_strided_slice %scan3A_11#28 {offsets = [12], sizes = [1], strides = [1]} : vector<16xf32> to vector<1xf32>
    %squeeze3A_1416 = vector.extract %slice3A_1415[0] : f32 from vector<1xf32>
    %add3A_1417 = arith.addf %add3A_1414, %squeeze3A_1416 : f32
    %slice3A_1418 = vector.extract_strided_slice %scan3A_11#28 {offsets = [13], sizes = [1], strides = [1]} : vector<16xf32> to vector<1xf32>
    %squeeze3A_1419 = vector.extract %slice3A_1418[0] : f32 from vector<1xf32>
    %add3A_1420 = arith.addf %add3A_1417, %squeeze3A_1419 : f32
    %slice3A_1421 = vector.extract_strided_slice %scan3A_11#28 {offsets = [14], sizes = [1], strides = [1]} : vector<16xf32> to vector<1xf32>
    %squeeze3A_1422 = vector.extract %slice3A_1421[0] : f32 from vector<1xf32>
    %add3A_1423 = arith.addf %add3A_1420, %squeeze3A_1422 : f32
    %slice3A_1424 = vector.extract_strided_slice %scan3A_11#28 {offsets = [15], sizes = [1], strides = [1]} : vector<16xf32> to vector<1xf32>
    %squeeze3A_1425 = vector.extract %slice3A_1424[0] : f32 from vector<1xf32>
    %add3A_1426 = arith.addf %add3A_1423, %squeeze3A_1425 : f32
    %mul3A_1427 = arith.mulf %add3A_1426, %add3A_1426 : f32
    %add3A_1428 = arith.addf %add3A_1379, %mul3A_1427 : f32
    %slice3A_1429 = vector.extract_strided_slice %scan3A_11#29 {offsets = [0], sizes = [1], strides = [1]} : vector<16xf32> to vector<1xf32>
    %squeeze3A_1430 = vector.extract %slice3A_1429[0] : f32 from vector<1xf32>
    %slice3A_1431 = vector.extract_strided_slice %scan3A_11#29 {offsets = [1], sizes = [1], strides = [1]} : vector<16xf32> to vector<1xf32>
    %squeeze3A_1432 = vector.extract %slice3A_1431[0] : f32 from vector<1xf32>
    %add3A_1433 = arith.addf %squeeze3A_1430, %squeeze3A_1432 : f32
    %slice3A_1434 = vector.extract_strided_slice %scan3A_11#29 {offsets = [2], sizes = [1], strides = [1]} : vector<16xf32> to vector<1xf32>
    %squeeze3A_1435 = vector.extract %slice3A_1434[0] : f32 from vector<1xf32>
    %add3A_1436 = arith.addf %add3A_1433, %squeeze3A_1435 : f32
    %slice3A_1437 = vector.extract_strided_slice %scan3A_11#29 {offsets = [3], sizes = [1], strides = [1]} : vector<16xf32> to vector<1xf32>
    %squeeze3A_1438 = vector.extract %slice3A_1437[0] : f32 from vector<1xf32>
    %add3A_1439 = arith.addf %add3A_1436, %squeeze3A_1438 : f32
    %slice3A_1440 = vector.extract_strided_slice %scan3A_11#29 {offsets = [4], sizes = [1], strides = [1]} : vector<16xf32> to vector<1xf32>
    %squeeze3A_1441 = vector.extract %slice3A_1440[0] : f32 from vector<1xf32>
    %add3A_1442 = arith.addf %add3A_1439, %squeeze3A_1441 : f32
    %slice3A_1443 = vector.extract_strided_slice %scan3A_11#29 {offsets = [5], sizes = [1], strides = [1]} : vector<16xf32> to vector<1xf32>
    %squeeze3A_1444 = vector.extract %slice3A_1443[0] : f32 from vector<1xf32>
    %add3A_1445 = arith.addf %add3A_1442, %squeeze3A_1444 : f32
    %slice3A_1446 = vector.extract_strided_slice %scan3A_11#29 {offsets = [6], sizes = [1], strides = [1]} : vector<16xf32> to vector<1xf32>
    %squeeze3A_1447 = vector.extract %slice3A_1446[0] : f32 from vector<1xf32>
    %add3A_1448 = arith.addf %add3A_1445, %squeeze3A_1447 : f32
    %slice3A_1449 = vector.extract_strided_slice %scan3A_11#29 {offsets = [7], sizes = [1], strides = [1]} : vector<16xf32> to vector<1xf32>
    %squeeze3A_1450 = vector.extract %slice3A_1449[0] : f32 from vector<1xf32>
    %add3A_1451 = arith.addf %add3A_1448, %squeeze3A_1450 : f32
    %slice3A_1452 = vector.extract_strided_slice %scan3A_11#29 {offsets = [8], sizes = [1], strides = [1]} : vector<16xf32> to vector<1xf32>
    %squeeze3A_1453 = vector.extract %slice3A_1452[0] : f32 from vector<1xf32>
    %add3A_1454 = arith.addf %add3A_1451, %squeeze3A_1453 : f32
    %slice3A_1455 = vector.extract_strided_slice %scan3A_11#29 {offsets = [9], sizes = [1], strides = [1]} : vector<16xf32> to vector<1xf32>
    %squeeze3A_1456 = vector.extract %slice3A_1455[0] : f32 from vector<1xf32>
    %add3A_1457 = arith.addf %add3A_1454, %squeeze3A_1456 : f32
    %slice3A_1458 = vector.extract_strided_slice %scan3A_11#29 {offsets = [10], sizes = [1], strides = [1]} : vector<16xf32> to vector<1xf32>
    %squeeze3A_1459 = vector.extract %slice3A_1458[0] : f32 from vector<1xf32>
    %add3A_1460 = arith.addf %add3A_1457, %squeeze3A_1459 : f32
    %slice3A_1461 = vector.extract_strided_slice %scan3A_11#29 {offsets = [11], sizes = [1], strides = [1]} : vector<16xf32> to vector<1xf32>
    %squeeze3A_1462 = vector.extract %slice3A_1461[0] : f32 from vector<1xf32>
    %add3A_1463 = arith.addf %add3A_1460, %squeeze3A_1462 : f32
    %slice3A_1464 = vector.extract_strided_slice %scan3A_11#29 {offsets = [12], sizes = [1], strides = [1]} : vector<16xf32> to vector<1xf32>
    %squeeze3A_1465 = vector.extract %slice3A_1464[0] : f32 from vector<1xf32>
    %add3A_1466 = arith.addf %add3A_1463, %squeeze3A_1465 : f32
    %slice3A_1467 = vector.extract_strided_slice %scan3A_11#29 {offsets = [13], sizes = [1], strides = [1]} : vector<16xf32> to vector<1xf32>
    %squeeze3A_1468 = vector.extract %slice3A_1467[0] : f32 from vector<1xf32>
    %add3A_1469 = arith.addf %add3A_1466, %squeeze3A_1468 : f32
    %slice3A_1470 = vector.extract_strided_slice %scan3A_11#29 {offsets = [14], sizes = [1], strides = [1]} : vector<16xf32> to vector<1xf32>
    %squeeze3A_1471 = vector.extract %slice3A_1470[0] : f32 from vector<1xf32>
    %add3A_1472 = arith.addf %add3A_1469, %squeeze3A_1471 : f32
    %slice3A_1473 = vector.extract_strided_slice %scan3A_11#29 {offsets = [15], sizes = [1], strides = [1]} : vector<16xf32> to vector<1xf32>
    %squeeze3A_1474 = vector.extract %slice3A_1473[0] : f32 from vector<1xf32>
    %add3A_1475 = arith.addf %add3A_1472, %squeeze3A_1474 : f32
    %mul3A_1476 = arith.mulf %add3A_1475, %add3A_1475 : f32
    %add3A_1477 = arith.addf %add3A_1428, %mul3A_1476 : f32
    %slice3A_1478 = vector.extract_strided_slice %scan3A_11#30 {offsets = [0], sizes = [1], strides = [1]} : vector<16xf32> to vector<1xf32>
    %squeeze3A_1479 = vector.extract %slice3A_1478[0] : f32 from vector<1xf32>
    %slice3A_1480 = vector.extract_strided_slice %scan3A_11#30 {offsets = [1], sizes = [1], strides = [1]} : vector<16xf32> to vector<1xf32>
    %squeeze3A_1481 = vector.extract %slice3A_1480[0] : f32 from vector<1xf32>
    %add3A_1482 = arith.addf %squeeze3A_1479, %squeeze3A_1481 : f32
    %slice3A_1483 = vector.extract_strided_slice %scan3A_11#30 {offsets = [2], sizes = [1], strides = [1]} : vector<16xf32> to vector<1xf32>
    %squeeze3A_1484 = vector.extract %slice3A_1483[0] : f32 from vector<1xf32>
    %add3A_1485 = arith.addf %add3A_1482, %squeeze3A_1484 : f32
    %slice3A_1486 = vector.extract_strided_slice %scan3A_11#30 {offsets = [3], sizes = [1], strides = [1]} : vector<16xf32> to vector<1xf32>
    %squeeze3A_1487 = vector.extract %slice3A_1486[0] : f32 from vector<1xf32>
    %add3A_1488 = arith.addf %add3A_1485, %squeeze3A_1487 : f32
    %slice3A_1489 = vector.extract_strided_slice %scan3A_11#30 {offsets = [4], sizes = [1], strides = [1]} : vector<16xf32> to vector<1xf32>
    %squeeze3A_1490 = vector.extract %slice3A_1489[0] : f32 from vector<1xf32>
    %add3A_1491 = arith.addf %add3A_1488, %squeeze3A_1490 : f32
    %slice3A_1492 = vector.extract_strided_slice %scan3A_11#30 {offsets = [5], sizes = [1], strides = [1]} : vector<16xf32> to vector<1xf32>
    %squeeze3A_1493 = vector.extract %slice3A_1492[0] : f32 from vector<1xf32>
    %add3A_1494 = arith.addf %add3A_1491, %squeeze3A_1493 : f32
    %slice3A_1495 = vector.extract_strided_slice %scan3A_11#30 {offsets = [6], sizes = [1], strides = [1]} : vector<16xf32> to vector<1xf32>
    %squeeze3A_1496 = vector.extract %slice3A_1495[0] : f32 from vector<1xf32>
    %add3A_1497 = arith.addf %add3A_1494, %squeeze3A_1496 : f32
    %slice3A_1498 = vector.extract_strided_slice %scan3A_11#30 {offsets = [7], sizes = [1], strides = [1]} : vector<16xf32> to vector<1xf32>
    %squeeze3A_1499 = vector.extract %slice3A_1498[0] : f32 from vector<1xf32>
    %add3A_1500 = arith.addf %add3A_1497, %squeeze3A_1499 : f32
    %slice3A_1501 = vector.extract_strided_slice %scan3A_11#30 {offsets = [8], sizes = [1], strides = [1]} : vector<16xf32> to vector<1xf32>
    %squeeze3A_1502 = vector.extract %slice3A_1501[0] : f32 from vector<1xf32>
    %add3A_1503 = arith.addf %add3A_1500, %squeeze3A_1502 : f32
    %slice3A_1504 = vector.extract_strided_slice %scan3A_11#30 {offsets = [9], sizes = [1], strides = [1]} : vector<16xf32> to vector<1xf32>
    %squeeze3A_1505 = vector.extract %slice3A_1504[0] : f32 from vector<1xf32>
    %add3A_1506 = arith.addf %add3A_1503, %squeeze3A_1505 : f32
    %slice3A_1507 = vector.extract_strided_slice %scan3A_11#30 {offsets = [10], sizes = [1], strides = [1]} : vector<16xf32> to vector<1xf32>
    %squeeze3A_1508 = vector.extract %slice3A_1507[0] : f32 from vector<1xf32>
    %add3A_1509 = arith.addf %add3A_1506, %squeeze3A_1508 : f32
    %slice3A_1510 = vector.extract_strided_slice %scan3A_11#30 {offsets = [11], sizes = [1], strides = [1]} : vector<16xf32> to vector<1xf32>
    %squeeze3A_1511 = vector.extract %slice3A_1510[0] : f32 from vector<1xf32>
    %add3A_1512 = arith.addf %add3A_1509, %squeeze3A_1511 : f32
    %slice3A_1513 = vector.extract_strided_slice %scan3A_11#30 {offsets = [12], sizes = [1], strides = [1]} : vector<16xf32> to vector<1xf32>
    %squeeze3A_1514 = vector.extract %slice3A_1513[0] : f32 from vector<1xf32>
    %add3A_1515 = arith.addf %add3A_1512, %squeeze3A_1514 : f32
    %slice3A_1516 = vector.extract_strided_slice %scan3A_11#30 {offsets = [13], sizes = [1], strides = [1]} : vector<16xf32> to vector<1xf32>
    %squeeze3A_1517 = vector.extract %slice3A_1516[0] : f32 from vector<1xf32>
    %add3A_1518 = arith.addf %add3A_1515, %squeeze3A_1517 : f32
    %slice3A_1519 = vector.extract_strided_slice %scan3A_11#30 {offsets = [14], sizes = [1], strides = [1]} : vector<16xf32> to vector<1xf32>
    %squeeze3A_1520 = vector.extract %slice3A_1519[0] : f32 from vector<1xf32>
    %add3A_1521 = arith.addf %add3A_1518, %squeeze3A_1520 : f32
    %slice3A_1522 = vector.extract_strided_slice %scan3A_11#30 {offsets = [15], sizes = [1], strides = [1]} : vector<16xf32> to vector<1xf32>
    %squeeze3A_1523 = vector.extract %slice3A_1522[0] : f32 from vector<1xf32>
    %add3A_1524 = arith.addf %add3A_1521, %squeeze3A_1523 : f32
    %mul3A_1525 = arith.mulf %add3A_1524, %add3A_1524 : f32
    %add3A_1526 = arith.addf %add3A_1477, %mul3A_1525 : f32
    "tpu.region"() ({
      %run_scoped3A = tpu.sem_alloc : memref<!tpu.dma_semaphore, #tpu.memory_space<semaphore_mem>>
      tpu.enqueue_dma source(%arg6 : memref<16xf32, #tpu.memory_space<hbm>>) target(%arg13 : memref<16xf32, #tpu.memory_space<vmem>>) target_semaphore(%run_scoped3A : memref<!tpu.dma_semaphore, #tpu.memory_space<semaphore_mem>>)
      tpu.wait_dma2 semaphore(%run_scoped3A : memref<!tpu.dma_semaphore, #tpu.memory_space<semaphore_mem>>) src(%arg6 : memref<16xf32, #tpu.memory_space<hbm>>) dst(%arg13 : memref<16xf32, #tpu.memory_space<vmem>>)
      tpu.yield
    }) : () -> ()
    %get3A = arith.constant 0 : index
    %get3A_1527 = tpu.vector_load %arg13[%get3A] {strides = array<i32>} : memref<16xf32, #tpu.memory_space<vmem>>, vector<16xf32>,
    %get3A_1528 = vector.shape_cast %get3A_1527 : vector<16xf32> to vector<16xf32>
    %slice3A_1529 = vector.extract_strided_slice %get3A_1528 {offsets = [0], sizes = [1], strides = [1]} : vector<16xf32> to vector<1xf32>
    %squeeze3A_1530 = vector.extract %slice3A_1529[0] : f32 from vector<1xf32>
    %mul3A_1531 = arith.constant 0.0833333358 : f32
    %mul3A_1532 = arith.mulf %add3A_56, %mul3A_1531 : f32
    %mul3A_1533 = arith.constant 1.000000e-01 : f32
    %mul3A_1534 = arith.mulf %mul3A_1533, %mul3A_1532 : f32
    %add3A_1535 = arith.addf %squeeze3A_1530, %mul3A_1534 : f32
    %mul3A_1536 = arith.constant 0.013888889 : f32
    %mul3A_1537 = arith.mulf %add3A_1526, %mul3A_1536 : f32
    %mul3A_1538 = arith.constant 5.000000e-02 : f32
    %mul3A_1539 = arith.mulf %mul3A_1538, %mul3A_1537 : f32
    %add3A_1540 = arith.addf %add3A_1535, %mul3A_1539 : f32
    %broadcast_in_dim3A_1541 = vector.broadcast %add3A_1540 : f32 to vector<16xf32>
    %swap3A = arith.constant 0 : index
    %swap3A_1542 = tpu.vector_load %arg13[%swap3A] {strides = array<i32>} : memref<16xf32, #tpu.memory_space<vmem>>, vector<16xf32>,
    %swap3A_1543 = vector.shape_cast %swap3A_1542 : vector<16xf32> to vector<16xf32>
    %swap3A_1544 = vector.shape_cast %broadcast_in_dim3A_1541 : vector<16xf32> to vector<16xf32>
    tpu.vector_store %arg13[%swap3A], %swap3A_1544 {strides = array<i32>} : memref<16xf32, #tpu.memory_space<vmem>>, vector<16xf32>,
    %convert_element_type3A = arith.extui %and3A : i1 to i32
    %cond3A = arith.constant 0 : i32
    %cond3A_1545 = arith.cmpi ne, %convert_element_type3A, %cond3A : i32
    scf.if %cond3A_1545 {
      "tpu.region"() ({
        %run_scoped3A = tpu.sem_alloc : memref<!tpu.dma_semaphore, #tpu.memory_space<semaphore_mem>>
        tpu.enqueue_dma source(%arg10 : memref<16x1024xf32, #tpu.memory_space<vmem>>) target(%arg7 : memref<16x1024xf32, #tpu.memory_space<hbm>>) target_semaphore(%run_scoped3A : memref<!tpu.dma_semaphore, #tpu.memory_space<semaphore_mem>>)
        tpu.wait_dma2 semaphore(%run_scoped3A : memref<!tpu.dma_semaphore, #tpu.memory_space<semaphore_mem>>) src(%arg10 : memref<16x1024xf32, #tpu.memory_space<vmem>>) dst(%arg7 : memref<16x1024xf32, #tpu.memory_space<hbm>>)
        tpu.yield
      }) : () -> ()
      "tpu.region"() ({
        %run_scoped3A = tpu.sem_alloc : memref<!tpu.dma_semaphore, #tpu.memory_space<semaphore_mem>>
        tpu.enqueue_dma source(%arg13 : memref<16xf32, #tpu.memory_space<vmem>>) target(%arg8 : memref<16xf32, #tpu.memory_space<hbm>>) target_semaphore(%run_scoped3A : memref<!tpu.dma_semaphore, #tpu.memory_space<semaphore_mem>>)
        tpu.wait_dma2 semaphore(%run_scoped3A : memref<!tpu.dma_semaphore, #tpu.memory_space<semaphore_mem>>) src(%arg13 : memref<16xf32, #tpu.memory_space<vmem>>) dst(%arg8 : memref<16xf32, #tpu.memory_space<hbm>>)
        tpu.yield
      }) : () -> ()
    } else {
    }
    return
  }
}

module attributes {stable_mosaic.version = 14 : i64} {
  func.func @_fused_kernel(%arg0: i32, %arg1: memref<2x512x1024xf32, #tpu.memory_space<vmem>>, %arg2: memref<2x1024xf32, #tpu.memory_space<vmem>>, %arg3: memref<1024x1024xf32, #tpu.memory_space<vmem>>, %arg4: memref<1024xf32, #tpu.memory_space<vmem>>, %arg5: memref<1024xf32, #tpu.memory_space<vmem>>, %arg6: memref<1024xf32, #tpu.memory_space<vmem>>, %arg7: memref<1024x1024xf32, #tpu.memory_space<vmem>>, %arg8: memref<1024xf32, #tpu.memory_space<vmem>>, %arg9: memref<1024x1024xf32, #tpu.memory_space<vmem>>, %arg10: memref<1024xf32, #tpu.memory_space<vmem>>, %arg11: memref<1024xf32, #tpu.memory_space<vmem>>, %arg12: memref<1024xf32, #tpu.memory_space<vmem>>, %arg13: memref<1024x1024xf32, #tpu.memory_space<vmem>>, %arg14: memref<1024xf32, #tpu.memory_space<vmem>>, %arg15: memref<1024x1024xf32, #tpu.memory_space<vmem>>, %arg16: memref<1024xf32, #tpu.memory_space<vmem>>, %arg17: memref<1024x1024xf32, #tpu.memory_space<vmem>>, %arg18: memref<2x6xi32, #tpu.memory_space<smem>>, %arg19: memref<2x4096xf32, #tpu.memory_space<vmem>>, %arg20: memref<16xi32, #tpu.memory_space<vmem>>, %arg21: memref<16xf32, #tpu.memory_space<vmem>>, %arg22: memref<2x1024xf32, #tpu.memory_space<vmem>>, %arg23: memref<2x1024xf32, #tpu.memory_space<vmem>>, %arg24: memref<2x1024xf32, #tpu.memory_space<vmem>>, %arg25: memref<2x1024xf32, #tpu.memory_space<vmem>>, %arg26: memref<16x1024xf32, #tpu.memory_space<vmem>>, %arg27: memref<2x4096xf32, #tpu.memory_space<vmem>>, %arg28: memref<16x4096xf32, #tpu.memory_space<vmem>>) attributes {dimension_semantics = [#tpu.dimension_semantics<arbitrary>], iteration_bounds = array<i64: 10>, scalar_prefetch = 0 : i64, scratch_operands = 5 : i64, tpu.core_type = #tpu.core_type<tc>, window_params = [{transform_indices = @transform_0, window_bounds = array<i64: 2, 512, 1024>}, {pipeline_mode = #tpu.pipeline_mode<synchronous>, transform_indices = @transform_1, window_bounds = array<i64: 2, 1024>}, {pipeline_mode = #tpu.pipeline_mode<synchronous>, transform_indices = @transform_2, window_bounds = array<i64: 1024, 1024>}, {pipeline_mode = #tpu.pipeline_mode<synchronous>, transform_indices = @transform_3, window_bounds = array<i64: 1024>}, {pipeline_mode = #tpu.pipeline_mode<synchronous>, transform_indices = @transform_4, window_bounds = array<i64: 1024>}, {pipeline_mode = #tpu.pipeline_mode<synchronous>, transform_indices = @transform_5, window_bounds = array<i64: 1024>}, {pipeline_mode = #tpu.pipeline_mode<synchronous>, transform_indices = @transform_6, window_bounds = array<i64: 1024, 1024>}, {pipeline_mode = #tpu.pipeline_mode<synchronous>, transform_indices = @transform_7, window_bounds = array<i64: 1024>}, {pipeline_mode = #tpu.pipeline_mode<synchronous>, transform_indices = @transform_8, window_bounds = array<i64: 1024, 1024>}, {pipeline_mode = #tpu.pipeline_mode<synchronous>, transform_indices = @transform_9, window_bounds = array<i64: 1024>}, {pipeline_mode = #tpu.pipeline_mode<synchronous>, transform_indices = @transform_10, window_bounds = array<i64: 1024>}, {pipeline_mode = #tpu.pipeline_mode<synchronous>, transform_indices = @transform_11, window_bounds = array<i64: 1024>}, {pipeline_mode = #tpu.pipeline_mode<synchronous>, transform_indices = @transform_12, window_bounds = array<i64: 1024, 1024>}, {pipeline_mode = #tpu.pipeline_mode<synchronous>, transform_indices = @transform_13, window_bounds = array<i64: 1024>}, {transform_indices = @transform_14, window_bounds = array<i64: 1024, 1024>}, {transform_indices = @transform_15, window_bounds = array<i64: 1024>}, {transform_indices = @transform_16, window_bounds = array<i64: 1024, 1024>}, {transform_indices = @transform_17, window_bounds = array<i64: 2, 6>}, {pipeline_mode = #tpu.pipeline_mode<synchronous>, transform_indices = @transform_18, window_bounds = array<i64: 2, 4096>}, {pipeline_mode = #tpu.pipeline_mode<synchronous>, transform_indices = @transform_19, window_bounds = array<i64: 16>}, {pipeline_mode = #tpu.pipeline_mode<synchronous>, transform_indices = @transform_20, window_bounds = array<i64: 16>}, {pipeline_mode = #tpu.pipeline_mode<synchronous>, transform_indices = @transform_21, window_bounds = array<i64: 2, 1024>}, {pipeline_mode = #tpu.pipeline_mode<synchronous>, transform_indices = @transform_22, window_bounds = array<i64: 2, 1024>}]} {
    %eq3A = arith.constant 0 : i32
    %eq3A_0 = arith.cmpi eq, %arg0, %eq3A : i32
    %convert_element_type3A = arith.extui %eq3A_0 : i1 to i32
    %cond3A = arith.constant 0 : i32
    %cond3A_1 = arith.cmpi ne, %convert_element_type3A, %cond3A : i32
    scf.if %cond3A_1 {
      %get3A = arith.constant 0 : index
      %get3A_12 = arith.constant 0 : index
      %get3A_13 = vector.load %arg2[%get3A, %get3A_12] : memref<2x1024xf32, #tpu.memory_space<vmem>>, vector<2x1024xf32>
      %get3A_14 = arith.constant 0 : index
      %get3A_15 = arith.constant 0 : index
      %get3A_16 = vector.load %arg3[%get3A_14, %get3A_15] : memref<1024x1024xf32, #tpu.memory_space<vmem>>, vector<1024x1024xf32>
      %dot_general3A = arith.constant dense<0.000000e+00> : vector<2x1024xf32>
      %dot_general3A_17 = tpu.matmul %get3A_13, %get3A_16, %dot_general3A {dimension_numbers = #tpu.dot_dimension_numbers<[1], [1], [0], [0], [0, 0, 1, 0], [], []>, transpose_lhs_hint = false} : vector<2x1024xf32>, vector<1024x1024xf32>, vector<2x1024xf32> -> vector<2x1024xf32>
      %get3A_18 = arith.constant 0 : index
      %get3A_19 = vector.load %arg4[%get3A_18] : memref<1024xf32, #tpu.memory_space<vmem>>, vector<1024xf32>
      %broadcast_in_dim3A = vector.shape_cast %get3A_19 : vector<1024xf32> to vector<1x1024xf32>
      %add3A = vector.broadcast %broadcast_in_dim3A : vector<1x1024xf32> to vector<2x1024xf32>
      %add3A_20 = arith.addf %dot_general3A_17, %add3A : vector<2x1024xf32>
      %get3A_21 = arith.constant 0 : index
      %get3A_22 = vector.load %arg5[%get3A_21] : memref<1024xf32, #tpu.memory_space<vmem>>, vector<1024xf32>
      %broadcast_in_dim3A_23 = vector.shape_cast %get3A_22 : vector<1024xf32> to vector<1x1024xf32>
      %get3A_24 = arith.constant 0 : index
      %get3A_25 = vector.load %arg6[%get3A_24] : memref<1024xf32, #tpu.memory_space<vmem>>, vector<1024xf32>
      %broadcast_in_dim3A_26 = vector.shape_cast %get3A_25 : vector<1024xf32> to vector<1x1024xf32>
      %reduce_sum3A = arith.constant dense<0.000000e+00> : vector<2xf32>
      %reduce_sum3A_27 = vector.multi_reduction <add>, %add3A_20, %reduce_sum3A [1] : vector<2x1024xf32> to vector<2xf32>
      %broadcast_in_dim3A_28 = vector.shape_cast %reduce_sum3A_27 : vector<2xf32> to vector<2x1xf32>
      %div3A = arith.constant 1.024000e+03 : f32
      %div3A_29 = vector.broadcast %div3A : f32 to vector<2x1xf32>
      %div3A_30 = arith.divf %broadcast_in_dim3A_28, %div3A_29 : vector<2x1xf32>
      %sub3A = vector.broadcast %div3A_30 : vector<2x1xf32> to vector<2x1024xf32>
      %sub3A_31 = arith.subf %add3A_20, %sub3A : vector<2x1024xf32>
      %integer_pow3A = arith.mulf %sub3A_31, %sub3A_31 : vector<2x1024xf32>
      %reduce_sum3A_32 = arith.constant dense<0.000000e+00> : vector<2xf32>
      %reduce_sum3A_33 = vector.multi_reduction <add>, %integer_pow3A, %reduce_sum3A_32 [1] : vector<2x1024xf32> to vector<2xf32>
      %broadcast_in_dim3A_34 = vector.shape_cast %reduce_sum3A_33 : vector<2xf32> to vector<2x1xf32>
      %div3A_35 = arith.constant 1.024000e+03 : f32
      %div3A_36 = vector.broadcast %div3A_35 : f32 to vector<2x1xf32>
      %div3A_37 = arith.divf %broadcast_in_dim3A_34, %div3A_36 : vector<2x1xf32>
      %sub3A_38 = vector.broadcast %div3A_30 : vector<2x1xf32> to vector<2x1024xf32>
      %sub3A_39 = arith.subf %add3A_20, %sub3A_38 : vector<2x1024xf32>
      %add3A_40 = arith.constant 9.99999974E-6 : f32
      %add3A_41 = vector.broadcast %add3A_40 : f32 to vector<2x1xf32>
      %add3A_42 = arith.addf %div3A_37, %add3A_41 : vector<2x1xf32>
      %sqrt3A = math.sqrt %add3A_42 : vector<2x1xf32>
      %div3A_43 = vector.broadcast %sqrt3A : vector<2x1xf32> to vector<2x1024xf32>
      %div3A_44 = arith.divf %sub3A_39, %div3A_43 : vector<2x1024xf32>
      %mul3A = vector.broadcast %broadcast_in_dim3A_23 : vector<1x1024xf32> to vector<2x1024xf32>
      %mul3A_45 = arith.mulf %div3A_44, %mul3A : vector<2x1024xf32>
      %add3A_46 = vector.broadcast %broadcast_in_dim3A_26 : vector<1x1024xf32> to vector<2x1024xf32>
      %add3A_47 = arith.addf %mul3A_45, %add3A_46 : vector<2x1024xf32>
      %max3A = arith.constant 0.000000e+00 : f32
      %max3A_48 = vector.broadcast %max3A : f32 to vector<2x1024xf32>
      %max3A_49 = arith.maximumf %add3A_47, %max3A_48 : vector<2x1024xf32>
      %get3A_50 = arith.constant 0 : index
      %get3A_51 = arith.constant 0 : index
      %get3A_52 = vector.load %arg7[%get3A_50, %get3A_51] : memref<1024x1024xf32, #tpu.memory_space<vmem>>, vector<1024x1024xf32>
      %dot_general3A_53 = arith.constant dense<0.000000e+00> : vector<2x1024xf32>
      %dot_general3A_54 = tpu.matmul %max3A_49, %get3A_52, %dot_general3A_53 {dimension_numbers = #tpu.dot_dimension_numbers<[1], [1], [0], [0], [0, 0, 1, 0], [], []>, transpose_lhs_hint = false} : vector<2x1024xf32>, vector<1024x1024xf32>, vector<2x1024xf32> -> vector<2x1024xf32>
      %get3A_55 = arith.constant 0 : index
      %get3A_56 = vector.load %arg8[%get3A_55] : memref<1024xf32, #tpu.memory_space<vmem>>, vector<1024xf32>
      %broadcast_in_dim3A_57 = vector.shape_cast %get3A_56 : vector<1024xf32> to vector<1x1024xf32>
      %add3A_58 = vector.broadcast %broadcast_in_dim3A_57 : vector<1x1024xf32> to vector<2x1024xf32>
      %add3A_59 = arith.addf %dot_general3A_54, %add3A_58 : vector<2x1024xf32>
      %get3A_60 = arith.constant 0 : index
      %get3A_61 = arith.constant 0 : index
      %get3A_62 = vector.load %arg9[%get3A_60, %get3A_61] : memref<1024x1024xf32, #tpu.memory_space<vmem>>, vector<1024x1024xf32>
      %dot_general3A_63 = arith.constant dense<0.000000e+00> : vector<2x1024xf32>
      %dot_general3A_64 = tpu.matmul %get3A_13, %get3A_62, %dot_general3A_63 {dimension_numbers = #tpu.dot_dimension_numbers<[1], [1], [0], [0], [0, 0, 1, 0], [], []>, transpose_lhs_hint = false} : vector<2x1024xf32>, vector<1024x1024xf32>, vector<2x1024xf32> -> vector<2x1024xf32>
      %get3A_65 = arith.constant 0 : index
      %get3A_66 = vector.load %arg10[%get3A_65] : memref<1024xf32, #tpu.memory_space<vmem>>, vector<1024xf32>
      %broadcast_in_dim3A_67 = vector.shape_cast %get3A_66 : vector<1024xf32> to vector<1x1024xf32>
      %add3A_68 = vector.broadcast %broadcast_in_dim3A_67 : vector<1x1024xf32> to vector<2x1024xf32>
      %add3A_69 = arith.addf %dot_general3A_64, %add3A_68 : vector<2x1024xf32>
      %get3A_70 = arith.constant 0 : index
      %get3A_71 = vector.load %arg11[%get3A_70] : memref<1024xf32, #tpu.memory_space<vmem>>, vector<1024xf32>
      %broadcast_in_dim3A_72 = vector.shape_cast %get3A_71 : vector<1024xf32> to vector<1x1024xf32>
      %get3A_73 = arith.constant 0 : index
      %get3A_74 = vector.load %arg12[%get3A_73] : memref<1024xf32, #tpu.memory_space<vmem>>, vector<1024xf32>
      %broadcast_in_dim3A_75 = vector.shape_cast %get3A_74 : vector<1024xf32> to vector<1x1024xf32>
      %reduce_sum3A_76 = arith.constant dense<0.000000e+00> : vector<2xf32>
      %reduce_sum3A_77 = vector.multi_reduction <add>, %add3A_69, %reduce_sum3A_76 [1] : vector<2x1024xf32> to vector<2xf32>
      %broadcast_in_dim3A_78 = vector.shape_cast %reduce_sum3A_77 : vector<2xf32> to vector<2x1xf32>
      %div3A_79 = arith.constant 1.024000e+03 : f32
      %div3A_80 = vector.broadcast %div3A_79 : f32 to vector<2x1xf32>
      %div3A_81 = arith.divf %broadcast_in_dim3A_78, %div3A_80 : vector<2x1xf32>
      %sub3A_82 = vector.broadcast %div3A_81 : vector<2x1xf32> to vector<2x1024xf32>
      %sub3A_83 = arith.subf %add3A_69, %sub3A_82 : vector<2x1024xf32>
      %integer_pow3A_84 = arith.mulf %sub3A_83, %sub3A_83 : vector<2x1024xf32>
      %reduce_sum3A_85 = arith.constant dense<0.000000e+00> : vector<2xf32>
      %reduce_sum3A_86 = vector.multi_reduction <add>, %integer_pow3A_84, %reduce_sum3A_85 [1] : vector<2x1024xf32> to vector<2xf32>
      %broadcast_in_dim3A_87 = vector.shape_cast %reduce_sum3A_86 : vector<2xf32> to vector<2x1xf32>
      %div3A_88 = arith.constant 1.024000e+03 : f32
      %div3A_89 = vector.broadcast %div3A_88 : f32 to vector<2x1xf32>
      %div3A_90 = arith.divf %broadcast_in_dim3A_87, %div3A_89 : vector<2x1xf32>
      %sub3A_91 = vector.broadcast %div3A_81 : vector<2x1xf32> to vector<2x1024xf32>
      %sub3A_92 = arith.subf %add3A_69, %sub3A_91 : vector<2x1024xf32>
      %add3A_93 = arith.constant 9.99999974E-6 : f32
      %add3A_94 = vector.broadcast %add3A_93 : f32 to vector<2x1xf32>
      %add3A_95 = arith.addf %div3A_90, %add3A_94 : vector<2x1xf32>
      %sqrt3A_96 = math.sqrt %add3A_95 : vector<2x1xf32>
      %div3A_97 = vector.broadcast %sqrt3A_96 : vector<2x1xf32> to vector<2x1024xf32>
      %div3A_98 = arith.divf %sub3A_92, %div3A_97 : vector<2x1024xf32>
      %mul3A_99 = vector.broadcast %broadcast_in_dim3A_72 : vector<1x1024xf32> to vector<2x1024xf32>
      %mul3A_100 = arith.mulf %div3A_98, %mul3A_99 : vector<2x1024xf32>
      %add3A_101 = vector.broadcast %broadcast_in_dim3A_75 : vector<1x1024xf32> to vector<2x1024xf32>
      %add3A_102 = arith.addf %mul3A_100, %add3A_101 : vector<2x1024xf32>
      %max3A_103 = arith.constant 0.000000e+00 : f32
      %max3A_104 = vector.broadcast %max3A_103 : f32 to vector<2x1024xf32>
      %max3A_105 = arith.maximumf %add3A_102, %max3A_104 : vector<2x1024xf32>
      %get3A_106 = arith.constant 0 : index
      %get3A_107 = arith.constant 0 : index
      %get3A_108 = vector.load %arg13[%get3A_106, %get3A_107] : memref<1024x1024xf32, #tpu.memory_space<vmem>>, vector<1024x1024xf32>
      %dot_general3A_109 = arith.constant dense<0.000000e+00> : vector<2x1024xf32>
      %dot_general3A_110 = tpu.matmul %max3A_105, %get3A_108, %dot_general3A_109 {dimension_numbers = #tpu.dot_dimension_numbers<[1], [1], [0], [0], [0, 0, 1, 0], [], []>, transpose_lhs_hint = false} : vector<2x1024xf32>, vector<1024x1024xf32>, vector<2x1024xf32> -> vector<2x1024xf32>
      %get3A_111 = arith.constant 0 : index
      %get3A_112 = vector.load %arg14[%get3A_111] : memref<1024xf32, #tpu.memory_space<vmem>>, vector<1024xf32>
      %broadcast_in_dim3A_113 = vector.shape_cast %get3A_112 : vector<1024xf32> to vector<1x1024xf32>
      %add3A_114 = vector.broadcast %broadcast_in_dim3A_113 : vector<1x1024xf32> to vector<2x1024xf32>
      %add3A_115 = arith.addf %dot_general3A_110, %add3A_114 : vector<2x1024xf32>
      %max3A_116 = arith.constant 0.000000e+00 : f32
      %max3A_117 = vector.broadcast %max3A_116 : f32 to vector<2x1024xf32>
      %max3A_118 = arith.maximumf %add3A_115, %max3A_117 : vector<2x1024xf32>
      %abs3A = math.absf %add3A_115 : vector<2x1024xf32>
      %neg3A = arith.constant 0.000000e+00 : f32
      %neg3A_119 = vector.broadcast %neg3A : f32 to vector<2x1024xf32>
      %neg3A_120 = arith.subf %neg3A_119, %abs3A : vector<2x1024xf32>
      %exp3A = math.exp %neg3A_120 : vector<2x1024xf32>
      %log1p3A = math.log1p %exp3A : vector<2x1024xf32>
      %add3A_121 = arith.addf %max3A_118, %log1p3A : vector<2x1024xf32>
      %add3A_122 = arith.constant 9.99999997E-7 : f32
      %add3A_123 = vector.broadcast %add3A_122 : f32 to vector<2x1024xf32>
      %add3A_124 = arith.addf %add3A_121, %add3A_123 : vector<2x1024xf32>
      %swap3A = arith.constant 0 : index
      %swap3A_125 = arith.constant 0 : index
      %swap3A_126 = vector.load %arg24[%swap3A, %swap3A_125] : memref<2x1024xf32, #tpu.memory_space<vmem>>, vector<2x1024xf32>
      tpu.vector_store %arg24[%swap3A, %swap3A_125], %add3A_59 {strides = array<i32>} : memref<2x1024xf32, #tpu.memory_space<vmem>>, vector<2x1024xf32>,
      %div3A_127 = arith.constant 1.000000e+00 : f32
      %div3A_128 = vector.broadcast %div3A_127 : f32 to vector<2x1024xf32>
      %div3A_129 = arith.divf %div3A_128, %add3A_124 : vector<2x1024xf32>
      %swap3A_130 = arith.constant 0 : index
      %swap3A_131 = arith.constant 0 : index
      %swap3A_132 = vector.load %arg25[%swap3A_130, %swap3A_131] : memref<2x1024xf32, #tpu.memory_space<vmem>>, vector<2x1024xf32>
      tpu.vector_store %arg25[%swap3A_130, %swap3A_131], %div3A_129 {strides = array<i32>} : memref<2x1024xf32, #tpu.memory_space<vmem>>, vector<2x1024xf32>,
      %get3A_133 = arith.constant 0 : index
      %get3A_134 = arith.constant 0 : index
      %get3A_135 = vector.load %arg15[%get3A_133, %get3A_134] : memref<1024x1024xf32, #tpu.memory_space<vmem>>, vector<1024x1024xf32>
      %dot_general3A_136 = arith.constant dense<0.000000e+00> : vector<2x1024xf32>
      %dot_general3A_137 = tpu.matmul %add3A_59, %get3A_135, %dot_general3A_136 {dimension_numbers = #tpu.dot_dimension_numbers<[1], [1], [0], [0], [0, 0, 1, 0], [], []>, transpose_lhs_hint = false} : vector<2x1024xf32>, vector<1024x1024xf32>, vector<2x1024xf32> -> vector<2x1024xf32>
      %get3A_138 = arith.constant 0 : index
      %get3A_139 = vector.load %arg16[%get3A_138] : memref<1024xf32, #tpu.memory_space<vmem>>, vector<1024xf32>
      %broadcast_in_dim3A_140 = vector.shape_cast %get3A_139 : vector<1024xf32> to vector<1x1024xf32>
      %add3A_141 = vector.broadcast %broadcast_in_dim3A_140 : vector<1x1024xf32> to vector<2x1024xf32>
      %add3A_142 = arith.addf %dot_general3A_137, %add3A_141 : vector<2x1024xf32>
      %broadcast_in_dim3A_143 = vector.shape_cast %add3A_142 : vector<2x1024xf32> to vector<2x1x1024xf32>
      %broadcast_in_dim3A_144 = vector.shape_cast %broadcast_in_dim3A_143 : vector<2x1x1024xf32> to vector<2x1x1024xf32>
      %broadcast_in_dim3A_145 = vector.broadcast %broadcast_in_dim3A_144 : vector<2x1x1024xf32> to vector<2x8x1024xf32>
      %reshape3A = vector.shape_cast %broadcast_in_dim3A_145 : vector<2x8x1024xf32> to vector<16x1024xf32>
      %iota3A = tpu.iota {dimensions = array<i32: 1>} : vector<16x1024xi32>
      %jit3A = arith.constant 128 : i32
      %div3A_146 = vector.broadcast %jit3A : i32 to vector<16x1024xi32>
      %div3A_147 = arith.divsi %iota3A, %div3A_146 : vector<16x1024xi32>
      %sign3A = arith.constant 0 : i32
      %sign3A_148 = vector.broadcast %sign3A : i32 to vector<16x1024xi32>
      %sign3A_149 = arith.cmpi sgt, %iota3A, %sign3A_148 : vector<16x1024xi32>
      %sign3A_150 = arith.extui %sign3A_149 : vector<16x1024xi1> to vector<16x1024xi32>
      %sign3A_151 = arith.constant 0 : i32
      %sign3A_152 = vector.broadcast %sign3A_151 : i32 to vector<16x1024xi32>
      %sign3A_153 = arith.cmpi slt, %iota3A, %sign3A_152 : vector<16x1024xi32>
      %sign3A_154 = arith.extui %sign3A_153 : vector<16x1024xi1> to vector<16x1024xi32>
      %sign3A_155 = arith.subi %sign3A_150, %sign3A_154 : vector<16x1024xi32>
      %sign3A_156 = arith.constant 0 : i32
      %sign3A_157 = arith.cmpi sgt, %jit3A, %sign3A_156 : i32
      %sign3A_158 = arith.extui %sign3A_157 : i1 to i32
      %sign3A_159 = arith.constant 0 : i32
      %sign3A_160 = arith.cmpi slt, %jit3A, %sign3A_159 : i32
      %sign3A_161 = arith.extui %sign3A_160 : i1 to i32
      %sign3A_162 = arith.subi %sign3A_158, %sign3A_161 : i32
      %ne3A = vector.broadcast %sign3A_162 : i32 to vector<16x1024xi32>
      %ne3A_163 = arith.cmpi ne, %sign3A_155, %ne3A : vector<16x1024xi32>
      %rem3A = vector.broadcast %jit3A : i32 to vector<16x1024xi32>
      %rem3A_164 = arith.remsi %iota3A, %rem3A : vector<16x1024xi32>
      %ne3A_165 = arith.constant 0 : i32
      %ne3A_166 = vector.broadcast %ne3A_165 : i32 to vector<16x1024xi32>
      %ne3A_167 = arith.cmpi ne, %rem3A_164, %ne3A_166 : vector<16x1024xi32>
      %and3A_168 = arith.andi %ne3A_163, %ne3A_167 : vector<16x1024xi1>
      %sub3A_169 = arith.constant 1 : i32
      %sub3A_170 = vector.broadcast %sub3A_169 : i32 to vector<16x1024xi32>
      %sub3A_171 = arith.subi %div3A_147, %sub3A_170 : vector<16x1024xi32>
      %select_n3A = arith.select %and3A_168, %sub3A_171, %div3A_147 : vector<16x1024xi1>, vector<16x1024xi32>
      %iota3A_172 = tpu.iota {dimensions = array<i32: 0>} : vector<16x1024xi32>
      %jit3A_173 = arith.constant 8 : i32
      %eq3A_174 = arith.constant 0 : i32
      %eq3A_175 = arith.cmpi eq, %jit3A_173, %eq3A_174 : i32
      %jit3A_176 = arith.constant 1 : i32
      %select_n3A_177 = arith.select %eq3A_175, %jit3A_176, %jit3A_173 : i32
      %rem3A_178 = vector.broadcast %select_n3A_177 : i32 to vector<16x1024xi32>
      %rem3A_179 = arith.remsi %iota3A_172, %rem3A_178 : vector<16x1024xi32>
      %ne3A_180 = arith.constant 0 : i32
      %ne3A_181 = vector.broadcast %ne3A_180 : i32 to vector<16x1024xi32>
      %ne3A_182 = arith.cmpi ne, %rem3A_179, %ne3A_181 : vector<16x1024xi32>
      %lt3A = arith.constant 0 : i32
      %lt3A_183 = vector.broadcast %lt3A : i32 to vector<16x1024xi32>
      %lt3A_184 = arith.cmpi slt, %rem3A_179, %lt3A_183 : vector<16x1024xi32>
      %lt3A_185 = arith.constant 0 : i32
      %lt3A_186 = arith.cmpi slt, %select_n3A_177, %lt3A_185 : i32
      %ne3A_187 = vector.broadcast %lt3A_186 : i1 to vector<16x1024xi1>
      %ne3A_188 = vector.broadcast %ne3A_187 : vector<16x1024xi1> to vector<16x1024xi1>
      %ne3A_189 = arith.xori %lt3A_184, %ne3A_188 : vector<16x1024xi1>
      %and3A_190 = arith.andi %ne3A_189, %ne3A_182 : vector<16x1024xi1>
      %add3A_191 = vector.broadcast %select_n3A_177 : i32 to vector<16x1024xi32>
      %add3A_192 = arith.addi %rem3A_179, %add3A_191 : vector<16x1024xi32>
      %select_n3A_193 = arith.select %and3A_190, %add3A_192, %rem3A_179 : vector<16x1024xi1>, vector<16x1024xi32>
      %eq3A_194 = arith.cmpi eq, %select_n3A, %select_n3A_193 : vector<16x1024xi32>
      %jit3A_195 = arith.constant 0.000000e+00 : f32
      %broadcast_in_dim3A_196 = vector.broadcast %jit3A_195 : f32 to vector<16x1024xf32>
      %select_n3A_197 = arith.select %eq3A_194, %reshape3A, %broadcast_in_dim3A_196 : vector<16x1024xi1>, vector<16x1024xf32>
      %get3A_198 = arith.constant 0 : index
      %get3A_199 = arith.constant 0 : index
      %get3A_200 = vector.load %arg17[%get3A_198, %get3A_199] : memref<1024x1024xf32, #tpu.memory_space<vmem>>, vector<1024x1024xf32>
      %dot_general3A_201 = arith.constant dense<0.000000e+00> : vector<16x1024xf32>
      %dot_general3A_202 = tpu.matmul %select_n3A_197, %get3A_200, %dot_general3A_201 {dimension_numbers = #tpu.dot_dimension_numbers<[1], [0], [0], [1], [0, 0, 1, 1], [], []>, transpose_lhs_hint = false} : vector<16x1024xf32>, vector<1024x1024xf32>, vector<16x1024xf32> -> vector<16x1024xf32>
      %mul3A_203 = arith.constant 0.0883883461 : f32
      %mul3A_204 = vector.broadcast %mul3A_203 : f32 to vector<16x1024xf32>
      %mul3A_205 = arith.mulf %dot_general3A_202, %mul3A_204 : vector<16x1024xf32>
      %swap3A_206 = arith.constant 0 : index
      %swap3A_207 = arith.constant 0 : index
      %swap3A_208 = vector.load %arg26[%swap3A_206, %swap3A_207] : memref<16x1024xf32, #tpu.memory_space<vmem>>, vector<16x1024xf32>
      tpu.vector_store %arg26[%swap3A_206, %swap3A_207], %mul3A_205 {strides = array<i32>} : memref<16x1024xf32, #tpu.memory_space<vmem>>, vector<16x1024xf32>,
    } else {
    }
    %ge3A = arith.constant 1 : i32
    %ge3A_2 = arith.cmpi sge, %arg0, %ge3A : i32
    %le3A = arith.constant 8 : i32
    %le3A_3 = arith.cmpi sle, %arg0, %le3A : i32
    %and3A = arith.andi %ge3A_2, %le3A_3 : i1
    %convert_element_type3A_4 = arith.extui %and3A : i1 to i32
    %cond3A_5 = arith.constant 0 : i32
    %cond3A_6 = arith.cmpi ne, %convert_element_type3A_4, %cond3A_5 : i32
    scf.if %cond3A_6 {
      %sub3A = arith.constant 1 : i32
      %sub3A_12 = arith.subi %arg0, %sub3A : i32
      %mul3A = arith.constant 512 : i32
      %mul3A_13 = arith.muli %sub3A_12, %mul3A : i32
      %get3A = arith.constant 0 : index
      %get3A_14 = arith.constant 0 : index
      %get3A_15 = arith.constant 0 : index
      %get3A_16 = vector.load %arg1[%get3A, %get3A_14, %get3A_15] : memref<2x512x1024xf32, #tpu.memory_space<vmem>>, vector<1x512x1024xf32>
      %get3A_17 = vector.shape_cast %get3A_16 : vector<1x512x1024xf32> to vector<512x1024xf32>
      %get3A_18 = arith.constant 0 : index
      %get3A_19 = arith.constant 0 : index
      %get3A_20 = vector.load %arg24[%get3A_18, %get3A_19] : memref<2x1024xf32, #tpu.memory_space<vmem>>, vector<1x1024xf32>
      %get3A_21 = vector.shape_cast %get3A_20 : vector<1x1024xf32> to vector<1024xf32>
      %broadcast_in_dim3A = vector.shape_cast %get3A_21 : vector<1024xf32> to vector<1x1024xf32>
      %sub3A_22 = vector.broadcast %broadcast_in_dim3A : vector<1x1024xf32> to vector<512x1024xf32>
      %sub3A_23 = arith.subf %get3A_17, %sub3A_22 : vector<512x1024xf32>
      %mul3A_24 = arith.mulf %sub3A_23, %sub3A_23 : vector<512x1024xf32>
      %get3A_25 = arith.constant 0 : index
      %get3A_26 = arith.constant 0 : index
      %get3A_27 = vector.load %arg25[%get3A_25, %get3A_26] : memref<2x1024xf32, #tpu.memory_space<vmem>>, vector<1x1024xf32>
      %get3A_28 = vector.shape_cast %get3A_27 : vector<1x1024xf32> to vector<1024xf32>
      %broadcast_in_dim3A_29 = vector.shape_cast %get3A_28 : vector<1024xf32> to vector<1x1024xf32>
      %mul3A_30 = vector.broadcast %broadcast_in_dim3A_29 : vector<1x1024xf32> to vector<512x1024xf32>
      %mul3A_31 = arith.mulf %mul3A_24, %mul3A_30 : vector<512x1024xf32>
      %reduce_sum3A = arith.constant dense<0.000000e+00> : vector<512xf32>
      %reduce_sum3A_32 = vector.multi_reduction <add>, %mul3A_31, %reduce_sum3A [1] : vector<512x1024xf32> to vector<512xf32>
      %swap3A = arith.constant 0 : index
      %swap3A_33 = arith.index_cast %mul3A_13 : i32 to index
      %swap3A_34 = vector.load %arg27[%swap3A, %swap3A_33] : memref<2x4096xf32, #tpu.memory_space<vmem>>, vector<1x512xf32>
      %swap3A_35 = vector.shape_cast %swap3A_34 : vector<1x512xf32> to vector<512xf32>
      %swap3A_36 = vector.shape_cast %reduce_sum3A_32 : vector<512xf32> to vector<1x512xf32>
      tpu.vector_store %arg27[%swap3A, %swap3A_33], %swap3A_36 {strides = array<i32>} : memref<2x4096xf32, #tpu.memory_space<vmem>>, vector<1x512xf32>,
      %get3A_37 = arith.constant 0 : index
      %get3A_38 = arith.constant 0 : index
      %get3A_39 = vector.load %arg26[%get3A_37, %get3A_38] : memref<16x1024xf32, #tpu.memory_space<vmem>>, vector<8x1024xf32>
      %dot_general3A = arith.constant dense<0.000000e+00> : vector<8x512xf32>
      %dot_general3A_40 = tpu.matmul %get3A_39, %get3A_17, %dot_general3A {dimension_numbers = #tpu.dot_dimension_numbers<[1], [1], [0], [0], [0, 0, 1, 0], [], []>, transpose_lhs_hint = false} : vector<8x1024xf32>, vector<512x1024xf32>, vector<8x512xf32> -> vector<8x512xf32>
      %swap3A_41 = arith.constant 0 : index
      %swap3A_42 = arith.index_cast %mul3A_13 : i32 to index
      %swap3A_43 = vector.load %arg28[%swap3A_41, %swap3A_42] : memref<16x4096xf32, #tpu.memory_space<vmem>>, vector<8x512xf32>
      tpu.vector_store %arg28[%swap3A_41, %swap3A_42], %dot_general3A_40 {strides = array<i32>} : memref<16x4096xf32, #tpu.memory_space<vmem>>, vector<8x512xf32>,
      %get3A_44 = arith.constant 1 : index
      %get3A_45 = arith.constant 0 : index
      %get3A_46 = arith.constant 0 : index
      %get3A_47 = vector.load %arg1[%get3A_44, %get3A_45, %get3A_46] : memref<2x512x1024xf32, #tpu.memory_space<vmem>>, vector<1x512x1024xf32>
      %get3A_48 = vector.shape_cast %get3A_47 : vector<1x512x1024xf32> to vector<512x1024xf32>
      %get3A_49 = arith.constant 1 : index
      %get3A_50 = arith.constant 0 : index
      %get3A_51 = vector.load %arg24[%get3A_49, %get3A_50] : memref<2x1024xf32, #tpu.memory_space<vmem>>, vector<1x1024xf32>
      %get3A_52 = vector.shape_cast %get3A_51 : vector<1x1024xf32> to vector<1024xf32>
      %broadcast_in_dim3A_53 = vector.shape_cast %get3A_52 : vector<1024xf32> to vector<1x1024xf32>
      %sub3A_54 = vector.broadcast %broadcast_in_dim3A_53 : vector<1x1024xf32> to vector<512x1024xf32>
      %sub3A_55 = arith.subf %get3A_48, %sub3A_54 : vector<512x1024xf32>
      %mul3A_56 = arith.mulf %sub3A_55, %sub3A_55 : vector<512x1024xf32>
      %get3A_57 = arith.constant 1 : index
      %get3A_58 = arith.constant 0 : index
      %get3A_59 = vector.load %arg25[%get3A_57, %get3A_58] : memref<2x1024xf32, #tpu.memory_space<vmem>>, vector<1x1024xf32>
      %get3A_60 = vector.shape_cast %get3A_59 : vector<1x1024xf32> to vector<1024xf32>
      %broadcast_in_dim3A_61 = vector.shape_cast %get3A_60 : vector<1024xf32> to vector<1x1024xf32>
      %mul3A_62 = vector.broadcast %broadcast_in_dim3A_61 : vector<1x1024xf32> to vector<512x1024xf32>
      %mul3A_63 = arith.mulf %mul3A_56, %mul3A_62 : vector<512x1024xf32>
      %reduce_sum3A_64 = arith.constant dense<0.000000e+00> : vector<512xf32>
      %reduce_sum3A_65 = vector.multi_reduction <add>, %mul3A_63, %reduce_sum3A_64 [1] : vector<512x1024xf32> to vector<512xf32>
      %swap3A_66 = arith.constant 1 : index
      %swap3A_67 = arith.index_cast %mul3A_13 : i32 to index
      %swap3A_68 = vector.load %arg27[%swap3A_66, %swap3A_67] : memref<2x4096xf32, #tpu.memory_space<vmem>>, vector<1x512xf32>
      %swap3A_69 = vector.shape_cast %swap3A_68 : vector<1x512xf32> to vector<512xf32>
      %swap3A_70 = vector.shape_cast %reduce_sum3A_65 : vector<512xf32> to vector<1x512xf32>
      tpu.vector_store %arg27[%swap3A_66, %swap3A_67], %swap3A_70 {strides = array<i32>} : memref<2x4096xf32, #tpu.memory_space<vmem>>, vector<1x512xf32>,
      %get3A_71 = arith.constant 8 : index
      %get3A_72 = arith.constant 0 : index
      %get3A_73 = vector.load %arg26[%get3A_71, %get3A_72] : memref<16x1024xf32, #tpu.memory_space<vmem>>, vector<8x1024xf32>
      %dot_general3A_74 = arith.constant dense<0.000000e+00> : vector<8x512xf32>
      %dot_general3A_75 = tpu.matmul %get3A_73, %get3A_48, %dot_general3A_74 {dimension_numbers = #tpu.dot_dimension_numbers<[1], [1], [0], [0], [0, 0, 1, 0], [], []>, transpose_lhs_hint = false} : vector<8x1024xf32>, vector<512x1024xf32>, vector<8x512xf32> -> vector<8x512xf32>
      %swap3A_76 = arith.constant 8 : index
      %swap3A_77 = arith.index_cast %mul3A_13 : i32 to index
      %swap3A_78 = vector.load %arg28[%swap3A_76, %swap3A_77] : memref<16x4096xf32, #tpu.memory_space<vmem>>, vector<8x512xf32>
      tpu.vector_store %arg28[%swap3A_76, %swap3A_77], %dot_general3A_75 {strides = array<i32>} : memref<16x4096xf32, #tpu.memory_space<vmem>>, vector<8x512xf32>,
    } else {
    }
    %eq3A_7 = arith.constant 9 : i32
    %eq3A_8 = arith.cmpi eq, %arg0, %eq3A_7 : i32
    %convert_element_type3A_9 = arith.extui %eq3A_8 : i1 to i32
    %cond3A_10 = arith.constant 0 : i32
    %cond3A_11 = arith.cmpi ne, %convert_element_type3A_9, %cond3A_10 : i32
    scf.if %cond3A_11 {
      %iota3A = tpu.iota {dimensions = array<i32: 1>} : vector<2x4096xi32>
      %convert_element_type3A_12 = arith.sitofp %iota3A : vector<2x4096xi32> to vector<2x4096xf32>
      %get3A = arith.constant 0 : index
      %get3A_13 = arith.constant 0 : index
      %get3A_14 = vector.load %arg27[%get3A, %get3A_13] : memref<2x4096xf32, #tpu.memory_space<vmem>>, vector<2x4096xf32>
      %bitcast_convert_type3A = tpu.bitcast %get3A_14 : vector<2x4096xf32> -> vector<2x4096xi32>
      %reshape3A = vector.shape_cast %bitcast_convert_type3A : vector<2x4096xi32> to vector<64x128xi32>
      %slice3A = vector.extract_strided_slice %reshape3A {offsets = [0, 0], sizes = [32, 128], strides = [1, 1]} : vector<64x128xi32> to vector<32x128xi32>
      %or3A = arith.constant 0 : i32
      %or3A_15 = arith.constant 1073741824 : i32
      %or3A_16 = arith.ori %or3A, %or3A_15 : i32
      %lt3A = vector.broadcast %or3A_16 : i32 to vector<32x128xi32>
      %lt3A_17 = arith.cmpi slt, %slice3A, %lt3A : vector<32x128xi32>
      %convert_element_type3A_18 = arith.extui %lt3A_17 : vector<32x128xi1> to vector<32x128xi32>
      %reduce_sum3A = vector.shape_cast %convert_element_type3A_18 : vector<32x128xi32> to vector<1x32x128xi32>
      %reduce_sum3A_19 = arith.constant dense<0> : vector<1xi32>
      %reduce_sum3A_20 = vector.multi_reduction <add>, %reduce_sum3A, %reduce_sum3A_19 [1, 2] : vector<1x32x128xi32> to vector<1xi32>
      %reduce_sum3A_21 = vector.shape_cast %reduce_sum3A_20 : vector<1xi32> to vector<1x1x1xi32>
      %reduce_sum3A_22 = vector.extract %reduce_sum3A_21[0, 0, 0] : i32 from vector<1x1x1xi32>
      %le3A_23 = arith.constant 2047 : i32
      %le3A_24 = arith.cmpi sle, %reduce_sum3A_22, %le3A_23 : i32
      %or3A_25 = arith.constant 0 : i32
      %or3A_26 = arith.constant 1073741824 : i32
      %or3A_27 = arith.ori %or3A_25, %or3A_26 : i32
      %jit3A = arith.constant 0 : i32
      %select_n3A = arith.select %le3A_24, %or3A_27, %jit3A : i32
      %or3A_28 = arith.constant 268435456 : i32
      %or3A_29 = arith.ori %select_n3A, %or3A_28 : i32
      %lt3A_30 = vector.broadcast %or3A_29 : i32 to vector<32x128xi32>
      %lt3A_31 = arith.cmpi slt, %slice3A, %lt3A_30 : vector<32x128xi32>
      %convert_element_type3A_32 = arith.extui %lt3A_31 : vector<32x128xi1> to vector<32x128xi32>
      %reduce_sum3A_33 = vector.shape_cast %convert_element_type3A_32 : vector<32x128xi32> to vector<1x32x128xi32>
      %reduce_sum3A_34 = arith.constant dense<0> : vector<1xi32>
      %reduce_sum3A_35 = vector.multi_reduction <add>, %reduce_sum3A_33, %reduce_sum3A_34 [1, 2] : vector<1x32x128xi32> to vector<1xi32>
      %reduce_sum3A_36 = vector.shape_cast %reduce_sum3A_35 : vector<1xi32> to vector<1x1x1xi32>
      %reduce_sum3A_37 = vector.extract %reduce_sum3A_36[0, 0, 0] : i32 from vector<1x1x1xi32>
      %le3A_38 = arith.constant 2047 : i32
      %le3A_39 = arith.cmpi sle, %reduce_sum3A_37, %le3A_38 : i32
      %or3A_40 = arith.constant 536870912 : i32
      %or3A_41 = arith.ori %select_n3A, %or3A_40 : i32
      %lt3A_42 = vector.broadcast %or3A_41 : i32 to vector<32x128xi32>
      %lt3A_43 = arith.cmpi slt, %slice3A, %lt3A_42 : vector<32x128xi32>
      %convert_element_type3A_44 = arith.extui %lt3A_43 : vector<32x128xi1> to vector<32x128xi32>
      %reduce_sum3A_45 = vector.shape_cast %convert_element_type3A_44 : vector<32x128xi32> to vector<1x32x128xi32>
      %reduce_sum3A_46 = arith.constant dense<0> : vector<1xi32>
      %reduce_sum3A_47 = vector.multi_reduction <add>, %reduce_sum3A_45, %reduce_sum3A_46 [1, 2] : vector<1x32x128xi32> to vector<1xi32>
      %reduce_sum3A_48 = vector.shape_cast %reduce_sum3A_47 : vector<1xi32> to vector<1x1x1xi32>
      %reduce_sum3A_49 = vector.extract %reduce_sum3A_48[0, 0, 0] : i32 from vector<1x1x1xi32>
      %le3A_50 = arith.constant 2047 : i32
      %le3A_51 = arith.cmpi sle, %reduce_sum3A_49, %le3A_50 : i32
      %or3A_52 = arith.constant 536870912 : i32
      %or3A_53 = arith.ori %select_n3A, %or3A_52 : i32
      %or3A_54 = arith.constant 268435456 : i32
      %or3A_55 = arith.ori %or3A_53, %or3A_54 : i32
      %lt3A_56 = vector.broadcast %or3A_55 : i32 to vector<32x128xi32>
      %lt3A_57 = arith.cmpi slt, %slice3A, %lt3A_56 : vector<32x128xi32>
      %convert_element_type3A_58 = arith.extui %lt3A_57 : vector<32x128xi1> to vector<32x128xi32>
      %reduce_sum3A_59 = vector.shape_cast %convert_element_type3A_58 : vector<32x128xi32> to vector<1x32x128xi32>
      %reduce_sum3A_60 = arith.constant dense<0> : vector<1xi32>
      %reduce_sum3A_61 = vector.multi_reduction <add>, %reduce_sum3A_59, %reduce_sum3A_60 [1, 2] : vector<1x32x128xi32> to vector<1xi32>
      %reduce_sum3A_62 = vector.shape_cast %reduce_sum3A_61 : vector<1xi32> to vector<1x1x1xi32>
      %reduce_sum3A_63 = vector.extract %reduce_sum3A_62[0, 0, 0] : i32 from vector<1x1x1xi32>
      %le3A_64 = arith.constant 2047 : i32
      %le3A_65 = arith.cmpi sle, %reduce_sum3A_63, %le3A_64 : i32
      %jit3A_66 = arith.constant 536870912 : i32
      %jit3A_67 = arith.constant 0 : i32
      %select_n3A_68 = arith.select %le3A_51, %jit3A_66, %jit3A_67 : i32
      %or3A_69 = arith.ori %select_n3A, %select_n3A_68 : i32
      %select_n3A_70 = arith.select %le3A_51, %le3A_65, %le3A_39 : i1
      %jit3A_71 = arith.constant 268435456 : i32
      %jit3A_72 = arith.constant 0 : i32
      %select_n3A_73 = arith.select %select_n3A_70, %jit3A_71, %jit3A_72 : i32
      %or3A_74 = arith.ori %or3A_69, %select_n3A_73 : i32
      %or3A_75 = arith.constant 67108864 : i32
      %or3A_76 = arith.ori %or3A_74, %or3A_75 : i32
      %lt3A_77 = vector.broadcast %or3A_76 : i32 to vector<32x128xi32>
      %lt3A_78 = arith.cmpi slt, %slice3A, %lt3A_77 : vector<32x128xi32>
      %convert_element_type3A_79 = arith.extui %lt3A_78 : vector<32x128xi1> to vector<32x128xi32>
      %reduce_sum3A_80 = vector.shape_cast %convert_element_type3A_79 : vector<32x128xi32> to vector<1x32x128xi32>
      %reduce_sum3A_81 = arith.constant dense<0> : vector<1xi32>
      %reduce_sum3A_82 = vector.multi_reduction <add>, %reduce_sum3A_80, %reduce_sum3A_81 [1, 2] : vector<1x32x128xi32> to vector<1xi32>
      %reduce_sum3A_83 = vector.shape_cast %reduce_sum3A_82 : vector<1xi32> to vector<1x1x1xi32>
      %reduce_sum3A_84 = vector.extract %reduce_sum3A_83[0, 0, 0] : i32 from vector<1x1x1xi32>
      %le3A_85 = arith.constant 2047 : i32
      %le3A_86 = arith.cmpi sle, %reduce_sum3A_84, %le3A_85 : i32
      %or3A_87 = arith.constant 134217728 : i32
      %or3A_88 = arith.ori %or3A_74, %or3A_87 : i32
      %lt3A_89 = vector.broadcast %or3A_88 : i32 to vector<32x128xi32>
      %lt3A_90 = arith.cmpi slt, %slice3A, %lt3A_89 : vector<32x128xi32>
      %convert_element_type3A_91 = arith.extui %lt3A_90 : vector<32x128xi1> to vector<32x128xi32>
      %reduce_sum3A_92 = vector.shape_cast %convert_element_type3A_91 : vector<32x128xi32> to vector<1x32x128xi32>
      %reduce_sum3A_93 = arith.constant dense<0> : vector<1xi32>
      %reduce_sum3A_94 = vector.multi_reduction <add>, %reduce_sum3A_92, %reduce_sum3A_93 [1, 2] : vector<1x32x128xi32> to vector<1xi32>
      %reduce_sum3A_95 = vector.shape_cast %reduce_sum3A_94 : vector<1xi32> to vector<1x1x1xi32>
      %reduce_sum3A_96 = vector.extract %reduce_sum3A_95[0, 0, 0] : i32 from vector<1x1x1xi32>
      %le3A_97 = arith.constant 2047 : i32
      %le3A_98 = arith.cmpi sle, %reduce_sum3A_96, %le3A_97 : i32
      %or3A_99 = arith.constant 134217728 : i32
      %or3A_100 = arith.ori %or3A_74, %or3A_99 : i32
      %or3A_101 = arith.constant 67108864 : i32
      %or3A_102 = arith.ori %or3A_100, %or3A_101 : i32
      %lt3A_103 = vector.broadcast %or3A_102 : i32 to vector<32x128xi32>
      %lt3A_104 = arith.cmpi slt, %slice3A, %lt3A_103 : vector<32x128xi32>
      %convert_element_type3A_105 = arith.extui %lt3A_104 : vector<32x128xi1> to vector<32x128xi32>
      %reduce_sum3A_106 = vector.shape_cast %convert_element_type3A_105 : vector<32x128xi32> to vector<1x32x128xi32>
      %reduce_sum3A_107 = arith.constant dense<0> : vector<1xi32>
      %reduce_sum3A_108 = vector.multi_reduction <add>, %reduce_sum3A_106, %reduce_sum3A_107 [1, 2] : vector<1x32x128xi32> to vector<1xi32>
      %reduce_sum3A_109 = vector.shape_cast %reduce_sum3A_108 : vector<1xi32> to vector<1x1x1xi32>
      %reduce_sum3A_110 = vector.extract %reduce_sum3A_109[0, 0, 0] : i32 from vector<1x1x1xi32>
      %le3A_111 = arith.constant 2047 : i32
      %le3A_112 = arith.cmpi sle, %reduce_sum3A_110, %le3A_111 : i32
      %jit3A_113 = arith.constant 134217728 : i32
      %jit3A_114 = arith.constant 0 : i32
      %select_n3A_115 = arith.select %le3A_98, %jit3A_113, %jit3A_114 : i32
      %or3A_116 = arith.ori %or3A_74, %select_n3A_115 : i32
      %select_n3A_117 = arith.select %le3A_98, %le3A_112, %le3A_86 : i1
      %jit3A_118 = arith.constant 67108864 : i32
      %jit3A_119 = arith.constant 0 : i32
      %select_n3A_120 = arith.select %select_n3A_117, %jit3A_118, %jit3A_119 : i32
      %or3A_121 = arith.ori %or3A_116, %select_n3A_120 : i32
      %or3A_122 = arith.constant 16777216 : i32
      %or3A_123 = arith.ori %or3A_121, %or3A_122 : i32
      %lt3A_124 = vector.broadcast %or3A_123 : i32 to vector<32x128xi32>
      %lt3A_125 = arith.cmpi slt, %slice3A, %lt3A_124 : vector<32x128xi32>
      %convert_element_type3A_126 = arith.extui %lt3A_125 : vector<32x128xi1> to vector<32x128xi32>
      %reduce_sum3A_127 = vector.shape_cast %convert_element_type3A_126 : vector<32x128xi32> to vector<1x32x128xi32>
      %reduce_sum3A_128 = arith.constant dense<0> : vector<1xi32>
      %reduce_sum3A_129 = vector.multi_reduction <add>, %reduce_sum3A_127, %reduce_sum3A_128 [1, 2] : vector<1x32x128xi32> to vector<1xi32>
      %reduce_sum3A_130 = vector.shape_cast %reduce_sum3A_129 : vector<1xi32> to vector<1x1x1xi32>
      %reduce_sum3A_131 = vector.extract %reduce_sum3A_130[0, 0, 0] : i32 from vector<1x1x1xi32>
      %le3A_132 = arith.constant 2047 : i32
      %le3A_133 = arith.cmpi sle, %reduce_sum3A_131, %le3A_132 : i32
      %or3A_134 = arith.constant 33554432 : i32
      %or3A_135 = arith.ori %or3A_121, %or3A_134 : i32
      %lt3A_136 = vector.broadcast %or3A_135 : i32 to vector<32x128xi32>
      %lt3A_137 = arith.cmpi slt, %slice3A, %lt3A_136 : vector<32x128xi32>
      %convert_element_type3A_138 = arith.extui %lt3A_137 : vector<32x128xi1> to vector<32x128xi32>
      %reduce_sum3A_139 = vector.shape_cast %convert_element_type3A_138 : vector<32x128xi32> to vector<1x32x128xi32>
      %reduce_sum3A_140 = arith.constant dense<0> : vector<1xi32>
      %reduce_sum3A_141 = vector.multi_reduction <add>, %reduce_sum3A_139, %reduce_sum3A_140 [1, 2] : vector<1x32x128xi32> to vector<1xi32>
      %reduce_sum3A_142 = vector.shape_cast %reduce_sum3A_141 : vector<1xi32> to vector<1x1x1xi32>
      %reduce_sum3A_143 = vector.extract %reduce_sum3A_142[0, 0, 0] : i32 from vector<1x1x1xi32>
      %le3A_144 = arith.constant 2047 : i32
      %le3A_145 = arith.cmpi sle, %reduce_sum3A_143, %le3A_144 : i32
      %or3A_146 = arith.constant 33554432 : i32
      %or3A_147 = arith.ori %or3A_121, %or3A_146 : i32
      %or3A_148 = arith.constant 16777216 : i32
      %or3A_149 = arith.ori %or3A_147, %or3A_148 : i32
      %lt3A_150 = vector.broadcast %or3A_149 : i32 to vector<32x128xi32>
      %lt3A_151 = arith.cmpi slt, %slice3A, %lt3A_150 : vector<32x128xi32>
      %convert_element_type3A_152 = arith.extui %lt3A_151 : vector<32x128xi1> to vector<32x128xi32>
      %reduce_sum3A_153 = vector.shape_cast %convert_element_type3A_152 : vector<32x128xi32> to vector<1x32x128xi32>
      %reduce_sum3A_154 = arith.constant dense<0> : vector<1xi32>
      %reduce_sum3A_155 = vector.multi_reduction <add>, %reduce_sum3A_153, %reduce_sum3A_154 [1, 2] : vector<1x32x128xi32> to vector<1xi32>
      %reduce_sum3A_156 = vector.shape_cast %reduce_sum3A_155 : vector<1xi32> to vector<1x1x1xi32>
      %reduce_sum3A_157 = vector.extract %reduce_sum3A_156[0, 0, 0] : i32 from vector<1x1x1xi32>
      %le3A_158 = arith.constant 2047 : i32
      %le3A_159 = arith.cmpi sle, %reduce_sum3A_157, %le3A_158 : i32
      %jit3A_160 = arith.constant 33554432 : i32
      %jit3A_161 = arith.constant 0 : i32
      %select_n3A_162 = arith.select %le3A_145, %jit3A_160, %jit3A_161 : i32
      %or3A_163 = arith.ori %or3A_121, %select_n3A_162 : i32
      %select_n3A_164 = arith.select %le3A_145, %le3A_159, %le3A_133 : i1
      %jit3A_165 = arith.constant 16777216 : i32
      %jit3A_166 = arith.constant 0 : i32
      %select_n3A_167 = arith.select %select_n3A_164, %jit3A_165, %jit3A_166 : i32
      %or3A_168 = arith.ori %or3A_163, %select_n3A_167 : i32
      %or3A_169 = arith.constant 4194304 : i32
      %or3A_170 = arith.ori %or3A_168, %or3A_169 : i32
      %lt3A_171 = vector.broadcast %or3A_170 : i32 to vector<32x128xi32>
      %lt3A_172 = arith.cmpi slt, %slice3A, %lt3A_171 : vector<32x128xi32>
      %convert_element_type3A_173 = arith.extui %lt3A_172 : vector<32x128xi1> to vector<32x128xi32>
      %reduce_sum3A_174 = vector.shape_cast %convert_element_type3A_173 : vector<32x128xi32> to vector<1x32x128xi32>
      %reduce_sum3A_175 = arith.constant dense<0> : vector<1xi32>
      %reduce_sum3A_176 = vector.multi_reduction <add>, %reduce_sum3A_174, %reduce_sum3A_175 [1, 2] : vector<1x32x128xi32> to vector<1xi32>
      %reduce_sum3A_177 = vector.shape_cast %reduce_sum3A_176 : vector<1xi32> to vector<1x1x1xi32>
      %reduce_sum3A_178 = vector.extract %reduce_sum3A_177[0, 0, 0] : i32 from vector<1x1x1xi32>
      %le3A_179 = arith.constant 2047 : i32
      %le3A_180 = arith.cmpi sle, %reduce_sum3A_178, %le3A_179 : i32
      %or3A_181 = arith.constant 8388608 : i32
      %or3A_182 = arith.ori %or3A_168, %or3A_181 : i32
      %lt3A_183 = vector.broadcast %or3A_182 : i32 to vector<32x128xi32>
      %lt3A_184 = arith.cmpi slt, %slice3A, %lt3A_183 : vector<32x128xi32>
      %convert_element_type3A_185 = arith.extui %lt3A_184 : vector<32x128xi1> to vector<32x128xi32>
      %reduce_sum3A_186 = vector.shape_cast %convert_element_type3A_185 : vector<32x128xi32> to vector<1x32x128xi32>
      %reduce_sum3A_187 = arith.constant dense<0> : vector<1xi32>
      %reduce_sum3A_188 = vector.multi_reduction <add>, %reduce_sum3A_186, %reduce_sum3A_187 [1, 2] : vector<1x32x128xi32> to vector<1xi32>
      %reduce_sum3A_189 = vector.shape_cast %reduce_sum3A_188 : vector<1xi32> to vector<1x1x1xi32>
      %reduce_sum3A_190 = vector.extract %reduce_sum3A_189[0, 0, 0] : i32 from vector<1x1x1xi32>
      %le3A_191 = arith.constant 2047 : i32
      %le3A_192 = arith.cmpi sle, %reduce_sum3A_190, %le3A_191 : i32
      %or3A_193 = arith.constant 8388608 : i32
      %or3A_194 = arith.ori %or3A_168, %or3A_193 : i32
      %or3A_195 = arith.constant 4194304 : i32
      %or3A_196 = arith.ori %or3A_194, %or3A_195 : i32
      %lt3A_197 = vector.broadcast %or3A_196 : i32 to vector<32x128xi32>
      %lt3A_198 = arith.cmpi slt, %slice3A, %lt3A_197 : vector<32x128xi32>
      %convert_element_type3A_199 = arith.extui %lt3A_198 : vector<32x128xi1> to vector<32x128xi32>
      %reduce_sum3A_200 = vector.shape_cast %convert_element_type3A_199 : vector<32x128xi32> to vector<1x32x128xi32>
      %reduce_sum3A_201 = arith.constant dense<0> : vector<1xi32>
      %reduce_sum3A_202 = vector.multi_reduction <add>, %reduce_sum3A_200, %reduce_sum3A_201 [1, 2] : vector<1x32x128xi32> to vector<1xi32>
      %reduce_sum3A_203 = vector.shape_cast %reduce_sum3A_202 : vector<1xi32> to vector<1x1x1xi32>
      %reduce_sum3A_204 = vector.extract %reduce_sum3A_203[0, 0, 0] : i32 from vector<1x1x1xi32>
      %le3A_205 = arith.constant 2047 : i32
      %le3A_206 = arith.cmpi sle, %reduce_sum3A_204, %le3A_205 : i32
      %jit3A_207 = arith.constant 8388608 : i32
      %jit3A_208 = arith.constant 0 : i32
      %select_n3A_209 = arith.select %le3A_192, %jit3A_207, %jit3A_208 : i32
      %or3A_210 = arith.ori %or3A_168, %select_n3A_209 : i32
      %select_n3A_211 = arith.select %le3A_192, %le3A_206, %le3A_180 : i1
      %jit3A_212 = arith.constant 4194304 : i32
      %jit3A_213 = arith.constant 0 : i32
      %select_n3A_214 = arith.select %select_n3A_211, %jit3A_212, %jit3A_213 : i32
      %or3A_215 = arith.ori %or3A_210, %select_n3A_214 : i32
      %or3A_216 = arith.constant 1048576 : i32
      %or3A_217 = arith.ori %or3A_215, %or3A_216 : i32
      %lt3A_218 = vector.broadcast %or3A_217 : i32 to vector<32x128xi32>
      %lt3A_219 = arith.cmpi slt, %slice3A, %lt3A_218 : vector<32x128xi32>
      %convert_element_type3A_220 = arith.extui %lt3A_219 : vector<32x128xi1> to vector<32x128xi32>
      %reduce_sum3A_221 = vector.shape_cast %convert_element_type3A_220 : vector<32x128xi32> to vector<1x32x128xi32>
      %reduce_sum3A_222 = arith.constant dense<0> : vector<1xi32>
      %reduce_sum3A_223 = vector.multi_reduction <add>, %reduce_sum3A_221, %reduce_sum3A_222 [1, 2] : vector<1x32x128xi32> to vector<1xi32>
      %reduce_sum3A_224 = vector.shape_cast %reduce_sum3A_223 : vector<1xi32> to vector<1x1x1xi32>
      %reduce_sum3A_225 = vector.extract %reduce_sum3A_224[0, 0, 0] : i32 from vector<1x1x1xi32>
      %le3A_226 = arith.constant 2047 : i32
      %le3A_227 = arith.cmpi sle, %reduce_sum3A_225, %le3A_226 : i32
      %or3A_228 = arith.constant 2097152 : i32
      %or3A_229 = arith.ori %or3A_215, %or3A_228 : i32
      %lt3A_230 = vector.broadcast %or3A_229 : i32 to vector<32x128xi32>
      %lt3A_231 = arith.cmpi slt, %slice3A, %lt3A_230 : vector<32x128xi32>
      %convert_element_type3A_232 = arith.extui %lt3A_231 : vector<32x128xi1> to vector<32x128xi32>
      %reduce_sum3A_233 = vector.shape_cast %convert_element_type3A_232 : vector<32x128xi32> to vector<1x32x128xi32>
      %reduce_sum3A_234 = arith.constant dense<0> : vector<1xi32>
      %reduce_sum3A_235 = vector.multi_reduction <add>, %reduce_sum3A_233, %reduce_sum3A_234 [1, 2] : vector<1x32x128xi32> to vector<1xi32>
      %reduce_sum3A_236 = vector.shape_cast %reduce_sum3A_235 : vector<1xi32> to vector<1x1x1xi32>
      %reduce_sum3A_237 = vector.extract %reduce_sum3A_236[0, 0, 0] : i32 from vector<1x1x1xi32>
      %le3A_238 = arith.constant 2047 : i32
      %le3A_239 = arith.cmpi sle, %reduce_sum3A_237, %le3A_238 : i32
      %or3A_240 = arith.constant 2097152 : i32
      %or3A_241 = arith.ori %or3A_215, %or3A_240 : i32
      %or3A_242 = arith.constant 1048576 : i32
      %or3A_243 = arith.ori %or3A_241, %or3A_242 : i32
      %lt3A_244 = vector.broadcast %or3A_243 : i32 to vector<32x128xi32>
      %lt3A_245 = arith.cmpi slt, %slice3A, %lt3A_244 : vector<32x128xi32>
      %convert_element_type3A_246 = arith.extui %lt3A_245 : vector<32x128xi1> to vector<32x128xi32>
      %reduce_sum3A_247 = vector.shape_cast %convert_element_type3A_246 : vector<32x128xi32> to vector<1x32x128xi32>
      %reduce_sum3A_248 = arith.constant dense<0> : vector<1xi32>
      %reduce_sum3A_249 = vector.multi_reduction <add>, %reduce_sum3A_247, %reduce_sum3A_248 [1, 2] : vector<1x32x128xi32> to vector<1xi32>
      %reduce_sum3A_250 = vector.shape_cast %reduce_sum3A_249 : vector<1xi32> to vector<1x1x1xi32>
      %reduce_sum3A_251 = vector.extract %reduce_sum3A_250[0, 0, 0] : i32 from vector<1x1x1xi32>
      %le3A_252 = arith.constant 2047 : i32
      %le3A_253 = arith.cmpi sle, %reduce_sum3A_251, %le3A_252 : i32
      %jit3A_254 = arith.constant 2097152 : i32
      %jit3A_255 = arith.constant 0 : i32
      %select_n3A_256 = arith.select %le3A_239, %jit3A_254, %jit3A_255 : i32
      %or3A_257 = arith.ori %or3A_215, %select_n3A_256 : i32
      %select_n3A_258 = arith.select %le3A_239, %le3A_253, %le3A_227 : i1
      %jit3A_259 = arith.constant 1048576 : i32
      %jit3A_260 = arith.constant 0 : i32
      %select_n3A_261 = arith.select %select_n3A_258, %jit3A_259, %jit3A_260 : i32
      %or3A_262 = arith.ori %or3A_257, %select_n3A_261 : i32
      %or3A_263 = arith.constant 262144 : i32
      %or3A_264 = arith.ori %or3A_262, %or3A_263 : i32
      %lt3A_265 = vector.broadcast %or3A_264 : i32 to vector<32x128xi32>
      %lt3A_266 = arith.cmpi slt, %slice3A, %lt3A_265 : vector<32x128xi32>
      %convert_element_type3A_267 = arith.extui %lt3A_266 : vector<32x128xi1> to vector<32x128xi32>
      %reduce_sum3A_268 = vector.shape_cast %convert_element_type3A_267 : vector<32x128xi32> to vector<1x32x128xi32>
      %reduce_sum3A_269 = arith.constant dense<0> : vector<1xi32>
      %reduce_sum3A_270 = vector.multi_reduction <add>, %reduce_sum3A_268, %reduce_sum3A_269 [1, 2] : vector<1x32x128xi32> to vector<1xi32>
      %reduce_sum3A_271 = vector.shape_cast %reduce_sum3A_270 : vector<1xi32> to vector<1x1x1xi32>
      %reduce_sum3A_272 = vector.extract %reduce_sum3A_271[0, 0, 0] : i32 from vector<1x1x1xi32>
      %le3A_273 = arith.constant 2047 : i32
      %le3A_274 = arith.cmpi sle, %reduce_sum3A_272, %le3A_273 : i32
      %or3A_275 = arith.constant 524288 : i32
      %or3A_276 = arith.ori %or3A_262, %or3A_275 : i32
      %lt3A_277 = vector.broadcast %or3A_276 : i32 to vector<32x128xi32>
      %lt3A_278 = arith.cmpi slt, %slice3A, %lt3A_277 : vector<32x128xi32>
      %convert_element_type3A_279 = arith.extui %lt3A_278 : vector<32x128xi1> to vector<32x128xi32>
      %reduce_sum3A_280 = vector.shape_cast %convert_element_type3A_279 : vector<32x128xi32> to vector<1x32x128xi32>
      %reduce_sum3A_281 = arith.constant dense<0> : vector<1xi32>
      %reduce_sum3A_282 = vector.multi_reduction <add>, %reduce_sum3A_280, %reduce_sum3A_281 [1, 2] : vector<1x32x128xi32> to vector<1xi32>
      %reduce_sum3A_283 = vector.shape_cast %reduce_sum3A_282 : vector<1xi32> to vector<1x1x1xi32>
      %reduce_sum3A_284 = vector.extract %reduce_sum3A_283[0, 0, 0] : i32 from vector<1x1x1xi32>
      %le3A_285 = arith.constant 2047 : i32
      %le3A_286 = arith.cmpi sle, %reduce_sum3A_284, %le3A_285 : i32
      %or3A_287 = arith.constant 524288 : i32
      %or3A_288 = arith.ori %or3A_262, %or3A_287 : i32
      %or3A_289 = arith.constant 262144 : i32
      %or3A_290 = arith.ori %or3A_288, %or3A_289 : i32
      %lt3A_291 = vector.broadcast %or3A_290 : i32 to vector<32x128xi32>
      %lt3A_292 = arith.cmpi slt, %slice3A, %lt3A_291 : vector<32x128xi32>
      %convert_element_type3A_293 = arith.extui %lt3A_292 : vector<32x128xi1> to vector<32x128xi32>
      %reduce_sum3A_294 = vector.shape_cast %convert_element_type3A_293 : vector<32x128xi32> to vector<1x32x128xi32>
      %reduce_sum3A_295 = arith.constant dense<0> : vector<1xi32>
      %reduce_sum3A_296 = vector.multi_reduction <add>, %reduce_sum3A_294, %reduce_sum3A_295 [1, 2] : vector<1x32x128xi32> to vector<1xi32>
      %reduce_sum3A_297 = vector.shape_cast %reduce_sum3A_296 : vector<1xi32> to vector<1x1x1xi32>
      %reduce_sum3A_298 = vector.extract %reduce_sum3A_297[0, 0, 0] : i32 from vector<1x1x1xi32>
      %le3A_299 = arith.constant 2047 : i32
      %le3A_300 = arith.cmpi sle, %reduce_sum3A_298, %le3A_299 : i32
      %jit3A_301 = arith.constant 524288 : i32
      %jit3A_302 = arith.constant 0 : i32
      %select_n3A_303 = arith.select %le3A_286, %jit3A_301, %jit3A_302 : i32
      %or3A_304 = arith.ori %or3A_262, %select_n3A_303 : i32
      %select_n3A_305 = arith.select %le3A_286, %le3A_300, %le3A_274 : i1
      %jit3A_306 = arith.constant 262144 : i32
      %jit3A_307 = arith.constant 0 : i32
      %select_n3A_308 = arith.select %select_n3A_305, %jit3A_306, %jit3A_307 : i32
      %or3A_309 = arith.ori %or3A_304, %select_n3A_308 : i32
      %or3A_310 = arith.constant 65536 : i32
      %or3A_311 = arith.ori %or3A_309, %or3A_310 : i32
      %lt3A_312 = vector.broadcast %or3A_311 : i32 to vector<32x128xi32>
      %lt3A_313 = arith.cmpi slt, %slice3A, %lt3A_312 : vector<32x128xi32>
      %convert_element_type3A_314 = arith.extui %lt3A_313 : vector<32x128xi1> to vector<32x128xi32>
      %reduce_sum3A_315 = vector.shape_cast %convert_element_type3A_314 : vector<32x128xi32> to vector<1x32x128xi32>
      %reduce_sum3A_316 = arith.constant dense<0> : vector<1xi32>
      %reduce_sum3A_317 = vector.multi_reduction <add>, %reduce_sum3A_315, %reduce_sum3A_316 [1, 2] : vector<1x32x128xi32> to vector<1xi32>
      %reduce_sum3A_318 = vector.shape_cast %reduce_sum3A_317 : vector<1xi32> to vector<1x1x1xi32>
      %reduce_sum3A_319 = vector.extract %reduce_sum3A_318[0, 0, 0] : i32 from vector<1x1x1xi32>
      %le3A_320 = arith.constant 2047 : i32
      %le3A_321 = arith.cmpi sle, %reduce_sum3A_319, %le3A_320 : i32
      %or3A_322 = arith.constant 131072 : i32
      %or3A_323 = arith.ori %or3A_309, %or3A_322 : i32
      %lt3A_324 = vector.broadcast %or3A_323 : i32 to vector<32x128xi32>
      %lt3A_325 = arith.cmpi slt, %slice3A, %lt3A_324 : vector<32x128xi32>
      %convert_element_type3A_326 = arith.extui %lt3A_325 : vector<32x128xi1> to vector<32x128xi32>
      %reduce_sum3A_327 = vector.shape_cast %convert_element_type3A_326 : vector<32x128xi32> to vector<1x32x128xi32>
      %reduce_sum3A_328 = arith.constant dense<0> : vector<1xi32>
      %reduce_sum3A_329 = vector.multi_reduction <add>, %reduce_sum3A_327, %reduce_sum3A_328 [1, 2] : vector<1x32x128xi32> to vector<1xi32>
      %reduce_sum3A_330 = vector.shape_cast %reduce_sum3A_329 : vector<1xi32> to vector<1x1x1xi32>
      %reduce_sum3A_331 = vector.extract %reduce_sum3A_330[0, 0, 0] : i32 from vector<1x1x1xi32>
      %le3A_332 = arith.constant 2047 : i32
      %le3A_333 = arith.cmpi sle, %reduce_sum3A_331, %le3A_332 : i32
      %or3A_334 = arith.constant 131072 : i32
      %or3A_335 = arith.ori %or3A_309, %or3A_334 : i32
      %or3A_336 = arith.constant 65536 : i32
      %or3A_337 = arith.ori %or3A_335, %or3A_336 : i32
      %lt3A_338 = vector.broadcast %or3A_337 : i32 to vector<32x128xi32>
      %lt3A_339 = arith.cmpi slt, %slice3A, %lt3A_338 : vector<32x128xi32>
      %convert_element_type3A_340 = arith.extui %lt3A_339 : vector<32x128xi1> to vector<32x128xi32>
      %reduce_sum3A_341 = vector.shape_cast %convert_element_type3A_340 : vector<32x128xi32> to vector<1x32x128xi32>
      %reduce_sum3A_342 = arith.constant dense<0> : vector<1xi32>
      %reduce_sum3A_343 = vector.multi_reduction <add>, %reduce_sum3A_341, %reduce_sum3A_342 [1, 2] : vector<1x32x128xi32> to vector<1xi32>
      %reduce_sum3A_344 = vector.shape_cast %reduce_sum3A_343 : vector<1xi32> to vector<1x1x1xi32>
      %reduce_sum3A_345 = vector.extract %reduce_sum3A_344[0, 0, 0] : i32 from vector<1x1x1xi32>
      %le3A_346 = arith.constant 2047 : i32
      %le3A_347 = arith.cmpi sle, %reduce_sum3A_345, %le3A_346 : i32
      %jit3A_348 = arith.constant 131072 : i32
      %jit3A_349 = arith.constant 0 : i32
      %select_n3A_350 = arith.select %le3A_333, %jit3A_348, %jit3A_349 : i32
      %or3A_351 = arith.ori %or3A_309, %select_n3A_350 : i32
      %select_n3A_352 = arith.select %le3A_333, %le3A_347, %le3A_321 : i1
      %jit3A_353 = arith.constant 65536 : i32
      %jit3A_354 = arith.constant 0 : i32
      %select_n3A_355 = arith.select %select_n3A_352, %jit3A_353, %jit3A_354 : i32
      %or3A_356 = arith.ori %or3A_351, %select_n3A_355 : i32
      %or3A_357 = arith.constant 16384 : i32
      %or3A_358 = arith.ori %or3A_356, %or3A_357 : i32
      %lt3A_359 = vector.broadcast %or3A_358 : i32 to vector<32x128xi32>
      %lt3A_360 = arith.cmpi slt, %slice3A, %lt3A_359 : vector<32x128xi32>
      %convert_element_type3A_361 = arith.extui %lt3A_360 : vector<32x128xi1> to vector<32x128xi32>
      %reduce_sum3A_362 = vector.shape_cast %convert_element_type3A_361 : vector<32x128xi32> to vector<1x32x128xi32>
      %reduce_sum3A_363 = arith.constant dense<0> : vector<1xi32>
      %reduce_sum3A_364 = vector.multi_reduction <add>, %reduce_sum3A_362, %reduce_sum3A_363 [1, 2] : vector<1x32x128xi32> to vector<1xi32>
      %reduce_sum3A_365 = vector.shape_cast %reduce_sum3A_364 : vector<1xi32> to vector<1x1x1xi32>
      %reduce_sum3A_366 = vector.extract %reduce_sum3A_365[0, 0, 0] : i32 from vector<1x1x1xi32>
      %le3A_367 = arith.constant 2047 : i32
      %le3A_368 = arith.cmpi sle, %reduce_sum3A_366, %le3A_367 : i32
      %or3A_369 = arith.constant 32768 : i32
      %or3A_370 = arith.ori %or3A_356, %or3A_369 : i32
      %lt3A_371 = vector.broadcast %or3A_370 : i32 to vector<32x128xi32>
      %lt3A_372 = arith.cmpi slt, %slice3A, %lt3A_371 : vector<32x128xi32>
      %convert_element_type3A_373 = arith.extui %lt3A_372 : vector<32x128xi1> to vector<32x128xi32>
      %reduce_sum3A_374 = vector.shape_cast %convert_element_type3A_373 : vector<32x128xi32> to vector<1x32x128xi32>
      %reduce_sum3A_375 = arith.constant dense<0> : vector<1xi32>
      %reduce_sum3A_376 = vector.multi_reduction <add>, %reduce_sum3A_374, %reduce_sum3A_375 [1, 2] : vector<1x32x128xi32> to vector<1xi32>
      %reduce_sum3A_377 = vector.shape_cast %reduce_sum3A_376 : vector<1xi32> to vector<1x1x1xi32>
      %reduce_sum3A_378 = vector.extract %reduce_sum3A_377[0, 0, 0] : i32 from vector<1x1x1xi32>
      %le3A_379 = arith.constant 2047 : i32
      %le3A_380 = arith.cmpi sle, %reduce_sum3A_378, %le3A_379 : i32
      %or3A_381 = arith.constant 32768 : i32
      %or3A_382 = arith.ori %or3A_356, %or3A_381 : i32
      %or3A_383 = arith.constant 16384 : i32
      %or3A_384 = arith.ori %or3A_382, %or3A_383 : i32
      %lt3A_385 = vector.broadcast %or3A_384 : i32 to vector<32x128xi32>
      %lt3A_386 = arith.cmpi slt, %slice3A, %lt3A_385 : vector<32x128xi32>
      %convert_element_type3A_387 = arith.extui %lt3A_386 : vector<32x128xi1> to vector<32x128xi32>
      %reduce_sum3A_388 = vector.shape_cast %convert_element_type3A_387 : vector<32x128xi32> to vector<1x32x128xi32>
      %reduce_sum3A_389 = arith.constant dense<0> : vector<1xi32>
      %reduce_sum3A_390 = vector.multi_reduction <add>, %reduce_sum3A_388, %reduce_sum3A_389 [1, 2] : vector<1x32x128xi32> to vector<1xi32>
      %reduce_sum3A_391 = vector.shape_cast %reduce_sum3A_390 : vector<1xi32> to vector<1x1x1xi32>
      %reduce_sum3A_392 = vector.extract %reduce_sum3A_391[0, 0, 0] : i32 from vector<1x1x1xi32>
      %le3A_393 = arith.constant 2047 : i32
      %le3A_394 = arith.cmpi sle, %reduce_sum3A_392, %le3A_393 : i32
      %jit3A_395 = arith.constant 32768 : i32
      %jit3A_396 = arith.constant 0 : i32
      %select_n3A_397 = arith.select %le3A_380, %jit3A_395, %jit3A_396 : i32
      %or3A_398 = arith.ori %or3A_356, %select_n3A_397 : i32
      %select_n3A_399 = arith.select %le3A_380, %le3A_394, %le3A_368 : i1
      %jit3A_400 = arith.constant 16384 : i32
      %jit3A_401 = arith.constant 0 : i32
      %select_n3A_402 = arith.select %select_n3A_399, %jit3A_400, %jit3A_401 : i32
      %or3A_403 = arith.ori %or3A_398, %select_n3A_402 : i32
      %or3A_404 = arith.constant 4096 : i32
      %or3A_405 = arith.ori %or3A_403, %or3A_404 : i32
      %lt3A_406 = vector.broadcast %or3A_405 : i32 to vector<32x128xi32>
      %lt3A_407 = arith.cmpi slt, %slice3A, %lt3A_406 : vector<32x128xi32>
      %convert_element_type3A_408 = arith.extui %lt3A_407 : vector<32x128xi1> to vector<32x128xi32>
      %reduce_sum3A_409 = vector.shape_cast %convert_element_type3A_408 : vector<32x128xi32> to vector<1x32x128xi32>
      %reduce_sum3A_410 = arith.constant dense<0> : vector<1xi32>
      %reduce_sum3A_411 = vector.multi_reduction <add>, %reduce_sum3A_409, %reduce_sum3A_410 [1, 2] : vector<1x32x128xi32> to vector<1xi32>
      %reduce_sum3A_412 = vector.shape_cast %reduce_sum3A_411 : vector<1xi32> to vector<1x1x1xi32>
      %reduce_sum3A_413 = vector.extract %reduce_sum3A_412[0, 0, 0] : i32 from vector<1x1x1xi32>
      %le3A_414 = arith.constant 2047 : i32
      %le3A_415 = arith.cmpi sle, %reduce_sum3A_413, %le3A_414 : i32
      %or3A_416 = arith.constant 8192 : i32
      %or3A_417 = arith.ori %or3A_403, %or3A_416 : i32
      %lt3A_418 = vector.broadcast %or3A_417 : i32 to vector<32x128xi32>
      %lt3A_419 = arith.cmpi slt, %slice3A, %lt3A_418 : vector<32x128xi32>
      %convert_element_type3A_420 = arith.extui %lt3A_419 : vector<32x128xi1> to vector<32x128xi32>
      %reduce_sum3A_421 = vector.shape_cast %convert_element_type3A_420 : vector<32x128xi32> to vector<1x32x128xi32>
      %reduce_sum3A_422 = arith.constant dense<0> : vector<1xi32>
      %reduce_sum3A_423 = vector.multi_reduction <add>, %reduce_sum3A_421, %reduce_sum3A_422 [1, 2] : vector<1x32x128xi32> to vector<1xi32>
      %reduce_sum3A_424 = vector.shape_cast %reduce_sum3A_423 : vector<1xi32> to vector<1x1x1xi32>
      %reduce_sum3A_425 = vector.extract %reduce_sum3A_424[0, 0, 0] : i32 from vector<1x1x1xi32>
      %le3A_426 = arith.constant 2047 : i32
      %le3A_427 = arith.cmpi sle, %reduce_sum3A_425, %le3A_426 : i32
      %or3A_428 = arith.constant 8192 : i32
      %or3A_429 = arith.ori %or3A_403, %or3A_428 : i32
      %or3A_430 = arith.constant 4096 : i32
      %or3A_431 = arith.ori %or3A_429, %or3A_430 : i32
      %lt3A_432 = vector.broadcast %or3A_431 : i32 to vector<32x128xi32>
      %lt3A_433 = arith.cmpi slt, %slice3A, %lt3A_432 : vector<32x128xi32>
      %convert_element_type3A_434 = arith.extui %lt3A_433 : vector<32x128xi1> to vector<32x128xi32>
      %reduce_sum3A_435 = vector.shape_cast %convert_element_type3A_434 : vector<32x128xi32> to vector<1x32x128xi32>
      %reduce_sum3A_436 = arith.constant dense<0> : vector<1xi32>
      %reduce_sum3A_437 = vector.multi_reduction <add>, %reduce_sum3A_435, %reduce_sum3A_436 [1, 2] : vector<1x32x128xi32> to vector<1xi32>
      %reduce_sum3A_438 = vector.shape_cast %reduce_sum3A_437 : vector<1xi32> to vector<1x1x1xi32>
      %reduce_sum3A_439 = vector.extract %reduce_sum3A_438[0, 0, 0] : i32 from vector<1x1x1xi32>
      %le3A_440 = arith.constant 2047 : i32
      %le3A_441 = arith.cmpi sle, %reduce_sum3A_439, %le3A_440 : i32
      %jit3A_442 = arith.constant 8192 : i32
      %jit3A_443 = arith.constant 0 : i32
      %select_n3A_444 = arith.select %le3A_427, %jit3A_442, %jit3A_443 : i32
      %or3A_445 = arith.ori %or3A_403, %select_n3A_444 : i32
      %select_n3A_446 = arith.select %le3A_427, %le3A_441, %le3A_415 : i1
      %jit3A_447 = arith.constant 4096 : i32
      %jit3A_448 = arith.constant 0 : i32
      %select_n3A_449 = arith.select %select_n3A_446, %jit3A_447, %jit3A_448 : i32
      %or3A_450 = arith.ori %or3A_445, %select_n3A_449 : i32
      %or3A_451 = arith.constant 1024 : i32
      %or3A_452 = arith.ori %or3A_450, %or3A_451 : i32
      %lt3A_453 = vector.broadcast %or3A_452 : i32 to vector<32x128xi32>
      %lt3A_454 = arith.cmpi slt, %slice3A, %lt3A_453 : vector<32x128xi32>
      %convert_element_type3A_455 = arith.extui %lt3A_454 : vector<32x128xi1> to vector<32x128xi32>
      %reduce_sum3A_456 = vector.shape_cast %convert_element_type3A_455 : vector<32x128xi32> to vector<1x32x128xi32>
      %reduce_sum3A_457 = arith.constant dense<0> : vector<1xi32>
      %reduce_sum3A_458 = vector.multi_reduction <add>, %reduce_sum3A_456, %reduce_sum3A_457 [1, 2] : vector<1x32x128xi32> to vector<1xi32>
      %reduce_sum3A_459 = vector.shape_cast %reduce_sum3A_458 : vector<1xi32> to vector<1x1x1xi32>
      %reduce_sum3A_460 = vector.extract %reduce_sum3A_459[0, 0, 0] : i32 from vector<1x1x1xi32>
      %le3A_461 = arith.constant 2047 : i32
      %le3A_462 = arith.cmpi sle, %reduce_sum3A_460, %le3A_461 : i32
      %or3A_463 = arith.constant 2048 : i32
      %or3A_464 = arith.ori %or3A_450, %or3A_463 : i32
      %lt3A_465 = vector.broadcast %or3A_464 : i32 to vector<32x128xi32>
      %lt3A_466 = arith.cmpi slt, %slice3A, %lt3A_465 : vector<32x128xi32>
      %convert_element_type3A_467 = arith.extui %lt3A_466 : vector<32x128xi1> to vector<32x128xi32>
      %reduce_sum3A_468 = vector.shape_cast %convert_element_type3A_467 : vector<32x128xi32> to vector<1x32x128xi32>
      %reduce_sum3A_469 = arith.constant dense<0> : vector<1xi32>
      %reduce_sum3A_470 = vector.multi_reduction <add>, %reduce_sum3A_468, %reduce_sum3A_469 [1, 2] : vector<1x32x128xi32> to vector<1xi32>
      %reduce_sum3A_471 = vector.shape_cast %reduce_sum3A_470 : vector<1xi32> to vector<1x1x1xi32>
      %reduce_sum3A_472 = vector.extract %reduce_sum3A_471[0, 0, 0] : i32 from vector<1x1x1xi32>
      %le3A_473 = arith.constant 2047 : i32
      %le3A_474 = arith.cmpi sle, %reduce_sum3A_472, %le3A_473 : i32
      %or3A_475 = arith.constant 2048 : i32
      %or3A_476 = arith.ori %or3A_450, %or3A_475 : i32
      %or3A_477 = arith.constant 1024 : i32
      %or3A_478 = arith.ori %or3A_476, %or3A_477 : i32
      %lt3A_479 = vector.broadcast %or3A_478 : i32 to vector<32x128xi32>
      %lt3A_480 = arith.cmpi slt, %slice3A, %lt3A_479 : vector<32x128xi32>
      %convert_element_type3A_481 = arith.extui %lt3A_480 : vector<32x128xi1> to vector<32x128xi32>
      %reduce_sum3A_482 = vector.shape_cast %convert_element_type3A_481 : vector<32x128xi32> to vector<1x32x128xi32>
      %reduce_sum3A_483 = arith.constant dense<0> : vector<1xi32>
      %reduce_sum3A_484 = vector.multi_reduction <add>, %reduce_sum3A_482, %reduce_sum3A_483 [1, 2] : vector<1x32x128xi32> to vector<1xi32>
      %reduce_sum3A_485 = vector.shape_cast %reduce_sum3A_484 : vector<1xi32> to vector<1x1x1xi32>
      %reduce_sum3A_486 = vector.extract %reduce_sum3A_485[0, 0, 0] : i32 from vector<1x1x1xi32>
      %le3A_487 = arith.constant 2047 : i32
      %le3A_488 = arith.cmpi sle, %reduce_sum3A_486, %le3A_487 : i32
      %jit3A_489 = arith.constant 2048 : i32
      %jit3A_490 = arith.constant 0 : i32
      %select_n3A_491 = arith.select %le3A_474, %jit3A_489, %jit3A_490 : i32
      %or3A_492 = arith.ori %or3A_450, %select_n3A_491 : i32
      %select_n3A_493 = arith.select %le3A_474, %le3A_488, %le3A_462 : i1
      %jit3A_494 = arith.constant 1024 : i32
      %jit3A_495 = arith.constant 0 : i32
      %select_n3A_496 = arith.select %select_n3A_493, %jit3A_494, %jit3A_495 : i32
      %or3A_497 = arith.ori %or3A_492, %select_n3A_496 : i32
      %or3A_498 = arith.constant 256 : i32
      %or3A_499 = arith.ori %or3A_497, %or3A_498 : i32
      %lt3A_500 = vector.broadcast %or3A_499 : i32 to vector<32x128xi32>
      %lt3A_501 = arith.cmpi slt, %slice3A, %lt3A_500 : vector<32x128xi32>
      %convert_element_type3A_502 = arith.extui %lt3A_501 : vector<32x128xi1> to vector<32x128xi32>
      %reduce_sum3A_503 = vector.shape_cast %convert_element_type3A_502 : vector<32x128xi32> to vector<1x32x128xi32>
      %reduce_sum3A_504 = arith.constant dense<0> : vector<1xi32>
      %reduce_sum3A_505 = vector.multi_reduction <add>, %reduce_sum3A_503, %reduce_sum3A_504 [1, 2] : vector<1x32x128xi32> to vector<1xi32>
      %reduce_sum3A_506 = vector.shape_cast %reduce_sum3A_505 : vector<1xi32> to vector<1x1x1xi32>
      %reduce_sum3A_507 = vector.extract %reduce_sum3A_506[0, 0, 0] : i32 from vector<1x1x1xi32>
      %le3A_508 = arith.constant 2047 : i32
      %le3A_509 = arith.cmpi sle, %reduce_sum3A_507, %le3A_508 : i32
      %or3A_510 = arith.constant 512 : i32
      %or3A_511 = arith.ori %or3A_497, %or3A_510 : i32
      %lt3A_512 = vector.broadcast %or3A_511 : i32 to vector<32x128xi32>
      %lt3A_513 = arith.cmpi slt, %slice3A, %lt3A_512 : vector<32x128xi32>
      %convert_element_type3A_514 = arith.extui %lt3A_513 : vector<32x128xi1> to vector<32x128xi32>
      %reduce_sum3A_515 = vector.shape_cast %convert_element_type3A_514 : vector<32x128xi32> to vector<1x32x128xi32>
      %reduce_sum3A_516 = arith.constant dense<0> : vector<1xi32>
      %reduce_sum3A_517 = vector.multi_reduction <add>, %reduce_sum3A_515, %reduce_sum3A_516 [1, 2] : vector<1x32x128xi32> to vector<1xi32>
      %reduce_sum3A_518 = vector.shape_cast %reduce_sum3A_517 : vector<1xi32> to vector<1x1x1xi32>
      %reduce_sum3A_519 = vector.extract %reduce_sum3A_518[0, 0, 0] : i32 from vector<1x1x1xi32>
      %le3A_520 = arith.constant 2047 : i32
      %le3A_521 = arith.cmpi sle, %reduce_sum3A_519, %le3A_520 : i32
      %or3A_522 = arith.constant 512 : i32
      %or3A_523 = arith.ori %or3A_497, %or3A_522 : i32
      %or3A_524 = arith.constant 256 : i32
      %or3A_525 = arith.ori %or3A_523, %or3A_524 : i32
      %lt3A_526 = vector.broadcast %or3A_525 : i32 to vector<32x128xi32>
      %lt3A_527 = arith.cmpi slt, %slice3A, %lt3A_526 : vector<32x128xi32>
      %convert_element_type3A_528 = arith.extui %lt3A_527 : vector<32x128xi1> to vector<32x128xi32>
      %reduce_sum3A_529 = vector.shape_cast %convert_element_type3A_528 : vector<32x128xi32> to vector<1x32x128xi32>
      %reduce_sum3A_530 = arith.constant dense<0> : vector<1xi32>
      %reduce_sum3A_531 = vector.multi_reduction <add>, %reduce_sum3A_529, %reduce_sum3A_530 [1, 2] : vector<1x32x128xi32> to vector<1xi32>
      %reduce_sum3A_532 = vector.shape_cast %reduce_sum3A_531 : vector<1xi32> to vector<1x1x1xi32>
      %reduce_sum3A_533 = vector.extract %reduce_sum3A_532[0, 0, 0] : i32 from vector<1x1x1xi32>
      %le3A_534 = arith.constant 2047 : i32
      %le3A_535 = arith.cmpi sle, %reduce_sum3A_533, %le3A_534 : i32
      %jit3A_536 = arith.constant 512 : i32
      %jit3A_537 = arith.constant 0 : i32
      %select_n3A_538 = arith.select %le3A_521, %jit3A_536, %jit3A_537 : i32
      %or3A_539 = arith.ori %or3A_497, %select_n3A_538 : i32
      %select_n3A_540 = arith.select %le3A_521, %le3A_535, %le3A_509 : i1
      %jit3A_541 = arith.constant 256 : i32
      %jit3A_542 = arith.constant 0 : i32
      %select_n3A_543 = arith.select %select_n3A_540, %jit3A_541, %jit3A_542 : i32
      %or3A_544 = arith.ori %or3A_539, %select_n3A_543 : i32
      %or3A_545 = arith.constant 64 : i32
      %or3A_546 = arith.ori %or3A_544, %or3A_545 : i32
      %lt3A_547 = vector.broadcast %or3A_546 : i32 to vector<32x128xi32>
      %lt3A_548 = arith.cmpi slt, %slice3A, %lt3A_547 : vector<32x128xi32>
      %convert_element_type3A_549 = arith.extui %lt3A_548 : vector<32x128xi1> to vector<32x128xi32>
      %reduce_sum3A_550 = vector.shape_cast %convert_element_type3A_549 : vector<32x128xi32> to vector<1x32x128xi32>
      %reduce_sum3A_551 = arith.constant dense<0> : vector<1xi32>
      %reduce_sum3A_552 = vector.multi_reduction <add>, %reduce_sum3A_550, %reduce_sum3A_551 [1, 2] : vector<1x32x128xi32> to vector<1xi32>
      %reduce_sum3A_553 = vector.shape_cast %reduce_sum3A_552 : vector<1xi32> to vector<1x1x1xi32>
      %reduce_sum3A_554 = vector.extract %reduce_sum3A_553[0, 0, 0] : i32 from vector<1x1x1xi32>
      %le3A_555 = arith.constant 2047 : i32
      %le3A_556 = arith.cmpi sle, %reduce_sum3A_554, %le3A_555 : i32
      %or3A_557 = arith.constant 128 : i32
      %or3A_558 = arith.ori %or3A_544, %or3A_557 : i32
      %lt3A_559 = vector.broadcast %or3A_558 : i32 to vector<32x128xi32>
      %lt3A_560 = arith.cmpi slt, %slice3A, %lt3A_559 : vector<32x128xi32>
      %convert_element_type3A_561 = arith.extui %lt3A_560 : vector<32x128xi1> to vector<32x128xi32>
      %reduce_sum3A_562 = vector.shape_cast %convert_element_type3A_561 : vector<32x128xi32> to vector<1x32x128xi32>
      %reduce_sum3A_563 = arith.constant dense<0> : vector<1xi32>
      %reduce_sum3A_564 = vector.multi_reduction <add>, %reduce_sum3A_562, %reduce_sum3A_563 [1, 2] : vector<1x32x128xi32> to vector<1xi32>
      %reduce_sum3A_565 = vector.shape_cast %reduce_sum3A_564 : vector<1xi32> to vector<1x1x1xi32>
      %reduce_sum3A_566 = vector.extract %reduce_sum3A_565[0, 0, 0] : i32 from vector<1x1x1xi32>
      %le3A_567 = arith.constant 2047 : i32
      %le3A_568 = arith.cmpi sle, %reduce_sum3A_566, %le3A_567 : i32
      %or3A_569 = arith.constant 128 : i32
      %or3A_570 = arith.ori %or3A_544, %or3A_569 : i32
      %or3A_571 = arith.constant 64 : i32
      %or3A_572 = arith.ori %or3A_570, %or3A_571 : i32
      %lt3A_573 = vector.broadcast %or3A_572 : i32 to vector<32x128xi32>
      %lt3A_574 = arith.cmpi slt, %slice3A, %lt3A_573 : vector<32x128xi32>
      %convert_element_type3A_575 = arith.extui %lt3A_574 : vector<32x128xi1> to vector<32x128xi32>
      %reduce_sum3A_576 = vector.shape_cast %convert_element_type3A_575 : vector<32x128xi32> to vector<1x32x128xi32>
      %reduce_sum3A_577 = arith.constant dense<0> : vector<1xi32>
      %reduce_sum3A_578 = vector.multi_reduction <add>, %reduce_sum3A_576, %reduce_sum3A_577 [1, 2] : vector<1x32x128xi32> to vector<1xi32>
      %reduce_sum3A_579 = vector.shape_cast %reduce_sum3A_578 : vector<1xi32> to vector<1x1x1xi32>
      %reduce_sum3A_580 = vector.extract %reduce_sum3A_579[0, 0, 0] : i32 from vector<1x1x1xi32>
      %le3A_581 = arith.constant 2047 : i32
      %le3A_582 = arith.cmpi sle, %reduce_sum3A_580, %le3A_581 : i32
      %jit3A_583 = arith.constant 128 : i32
      %jit3A_584 = arith.constant 0 : i32
      %select_n3A_585 = arith.select %le3A_568, %jit3A_583, %jit3A_584 : i32
      %or3A_586 = arith.ori %or3A_544, %select_n3A_585 : i32
      %select_n3A_587 = arith.select %le3A_568, %le3A_582, %le3A_556 : i1
      %jit3A_588 = arith.constant 64 : i32
      %jit3A_589 = arith.constant 0 : i32
      %select_n3A_590 = arith.select %select_n3A_587, %jit3A_588, %jit3A_589 : i32
      %or3A_591 = arith.ori %or3A_586, %select_n3A_590 : i32
      %or3A_592 = arith.constant 16 : i32
      %or3A_593 = arith.ori %or3A_591, %or3A_592 : i32
      %lt3A_594 = vector.broadcast %or3A_593 : i32 to vector<32x128xi32>
      %lt3A_595 = arith.cmpi slt, %slice3A, %lt3A_594 : vector<32x128xi32>
      %convert_element_type3A_596 = arith.extui %lt3A_595 : vector<32x128xi1> to vector<32x128xi32>
      %reduce_sum3A_597 = vector.shape_cast %convert_element_type3A_596 : vector<32x128xi32> to vector<1x32x128xi32>
      %reduce_sum3A_598 = arith.constant dense<0> : vector<1xi32>
      %reduce_sum3A_599 = vector.multi_reduction <add>, %reduce_sum3A_597, %reduce_sum3A_598 [1, 2] : vector<1x32x128xi32> to vector<1xi32>
      %reduce_sum3A_600 = vector.shape_cast %reduce_sum3A_599 : vector<1xi32> to vector<1x1x1xi32>
      %reduce_sum3A_601 = vector.extract %reduce_sum3A_600[0, 0, 0] : i32 from vector<1x1x1xi32>
      %le3A_602 = arith.constant 2047 : i32
      %le3A_603 = arith.cmpi sle, %reduce_sum3A_601, %le3A_602 : i32
      %or3A_604 = arith.constant 32 : i32
      %or3A_605 = arith.ori %or3A_591, %or3A_604 : i32
      %lt3A_606 = vector.broadcast %or3A_605 : i32 to vector<32x128xi32>
      %lt3A_607 = arith.cmpi slt, %slice3A, %lt3A_606 : vector<32x128xi32>
      %convert_element_type3A_608 = arith.extui %lt3A_607 : vector<32x128xi1> to vector<32x128xi32>
      %reduce_sum3A_609 = vector.shape_cast %convert_element_type3A_608 : vector<32x128xi32> to vector<1x32x128xi32>
      %reduce_sum3A_610 = arith.constant dense<0> : vector<1xi32>
      %reduce_sum3A_611 = vector.multi_reduction <add>, %reduce_sum3A_609, %reduce_sum3A_610 [1, 2] : vector<1x32x128xi32> to vector<1xi32>
      %reduce_sum3A_612 = vector.shape_cast %reduce_sum3A_611 : vector<1xi32> to vector<1x1x1xi32>
      %reduce_sum3A_613 = vector.extract %reduce_sum3A_612[0, 0, 0] : i32 from vector<1x1x1xi32>
      %le3A_614 = arith.constant 2047 : i32
      %le3A_615 = arith.cmpi sle, %reduce_sum3A_613, %le3A_614 : i32
      %or3A_616 = arith.constant 32 : i32
      %or3A_617 = arith.ori %or3A_591, %or3A_616 : i32
      %or3A_618 = arith.constant 16 : i32
      %or3A_619 = arith.ori %or3A_617, %or3A_618 : i32
      %lt3A_620 = vector.broadcast %or3A_619 : i32 to vector<32x128xi32>
      %lt3A_621 = arith.cmpi slt, %slice3A, %lt3A_620 : vector<32x128xi32>
      %convert_element_type3A_622 = arith.extui %lt3A_621 : vector<32x128xi1> to vector<32x128xi32>
      %reduce_sum3A_623 = vector.shape_cast %convert_element_type3A_622 : vector<32x128xi32> to vector<1x32x128xi32>
      %reduce_sum3A_624 = arith.constant dense<0> : vector<1xi32>
      %reduce_sum3A_625 = vector.multi_reduction <add>, %reduce_sum3A_623, %reduce_sum3A_624 [1, 2] : vector<1x32x128xi32> to vector<1xi32>
      %reduce_sum3A_626 = vector.shape_cast %reduce_sum3A_625 : vector<1xi32> to vector<1x1x1xi32>
      %reduce_sum3A_627 = vector.extract %reduce_sum3A_626[0, 0, 0] : i32 from vector<1x1x1xi32>
      %le3A_628 = arith.constant 2047 : i32
      %le3A_629 = arith.cmpi sle, %reduce_sum3A_627, %le3A_628 : i32
      %jit3A_630 = arith.constant 32 : i32
      %jit3A_631 = arith.constant 0 : i32
      %select_n3A_632 = arith.select %le3A_615, %jit3A_630, %jit3A_631 : i32
      %or3A_633 = arith.ori %or3A_591, %select_n3A_632 : i32
      %select_n3A_634 = arith.select %le3A_615, %le3A_629, %le3A_603 : i1
      %jit3A_635 = arith.constant 16 : i32
      %jit3A_636 = arith.constant 0 : i32
      %select_n3A_637 = arith.select %select_n3A_634, %jit3A_635, %jit3A_636 : i32
      %or3A_638 = arith.ori %or3A_633, %select_n3A_637 : i32
      %or3A_639 = arith.constant 4 : i32
      %or3A_640 = arith.ori %or3A_638, %or3A_639 : i32
      %lt3A_641 = vector.broadcast %or3A_640 : i32 to vector<32x128xi32>
      %lt3A_642 = arith.cmpi slt, %slice3A, %lt3A_641 : vector<32x128xi32>
      %convert_element_type3A_643 = arith.extui %lt3A_642 : vector<32x128xi1> to vector<32x128xi32>
      %reduce_sum3A_644 = vector.shape_cast %convert_element_type3A_643 : vector<32x128xi32> to vector<1x32x128xi32>
      %reduce_sum3A_645 = arith.constant dense<0> : vector<1xi32>
      %reduce_sum3A_646 = vector.multi_reduction <add>, %reduce_sum3A_644, %reduce_sum3A_645 [1, 2] : vector<1x32x128xi32> to vector<1xi32>
      %reduce_sum3A_647 = vector.shape_cast %reduce_sum3A_646 : vector<1xi32> to vector<1x1x1xi32>
      %reduce_sum3A_648 = vector.extract %reduce_sum3A_647[0, 0, 0] : i32 from vector<1x1x1xi32>
      %le3A_649 = arith.constant 2047 : i32
      %le3A_650 = arith.cmpi sle, %reduce_sum3A_648, %le3A_649 : i32
      %or3A_651 = arith.constant 8 : i32
      %or3A_652 = arith.ori %or3A_638, %or3A_651 : i32
      %lt3A_653 = vector.broadcast %or3A_652 : i32 to vector<32x128xi32>
      %lt3A_654 = arith.cmpi slt, %slice3A, %lt3A_653 : vector<32x128xi32>
      %convert_element_type3A_655 = arith.extui %lt3A_654 : vector<32x128xi1> to vector<32x128xi32>
      %reduce_sum3A_656 = vector.shape_cast %convert_element_type3A_655 : vector<32x128xi32> to vector<1x32x128xi32>
      %reduce_sum3A_657 = arith.constant dense<0> : vector<1xi32>
      %reduce_sum3A_658 = vector.multi_reduction <add>, %reduce_sum3A_656, %reduce_sum3A_657 [1, 2] : vector<1x32x128xi32> to vector<1xi32>
      %reduce_sum3A_659 = vector.shape_cast %reduce_sum3A_658 : vector<1xi32> to vector<1x1x1xi32>
      %reduce_sum3A_660 = vector.extract %reduce_sum3A_659[0, 0, 0] : i32 from vector<1x1x1xi32>
      %le3A_661 = arith.constant 2047 : i32
      %le3A_662 = arith.cmpi sle, %reduce_sum3A_660, %le3A_661 : i32
      %or3A_663 = arith.constant 8 : i32
      %or3A_664 = arith.ori %or3A_638, %or3A_663 : i32
      %or3A_665 = arith.constant 4 : i32
      %or3A_666 = arith.ori %or3A_664, %or3A_665 : i32
      %lt3A_667 = vector.broadcast %or3A_666 : i32 to vector<32x128xi32>
      %lt3A_668 = arith.cmpi slt, %slice3A, %lt3A_667 : vector<32x128xi32>
      %convert_element_type3A_669 = arith.extui %lt3A_668 : vector<32x128xi1> to vector<32x128xi32>
      %reduce_sum3A_670 = vector.shape_cast %convert_element_type3A_669 : vector<32x128xi32> to vector<1x32x128xi32>
      %reduce_sum3A_671 = arith.constant dense<0> : vector<1xi32>
      %reduce_sum3A_672 = vector.multi_reduction <add>, %reduce_sum3A_670, %reduce_sum3A_671 [1, 2] : vector<1x32x128xi32> to vector<1xi32>
      %reduce_sum3A_673 = vector.shape_cast %reduce_sum3A_672 : vector<1xi32> to vector<1x1x1xi32>
      %reduce_sum3A_674 = vector.extract %reduce_sum3A_673[0, 0, 0] : i32 from vector<1x1x1xi32>
      %le3A_675 = arith.constant 2047 : i32
      %le3A_676 = arith.cmpi sle, %reduce_sum3A_674, %le3A_675 : i32
      %jit3A_677 = arith.constant 8 : i32
      %jit3A_678 = arith.constant 0 : i32
      %select_n3A_679 = arith.select %le3A_662, %jit3A_677, %jit3A_678 : i32
      %or3A_680 = arith.ori %or3A_638, %select_n3A_679 : i32
      %select_n3A_681 = arith.select %le3A_662, %le3A_676, %le3A_650 : i1
      %jit3A_682 = arith.constant 4 : i32
      %jit3A_683 = arith.constant 0 : i32
      %select_n3A_684 = arith.select %select_n3A_681, %jit3A_682, %jit3A_683 : i32
      %or3A_685 = arith.ori %or3A_680, %select_n3A_684 : i32
      %or3A_686 = arith.constant 1 : i32
      %or3A_687 = arith.ori %or3A_685, %or3A_686 : i32
      %lt3A_688 = vector.broadcast %or3A_687 : i32 to vector<32x128xi32>
      %lt3A_689 = arith.cmpi slt, %slice3A, %lt3A_688 : vector<32x128xi32>
      %convert_element_type3A_690 = arith.extui %lt3A_689 : vector<32x128xi1> to vector<32x128xi32>
      %reduce_sum3A_691 = vector.shape_cast %convert_element_type3A_690 : vector<32x128xi32> to vector<1x32x128xi32>
      %reduce_sum3A_692 = arith.constant dense<0> : vector<1xi32>
      %reduce_sum3A_693 = vector.multi_reduction <add>, %reduce_sum3A_691, %reduce_sum3A_692 [1, 2] : vector<1x32x128xi32> to vector<1xi32>
      %reduce_sum3A_694 = vector.shape_cast %reduce_sum3A_693 : vector<1xi32> to vector<1x1x1xi32>
      %reduce_sum3A_695 = vector.extract %reduce_sum3A_694[0, 0, 0] : i32 from vector<1x1x1xi32>
      %le3A_696 = arith.constant 2047 : i32
      %le3A_697 = arith.cmpi sle, %reduce_sum3A_695, %le3A_696 : i32
      %or3A_698 = arith.constant 2 : i32
      %or3A_699 = arith.ori %or3A_685, %or3A_698 : i32
      %lt3A_700 = vector.broadcast %or3A_699 : i32 to vector<32x128xi32>
      %lt3A_701 = arith.cmpi slt, %slice3A, %lt3A_700 : vector<32x128xi32>
      %convert_element_type3A_702 = arith.extui %lt3A_701 : vector<32x128xi1> to vector<32x128xi32>
      %reduce_sum3A_703 = vector.shape_cast %convert_element_type3A_702 : vector<32x128xi32> to vector<1x32x128xi32>
      %reduce_sum3A_704 = arith.constant dense<0> : vector<1xi32>
      %reduce_sum3A_705 = vector.multi_reduction <add>, %reduce_sum3A_703, %reduce_sum3A_704 [1, 2] : vector<1x32x128xi32> to vector<1xi32>
      %reduce_sum3A_706 = vector.shape_cast %reduce_sum3A_705 : vector<1xi32> to vector<1x1x1xi32>
      %reduce_sum3A_707 = vector.extract %reduce_sum3A_706[0, 0, 0] : i32 from vector<1x1x1xi32>
      %le3A_708 = arith.constant 2047 : i32
      %le3A_709 = arith.cmpi sle, %reduce_sum3A_707, %le3A_708 : i32
      %or3A_710 = arith.constant 2 : i32
      %or3A_711 = arith.ori %or3A_685, %or3A_710 : i32
      %or3A_712 = arith.constant 1 : i32
      %or3A_713 = arith.ori %or3A_711, %or3A_712 : i32
      %lt3A_714 = vector.broadcast %or3A_713 : i32 to vector<32x128xi32>
      %lt3A_715 = arith.cmpi slt, %slice3A, %lt3A_714 : vector<32x128xi32>
      %convert_element_type3A_716 = arith.extui %lt3A_715 : vector<32x128xi1> to vector<32x128xi32>
      %reduce_sum3A_717 = vector.shape_cast %convert_element_type3A_716 : vector<32x128xi32> to vector<1x32x128xi32>
      %reduce_sum3A_718 = arith.constant dense<0> : vector<1xi32>
      %reduce_sum3A_719 = vector.multi_reduction <add>, %reduce_sum3A_717, %reduce_sum3A_718 [1, 2] : vector<1x32x128xi32> to vector<1xi32>
      %reduce_sum3A_720 = vector.shape_cast %reduce_sum3A_719 : vector<1xi32> to vector<1x1x1xi32>
      %reduce_sum3A_721 = vector.extract %reduce_sum3A_720[0, 0, 0] : i32 from vector<1x1x1xi32>
      %le3A_722 = arith.constant 2047 : i32
      %le3A_723 = arith.cmpi sle, %reduce_sum3A_721, %le3A_722 : i32
      %jit3A_724 = arith.constant 2 : i32
      %jit3A_725 = arith.constant 0 : i32
      %select_n3A_726 = arith.select %le3A_709, %jit3A_724, %jit3A_725 : i32
      %or3A_727 = arith.ori %or3A_685, %select_n3A_726 : i32
      %select_n3A_728 = arith.select %le3A_709, %le3A_723, %le3A_697 : i1
      %jit3A_729 = arith.constant 1 : i32
      %jit3A_730 = arith.constant 0 : i32
      %select_n3A_731 = arith.select %select_n3A_728, %jit3A_729, %jit3A_730 : i32
      %or3A_732 = arith.ori %or3A_727, %select_n3A_731 : i32
      %bitcast_convert_type3A_733 = arith.bitcast %or3A_732 : i32 to f32
      %slice3A_734 = vector.extract_strided_slice %reshape3A {offsets = [32, 0], sizes = [32, 128], strides = [1, 1]} : vector<64x128xi32> to vector<32x128xi32>
      %or3A_735 = arith.constant 0 : i32
      %or3A_736 = arith.constant 1073741824 : i32
      %or3A_737 = arith.ori %or3A_735, %or3A_736 : i32
      %lt3A_738 = vector.broadcast %or3A_737 : i32 to vector<32x128xi32>
      %lt3A_739 = arith.cmpi slt, %slice3A_734, %lt3A_738 : vector<32x128xi32>
      %convert_element_type3A_740 = arith.extui %lt3A_739 : vector<32x128xi1> to vector<32x128xi32>
      %reduce_sum3A_741 = vector.shape_cast %convert_element_type3A_740 : vector<32x128xi32> to vector<1x32x128xi32>
      %reduce_sum3A_742 = arith.constant dense<0> : vector<1xi32>
      %reduce_sum3A_743 = vector.multi_reduction <add>, %reduce_sum3A_741, %reduce_sum3A_742 [1, 2] : vector<1x32x128xi32> to vector<1xi32>
      %reduce_sum3A_744 = vector.shape_cast %reduce_sum3A_743 : vector<1xi32> to vector<1x1x1xi32>
      %reduce_sum3A_745 = vector.extract %reduce_sum3A_744[0, 0, 0] : i32 from vector<1x1x1xi32>
      %le3A_746 = arith.constant 2047 : i32
      %le3A_747 = arith.cmpi sle, %reduce_sum3A_745, %le3A_746 : i32
      %or3A_748 = arith.constant 0 : i32
      %or3A_749 = arith.constant 1073741824 : i32
      %or3A_750 = arith.ori %or3A_748, %or3A_749 : i32
      %jit3A_751 = arith.constant 0 : i32
      %select_n3A_752 = arith.select %le3A_747, %or3A_750, %jit3A_751 : i32
      %or3A_753 = arith.constant 268435456 : i32
      %or3A_754 = arith.ori %select_n3A_752, %or3A_753 : i32
      %lt3A_755 = vector.broadcast %or3A_754 : i32 to vector<32x128xi32>
      %lt3A_756 = arith.cmpi slt, %slice3A_734, %lt3A_755 : vector<32x128xi32>
      %convert_element_type3A_757 = arith.extui %lt3A_756 : vector<32x128xi1> to vector<32x128xi32>
      %reduce_sum3A_758 = vector.shape_cast %convert_element_type3A_757 : vector<32x128xi32> to vector<1x32x128xi32>
      %reduce_sum3A_759 = arith.constant dense<0> : vector<1xi32>
      %reduce_sum3A_760 = vector.multi_reduction <add>, %reduce_sum3A_758, %reduce_sum3A_759 [1, 2] : vector<1x32x128xi32> to vector<1xi32>
      %reduce_sum3A_761 = vector.shape_cast %reduce_sum3A_760 : vector<1xi32> to vector<1x1x1xi32>
      %reduce_sum3A_762 = vector.extract %reduce_sum3A_761[0, 0, 0] : i32 from vector<1x1x1xi32>
      %le3A_763 = arith.constant 2047 : i32
      %le3A_764 = arith.cmpi sle, %reduce_sum3A_762, %le3A_763 : i32
      %or3A_765 = arith.constant 536870912 : i32
      %or3A_766 = arith.ori %select_n3A_752, %or3A_765 : i32
      %lt3A_767 = vector.broadcast %or3A_766 : i32 to vector<32x128xi32>
      %lt3A_768 = arith.cmpi slt, %slice3A_734, %lt3A_767 : vector<32x128xi32>
      %convert_element_type3A_769 = arith.extui %lt3A_768 : vector<32x128xi1> to vector<32x128xi32>
      %reduce_sum3A_770 = vector.shape_cast %convert_element_type3A_769 : vector<32x128xi32> to vector<1x32x128xi32>
      %reduce_sum3A_771 = arith.constant dense<0> : vector<1xi32>
      %reduce_sum3A_772 = vector.multi_reduction <add>, %reduce_sum3A_770, %reduce_sum3A_771 [1, 2] : vector<1x32x128xi32> to vector<1xi32>
      %reduce_sum3A_773 = vector.shape_cast %reduce_sum3A_772 : vector<1xi32> to vector<1x1x1xi32>
      %reduce_sum3A_774 = vector.extract %reduce_sum3A_773[0, 0, 0] : i32 from vector<1x1x1xi32>
      %le3A_775 = arith.constant 2047 : i32
      %le3A_776 = arith.cmpi sle, %reduce_sum3A_774, %le3A_775 : i32
      %or3A_777 = arith.constant 536870912 : i32
      %or3A_778 = arith.ori %select_n3A_752, %or3A_777 : i32
      %or3A_779 = arith.constant 268435456 : i32
      %or3A_780 = arith.ori %or3A_778, %or3A_779 : i32
      %lt3A_781 = vector.broadcast %or3A_780 : i32 to vector<32x128xi32>
      %lt3A_782 = arith.cmpi slt, %slice3A_734, %lt3A_781 : vector<32x128xi32>
      %convert_element_type3A_783 = arith.extui %lt3A_782 : vector<32x128xi1> to vector<32x128xi32>
      %reduce_sum3A_784 = vector.shape_cast %convert_element_type3A_783 : vector<32x128xi32> to vector<1x32x128xi32>
      %reduce_sum3A_785 = arith.constant dense<0> : vector<1xi32>
      %reduce_sum3A_786 = vector.multi_reduction <add>, %reduce_sum3A_784, %reduce_sum3A_785 [1, 2] : vector<1x32x128xi32> to vector<1xi32>
      %reduce_sum3A_787 = vector.shape_cast %reduce_sum3A_786 : vector<1xi32> to vector<1x1x1xi32>
      %reduce_sum3A_788 = vector.extract %reduce_sum3A_787[0, 0, 0] : i32 from vector<1x1x1xi32>
      %le3A_789 = arith.constant 2047 : i32
      %le3A_790 = arith.cmpi sle, %reduce_sum3A_788, %le3A_789 : i32
      %jit3A_791 = arith.constant 536870912 : i32
      %jit3A_792 = arith.constant 0 : i32
      %select_n3A_793 = arith.select %le3A_776, %jit3A_791, %jit3A_792 : i32
      %or3A_794 = arith.ori %select_n3A_752, %select_n3A_793 : i32
      %select_n3A_795 = arith.select %le3A_776, %le3A_790, %le3A_764 : i1
      %jit3A_796 = arith.constant 268435456 : i32
      %jit3A_797 = arith.constant 0 : i32
      %select_n3A_798 = arith.select %select_n3A_795, %jit3A_796, %jit3A_797 : i32
      %or3A_799 = arith.ori %or3A_794, %select_n3A_798 : i32
      %or3A_800 = arith.constant 67108864 : i32
      %or3A_801 = arith.ori %or3A_799, %or3A_800 : i32
      %lt3A_802 = vector.broadcast %or3A_801 : i32 to vector<32x128xi32>
      %lt3A_803 = arith.cmpi slt, %slice3A_734, %lt3A_802 : vector<32x128xi32>
      %convert_element_type3A_804 = arith.extui %lt3A_803 : vector<32x128xi1> to vector<32x128xi32>
      %reduce_sum3A_805 = vector.shape_cast %convert_element_type3A_804 : vector<32x128xi32> to vector<1x32x128xi32>
      %reduce_sum3A_806 = arith.constant dense<0> : vector<1xi32>
      %reduce_sum3A_807 = vector.multi_reduction <add>, %reduce_sum3A_805, %reduce_sum3A_806 [1, 2] : vector<1x32x128xi32> to vector<1xi32>
      %reduce_sum3A_808 = vector.shape_cast %reduce_sum3A_807 : vector<1xi32> to vector<1x1x1xi32>
      %reduce_sum3A_809 = vector.extract %reduce_sum3A_808[0, 0, 0] : i32 from vector<1x1x1xi32>
      %le3A_810 = arith.constant 2047 : i32
      %le3A_811 = arith.cmpi sle, %reduce_sum3A_809, %le3A_810 : i32
      %or3A_812 = arith.constant 134217728 : i32
      %or3A_813 = arith.ori %or3A_799, %or3A_812 : i32
      %lt3A_814 = vector.broadcast %or3A_813 : i32 to vector<32x128xi32>
      %lt3A_815 = arith.cmpi slt, %slice3A_734, %lt3A_814 : vector<32x128xi32>
      %convert_element_type3A_816 = arith.extui %lt3A_815 : vector<32x128xi1> to vector<32x128xi32>
      %reduce_sum3A_817 = vector.shape_cast %convert_element_type3A_816 : vector<32x128xi32> to vector<1x32x128xi32>
      %reduce_sum3A_818 = arith.constant dense<0> : vector<1xi32>
      %reduce_sum3A_819 = vector.multi_reduction <add>, %reduce_sum3A_817, %reduce_sum3A_818 [1, 2] : vector<1x32x128xi32> to vector<1xi32>
      %reduce_sum3A_820 = vector.shape_cast %reduce_sum3A_819 : vector<1xi32> to vector<1x1x1xi32>
      %reduce_sum3A_821 = vector.extract %reduce_sum3A_820[0, 0, 0] : i32 from vector<1x1x1xi32>
      %le3A_822 = arith.constant 2047 : i32
      %le3A_823 = arith.cmpi sle, %reduce_sum3A_821, %le3A_822 : i32
      %or3A_824 = arith.constant 134217728 : i32
      %or3A_825 = arith.ori %or3A_799, %or3A_824 : i32
      %or3A_826 = arith.constant 67108864 : i32
      %or3A_827 = arith.ori %or3A_825, %or3A_826 : i32
      %lt3A_828 = vector.broadcast %or3A_827 : i32 to vector<32x128xi32>
      %lt3A_829 = arith.cmpi slt, %slice3A_734, %lt3A_828 : vector<32x128xi32>
      %convert_element_type3A_830 = arith.extui %lt3A_829 : vector<32x128xi1> to vector<32x128xi32>
      %reduce_sum3A_831 = vector.shape_cast %convert_element_type3A_830 : vector<32x128xi32> to vector<1x32x128xi32>
      %reduce_sum3A_832 = arith.constant dense<0> : vector<1xi32>
      %reduce_sum3A_833 = vector.multi_reduction <add>, %reduce_sum3A_831, %reduce_sum3A_832 [1, 2] : vector<1x32x128xi32> to vector<1xi32>
      %reduce_sum3A_834 = vector.shape_cast %reduce_sum3A_833 : vector<1xi32> to vector<1x1x1xi32>
      %reduce_sum3A_835 = vector.extract %reduce_sum3A_834[0, 0, 0] : i32 from vector<1x1x1xi32>
      %le3A_836 = arith.constant 2047 : i32
      %le3A_837 = arith.cmpi sle, %reduce_sum3A_835, %le3A_836 : i32
      %jit3A_838 = arith.constant 134217728 : i32
      %jit3A_839 = arith.constant 0 : i32
      %select_n3A_840 = arith.select %le3A_823, %jit3A_838, %jit3A_839 : i32
      %or3A_841 = arith.ori %or3A_799, %select_n3A_840 : i32
      %select_n3A_842 = arith.select %le3A_823, %le3A_837, %le3A_811 : i1
      %jit3A_843 = arith.constant 67108864 : i32
      %jit3A_844 = arith.constant 0 : i32
      %select_n3A_845 = arith.select %select_n3A_842, %jit3A_843, %jit3A_844 : i32
      %or3A_846 = arith.ori %or3A_841, %select_n3A_845 : i32
      %or3A_847 = arith.constant 16777216 : i32
      %or3A_848 = arith.ori %or3A_846, %or3A_847 : i32
      %lt3A_849 = vector.broadcast %or3A_848 : i32 to vector<32x128xi32>
      %lt3A_850 = arith.cmpi slt, %slice3A_734, %lt3A_849 : vector<32x128xi32>
      %convert_element_type3A_851 = arith.extui %lt3A_850 : vector<32x128xi1> to vector<32x128xi32>
      %reduce_sum3A_852 = vector.shape_cast %convert_element_type3A_851 : vector<32x128xi32> to vector<1x32x128xi32>
      %reduce_sum3A_853 = arith.constant dense<0> : vector<1xi32>
      %reduce_sum3A_854 = vector.multi_reduction <add>, %reduce_sum3A_852, %reduce_sum3A_853 [1, 2] : vector<1x32x128xi32> to vector<1xi32>
      %reduce_sum3A_855 = vector.shape_cast %reduce_sum3A_854 : vector<1xi32> to vector<1x1x1xi32>
      %reduce_sum3A_856 = vector.extract %reduce_sum3A_855[0, 0, 0] : i32 from vector<1x1x1xi32>
      %le3A_857 = arith.constant 2047 : i32
      %le3A_858 = arith.cmpi sle, %reduce_sum3A_856, %le3A_857 : i32
      %or3A_859 = arith.constant 33554432 : i32
      %or3A_860 = arith.ori %or3A_846, %or3A_859 : i32
      %lt3A_861 = vector.broadcast %or3A_860 : i32 to vector<32x128xi32>
      %lt3A_862 = arith.cmpi slt, %slice3A_734, %lt3A_861 : vector<32x128xi32>
      %convert_element_type3A_863 = arith.extui %lt3A_862 : vector<32x128xi1> to vector<32x128xi32>
      %reduce_sum3A_864 = vector.shape_cast %convert_element_type3A_863 : vector<32x128xi32> to vector<1x32x128xi32>
      %reduce_sum3A_865 = arith.constant dense<0> : vector<1xi32>
      %reduce_sum3A_866 = vector.multi_reduction <add>, %reduce_sum3A_864, %reduce_sum3A_865 [1, 2] : vector<1x32x128xi32> to vector<1xi32>
      %reduce_sum3A_867 = vector.shape_cast %reduce_sum3A_866 : vector<1xi32> to vector<1x1x1xi32>
      %reduce_sum3A_868 = vector.extract %reduce_sum3A_867[0, 0, 0] : i32 from vector<1x1x1xi32>
      %le3A_869 = arith.constant 2047 : i32
      %le3A_870 = arith.cmpi sle, %reduce_sum3A_868, %le3A_869 : i32
      %or3A_871 = arith.constant 33554432 : i32
      %or3A_872 = arith.ori %or3A_846, %or3A_871 : i32
      %or3A_873 = arith.constant 16777216 : i32
      %or3A_874 = arith.ori %or3A_872, %or3A_873 : i32
      %lt3A_875 = vector.broadcast %or3A_874 : i32 to vector<32x128xi32>
      %lt3A_876 = arith.cmpi slt, %slice3A_734, %lt3A_875 : vector<32x128xi32>
      %convert_element_type3A_877 = arith.extui %lt3A_876 : vector<32x128xi1> to vector<32x128xi32>
      %reduce_sum3A_878 = vector.shape_cast %convert_element_type3A_877 : vector<32x128xi32> to vector<1x32x128xi32>
      %reduce_sum3A_879 = arith.constant dense<0> : vector<1xi32>
      %reduce_sum3A_880 = vector.multi_reduction <add>, %reduce_sum3A_878, %reduce_sum3A_879 [1, 2] : vector<1x32x128xi32> to vector<1xi32>
      %reduce_sum3A_881 = vector.shape_cast %reduce_sum3A_880 : vector<1xi32> to vector<1x1x1xi32>
      %reduce_sum3A_882 = vector.extract %reduce_sum3A_881[0, 0, 0] : i32 from vector<1x1x1xi32>
      %le3A_883 = arith.constant 2047 : i32
      %le3A_884 = arith.cmpi sle, %reduce_sum3A_882, %le3A_883 : i32
      %jit3A_885 = arith.constant 33554432 : i32
      %jit3A_886 = arith.constant 0 : i32
      %select_n3A_887 = arith.select %le3A_870, %jit3A_885, %jit3A_886 : i32
      %or3A_888 = arith.ori %or3A_846, %select_n3A_887 : i32
      %select_n3A_889 = arith.select %le3A_870, %le3A_884, %le3A_858 : i1
      %jit3A_890 = arith.constant 16777216 : i32
      %jit3A_891 = arith.constant 0 : i32
      %select_n3A_892 = arith.select %select_n3A_889, %jit3A_890, %jit3A_891 : i32
      %or3A_893 = arith.ori %or3A_888, %select_n3A_892 : i32
      %or3A_894 = arith.constant 4194304 : i32
      %or3A_895 = arith.ori %or3A_893, %or3A_894 : i32
      %lt3A_896 = vector.broadcast %or3A_895 : i32 to vector<32x128xi32>
      %lt3A_897 = arith.cmpi slt, %slice3A_734, %lt3A_896 : vector<32x128xi32>
      %convert_element_type3A_898 = arith.extui %lt3A_897 : vector<32x128xi1> to vector<32x128xi32>
      %reduce_sum3A_899 = vector.shape_cast %convert_element_type3A_898 : vector<32x128xi32> to vector<1x32x128xi32>
      %reduce_sum3A_900 = arith.constant dense<0> : vector<1xi32>
      %reduce_sum3A_901 = vector.multi_reduction <add>, %reduce_sum3A_899, %reduce_sum3A_900 [1, 2] : vector<1x32x128xi32> to vector<1xi32>
      %reduce_sum3A_902 = vector.shape_cast %reduce_sum3A_901 : vector<1xi32> to vector<1x1x1xi32>
      %reduce_sum3A_903 = vector.extract %reduce_sum3A_902[0, 0, 0] : i32 from vector<1x1x1xi32>
      %le3A_904 = arith.constant 2047 : i32
      %le3A_905 = arith.cmpi sle, %reduce_sum3A_903, %le3A_904 : i32
      %or3A_906 = arith.constant 8388608 : i32
      %or3A_907 = arith.ori %or3A_893, %or3A_906 : i32
      %lt3A_908 = vector.broadcast %or3A_907 : i32 to vector<32x128xi32>
      %lt3A_909 = arith.cmpi slt, %slice3A_734, %lt3A_908 : vector<32x128xi32>
      %convert_element_type3A_910 = arith.extui %lt3A_909 : vector<32x128xi1> to vector<32x128xi32>
      %reduce_sum3A_911 = vector.shape_cast %convert_element_type3A_910 : vector<32x128xi32> to vector<1x32x128xi32>
      %reduce_sum3A_912 = arith.constant dense<0> : vector<1xi32>
      %reduce_sum3A_913 = vector.multi_reduction <add>, %reduce_sum3A_911, %reduce_sum3A_912 [1, 2] : vector<1x32x128xi32> to vector<1xi32>
      %reduce_sum3A_914 = vector.shape_cast %reduce_sum3A_913 : vector<1xi32> to vector<1x1x1xi32>
      %reduce_sum3A_915 = vector.extract %reduce_sum3A_914[0, 0, 0] : i32 from vector<1x1x1xi32>
      %le3A_916 = arith.constant 2047 : i32
      %le3A_917 = arith.cmpi sle, %reduce_sum3A_915, %le3A_916 : i32
      %or3A_918 = arith.constant 8388608 : i32
      %or3A_919 = arith.ori %or3A_893, %or3A_918 : i32
      %or3A_920 = arith.constant 4194304 : i32
      %or3A_921 = arith.ori %or3A_919, %or3A_920 : i32
      %lt3A_922 = vector.broadcast %or3A_921 : i32 to vector<32x128xi32>
      %lt3A_923 = arith.cmpi slt, %slice3A_734, %lt3A_922 : vector<32x128xi32>
      %convert_element_type3A_924 = arith.extui %lt3A_923 : vector<32x128xi1> to vector<32x128xi32>
      %reduce_sum3A_925 = vector.shape_cast %convert_element_type3A_924 : vector<32x128xi32> to vector<1x32x128xi32>
      %reduce_sum3A_926 = arith.constant dense<0> : vector<1xi32>
      %reduce_sum3A_927 = vector.multi_reduction <add>, %reduce_sum3A_925, %reduce_sum3A_926 [1, 2] : vector<1x32x128xi32> to vector<1xi32>
      %reduce_sum3A_928 = vector.shape_cast %reduce_sum3A_927 : vector<1xi32> to vector<1x1x1xi32>
      %reduce_sum3A_929 = vector.extract %reduce_sum3A_928[0, 0, 0] : i32 from vector<1x1x1xi32>
      %le3A_930 = arith.constant 2047 : i32
      %le3A_931 = arith.cmpi sle, %reduce_sum3A_929, %le3A_930 : i32
      %jit3A_932 = arith.constant 8388608 : i32
      %jit3A_933 = arith.constant 0 : i32
      %select_n3A_934 = arith.select %le3A_917, %jit3A_932, %jit3A_933 : i32
      %or3A_935 = arith.ori %or3A_893, %select_n3A_934 : i32
      %select_n3A_936 = arith.select %le3A_917, %le3A_931, %le3A_905 : i1
      %jit3A_937 = arith.constant 4194304 : i32
      %jit3A_938 = arith.constant 0 : i32
      %select_n3A_939 = arith.select %select_n3A_936, %jit3A_937, %jit3A_938 : i32
      %or3A_940 = arith.ori %or3A_935, %select_n3A_939 : i32
      %or3A_941 = arith.constant 1048576 : i32
      %or3A_942 = arith.ori %or3A_940, %or3A_941 : i32
      %lt3A_943 = vector.broadcast %or3A_942 : i32 to vector<32x128xi32>
      %lt3A_944 = arith.cmpi slt, %slice3A_734, %lt3A_943 : vector<32x128xi32>
      %convert_element_type3A_945 = arith.extui %lt3A_944 : vector<32x128xi1> to vector<32x128xi32>
      %reduce_sum3A_946 = vector.shape_cast %convert_element_type3A_945 : vector<32x128xi32> to vector<1x32x128xi32>
      %reduce_sum3A_947 = arith.constant dense<0> : vector<1xi32>
      %reduce_sum3A_948 = vector.multi_reduction <add>, %reduce_sum3A_946, %reduce_sum3A_947 [1, 2] : vector<1x32x128xi32> to vector<1xi32>
      %reduce_sum3A_949 = vector.shape_cast %reduce_sum3A_948 : vector<1xi32> to vector<1x1x1xi32>
      %reduce_sum3A_950 = vector.extract %reduce_sum3A_949[0, 0, 0] : i32 from vector<1x1x1xi32>
      %le3A_951 = arith.constant 2047 : i32
      %le3A_952 = arith.cmpi sle, %reduce_sum3A_950, %le3A_951 : i32
      %or3A_953 = arith.constant 2097152 : i32
      %or3A_954 = arith.ori %or3A_940, %or3A_953 : i32
      %lt3A_955 = vector.broadcast %or3A_954 : i32 to vector<32x128xi32>
      %lt3A_956 = arith.cmpi slt, %slice3A_734, %lt3A_955 : vector<32x128xi32>
      %convert_element_type3A_957 = arith.extui %lt3A_956 : vector<32x128xi1> to vector<32x128xi32>
      %reduce_sum3A_958 = vector.shape_cast %convert_element_type3A_957 : vector<32x128xi32> to vector<1x32x128xi32>
      %reduce_sum3A_959 = arith.constant dense<0> : vector<1xi32>
      %reduce_sum3A_960 = vector.multi_reduction <add>, %reduce_sum3A_958, %reduce_sum3A_959 [1, 2] : vector<1x32x128xi32> to vector<1xi32>
      %reduce_sum3A_961 = vector.shape_cast %reduce_sum3A_960 : vector<1xi32> to vector<1x1x1xi32>
      %reduce_sum3A_962 = vector.extract %reduce_sum3A_961[0, 0, 0] : i32 from vector<1x1x1xi32>
      %le3A_963 = arith.constant 2047 : i32
      %le3A_964 = arith.cmpi sle, %reduce_sum3A_962, %le3A_963 : i32
      %or3A_965 = arith.constant 2097152 : i32
      %or3A_966 = arith.ori %or3A_940, %or3A_965 : i32
      %or3A_967 = arith.constant 1048576 : i32
      %or3A_968 = arith.ori %or3A_966, %or3A_967 : i32
      %lt3A_969 = vector.broadcast %or3A_968 : i32 to vector<32x128xi32>
      %lt3A_970 = arith.cmpi slt, %slice3A_734, %lt3A_969 : vector<32x128xi32>
      %convert_element_type3A_971 = arith.extui %lt3A_970 : vector<32x128xi1> to vector<32x128xi32>
      %reduce_sum3A_972 = vector.shape_cast %convert_element_type3A_971 : vector<32x128xi32> to vector<1x32x128xi32>
      %reduce_sum3A_973 = arith.constant dense<0> : vector<1xi32>
      %reduce_sum3A_974 = vector.multi_reduction <add>, %reduce_sum3A_972, %reduce_sum3A_973 [1, 2] : vector<1x32x128xi32> to vector<1xi32>
      %reduce_sum3A_975 = vector.shape_cast %reduce_sum3A_974 : vector<1xi32> to vector<1x1x1xi32>
      %reduce_sum3A_976 = vector.extract %reduce_sum3A_975[0, 0, 0] : i32 from vector<1x1x1xi32>
      %le3A_977 = arith.constant 2047 : i32
      %le3A_978 = arith.cmpi sle, %reduce_sum3A_976, %le3A_977 : i32
      %jit3A_979 = arith.constant 2097152 : i32
      %jit3A_980 = arith.constant 0 : i32
      %select_n3A_981 = arith.select %le3A_964, %jit3A_979, %jit3A_980 : i32
      %or3A_982 = arith.ori %or3A_940, %select_n3A_981 : i32
      %select_n3A_983 = arith.select %le3A_964, %le3A_978, %le3A_952 : i1
      %jit3A_984 = arith.constant 1048576 : i32
      %jit3A_985 = arith.constant 0 : i32
      %select_n3A_986 = arith.select %select_n3A_983, %jit3A_984, %jit3A_985 : i32
      %or3A_987 = arith.ori %or3A_982, %select_n3A_986 : i32
      %or3A_988 = arith.constant 262144 : i32
      %or3A_989 = arith.ori %or3A_987, %or3A_988 : i32
      %lt3A_990 = vector.broadcast %or3A_989 : i32 to vector<32x128xi32>
      %lt3A_991 = arith.cmpi slt, %slice3A_734, %lt3A_990 : vector<32x128xi32>
      %convert_element_type3A_992 = arith.extui %lt3A_991 : vector<32x128xi1> to vector<32x128xi32>
      %reduce_sum3A_993 = vector.shape_cast %convert_element_type3A_992 : vector<32x128xi32> to vector<1x32x128xi32>
      %reduce_sum3A_994 = arith.constant dense<0> : vector<1xi32>
      %reduce_sum3A_995 = vector.multi_reduction <add>, %reduce_sum3A_993, %reduce_sum3A_994 [1, 2] : vector<1x32x128xi32> to vector<1xi32>
      %reduce_sum3A_996 = vector.shape_cast %reduce_sum3A_995 : vector<1xi32> to vector<1x1x1xi32>
      %reduce_sum3A_997 = vector.extract %reduce_sum3A_996[0, 0, 0] : i32 from vector<1x1x1xi32>
      %le3A_998 = arith.constant 2047 : i32
      %le3A_999 = arith.cmpi sle, %reduce_sum3A_997, %le3A_998 : i32
      %or3A_1000 = arith.constant 524288 : i32
      %or3A_1001 = arith.ori %or3A_987, %or3A_1000 : i32
      %lt3A_1002 = vector.broadcast %or3A_1001 : i32 to vector<32x128xi32>
      %lt3A_1003 = arith.cmpi slt, %slice3A_734, %lt3A_1002 : vector<32x128xi32>
      %convert_element_type3A_1004 = arith.extui %lt3A_1003 : vector<32x128xi1> to vector<32x128xi32>
      %reduce_sum3A_1005 = vector.shape_cast %convert_element_type3A_1004 : vector<32x128xi32> to vector<1x32x128xi32>
      %reduce_sum3A_1006 = arith.constant dense<0> : vector<1xi32>
      %reduce_sum3A_1007 = vector.multi_reduction <add>, %reduce_sum3A_1005, %reduce_sum3A_1006 [1, 2] : vector<1x32x128xi32> to vector<1xi32>
      %reduce_sum3A_1008 = vector.shape_cast %reduce_sum3A_1007 : vector<1xi32> to vector<1x1x1xi32>
      %reduce_sum3A_1009 = vector.extract %reduce_sum3A_1008[0, 0, 0] : i32 from vector<1x1x1xi32>
      %le3A_1010 = arith.constant 2047 : i32
      %le3A_1011 = arith.cmpi sle, %reduce_sum3A_1009, %le3A_1010 : i32
      %or3A_1012 = arith.constant 524288 : i32
      %or3A_1013 = arith.ori %or3A_987, %or3A_1012 : i32
      %or3A_1014 = arith.constant 262144 : i32
      %or3A_1015 = arith.ori %or3A_1013, %or3A_1014 : i32
      %lt3A_1016 = vector.broadcast %or3A_1015 : i32 to vector<32x128xi32>
      %lt3A_1017 = arith.cmpi slt, %slice3A_734, %lt3A_1016 : vector<32x128xi32>
      %convert_element_type3A_1018 = arith.extui %lt3A_1017 : vector<32x128xi1> to vector<32x128xi32>
      %reduce_sum3A_1019 = vector.shape_cast %convert_element_type3A_1018 : vector<32x128xi32> to vector<1x32x128xi32>
      %reduce_sum3A_1020 = arith.constant dense<0> : vector<1xi32>
      %reduce_sum3A_1021 = vector.multi_reduction <add>, %reduce_sum3A_1019, %reduce_sum3A_1020 [1, 2] : vector<1x32x128xi32> to vector<1xi32>
      %reduce_sum3A_1022 = vector.shape_cast %reduce_sum3A_1021 : vector<1xi32> to vector<1x1x1xi32>
      %reduce_sum3A_1023 = vector.extract %reduce_sum3A_1022[0, 0, 0] : i32 from vector<1x1x1xi32>
      %le3A_1024 = arith.constant 2047 : i32
      %le3A_1025 = arith.cmpi sle, %reduce_sum3A_1023, %le3A_1024 : i32
      %jit3A_1026 = arith.constant 524288 : i32
      %jit3A_1027 = arith.constant 0 : i32
      %select_n3A_1028 = arith.select %le3A_1011, %jit3A_1026, %jit3A_1027 : i32
      %or3A_1029 = arith.ori %or3A_987, %select_n3A_1028 : i32
      %select_n3A_1030 = arith.select %le3A_1011, %le3A_1025, %le3A_999 : i1
      %jit3A_1031 = arith.constant 262144 : i32
      %jit3A_1032 = arith.constant 0 : i32
      %select_n3A_1033 = arith.select %select_n3A_1030, %jit3A_1031, %jit3A_1032 : i32
      %or3A_1034 = arith.ori %or3A_1029, %select_n3A_1033 : i32
      %or3A_1035 = arith.constant 65536 : i32
      %or3A_1036 = arith.ori %or3A_1034, %or3A_1035 : i32
      %lt3A_1037 = vector.broadcast %or3A_1036 : i32 to vector<32x128xi32>
      %lt3A_1038 = arith.cmpi slt, %slice3A_734, %lt3A_1037 : vector<32x128xi32>
      %convert_element_type3A_1039 = arith.extui %lt3A_1038 : vector<32x128xi1> to vector<32x128xi32>
      %reduce_sum3A_1040 = vector.shape_cast %convert_element_type3A_1039 : vector<32x128xi32> to vector<1x32x128xi32>
      %reduce_sum3A_1041 = arith.constant dense<0> : vector<1xi32>
      %reduce_sum3A_1042 = vector.multi_reduction <add>, %reduce_sum3A_1040, %reduce_sum3A_1041 [1, 2] : vector<1x32x128xi32> to vector<1xi32>
      %reduce_sum3A_1043 = vector.shape_cast %reduce_sum3A_1042 : vector<1xi32> to vector<1x1x1xi32>
      %reduce_sum3A_1044 = vector.extract %reduce_sum3A_1043[0, 0, 0] : i32 from vector<1x1x1xi32>
      %le3A_1045 = arith.constant 2047 : i32
      %le3A_1046 = arith.cmpi sle, %reduce_sum3A_1044, %le3A_1045 : i32
      %or3A_1047 = arith.constant 131072 : i32
      %or3A_1048 = arith.ori %or3A_1034, %or3A_1047 : i32
      %lt3A_1049 = vector.broadcast %or3A_1048 : i32 to vector<32x128xi32>
      %lt3A_1050 = arith.cmpi slt, %slice3A_734, %lt3A_1049 : vector<32x128xi32>
      %convert_element_type3A_1051 = arith.extui %lt3A_1050 : vector<32x128xi1> to vector<32x128xi32>
      %reduce_sum3A_1052 = vector.shape_cast %convert_element_type3A_1051 : vector<32x128xi32> to vector<1x32x128xi32>
      %reduce_sum3A_1053 = arith.constant dense<0> : vector<1xi32>
      %reduce_sum3A_1054 = vector.multi_reduction <add>, %reduce_sum3A_1052, %reduce_sum3A_1053 [1, 2] : vector<1x32x128xi32> to vector<1xi32>
      %reduce_sum3A_1055 = vector.shape_cast %reduce_sum3A_1054 : vector<1xi32> to vector<1x1x1xi32>
      %reduce_sum3A_1056 = vector.extract %reduce_sum3A_1055[0, 0, 0] : i32 from vector<1x1x1xi32>
      %le3A_1057 = arith.constant 2047 : i32
      %le3A_1058 = arith.cmpi sle, %reduce_sum3A_1056, %le3A_1057 : i32
      %or3A_1059 = arith.constant 131072 : i32
      %or3A_1060 = arith.ori %or3A_1034, %or3A_1059 : i32
      %or3A_1061 = arith.constant 65536 : i32
      %or3A_1062 = arith.ori %or3A_1060, %or3A_1061 : i32
      %lt3A_1063 = vector.broadcast %or3A_1062 : i32 to vector<32x128xi32>
      %lt3A_1064 = arith.cmpi slt, %slice3A_734, %lt3A_1063 : vector<32x128xi32>
      %convert_element_type3A_1065 = arith.extui %lt3A_1064 : vector<32x128xi1> to vector<32x128xi32>
      %reduce_sum3A_1066 = vector.shape_cast %convert_element_type3A_1065 : vector<32x128xi32> to vector<1x32x128xi32>
      %reduce_sum3A_1067 = arith.constant dense<0> : vector<1xi32>
      %reduce_sum3A_1068 = vector.multi_reduction <add>, %reduce_sum3A_1066, %reduce_sum3A_1067 [1, 2] : vector<1x32x128xi32> to vector<1xi32>
      %reduce_sum3A_1069 = vector.shape_cast %reduce_sum3A_1068 : vector<1xi32> to vector<1x1x1xi32>
      %reduce_sum3A_1070 = vector.extract %reduce_sum3A_1069[0, 0, 0] : i32 from vector<1x1x1xi32>
      %le3A_1071 = arith.constant 2047 : i32
      %le3A_1072 = arith.cmpi sle, %reduce_sum3A_1070, %le3A_1071 : i32
      %jit3A_1073 = arith.constant 131072 : i32
      %jit3A_1074 = arith.constant 0 : i32
      %select_n3A_1075 = arith.select %le3A_1058, %jit3A_1073, %jit3A_1074 : i32
      %or3A_1076 = arith.ori %or3A_1034, %select_n3A_1075 : i32
      %select_n3A_1077 = arith.select %le3A_1058, %le3A_1072, %le3A_1046 : i1
      %jit3A_1078 = arith.constant 65536 : i32
      %jit3A_1079 = arith.constant 0 : i32
      %select_n3A_1080 = arith.select %select_n3A_1077, %jit3A_1078, %jit3A_1079 : i32
      %or3A_1081 = arith.ori %or3A_1076, %select_n3A_1080 : i32
      %or3A_1082 = arith.constant 16384 : i32
      %or3A_1083 = arith.ori %or3A_1081, %or3A_1082 : i32
      %lt3A_1084 = vector.broadcast %or3A_1083 : i32 to vector<32x128xi32>
      %lt3A_1085 = arith.cmpi slt, %slice3A_734, %lt3A_1084 : vector<32x128xi32>
      %convert_element_type3A_1086 = arith.extui %lt3A_1085 : vector<32x128xi1> to vector<32x128xi32>
      %reduce_sum3A_1087 = vector.shape_cast %convert_element_type3A_1086 : vector<32x128xi32> to vector<1x32x128xi32>
      %reduce_sum3A_1088 = arith.constant dense<0> : vector<1xi32>
      %reduce_sum3A_1089 = vector.multi_reduction <add>, %reduce_sum3A_1087, %reduce_sum3A_1088 [1, 2] : vector<1x32x128xi32> to vector<1xi32>
      %reduce_sum3A_1090 = vector.shape_cast %reduce_sum3A_1089 : vector<1xi32> to vector<1x1x1xi32>
      %reduce_sum3A_1091 = vector.extract %reduce_sum3A_1090[0, 0, 0] : i32 from vector<1x1x1xi32>
      %le3A_1092 = arith.constant 2047 : i32
      %le3A_1093 = arith.cmpi sle, %reduce_sum3A_1091, %le3A_1092 : i32
      %or3A_1094 = arith.constant 32768 : i32
      %or3A_1095 = arith.ori %or3A_1081, %or3A_1094 : i32
      %lt3A_1096 = vector.broadcast %or3A_1095 : i32 to vector<32x128xi32>
      %lt3A_1097 = arith.cmpi slt, %slice3A_734, %lt3A_1096 : vector<32x128xi32>
      %convert_element_type3A_1098 = arith.extui %lt3A_1097 : vector<32x128xi1> to vector<32x128xi32>
      %reduce_sum3A_1099 = vector.shape_cast %convert_element_type3A_1098 : vector<32x128xi32> to vector<1x32x128xi32>
      %reduce_sum3A_1100 = arith.constant dense<0> : vector<1xi32>
      %reduce_sum3A_1101 = vector.multi_reduction <add>, %reduce_sum3A_1099, %reduce_sum3A_1100 [1, 2] : vector<1x32x128xi32> to vector<1xi32>
      %reduce_sum3A_1102 = vector.shape_cast %reduce_sum3A_1101 : vector<1xi32> to vector<1x1x1xi32>
      %reduce_sum3A_1103 = vector.extract %reduce_sum3A_1102[0, 0, 0] : i32 from vector<1x1x1xi32>
      %le3A_1104 = arith.constant 2047 : i32
      %le3A_1105 = arith.cmpi sle, %reduce_sum3A_1103, %le3A_1104 : i32
      %or3A_1106 = arith.constant 32768 : i32
      %or3A_1107 = arith.ori %or3A_1081, %or3A_1106 : i32
      %or3A_1108 = arith.constant 16384 : i32
      %or3A_1109 = arith.ori %or3A_1107, %or3A_1108 : i32
      %lt3A_1110 = vector.broadcast %or3A_1109 : i32 to vector<32x128xi32>
      %lt3A_1111 = arith.cmpi slt, %slice3A_734, %lt3A_1110 : vector<32x128xi32>
      %convert_element_type3A_1112 = arith.extui %lt3A_1111 : vector<32x128xi1> to vector<32x128xi32>
      %reduce_sum3A_1113 = vector.shape_cast %convert_element_type3A_1112 : vector<32x128xi32> to vector<1x32x128xi32>
      %reduce_sum3A_1114 = arith.constant dense<0> : vector<1xi32>
      %reduce_sum3A_1115 = vector.multi_reduction <add>, %reduce_sum3A_1113, %reduce_sum3A_1114 [1, 2] : vector<1x32x128xi32> to vector<1xi32>
      %reduce_sum3A_1116 = vector.shape_cast %reduce_sum3A_1115 : vector<1xi32> to vector<1x1x1xi32>
      %reduce_sum3A_1117 = vector.extract %reduce_sum3A_1116[0, 0, 0] : i32 from vector<1x1x1xi32>
      %le3A_1118 = arith.constant 2047 : i32
      %le3A_1119 = arith.cmpi sle, %reduce_sum3A_1117, %le3A_1118 : i32
      %jit3A_1120 = arith.constant 32768 : i32
      %jit3A_1121 = arith.constant 0 : i32
      %select_n3A_1122 = arith.select %le3A_1105, %jit3A_1120, %jit3A_1121 : i32
      %or3A_1123 = arith.ori %or3A_1081, %select_n3A_1122 : i32
      %select_n3A_1124 = arith.select %le3A_1105, %le3A_1119, %le3A_1093 : i1
      %jit3A_1125 = arith.constant 16384 : i32
      %jit3A_1126 = arith.constant 0 : i32
      %select_n3A_1127 = arith.select %select_n3A_1124, %jit3A_1125, %jit3A_1126 : i32
      %or3A_1128 = arith.ori %or3A_1123, %select_n3A_1127 : i32
      %or3A_1129 = arith.constant 4096 : i32
      %or3A_1130 = arith.ori %or3A_1128, %or3A_1129 : i32
      %lt3A_1131 = vector.broadcast %or3A_1130 : i32 to vector<32x128xi32>
      %lt3A_1132 = arith.cmpi slt, %slice3A_734, %lt3A_1131 : vector<32x128xi32>
      %convert_element_type3A_1133 = arith.extui %lt3A_1132 : vector<32x128xi1> to vector<32x128xi32>
      %reduce_sum3A_1134 = vector.shape_cast %convert_element_type3A_1133 : vector<32x128xi32> to vector<1x32x128xi32>
      %reduce_sum3A_1135 = arith.constant dense<0> : vector<1xi32>
      %reduce_sum3A_1136 = vector.multi_reduction <add>, %reduce_sum3A_1134, %reduce_sum3A_1135 [1, 2] : vector<1x32x128xi32> to vector<1xi32>
      %reduce_sum3A_1137 = vector.shape_cast %reduce_sum3A_1136 : vector<1xi32> to vector<1x1x1xi32>
      %reduce_sum3A_1138 = vector.extract %reduce_sum3A_1137[0, 0, 0] : i32 from vector<1x1x1xi32>
      %le3A_1139 = arith.constant 2047 : i32
      %le3A_1140 = arith.cmpi sle, %reduce_sum3A_1138, %le3A_1139 : i32
      %or3A_1141 = arith.constant 8192 : i32
      %or3A_1142 = arith.ori %or3A_1128, %or3A_1141 : i32
      %lt3A_1143 = vector.broadcast %or3A_1142 : i32 to vector<32x128xi32>
      %lt3A_1144 = arith.cmpi slt, %slice3A_734, %lt3A_1143 : vector<32x128xi32>
      %convert_element_type3A_1145 = arith.extui %lt3A_1144 : vector<32x128xi1> to vector<32x128xi32>
      %reduce_sum3A_1146 = vector.shape_cast %convert_element_type3A_1145 : vector<32x128xi32> to vector<1x32x128xi32>
      %reduce_sum3A_1147 = arith.constant dense<0> : vector<1xi32>
      %reduce_sum3A_1148 = vector.multi_reduction <add>, %reduce_sum3A_1146, %reduce_sum3A_1147 [1, 2] : vector<1x32x128xi32> to vector<1xi32>
      %reduce_sum3A_1149 = vector.shape_cast %reduce_sum3A_1148 : vector<1xi32> to vector<1x1x1xi32>
      %reduce_sum3A_1150 = vector.extract %reduce_sum3A_1149[0, 0, 0] : i32 from vector<1x1x1xi32>
      %le3A_1151 = arith.constant 2047 : i32
      %le3A_1152 = arith.cmpi sle, %reduce_sum3A_1150, %le3A_1151 : i32
      %or3A_1153 = arith.constant 8192 : i32
      %or3A_1154 = arith.ori %or3A_1128, %or3A_1153 : i32
      %or3A_1155 = arith.constant 4096 : i32
      %or3A_1156 = arith.ori %or3A_1154, %or3A_1155 : i32
      %lt3A_1157 = vector.broadcast %or3A_1156 : i32 to vector<32x128xi32>
      %lt3A_1158 = arith.cmpi slt, %slice3A_734, %lt3A_1157 : vector<32x128xi32>
      %convert_element_type3A_1159 = arith.extui %lt3A_1158 : vector<32x128xi1> to vector<32x128xi32>
      %reduce_sum3A_1160 = vector.shape_cast %convert_element_type3A_1159 : vector<32x128xi32> to vector<1x32x128xi32>
      %reduce_sum3A_1161 = arith.constant dense<0> : vector<1xi32>
      %reduce_sum3A_1162 = vector.multi_reduction <add>, %reduce_sum3A_1160, %reduce_sum3A_1161 [1, 2] : vector<1x32x128xi32> to vector<1xi32>
      %reduce_sum3A_1163 = vector.shape_cast %reduce_sum3A_1162 : vector<1xi32> to vector<1x1x1xi32>
      %reduce_sum3A_1164 = vector.extract %reduce_sum3A_1163[0, 0, 0] : i32 from vector<1x1x1xi32>
      %le3A_1165 = arith.constant 2047 : i32
      %le3A_1166 = arith.cmpi sle, %reduce_sum3A_1164, %le3A_1165 : i32
      %jit3A_1167 = arith.constant 8192 : i32
      %jit3A_1168 = arith.constant 0 : i32
      %select_n3A_1169 = arith.select %le3A_1152, %jit3A_1167, %jit3A_1168 : i32
      %or3A_1170 = arith.ori %or3A_1128, %select_n3A_1169 : i32
      %select_n3A_1171 = arith.select %le3A_1152, %le3A_1166, %le3A_1140 : i1
      %jit3A_1172 = arith.constant 4096 : i32
      %jit3A_1173 = arith.constant 0 : i32
      %select_n3A_1174 = arith.select %select_n3A_1171, %jit3A_1172, %jit3A_1173 : i32
      %or3A_1175 = arith.ori %or3A_1170, %select_n3A_1174 : i32
      %or3A_1176 = arith.constant 1024 : i32
      %or3A_1177 = arith.ori %or3A_1175, %or3A_1176 : i32
      %lt3A_1178 = vector.broadcast %or3A_1177 : i32 to vector<32x128xi32>
      %lt3A_1179 = arith.cmpi slt, %slice3A_734, %lt3A_1178 : vector<32x128xi32>
      %convert_element_type3A_1180 = arith.extui %lt3A_1179 : vector<32x128xi1> to vector<32x128xi32>
      %reduce_sum3A_1181 = vector.shape_cast %convert_element_type3A_1180 : vector<32x128xi32> to vector<1x32x128xi32>
      %reduce_sum3A_1182 = arith.constant dense<0> : vector<1xi32>
      %reduce_sum3A_1183 = vector.multi_reduction <add>, %reduce_sum3A_1181, %reduce_sum3A_1182 [1, 2] : vector<1x32x128xi32> to vector<1xi32>
      %reduce_sum3A_1184 = vector.shape_cast %reduce_sum3A_1183 : vector<1xi32> to vector<1x1x1xi32>
      %reduce_sum3A_1185 = vector.extract %reduce_sum3A_1184[0, 0, 0] : i32 from vector<1x1x1xi32>
      %le3A_1186 = arith.constant 2047 : i32
      %le3A_1187 = arith.cmpi sle, %reduce_sum3A_1185, %le3A_1186 : i32
      %or3A_1188 = arith.constant 2048 : i32
      %or3A_1189 = arith.ori %or3A_1175, %or3A_1188 : i32
      %lt3A_1190 = vector.broadcast %or3A_1189 : i32 to vector<32x128xi32>
      %lt3A_1191 = arith.cmpi slt, %slice3A_734, %lt3A_1190 : vector<32x128xi32>
      %convert_element_type3A_1192 = arith.extui %lt3A_1191 : vector<32x128xi1> to vector<32x128xi32>
      %reduce_sum3A_1193 = vector.shape_cast %convert_element_type3A_1192 : vector<32x128xi32> to vector<1x32x128xi32>
      %reduce_sum3A_1194 = arith.constant dense<0> : vector<1xi32>
      %reduce_sum3A_1195 = vector.multi_reduction <add>, %reduce_sum3A_1193, %reduce_sum3A_1194 [1, 2] : vector<1x32x128xi32> to vector<1xi32>
      %reduce_sum3A_1196 = vector.shape_cast %reduce_sum3A_1195 : vector<1xi32> to vector<1x1x1xi32>
      %reduce_sum3A_1197 = vector.extract %reduce_sum3A_1196[0, 0, 0] : i32 from vector<1x1x1xi32>
      %le3A_1198 = arith.constant 2047 : i32
      %le3A_1199 = arith.cmpi sle, %reduce_sum3A_1197, %le3A_1198 : i32
      %or3A_1200 = arith.constant 2048 : i32
      %or3A_1201 = arith.ori %or3A_1175, %or3A_1200 : i32
      %or3A_1202 = arith.constant 1024 : i32
      %or3A_1203 = arith.ori %or3A_1201, %or3A_1202 : i32
      %lt3A_1204 = vector.broadcast %or3A_1203 : i32 to vector<32x128xi32>
      %lt3A_1205 = arith.cmpi slt, %slice3A_734, %lt3A_1204 : vector<32x128xi32>
      %convert_element_type3A_1206 = arith.extui %lt3A_1205 : vector<32x128xi1> to vector<32x128xi32>
      %reduce_sum3A_1207 = vector.shape_cast %convert_element_type3A_1206 : vector<32x128xi32> to vector<1x32x128xi32>
      %reduce_sum3A_1208 = arith.constant dense<0> : vector<1xi32>
      %reduce_sum3A_1209 = vector.multi_reduction <add>, %reduce_sum3A_1207, %reduce_sum3A_1208 [1, 2] : vector<1x32x128xi32> to vector<1xi32>
      %reduce_sum3A_1210 = vector.shape_cast %reduce_sum3A_1209 : vector<1xi32> to vector<1x1x1xi32>
      %reduce_sum3A_1211 = vector.extract %reduce_sum3A_1210[0, 0, 0] : i32 from vector<1x1x1xi32>
      %le3A_1212 = arith.constant 2047 : i32
      %le3A_1213 = arith.cmpi sle, %reduce_sum3A_1211, %le3A_1212 : i32
      %jit3A_1214 = arith.constant 2048 : i32
      %jit3A_1215 = arith.constant 0 : i32
      %select_n3A_1216 = arith.select %le3A_1199, %jit3A_1214, %jit3A_1215 : i32
      %or3A_1217 = arith.ori %or3A_1175, %select_n3A_1216 : i32
      %select_n3A_1218 = arith.select %le3A_1199, %le3A_1213, %le3A_1187 : i1
      %jit3A_1219 = arith.constant 1024 : i32
      %jit3A_1220 = arith.constant 0 : i32
      %select_n3A_1221 = arith.select %select_n3A_1218, %jit3A_1219, %jit3A_1220 : i32
      %or3A_1222 = arith.ori %or3A_1217, %select_n3A_1221 : i32
      %or3A_1223 = arith.constant 256 : i32
      %or3A_1224 = arith.ori %or3A_1222, %or3A_1223 : i32
      %lt3A_1225 = vector.broadcast %or3A_1224 : i32 to vector<32x128xi32>
      %lt3A_1226 = arith.cmpi slt, %slice3A_734, %lt3A_1225 : vector<32x128xi32>
      %convert_element_type3A_1227 = arith.extui %lt3A_1226 : vector<32x128xi1> to vector<32x128xi32>
      %reduce_sum3A_1228 = vector.shape_cast %convert_element_type3A_1227 : vector<32x128xi32> to vector<1x32x128xi32>
      %reduce_sum3A_1229 = arith.constant dense<0> : vector<1xi32>
      %reduce_sum3A_1230 = vector.multi_reduction <add>, %reduce_sum3A_1228, %reduce_sum3A_1229 [1, 2] : vector<1x32x128xi32> to vector<1xi32>
      %reduce_sum3A_1231 = vector.shape_cast %reduce_sum3A_1230 : vector<1xi32> to vector<1x1x1xi32>
      %reduce_sum3A_1232 = vector.extract %reduce_sum3A_1231[0, 0, 0] : i32 from vector<1x1x1xi32>
      %le3A_1233 = arith.constant 2047 : i32
      %le3A_1234 = arith.cmpi sle, %reduce_sum3A_1232, %le3A_1233 : i32
      %or3A_1235 = arith.constant 512 : i32
      %or3A_1236 = arith.ori %or3A_1222, %or3A_1235 : i32
      %lt3A_1237 = vector.broadcast %or3A_1236 : i32 to vector<32x128xi32>
      %lt3A_1238 = arith.cmpi slt, %slice3A_734, %lt3A_1237 : vector<32x128xi32>
      %convert_element_type3A_1239 = arith.extui %lt3A_1238 : vector<32x128xi1> to vector<32x128xi32>
      %reduce_sum3A_1240 = vector.shape_cast %convert_element_type3A_1239 : vector<32x128xi32> to vector<1x32x128xi32>
      %reduce_sum3A_1241 = arith.constant dense<0> : vector<1xi32>
      %reduce_sum3A_1242 = vector.multi_reduction <add>, %reduce_sum3A_1240, %reduce_sum3A_1241 [1, 2] : vector<1x32x128xi32> to vector<1xi32>
      %reduce_sum3A_1243 = vector.shape_cast %reduce_sum3A_1242 : vector<1xi32> to vector<1x1x1xi32>
      %reduce_sum3A_1244 = vector.extract %reduce_sum3A_1243[0, 0, 0] : i32 from vector<1x1x1xi32>
      %le3A_1245 = arith.constant 2047 : i32
      %le3A_1246 = arith.cmpi sle, %reduce_sum3A_1244, %le3A_1245 : i32
      %or3A_1247 = arith.constant 512 : i32
      %or3A_1248 = arith.ori %or3A_1222, %or3A_1247 : i32
      %or3A_1249 = arith.constant 256 : i32
      %or3A_1250 = arith.ori %or3A_1248, %or3A_1249 : i32
      %lt3A_1251 = vector.broadcast %or3A_1250 : i32 to vector<32x128xi32>
      %lt3A_1252 = arith.cmpi slt, %slice3A_734, %lt3A_1251 : vector<32x128xi32>
      %convert_element_type3A_1253 = arith.extui %lt3A_1252 : vector<32x128xi1> to vector<32x128xi32>
      %reduce_sum3A_1254 = vector.shape_cast %convert_element_type3A_1253 : vector<32x128xi32> to vector<1x32x128xi32>
      %reduce_sum3A_1255 = arith.constant dense<0> : vector<1xi32>
      %reduce_sum3A_1256 = vector.multi_reduction <add>, %reduce_sum3A_1254, %reduce_sum3A_1255 [1, 2] : vector<1x32x128xi32> to vector<1xi32>
      %reduce_sum3A_1257 = vector.shape_cast %reduce_sum3A_1256 : vector<1xi32> to vector<1x1x1xi32>
      %reduce_sum3A_1258 = vector.extract %reduce_sum3A_1257[0, 0, 0] : i32 from vector<1x1x1xi32>
      %le3A_1259 = arith.constant 2047 : i32
      %le3A_1260 = arith.cmpi sle, %reduce_sum3A_1258, %le3A_1259 : i32
      %jit3A_1261 = arith.constant 512 : i32
      %jit3A_1262 = arith.constant 0 : i32
      %select_n3A_1263 = arith.select %le3A_1246, %jit3A_1261, %jit3A_1262 : i32
      %or3A_1264 = arith.ori %or3A_1222, %select_n3A_1263 : i32
      %select_n3A_1265 = arith.select %le3A_1246, %le3A_1260, %le3A_1234 : i1
      %jit3A_1266 = arith.constant 256 : i32
      %jit3A_1267 = arith.constant 0 : i32
      %select_n3A_1268 = arith.select %select_n3A_1265, %jit3A_1266, %jit3A_1267 : i32
      %or3A_1269 = arith.ori %or3A_1264, %select_n3A_1268 : i32
      %or3A_1270 = arith.constant 64 : i32
      %or3A_1271 = arith.ori %or3A_1269, %or3A_1270 : i32
      %lt3A_1272 = vector.broadcast %or3A_1271 : i32 to vector<32x128xi32>
      %lt3A_1273 = arith.cmpi slt, %slice3A_734, %lt3A_1272 : vector<32x128xi32>
      %convert_element_type3A_1274 = arith.extui %lt3A_1273 : vector<32x128xi1> to vector<32x128xi32>
      %reduce_sum3A_1275 = vector.shape_cast %convert_element_type3A_1274 : vector<32x128xi32> to vector<1x32x128xi32>
      %reduce_sum3A_1276 = arith.constant dense<0> : vector<1xi32>
      %reduce_sum3A_1277 = vector.multi_reduction <add>, %reduce_sum3A_1275, %reduce_sum3A_1276 [1, 2] : vector<1x32x128xi32> to vector<1xi32>
      %reduce_sum3A_1278 = vector.shape_cast %reduce_sum3A_1277 : vector<1xi32> to vector<1x1x1xi32>
      %reduce_sum3A_1279 = vector.extract %reduce_sum3A_1278[0, 0, 0] : i32 from vector<1x1x1xi32>
      %le3A_1280 = arith.constant 2047 : i32
      %le3A_1281 = arith.cmpi sle, %reduce_sum3A_1279, %le3A_1280 : i32
      %or3A_1282 = arith.constant 128 : i32
      %or3A_1283 = arith.ori %or3A_1269, %or3A_1282 : i32
      %lt3A_1284 = vector.broadcast %or3A_1283 : i32 to vector<32x128xi32>
      %lt3A_1285 = arith.cmpi slt, %slice3A_734, %lt3A_1284 : vector<32x128xi32>
      %convert_element_type3A_1286 = arith.extui %lt3A_1285 : vector<32x128xi1> to vector<32x128xi32>
      %reduce_sum3A_1287 = vector.shape_cast %convert_element_type3A_1286 : vector<32x128xi32> to vector<1x32x128xi32>
      %reduce_sum3A_1288 = arith.constant dense<0> : vector<1xi32>
      %reduce_sum3A_1289 = vector.multi_reduction <add>, %reduce_sum3A_1287, %reduce_sum3A_1288 [1, 2] : vector<1x32x128xi32> to vector<1xi32>
      %reduce_sum3A_1290 = vector.shape_cast %reduce_sum3A_1289 : vector<1xi32> to vector<1x1x1xi32>
      %reduce_sum3A_1291 = vector.extract %reduce_sum3A_1290[0, 0, 0] : i32 from vector<1x1x1xi32>
      %le3A_1292 = arith.constant 2047 : i32
      %le3A_1293 = arith.cmpi sle, %reduce_sum3A_1291, %le3A_1292 : i32
      %or3A_1294 = arith.constant 128 : i32
      %or3A_1295 = arith.ori %or3A_1269, %or3A_1294 : i32
      %or3A_1296 = arith.constant 64 : i32
      %or3A_1297 = arith.ori %or3A_1295, %or3A_1296 : i32
      %lt3A_1298 = vector.broadcast %or3A_1297 : i32 to vector<32x128xi32>
      %lt3A_1299 = arith.cmpi slt, %slice3A_734, %lt3A_1298 : vector<32x128xi32>
      %convert_element_type3A_1300 = arith.extui %lt3A_1299 : vector<32x128xi1> to vector<32x128xi32>
      %reduce_sum3A_1301 = vector.shape_cast %convert_element_type3A_1300 : vector<32x128xi32> to vector<1x32x128xi32>
      %reduce_sum3A_1302 = arith.constant dense<0> : vector<1xi32>
      %reduce_sum3A_1303 = vector.multi_reduction <add>, %reduce_sum3A_1301, %reduce_sum3A_1302 [1, 2] : vector<1x32x128xi32> to vector<1xi32>
      %reduce_sum3A_1304 = vector.shape_cast %reduce_sum3A_1303 : vector<1xi32> to vector<1x1x1xi32>
      %reduce_sum3A_1305 = vector.extract %reduce_sum3A_1304[0, 0, 0] : i32 from vector<1x1x1xi32>
      %le3A_1306 = arith.constant 2047 : i32
      %le3A_1307 = arith.cmpi sle, %reduce_sum3A_1305, %le3A_1306 : i32
      %jit3A_1308 = arith.constant 128 : i32
      %jit3A_1309 = arith.constant 0 : i32
      %select_n3A_1310 = arith.select %le3A_1293, %jit3A_1308, %jit3A_1309 : i32
      %or3A_1311 = arith.ori %or3A_1269, %select_n3A_1310 : i32
      %select_n3A_1312 = arith.select %le3A_1293, %le3A_1307, %le3A_1281 : i1
      %jit3A_1313 = arith.constant 64 : i32
      %jit3A_1314 = arith.constant 0 : i32
      %select_n3A_1315 = arith.select %select_n3A_1312, %jit3A_1313, %jit3A_1314 : i32
      %or3A_1316 = arith.ori %or3A_1311, %select_n3A_1315 : i32
      %or3A_1317 = arith.constant 16 : i32
      %or3A_1318 = arith.ori %or3A_1316, %or3A_1317 : i32
      %lt3A_1319 = vector.broadcast %or3A_1318 : i32 to vector<32x128xi32>
      %lt3A_1320 = arith.cmpi slt, %slice3A_734, %lt3A_1319 : vector<32x128xi32>
      %convert_element_type3A_1321 = arith.extui %lt3A_1320 : vector<32x128xi1> to vector<32x128xi32>
      %reduce_sum3A_1322 = vector.shape_cast %convert_element_type3A_1321 : vector<32x128xi32> to vector<1x32x128xi32>
      %reduce_sum3A_1323 = arith.constant dense<0> : vector<1xi32>
      %reduce_sum3A_1324 = vector.multi_reduction <add>, %reduce_sum3A_1322, %reduce_sum3A_1323 [1, 2] : vector<1x32x128xi32> to vector<1xi32>
      %reduce_sum3A_1325 = vector.shape_cast %reduce_sum3A_1324 : vector<1xi32> to vector<1x1x1xi32>
      %reduce_sum3A_1326 = vector.extract %reduce_sum3A_1325[0, 0, 0] : i32 from vector<1x1x1xi32>
      %le3A_1327 = arith.constant 2047 : i32
      %le3A_1328 = arith.cmpi sle, %reduce_sum3A_1326, %le3A_1327 : i32
      %or3A_1329 = arith.constant 32 : i32
      %or3A_1330 = arith.ori %or3A_1316, %or3A_1329 : i32
      %lt3A_1331 = vector.broadcast %or3A_1330 : i32 to vector<32x128xi32>
      %lt3A_1332 = arith.cmpi slt, %slice3A_734, %lt3A_1331 : vector<32x128xi32>
      %convert_element_type3A_1333 = arith.extui %lt3A_1332 : vector<32x128xi1> to vector<32x128xi32>
      %reduce_sum3A_1334 = vector.shape_cast %convert_element_type3A_1333 : vector<32x128xi32> to vector<1x32x128xi32>
      %reduce_sum3A_1335 = arith.constant dense<0> : vector<1xi32>
      %reduce_sum3A_1336 = vector.multi_reduction <add>, %reduce_sum3A_1334, %reduce_sum3A_1335 [1, 2] : vector<1x32x128xi32> to vector<1xi32>
      %reduce_sum3A_1337 = vector.shape_cast %reduce_sum3A_1336 : vector<1xi32> to vector<1x1x1xi32>
      %reduce_sum3A_1338 = vector.extract %reduce_sum3A_1337[0, 0, 0] : i32 from vector<1x1x1xi32>
      %le3A_1339 = arith.constant 2047 : i32
      %le3A_1340 = arith.cmpi sle, %reduce_sum3A_1338, %le3A_1339 : i32
      %or3A_1341 = arith.constant 32 : i32
      %or3A_1342 = arith.ori %or3A_1316, %or3A_1341 : i32
      %or3A_1343 = arith.constant 16 : i32
      %or3A_1344 = arith.ori %or3A_1342, %or3A_1343 : i32
      %lt3A_1345 = vector.broadcast %or3A_1344 : i32 to vector<32x128xi32>
      %lt3A_1346 = arith.cmpi slt, %slice3A_734, %lt3A_1345 : vector<32x128xi32>
      %convert_element_type3A_1347 = arith.extui %lt3A_1346 : vector<32x128xi1> to vector<32x128xi32>
      %reduce_sum3A_1348 = vector.shape_cast %convert_element_type3A_1347 : vector<32x128xi32> to vector<1x32x128xi32>
      %reduce_sum3A_1349 = arith.constant dense<0> : vector<1xi32>
      %reduce_sum3A_1350 = vector.multi_reduction <add>, %reduce_sum3A_1348, %reduce_sum3A_1349 [1, 2] : vector<1x32x128xi32> to vector<1xi32>
      %reduce_sum3A_1351 = vector.shape_cast %reduce_sum3A_1350 : vector<1xi32> to vector<1x1x1xi32>
      %reduce_sum3A_1352 = vector.extract %reduce_sum3A_1351[0, 0, 0] : i32 from vector<1x1x1xi32>
      %le3A_1353 = arith.constant 2047 : i32
      %le3A_1354 = arith.cmpi sle, %reduce_sum3A_1352, %le3A_1353 : i32
      %jit3A_1355 = arith.constant 32 : i32
      %jit3A_1356 = arith.constant 0 : i32
      %select_n3A_1357 = arith.select %le3A_1340, %jit3A_1355, %jit3A_1356 : i32
      %or3A_1358 = arith.ori %or3A_1316, %select_n3A_1357 : i32
      %select_n3A_1359 = arith.select %le3A_1340, %le3A_1354, %le3A_1328 : i1
      %jit3A_1360 = arith.constant 16 : i32
      %jit3A_1361 = arith.constant 0 : i32
      %select_n3A_1362 = arith.select %select_n3A_1359, %jit3A_1360, %jit3A_1361 : i32
      %or3A_1363 = arith.ori %or3A_1358, %select_n3A_1362 : i32
      %or3A_1364 = arith.constant 4 : i32
      %or3A_1365 = arith.ori %or3A_1363, %or3A_1364 : i32
      %lt3A_1366 = vector.broadcast %or3A_1365 : i32 to vector<32x128xi32>
      %lt3A_1367 = arith.cmpi slt, %slice3A_734, %lt3A_1366 : vector<32x128xi32>
      %convert_element_type3A_1368 = arith.extui %lt3A_1367 : vector<32x128xi1> to vector<32x128xi32>
      %reduce_sum3A_1369 = vector.shape_cast %convert_element_type3A_1368 : vector<32x128xi32> to vector<1x32x128xi32>
      %reduce_sum3A_1370 = arith.constant dense<0> : vector<1xi32>
      %reduce_sum3A_1371 = vector.multi_reduction <add>, %reduce_sum3A_1369, %reduce_sum3A_1370 [1, 2] : vector<1x32x128xi32> to vector<1xi32>
      %reduce_sum3A_1372 = vector.shape_cast %reduce_sum3A_1371 : vector<1xi32> to vector<1x1x1xi32>
      %reduce_sum3A_1373 = vector.extract %reduce_sum3A_1372[0, 0, 0] : i32 from vector<1x1x1xi32>
      %le3A_1374 = arith.constant 2047 : i32
      %le3A_1375 = arith.cmpi sle, %reduce_sum3A_1373, %le3A_1374 : i32
      %or3A_1376 = arith.constant 8 : i32
      %or3A_1377 = arith.ori %or3A_1363, %or3A_1376 : i32
      %lt3A_1378 = vector.broadcast %or3A_1377 : i32 to vector<32x128xi32>
      %lt3A_1379 = arith.cmpi slt, %slice3A_734, %lt3A_1378 : vector<32x128xi32>
      %convert_element_type3A_1380 = arith.extui %lt3A_1379 : vector<32x128xi1> to vector<32x128xi32>
      %reduce_sum3A_1381 = vector.shape_cast %convert_element_type3A_1380 : vector<32x128xi32> to vector<1x32x128xi32>
      %reduce_sum3A_1382 = arith.constant dense<0> : vector<1xi32>
      %reduce_sum3A_1383 = vector.multi_reduction <add>, %reduce_sum3A_1381, %reduce_sum3A_1382 [1, 2] : vector<1x32x128xi32> to vector<1xi32>
      %reduce_sum3A_1384 = vector.shape_cast %reduce_sum3A_1383 : vector<1xi32> to vector<1x1x1xi32>
      %reduce_sum3A_1385 = vector.extract %reduce_sum3A_1384[0, 0, 0] : i32 from vector<1x1x1xi32>
      %le3A_1386 = arith.constant 2047 : i32
      %le3A_1387 = arith.cmpi sle, %reduce_sum3A_1385, %le3A_1386 : i32
      %or3A_1388 = arith.constant 8 : i32
      %or3A_1389 = arith.ori %or3A_1363, %or3A_1388 : i32
      %or3A_1390 = arith.constant 4 : i32
      %or3A_1391 = arith.ori %or3A_1389, %or3A_1390 : i32
      %lt3A_1392 = vector.broadcast %or3A_1391 : i32 to vector<32x128xi32>
      %lt3A_1393 = arith.cmpi slt, %slice3A_734, %lt3A_1392 : vector<32x128xi32>
      %convert_element_type3A_1394 = arith.extui %lt3A_1393 : vector<32x128xi1> to vector<32x128xi32>
      %reduce_sum3A_1395 = vector.shape_cast %convert_element_type3A_1394 : vector<32x128xi32> to vector<1x32x128xi32>
      %reduce_sum3A_1396 = arith.constant dense<0> : vector<1xi32>
      %reduce_sum3A_1397 = vector.multi_reduction <add>, %reduce_sum3A_1395, %reduce_sum3A_1396 [1, 2] : vector<1x32x128xi32> to vector<1xi32>
      %reduce_sum3A_1398 = vector.shape_cast %reduce_sum3A_1397 : vector<1xi32> to vector<1x1x1xi32>
      %reduce_sum3A_1399 = vector.extract %reduce_sum3A_1398[0, 0, 0] : i32 from vector<1x1x1xi32>
      %le3A_1400 = arith.constant 2047 : i32
      %le3A_1401 = arith.cmpi sle, %reduce_sum3A_1399, %le3A_1400 : i32
      %jit3A_1402 = arith.constant 8 : i32
      %jit3A_1403 = arith.constant 0 : i32
      %select_n3A_1404 = arith.select %le3A_1387, %jit3A_1402, %jit3A_1403 : i32
      %or3A_1405 = arith.ori %or3A_1363, %select_n3A_1404 : i32
      %select_n3A_1406 = arith.select %le3A_1387, %le3A_1401, %le3A_1375 : i1
      %jit3A_1407 = arith.constant 4 : i32
      %jit3A_1408 = arith.constant 0 : i32
      %select_n3A_1409 = arith.select %select_n3A_1406, %jit3A_1407, %jit3A_1408 : i32
      %or3A_1410 = arith.ori %or3A_1405, %select_n3A_1409 : i32
      %or3A_1411 = arith.constant 1 : i32
      %or3A_1412 = arith.ori %or3A_1410, %or3A_1411 : i32
      %lt3A_1413 = vector.broadcast %or3A_1412 : i32 to vector<32x128xi32>
      %lt3A_1414 = arith.cmpi slt, %slice3A_734, %lt3A_1413 : vector<32x128xi32>
      %convert_element_type3A_1415 = arith.extui %lt3A_1414 : vector<32x128xi1> to vector<32x128xi32>
      %reduce_sum3A_1416 = vector.shape_cast %convert_element_type3A_1415 : vector<32x128xi32> to vector<1x32x128xi32>
      %reduce_sum3A_1417 = arith.constant dense<0> : vector<1xi32>
      %reduce_sum3A_1418 = vector.multi_reduction <add>, %reduce_sum3A_1416, %reduce_sum3A_1417 [1, 2] : vector<1x32x128xi32> to vector<1xi32>
      %reduce_sum3A_1419 = vector.shape_cast %reduce_sum3A_1418 : vector<1xi32> to vector<1x1x1xi32>
      %reduce_sum3A_1420 = vector.extract %reduce_sum3A_1419[0, 0, 0] : i32 from vector<1x1x1xi32>
      %le3A_1421 = arith.constant 2047 : i32
      %le3A_1422 = arith.cmpi sle, %reduce_sum3A_1420, %le3A_1421 : i32
      %or3A_1423 = arith.constant 2 : i32
      %or3A_1424 = arith.ori %or3A_1410, %or3A_1423 : i32
      %lt3A_1425 = vector.broadcast %or3A_1424 : i32 to vector<32x128xi32>
      %lt3A_1426 = arith.cmpi slt, %slice3A_734, %lt3A_1425 : vector<32x128xi32>
      %convert_element_type3A_1427 = arith.extui %lt3A_1426 : vector<32x128xi1> to vector<32x128xi32>
      %reduce_sum3A_1428 = vector.shape_cast %convert_element_type3A_1427 : vector<32x128xi32> to vector<1x32x128xi32>
      %reduce_sum3A_1429 = arith.constant dense<0> : vector<1xi32>
      %reduce_sum3A_1430 = vector.multi_reduction <add>, %reduce_sum3A_1428, %reduce_sum3A_1429 [1, 2] : vector<1x32x128xi32> to vector<1xi32>
      %reduce_sum3A_1431 = vector.shape_cast %reduce_sum3A_1430 : vector<1xi32> to vector<1x1x1xi32>
      %reduce_sum3A_1432 = vector.extract %reduce_sum3A_1431[0, 0, 0] : i32 from vector<1x1x1xi32>
      %le3A_1433 = arith.constant 2047 : i32
      %le3A_1434 = arith.cmpi sle, %reduce_sum3A_1432, %le3A_1433 : i32
      %or3A_1435 = arith.constant 2 : i32
      %or3A_1436 = arith.ori %or3A_1410, %or3A_1435 : i32
      %or3A_1437 = arith.constant 1 : i32
      %or3A_1438 = arith.ori %or3A_1436, %or3A_1437 : i32
      %lt3A_1439 = vector.broadcast %or3A_1438 : i32 to vector<32x128xi32>
      %lt3A_1440 = arith.cmpi slt, %slice3A_734, %lt3A_1439 : vector<32x128xi32>
      %convert_element_type3A_1441 = arith.extui %lt3A_1440 : vector<32x128xi1> to vector<32x128xi32>
      %reduce_sum3A_1442 = vector.shape_cast %convert_element_type3A_1441 : vector<32x128xi32> to vector<1x32x128xi32>
      %reduce_sum3A_1443 = arith.constant dense<0> : vector<1xi32>
      %reduce_sum3A_1444 = vector.multi_reduction <add>, %reduce_sum3A_1442, %reduce_sum3A_1443 [1, 2] : vector<1x32x128xi32> to vector<1xi32>
      %reduce_sum3A_1445 = vector.shape_cast %reduce_sum3A_1444 : vector<1xi32> to vector<1x1x1xi32>
      %reduce_sum3A_1446 = vector.extract %reduce_sum3A_1445[0, 0, 0] : i32 from vector<1x1x1xi32>
      %le3A_1447 = arith.constant 2047 : i32
      %le3A_1448 = arith.cmpi sle, %reduce_sum3A_1446, %le3A_1447 : i32
      %jit3A_1449 = arith.constant 2 : i32
      %jit3A_1450 = arith.constant 0 : i32
      %select_n3A_1451 = arith.select %le3A_1434, %jit3A_1449, %jit3A_1450 : i32
      %or3A_1452 = arith.ori %or3A_1410, %select_n3A_1451 : i32
      %select_n3A_1453 = arith.select %le3A_1434, %le3A_1448, %le3A_1422 : i1
      %jit3A_1454 = arith.constant 1 : i32
      %jit3A_1455 = arith.constant 0 : i32
      %select_n3A_1456 = arith.select %select_n3A_1453, %jit3A_1454, %jit3A_1455 : i32
      %or3A_1457 = arith.ori %or3A_1452, %select_n3A_1456 : i32
      %bitcast_convert_type3A_1458 = arith.bitcast %or3A_1457 : i32 to f32
      %iota3A_1459 = tpu.iota {dimensions = array<i32: 0>} : vector<2x1xi32>
      %eq3A_1460 = arith.constant 0 : i32
      %eq3A_1461 = vector.broadcast %eq3A_1460 : i32 to vector<2x1xi32>
      %eq3A_1462 = arith.cmpi eq, %iota3A_1459, %eq3A_1461 : vector<2x1xi32>
      %broadcast_in_dim3A = vector.broadcast %bitcast_convert_type3A_733 : f32 to vector<2x1xf32>
      %broadcast_in_dim3A_1463 = vector.broadcast %bitcast_convert_type3A_1458 : f32 to vector<2x1xf32>
      %select_n3A_1464 = arith.select %eq3A_1462, %broadcast_in_dim3A, %broadcast_in_dim3A_1463 : vector<2x1xi1>, vector<2x1xf32>
      %sub3A = vector.broadcast %select_n3A_1464 : vector<2x1xf32> to vector<2x4096xf32>
      %sub3A_1465 = arith.subf %get3A_14, %sub3A : vector<2x4096xf32>
      %abs3A = math.absf %sub3A_1465 : vector<2x4096xf32>
      %neg3A = arith.constant 0.000000e+00 : f32
      %neg3A_1466 = vector.broadcast %neg3A : f32 to vector<2x4096xf32>
      %neg3A_1467 = arith.subf %neg3A_1466, %abs3A : vector<2x4096xf32>
      %div3A = arith.constant 1.000000e-01 : f32
      %div3A_1468 = vector.broadcast %div3A : f32 to vector<2x4096xf32>
      %div3A_1469 = arith.divf %neg3A_1467, %div3A_1468 : vector<2x4096xf32>
      %exp3A = math.exp %div3A_1469 : vector<2x4096xf32>
      %get3A_1470 = arith.constant 0 : index
      %get3A_1471 = arith.constant 0 : index
      %get3A_1472 = vector.load %arg28[%get3A_1470, %get3A_1471] : memref<16x4096xf32, #tpu.memory_space<vmem>>, vector<16x4096xf32>
      %reduce_max3A = arith.constant dense<0xFF800000> : vector<16xf32>
      %reduce_max3A_1473 = vector.multi_reduction <maximumf>, %get3A_1472, %reduce_max3A [1] : vector<16x4096xf32> to vector<16xf32>
      %broadcast_in_dim3A_1474 = vector.shape_cast %reduce_max3A_1473 : vector<16xf32> to vector<16x1xf32>
      %sub3A_1475 = vector.broadcast %broadcast_in_dim3A_1474 : vector<16x1xf32> to vector<16x4096xf32>
      %sub3A_1476 = arith.subf %get3A_1472, %sub3A_1475 : vector<16x4096xf32>
      %exp3A_1477 = math.exp %sub3A_1476 : vector<16x4096xf32>
      %reduce_sum3A_1478 = arith.constant dense<0.000000e+00> : vector<16xf32>
      %reduce_sum3A_1479 = vector.multi_reduction <add>, %exp3A_1477, %reduce_sum3A_1478 [1] : vector<16x4096xf32> to vector<16xf32>
      %broadcast_in_dim3A_1480 = vector.shape_cast %reduce_sum3A_1479 : vector<16xf32> to vector<16x1xf32>
      %div3A_1481 = vector.broadcast %broadcast_in_dim3A_1480 : vector<16x1xf32> to vector<16x4096xf32>
      %div3A_1482 = arith.divf %exp3A_1477, %div3A_1481 : vector<16x4096xf32>
      %reshape3A_1483 = vector.shape_cast %div3A_1482 : vector<16x4096xf32> to vector<2x8x4096xf32>
      %reduce_sum3A_1484 = arith.constant dense<0.000000e+00> : vector<2x4096xf32>
      %reduce_sum3A_1485 = vector.multi_reduction <add>, %reshape3A_1483, %reduce_sum3A_1484 [1] : vector<2x8x4096xf32> to vector<2x4096xf32>
      %div3A_1486 = arith.constant 8.000000e+00 : f32
      %div3A_1487 = vector.broadcast %div3A_1486 : f32 to vector<2x4096xf32>
      %div3A_1488 = arith.divf %reduce_sum3A_1485, %div3A_1487 : vector<2x4096xf32>
      %mul3A = arith.mulf %exp3A, %div3A_1488 : vector<2x4096xf32>
      %swap3A = arith.constant 0 : index
      %swap3A_1489 = arith.constant 0 : index
      %swap3A_1490 = vector.load %arg19[%swap3A, %swap3A_1489] : memref<2x4096xf32, #tpu.memory_space<vmem>>, vector<2x4096xf32>
      tpu.vector_store %arg19[%swap3A, %swap3A_1489], %mul3A {strides = array<i32>} : memref<2x4096xf32, #tpu.memory_space<vmem>>, vector<2x4096xf32>,
      %reduce_max3A_1491 = arith.constant dense<0xFF800000> : vector<2xf32>
      %reduce_max3A_1492 = vector.multi_reduction <maximumf>, %mul3A, %reduce_max3A_1491 [1] : vector<2x4096xf32> to vector<2xf32>
      %broadcast_in_dim3A_1493 = vector.shape_cast %reduce_max3A_1492 : vector<2xf32> to vector<2x1xf32>
      %eq3A_1494 = vector.broadcast %broadcast_in_dim3A_1493 : vector<2x1xf32> to vector<2x4096xf32>
      %eq3A_1495 = arith.cmpf oeq, %mul3A, %eq3A_1494 : vector<2x4096xf32>
      %jit3A_1496 = arith.constant 4096 : i32
      %broadcast_in_dim3A_1497 = vector.broadcast %jit3A_1496 : i32 to vector<2x4096xi32>
      %select_n3A_1498 = arith.select %eq3A_1495, %iota3A, %broadcast_in_dim3A_1497 : vector<2x4096xi1>, vector<2x4096xi32>
      %reduce_min3A = arith.constant dense<2147483647> : vector<2xi32>
      %reduce_min3A_1499 = vector.multi_reduction <minsi>, %select_n3A_1498, %reduce_min3A [1] : vector<2x4096xi32> to vector<2xi32>
      %broadcast_in_dim3A_1500 = vector.shape_cast %reduce_min3A_1499 : vector<2xi32> to vector<2x1xi32>
      %convert_element_type3A_1501 = arith.sitofp %broadcast_in_dim3A_1500 : vector<2x1xi32> to vector<2x1xf32>
      %sub3A_1502 = vector.broadcast %convert_element_type3A_1501 : vector<2x1xf32> to vector<2x4096xf32>
      %sub3A_1503 = arith.subf %convert_element_type3A_12, %sub3A_1502 : vector<2x4096xf32>
      %abs3A_1504 = math.absf %sub3A_1503 : vector<2x4096xf32>
      %eq3A_1505 = vector.broadcast %broadcast_in_dim3A_1500 : vector<2x1xi32> to vector<2x4096xi32>
      %eq3A_1506 = arith.cmpi eq, %iota3A, %eq3A_1505 : vector<2x4096xi32>
      %mul3A_1507 = arith.mulf %abs3A_1504, %mul3A : vector<2x4096xf32>
      %jit3A_1508 = arith.constant 0xFF800000 : f32
      %broadcast_in_dim3A_1509 = vector.broadcast %jit3A_1508 : f32 to vector<2x4096xf32>
      %select_n3A_1510 = arith.select %eq3A_1506, %broadcast_in_dim3A_1509, %mul3A_1507 : vector<2x4096xi1>, vector<2x4096xf32>
      %reduce_max3A_1511 = arith.constant dense<0xFF800000> : vector<2xf32>
      %reduce_max3A_1512 = vector.multi_reduction <maximumf>, %select_n3A_1510, %reduce_max3A_1511 [1] : vector<2x4096xf32> to vector<2xf32>
      %broadcast_in_dim3A_1513 = vector.shape_cast %reduce_max3A_1512 : vector<2xf32> to vector<2x1xf32>
      %eq3A_1514 = vector.broadcast %broadcast_in_dim3A_1513 : vector<2x1xf32> to vector<2x4096xf32>
      %eq3A_1515 = arith.cmpf oeq, %select_n3A_1510, %eq3A_1514 : vector<2x4096xf32>
      %jit3A_1516 = arith.constant 4096 : i32
      %broadcast_in_dim3A_1517 = vector.broadcast %jit3A_1516 : i32 to vector<2x4096xi32>
      %select_n3A_1518 = arith.select %eq3A_1515, %iota3A, %broadcast_in_dim3A_1517 : vector<2x4096xi1>, vector<2x4096xi32>
      %reduce_min3A_1519 = arith.constant dense<2147483647> : vector<2xi32>
      %reduce_min3A_1520 = vector.multi_reduction <minsi>, %select_n3A_1518, %reduce_min3A_1519 [1] : vector<2x4096xi32> to vector<2xi32>
      %broadcast_in_dim3A_1521 = vector.shape_cast %reduce_min3A_1520 : vector<2xi32> to vector<2x1xi32>
      %convert_element_type3A_1522 = arith.sitofp %broadcast_in_dim3A_1521 : vector<2x1xi32> to vector<2x1xf32>
      %sub3A_1523 = vector.broadcast %convert_element_type3A_1522 : vector<2x1xf32> to vector<2x4096xf32>
      %sub3A_1524 = arith.subf %convert_element_type3A_12, %sub3A_1523 : vector<2x4096xf32>
      %abs3A_1525 = math.absf %sub3A_1524 : vector<2x4096xf32>
      %min3A = arith.minimumf %abs3A_1504, %abs3A_1525 : vector<2x4096xf32>
      %eq3A_1526 = vector.broadcast %broadcast_in_dim3A_1521 : vector<2x1xi32> to vector<2x4096xi32>
      %eq3A_1527 = arith.cmpi eq, %iota3A, %eq3A_1526 : vector<2x4096xi32>
      %or3A_1528 = arith.ori %eq3A_1506, %eq3A_1527 : vector<2x4096xi1>
      %mul3A_1529 = arith.mulf %min3A, %mul3A : vector<2x4096xf32>
      %jit3A_1530 = arith.constant 0xFF800000 : f32
      %broadcast_in_dim3A_1531 = vector.broadcast %jit3A_1530 : f32 to vector<2x4096xf32>
      %select_n3A_1532 = arith.select %or3A_1528, %broadcast_in_dim3A_1531, %mul3A_1529 : vector<2x4096xi1>, vector<2x4096xf32>
      %reduce_max3A_1533 = arith.constant dense<0xFF800000> : vector<2xf32>
      %reduce_max3A_1534 = vector.multi_reduction <maximumf>, %select_n3A_1532, %reduce_max3A_1533 [1] : vector<2x4096xf32> to vector<2xf32>
      %broadcast_in_dim3A_1535 = vector.shape_cast %reduce_max3A_1534 : vector<2xf32> to vector<2x1xf32>
      %eq3A_1536 = vector.broadcast %broadcast_in_dim3A_1535 : vector<2x1xf32> to vector<2x4096xf32>
      %eq3A_1537 = arith.cmpf oeq, %select_n3A_1532, %eq3A_1536 : vector<2x4096xf32>
      %jit3A_1538 = arith.constant 4096 : i32
      %broadcast_in_dim3A_1539 = vector.broadcast %jit3A_1538 : i32 to vector<2x4096xi32>
      %select_n3A_1540 = arith.select %eq3A_1537, %iota3A, %broadcast_in_dim3A_1539 : vector<2x4096xi1>, vector<2x4096xi32>
      %reduce_min3A_1541 = arith.constant dense<2147483647> : vector<2xi32>
      %reduce_min3A_1542 = vector.multi_reduction <minsi>, %select_n3A_1540, %reduce_min3A_1541 [1] : vector<2x4096xi32> to vector<2xi32>
      %broadcast_in_dim3A_1543 = vector.shape_cast %reduce_min3A_1542 : vector<2xi32> to vector<2x1xi32>
      %convert_element_type3A_1544 = arith.sitofp %broadcast_in_dim3A_1543 : vector<2x1xi32> to vector<2x1xf32>
      %sub3A_1545 = vector.broadcast %convert_element_type3A_1544 : vector<2x1xf32> to vector<2x4096xf32>
      %sub3A_1546 = arith.subf %convert_element_type3A_12, %sub3A_1545 : vector<2x4096xf32>
      %abs3A_1547 = math.absf %sub3A_1546 : vector<2x4096xf32>
      %min3A_1548 = arith.minimumf %min3A, %abs3A_1547 : vector<2x4096xf32>
      %eq3A_1549 = vector.broadcast %broadcast_in_dim3A_1543 : vector<2x1xi32> to vector<2x4096xi32>
      %eq3A_1550 = arith.cmpi eq, %iota3A, %eq3A_1549 : vector<2x4096xi32>
      %or3A_1551 = arith.ori %or3A_1528, %eq3A_1550 : vector<2x4096xi1>
      %mul3A_1552 = arith.mulf %min3A_1548, %mul3A : vector<2x4096xf32>
      %jit3A_1553 = arith.constant 0xFF800000 : f32
      %broadcast_in_dim3A_1554 = vector.broadcast %jit3A_1553 : f32 to vector<2x4096xf32>
      %select_n3A_1555 = arith.select %or3A_1551, %broadcast_in_dim3A_1554, %mul3A_1552 : vector<2x4096xi1>, vector<2x4096xf32>
      %reduce_max3A_1556 = arith.constant dense<0xFF800000> : vector<2xf32>
      %reduce_max3A_1557 = vector.multi_reduction <maximumf>, %select_n3A_1555, %reduce_max3A_1556 [1] : vector<2x4096xf32> to vector<2xf32>
      %broadcast_in_dim3A_1558 = vector.shape_cast %reduce_max3A_1557 : vector<2xf32> to vector<2x1xf32>
      %eq3A_1559 = vector.broadcast %broadcast_in_dim3A_1558 : vector<2x1xf32> to vector<2x4096xf32>
      %eq3A_1560 = arith.cmpf oeq, %select_n3A_1555, %eq3A_1559 : vector<2x4096xf32>
      %jit3A_1561 = arith.constant 4096 : i32
      %broadcast_in_dim3A_1562 = vector.broadcast %jit3A_1561 : i32 to vector<2x4096xi32>
      %select_n3A_1563 = arith.select %eq3A_1560, %iota3A, %broadcast_in_dim3A_1562 : vector<2x4096xi1>, vector<2x4096xi32>
      %reduce_min3A_1564 = arith.constant dense<2147483647> : vector<2xi32>
      %reduce_min3A_1565 = vector.multi_reduction <minsi>, %select_n3A_1563, %reduce_min3A_1564 [1] : vector<2x4096xi32> to vector<2xi32>
      %broadcast_in_dim3A_1566 = vector.shape_cast %reduce_min3A_1565 : vector<2xi32> to vector<2x1xi32>
      %convert_element_type3A_1567 = arith.sitofp %broadcast_in_dim3A_1566 : vector<2x1xi32> to vector<2x1xf32>
      %sub3A_1568 = vector.broadcast %convert_element_type3A_1567 : vector<2x1xf32> to vector<2x4096xf32>
      %sub3A_1569 = arith.subf %convert_element_type3A_12, %sub3A_1568 : vector<2x4096xf32>
      %abs3A_1570 = math.absf %sub3A_1569 : vector<2x4096xf32>
      %min3A_1571 = arith.minimumf %min3A_1548, %abs3A_1570 : vector<2x4096xf32>
      %eq3A_1572 = vector.broadcast %broadcast_in_dim3A_1566 : vector<2x1xi32> to vector<2x4096xi32>
      %eq3A_1573 = arith.cmpi eq, %iota3A, %eq3A_1572 : vector<2x4096xi32>
      %or3A_1574 = arith.ori %or3A_1551, %eq3A_1573 : vector<2x4096xi1>
      %mul3A_1575 = arith.mulf %min3A_1571, %mul3A : vector<2x4096xf32>
      %jit3A_1576 = arith.constant 0xFF800000 : f32
      %broadcast_in_dim3A_1577 = vector.broadcast %jit3A_1576 : f32 to vector<2x4096xf32>
      %select_n3A_1578 = arith.select %or3A_1574, %broadcast_in_dim3A_1577, %mul3A_1575 : vector<2x4096xi1>, vector<2x4096xf32>
      %reduce_max3A_1579 = arith.constant dense<0xFF800000> : vector<2xf32>
      %reduce_max3A_1580 = vector.multi_reduction <maximumf>, %select_n3A_1578, %reduce_max3A_1579 [1] : vector<2x4096xf32> to vector<2xf32>
      %broadcast_in_dim3A_1581 = vector.shape_cast %reduce_max3A_1580 : vector<2xf32> to vector<2x1xf32>
      %eq3A_1582 = vector.broadcast %broadcast_in_dim3A_1581 : vector<2x1xf32> to vector<2x4096xf32>
      %eq3A_1583 = arith.cmpf oeq, %select_n3A_1578, %eq3A_1582 : vector<2x4096xf32>
      %jit3A_1584 = arith.constant 4096 : i32
      %broadcast_in_dim3A_1585 = vector.broadcast %jit3A_1584 : i32 to vector<2x4096xi32>
      %select_n3A_1586 = arith.select %eq3A_1583, %iota3A, %broadcast_in_dim3A_1585 : vector<2x4096xi1>, vector<2x4096xi32>
      %reduce_min3A_1587 = arith.constant dense<2147483647> : vector<2xi32>
      %reduce_min3A_1588 = vector.multi_reduction <minsi>, %select_n3A_1586, %reduce_min3A_1587 [1] : vector<2x4096xi32> to vector<2xi32>
      %broadcast_in_dim3A_1589 = vector.shape_cast %reduce_min3A_1588 : vector<2xi32> to vector<2x1xi32>
      %convert_element_type3A_1590 = arith.sitofp %broadcast_in_dim3A_1589 : vector<2x1xi32> to vector<2x1xf32>
      %sub3A_1591 = vector.broadcast %convert_element_type3A_1590 : vector<2x1xf32> to vector<2x4096xf32>
      %sub3A_1592 = arith.subf %convert_element_type3A_12, %sub3A_1591 : vector<2x4096xf32>
      %abs3A_1593 = math.absf %sub3A_1592 : vector<2x4096xf32>
      %min3A_1594 = arith.minimumf %min3A_1571, %abs3A_1593 : vector<2x4096xf32>
      %eq3A_1595 = vector.broadcast %broadcast_in_dim3A_1589 : vector<2x1xi32> to vector<2x4096xi32>
      %eq3A_1596 = arith.cmpi eq, %iota3A, %eq3A_1595 : vector<2x4096xi32>
      %or3A_1597 = arith.ori %or3A_1574, %eq3A_1596 : vector<2x4096xi1>
      %mul3A_1598 = arith.mulf %min3A_1594, %mul3A : vector<2x4096xf32>
      %jit3A_1599 = arith.constant 0xFF800000 : f32
      %broadcast_in_dim3A_1600 = vector.broadcast %jit3A_1599 : f32 to vector<2x4096xf32>
      %select_n3A_1601 = arith.select %or3A_1597, %broadcast_in_dim3A_1600, %mul3A_1598 : vector<2x4096xi1>, vector<2x4096xf32>
      %reduce_max3A_1602 = arith.constant dense<0xFF800000> : vector<2xf32>
      %reduce_max3A_1603 = vector.multi_reduction <maximumf>, %select_n3A_1601, %reduce_max3A_1602 [1] : vector<2x4096xf32> to vector<2xf32>
      %broadcast_in_dim3A_1604 = vector.shape_cast %reduce_max3A_1603 : vector<2xf32> to vector<2x1xf32>
      %eq3A_1605 = vector.broadcast %broadcast_in_dim3A_1604 : vector<2x1xf32> to vector<2x4096xf32>
      %eq3A_1606 = arith.cmpf oeq, %select_n3A_1601, %eq3A_1605 : vector<2x4096xf32>
      %jit3A_1607 = arith.constant 4096 : i32
      %broadcast_in_dim3A_1608 = vector.broadcast %jit3A_1607 : i32 to vector<2x4096xi32>
      %select_n3A_1609 = arith.select %eq3A_1606, %iota3A, %broadcast_in_dim3A_1608 : vector<2x4096xi1>, vector<2x4096xi32>
      %reduce_min3A_1610 = arith.constant dense<2147483647> : vector<2xi32>
      %reduce_min3A_1611 = vector.multi_reduction <minsi>, %select_n3A_1609, %reduce_min3A_1610 [1] : vector<2x4096xi32> to vector<2xi32>
      %broadcast_in_dim3A_1612 = vector.shape_cast %reduce_min3A_1611 : vector<2xi32> to vector<2x1xi32>
      %eq3A_1613 = vector.broadcast %broadcast_in_dim3A_1500 : vector<2x1xi32> to vector<2x4096xi32>
      %eq3A_1614 = arith.cmpi eq, %iota3A, %eq3A_1613 : vector<2x4096xi32>
      %jit3A_1615 = arith.constant 0.000000e+00 : f32
      %broadcast_in_dim3A_1616 = vector.broadcast %jit3A_1615 : f32 to vector<2x4096xf32>
      %select_n3A_1617 = arith.select %eq3A_1614, %get3A_14, %broadcast_in_dim3A_1616 : vector<2x4096xi1>, vector<2x4096xf32>
      %reduce_sum3A_1618 = arith.constant dense<0.000000e+00> : vector<2xf32>
      %reduce_sum3A_1619 = vector.multi_reduction <add>, %select_n3A_1617, %reduce_sum3A_1618 [1] : vector<2x4096xf32> to vector<2xf32>
      %broadcast_in_dim3A_1620 = vector.shape_cast %reduce_sum3A_1619 : vector<2xf32> to vector<2x1xf32>
      %eq3A_1621 = vector.broadcast %broadcast_in_dim3A_1521 : vector<2x1xi32> to vector<2x4096xi32>
      %eq3A_1622 = arith.cmpi eq, %iota3A, %eq3A_1621 : vector<2x4096xi32>
      %jit3A_1623 = arith.constant 0.000000e+00 : f32
      %broadcast_in_dim3A_1624 = vector.broadcast %jit3A_1623 : f32 to vector<2x4096xf32>
      %select_n3A_1625 = arith.select %eq3A_1622, %get3A_14, %broadcast_in_dim3A_1624 : vector<2x4096xi1>, vector<2x4096xf32>
      %reduce_sum3A_1626 = arith.constant dense<0.000000e+00> : vector<2xf32>
      %reduce_sum3A_1627 = vector.multi_reduction <add>, %select_n3A_1625, %reduce_sum3A_1626 [1] : vector<2x4096xf32> to vector<2xf32>
      %broadcast_in_dim3A_1628 = vector.shape_cast %reduce_sum3A_1627 : vector<2xf32> to vector<2x1xf32>
      %eq3A_1629 = vector.broadcast %broadcast_in_dim3A_1543 : vector<2x1xi32> to vector<2x4096xi32>
      %eq3A_1630 = arith.cmpi eq, %iota3A, %eq3A_1629 : vector<2x4096xi32>
      %jit3A_1631 = arith.constant 0.000000e+00 : f32
      %broadcast_in_dim3A_1632 = vector.broadcast %jit3A_1631 : f32 to vector<2x4096xf32>
      %select_n3A_1633 = arith.select %eq3A_1630, %get3A_14, %broadcast_in_dim3A_1632 : vector<2x4096xi1>, vector<2x4096xf32>
      %reduce_sum3A_1634 = arith.constant dense<0.000000e+00> : vector<2xf32>
      %reduce_sum3A_1635 = vector.multi_reduction <add>, %select_n3A_1633, %reduce_sum3A_1634 [1] : vector<2x4096xf32> to vector<2xf32>
      %broadcast_in_dim3A_1636 = vector.shape_cast %reduce_sum3A_1635 : vector<2xf32> to vector<2x1xf32>
      %eq3A_1637 = vector.broadcast %broadcast_in_dim3A_1566 : vector<2x1xi32> to vector<2x4096xi32>
      %eq3A_1638 = arith.cmpi eq, %iota3A, %eq3A_1637 : vector<2x4096xi32>
      %jit3A_1639 = arith.constant 0.000000e+00 : f32
      %broadcast_in_dim3A_1640 = vector.broadcast %jit3A_1639 : f32 to vector<2x4096xf32>
      %select_n3A_1641 = arith.select %eq3A_1638, %get3A_14, %broadcast_in_dim3A_1640 : vector<2x4096xi1>, vector<2x4096xf32>
      %reduce_sum3A_1642 = arith.constant dense<0.000000e+00> : vector<2xf32>
      %reduce_sum3A_1643 = vector.multi_reduction <add>, %select_n3A_1641, %reduce_sum3A_1642 [1] : vector<2x4096xf32> to vector<2xf32>
      %broadcast_in_dim3A_1644 = vector.shape_cast %reduce_sum3A_1643 : vector<2xf32> to vector<2x1xf32>
      %eq3A_1645 = vector.broadcast %broadcast_in_dim3A_1589 : vector<2x1xi32> to vector<2x4096xi32>
      %eq3A_1646 = arith.cmpi eq, %iota3A, %eq3A_1645 : vector<2x4096xi32>
      %jit3A_1647 = arith.constant 0.000000e+00 : f32
      %broadcast_in_dim3A_1648 = vector.broadcast %jit3A_1647 : f32 to vector<2x4096xf32>
      %select_n3A_1649 = arith.select %eq3A_1646, %get3A_14, %broadcast_in_dim3A_1648 : vector<2x4096xi1>, vector<2x4096xf32>
      %reduce_sum3A_1650 = arith.constant dense<0.000000e+00> : vector<2xf32>
      %reduce_sum3A_1651 = vector.multi_reduction <add>, %select_n3A_1649, %reduce_sum3A_1650 [1] : vector<2x4096xf32> to vector<2xf32>
      %broadcast_in_dim3A_1652 = vector.shape_cast %reduce_sum3A_1651 : vector<2xf32> to vector<2x1xf32>
      %eq3A_1653 = vector.broadcast %broadcast_in_dim3A_1612 : vector<2x1xi32> to vector<2x4096xi32>
      %eq3A_1654 = arith.cmpi eq, %iota3A, %eq3A_1653 : vector<2x4096xi32>
      %jit3A_1655 = arith.constant 0.000000e+00 : f32
      %broadcast_in_dim3A_1656 = vector.broadcast %jit3A_1655 : f32 to vector<2x4096xf32>
      %select_n3A_1657 = arith.select %eq3A_1654, %get3A_14, %broadcast_in_dim3A_1656 : vector<2x4096xi1>, vector<2x4096xf32>
      %reduce_sum3A_1658 = arith.constant dense<0.000000e+00> : vector<2xf32>
      %reduce_sum3A_1659 = vector.multi_reduction <add>, %select_n3A_1657, %reduce_sum3A_1658 [1] : vector<2x4096xf32> to vector<2xf32>
      %broadcast_in_dim3A_1660 = vector.shape_cast %reduce_sum3A_1659 : vector<2xf32> to vector<2x1xf32>
      %broadcast_in_dim3A_1661 = arith.constant 0.000000e+00 : f32
      %broadcast_in_dim3A_1662 = vector.broadcast %broadcast_in_dim3A_1661 : f32 to vector<2x1xf32>
      %broadcast_in_dim3A_1663 = arith.constant 0 : i32
      %broadcast_in_dim3A_1664 = vector.broadcast %broadcast_in_dim3A_1663 : i32 to vector<2x1xi32>
      %lt3A_1665 = arith.cmpf olt, %broadcast_in_dim3A_1628, %broadcast_in_dim3A_1620 : vector<2x1xf32>
      %convert_element_type3A_1666 = arith.extui %lt3A_1665 : vector<2x1xi1> to vector<2x1xi32>
      %add3A = arith.addi %broadcast_in_dim3A_1664, %convert_element_type3A_1666 : vector<2x1xi32>
      %lt3A_1667 = arith.cmpf olt, %broadcast_in_dim3A_1636, %broadcast_in_dim3A_1620 : vector<2x1xf32>
      %convert_element_type3A_1668 = arith.extui %lt3A_1667 : vector<2x1xi1> to vector<2x1xi32>
      %add3A_1669 = arith.addi %add3A, %convert_element_type3A_1668 : vector<2x1xi32>
      %lt3A_1670 = arith.cmpf olt, %broadcast_in_dim3A_1644, %broadcast_in_dim3A_1620 : vector<2x1xf32>
      %convert_element_type3A_1671 = arith.extui %lt3A_1670 : vector<2x1xi1> to vector<2x1xi32>
      %add3A_1672 = arith.addi %add3A_1669, %convert_element_type3A_1671 : vector<2x1xi32>
      %lt3A_1673 = arith.cmpf olt, %broadcast_in_dim3A_1652, %broadcast_in_dim3A_1620 : vector<2x1xf32>
      %convert_element_type3A_1674 = arith.extui %lt3A_1673 : vector<2x1xi1> to vector<2x1xi32>
      %add3A_1675 = arith.addi %add3A_1672, %convert_element_type3A_1674 : vector<2x1xi32>
      %lt3A_1676 = arith.cmpf olt, %broadcast_in_dim3A_1660, %broadcast_in_dim3A_1620 : vector<2x1xf32>
      %convert_element_type3A_1677 = arith.extui %lt3A_1676 : vector<2x1xi1> to vector<2x1xi32>
      %add3A_1678 = arith.addi %add3A_1675, %convert_element_type3A_1677 : vector<2x1xi32>
      %eq3A_1679 = arith.constant 2 : i32
      %eq3A_1680 = vector.broadcast %eq3A_1679 : i32 to vector<2x1xi32>
      %eq3A_1681 = arith.cmpi eq, %add3A_1678, %eq3A_1680 : vector<2x1xi32>
      %jit3A_1682 = arith.constant 0.000000e+00 : f32
      %broadcast_in_dim3A_1683 = vector.broadcast %jit3A_1682 : f32 to vector<2x1xf32>
      %select_n3A_1684 = arith.select %eq3A_1681, %broadcast_in_dim3A_1620, %broadcast_in_dim3A_1683 : vector<2x1xi1>, vector<2x1xf32>
      %add3A_1685 = arith.addf %broadcast_in_dim3A_1662, %select_n3A_1684 : vector<2x1xf32>
      %broadcast_in_dim3A_1686 = arith.constant 0 : i32
      %broadcast_in_dim3A_1687 = vector.broadcast %broadcast_in_dim3A_1686 : i32 to vector<2x1xi32>
      %lt3A_1688 = arith.cmpf olt, %broadcast_in_dim3A_1620, %broadcast_in_dim3A_1628 : vector<2x1xf32>
      %eq3A_1689 = arith.cmpf oeq, %broadcast_in_dim3A_1620, %broadcast_in_dim3A_1628 : vector<2x1xf32>
      %or3A_1690 = arith.ori %lt3A_1688, %eq3A_1689 : vector<2x1xi1>
      %convert_element_type3A_1691 = arith.extui %or3A_1690 : vector<2x1xi1> to vector<2x1xi32>
      %add3A_1692 = arith.addi %broadcast_in_dim3A_1687, %convert_element_type3A_1691 : vector<2x1xi32>
      %lt3A_1693 = arith.cmpf olt, %broadcast_in_dim3A_1636, %broadcast_in_dim3A_1628 : vector<2x1xf32>
      %convert_element_type3A_1694 = arith.extui %lt3A_1693 : vector<2x1xi1> to vector<2x1xi32>
      %add3A_1695 = arith.addi %add3A_1692, %convert_element_type3A_1694 : vector<2x1xi32>
      %lt3A_1696 = arith.cmpf olt, %broadcast_in_dim3A_1644, %broadcast_in_dim3A_1628 : vector<2x1xf32>
      %convert_element_type3A_1697 = arith.extui %lt3A_1696 : vector<2x1xi1> to vector<2x1xi32>
      %add3A_1698 = arith.addi %add3A_1695, %convert_element_type3A_1697 : vector<2x1xi32>
      %lt3A_1699 = arith.cmpf olt, %broadcast_in_dim3A_1652, %broadcast_in_dim3A_1628 : vector<2x1xf32>
      %convert_element_type3A_1700 = arith.extui %lt3A_1699 : vector<2x1xi1> to vector<2x1xi32>
      %add3A_1701 = arith.addi %add3A_1698, %convert_element_type3A_1700 : vector<2x1xi32>
      %lt3A_1702 = arith.cmpf olt, %broadcast_in_dim3A_1660, %broadcast_in_dim3A_1628 : vector<2x1xf32>
      %convert_element_type3A_1703 = arith.extui %lt3A_1702 : vector<2x1xi1> to vector<2x1xi32>
      %add3A_1704 = arith.addi %add3A_1701, %convert_element_type3A_1703 : vector<2x1xi32>
      %eq3A_1705 = arith.constant 2 : i32
      %eq3A_1706 = vector.broadcast %eq3A_1705 : i32 to vector<2x1xi32>
      %eq3A_1707 = arith.cmpi eq, %add3A_1704, %eq3A_1706 : vector<2x1xi32>
      %jit3A_1708 = arith.constant 0.000000e+00 : f32
      %broadcast_in_dim3A_1709 = vector.broadcast %jit3A_1708 : f32 to vector<2x1xf32>
      %select_n3A_1710 = arith.select %eq3A_1707, %broadcast_in_dim3A_1628, %broadcast_in_dim3A_1709 : vector<2x1xi1>, vector<2x1xf32>
      %add3A_1711 = arith.addf %add3A_1685, %select_n3A_1710 : vector<2x1xf32>
      %broadcast_in_dim3A_1712 = arith.constant 0 : i32
      %broadcast_in_dim3A_1713 = vector.broadcast %broadcast_in_dim3A_1712 : i32 to vector<2x1xi32>
      %lt3A_1714 = arith.cmpf olt, %broadcast_in_dim3A_1620, %broadcast_in_dim3A_1636 : vector<2x1xf32>
      %eq3A_1715 = arith.cmpf oeq, %broadcast_in_dim3A_1620, %broadcast_in_dim3A_1636 : vector<2x1xf32>
      %or3A_1716 = arith.ori %lt3A_1714, %eq3A_1715 : vector<2x1xi1>
      %convert_element_type3A_1717 = arith.extui %or3A_1716 : vector<2x1xi1> to vector<2x1xi32>
      %add3A_1718 = arith.addi %broadcast_in_dim3A_1713, %convert_element_type3A_1717 : vector<2x1xi32>
      %lt3A_1719 = arith.cmpf olt, %broadcast_in_dim3A_1628, %broadcast_in_dim3A_1636 : vector<2x1xf32>
      %eq3A_1720 = arith.cmpf oeq, %broadcast_in_dim3A_1628, %broadcast_in_dim3A_1636 : vector<2x1xf32>
      %or3A_1721 = arith.ori %lt3A_1719, %eq3A_1720 : vector<2x1xi1>
      %convert_element_type3A_1722 = arith.extui %or3A_1721 : vector<2x1xi1> to vector<2x1xi32>
      %add3A_1723 = arith.addi %add3A_1718, %convert_element_type3A_1722 : vector<2x1xi32>
      %lt3A_1724 = arith.cmpf olt, %broadcast_in_dim3A_1644, %broadcast_in_dim3A_1636 : vector<2x1xf32>
      %convert_element_type3A_1725 = arith.extui %lt3A_1724 : vector<2x1xi1> to vector<2x1xi32>
      %add3A_1726 = arith.addi %add3A_1723, %convert_element_type3A_1725 : vector<2x1xi32>
      %lt3A_1727 = arith.cmpf olt, %broadcast_in_dim3A_1652, %broadcast_in_dim3A_1636 : vector<2x1xf32>
      %convert_element_type3A_1728 = arith.extui %lt3A_1727 : vector<2x1xi1> to vector<2x1xi32>
      %add3A_1729 = arith.addi %add3A_1726, %convert_element_type3A_1728 : vector<2x1xi32>
      %lt3A_1730 = arith.cmpf olt, %broadcast_in_dim3A_1660, %broadcast_in_dim3A_1636 : vector<2x1xf32>
      %convert_element_type3A_1731 = arith.extui %lt3A_1730 : vector<2x1xi1> to vector<2x1xi32>
      %add3A_1732 = arith.addi %add3A_1729, %convert_element_type3A_1731 : vector<2x1xi32>
      %eq3A_1733 = arith.constant 2 : i32
      %eq3A_1734 = vector.broadcast %eq3A_1733 : i32 to vector<2x1xi32>
      %eq3A_1735 = arith.cmpi eq, %add3A_1732, %eq3A_1734 : vector<2x1xi32>
      %jit3A_1736 = arith.constant 0.000000e+00 : f32
      %broadcast_in_dim3A_1737 = vector.broadcast %jit3A_1736 : f32 to vector<2x1xf32>
      %select_n3A_1738 = arith.select %eq3A_1735, %broadcast_in_dim3A_1636, %broadcast_in_dim3A_1737 : vector<2x1xi1>, vector<2x1xf32>
      %add3A_1739 = arith.addf %add3A_1711, %select_n3A_1738 : vector<2x1xf32>
      %broadcast_in_dim3A_1740 = arith.constant 0 : i32
      %broadcast_in_dim3A_1741 = vector.broadcast %broadcast_in_dim3A_1740 : i32 to vector<2x1xi32>
      %lt3A_1742 = arith.cmpf olt, %broadcast_in_dim3A_1620, %broadcast_in_dim3A_1644 : vector<2x1xf32>
      %eq3A_1743 = arith.cmpf oeq, %broadcast_in_dim3A_1620, %broadcast_in_dim3A_1644 : vector<2x1xf32>
      %or3A_1744 = arith.ori %lt3A_1742, %eq3A_1743 : vector<2x1xi1>
      %convert_element_type3A_1745 = arith.extui %or3A_1744 : vector<2x1xi1> to vector<2x1xi32>
      %add3A_1746 = arith.addi %broadcast_in_dim3A_1741, %convert_element_type3A_1745 : vector<2x1xi32>
      %lt3A_1747 = arith.cmpf olt, %broadcast_in_dim3A_1628, %broadcast_in_dim3A_1644 : vector<2x1xf32>
      %eq3A_1748 = arith.cmpf oeq, %broadcast_in_dim3A_1628, %broadcast_in_dim3A_1644 : vector<2x1xf32>
      %or3A_1749 = arith.ori %lt3A_1747, %eq3A_1748 : vector<2x1xi1>
      %convert_element_type3A_1750 = arith.extui %or3A_1749 : vector<2x1xi1> to vector<2x1xi32>
      %add3A_1751 = arith.addi %add3A_1746, %convert_element_type3A_1750 : vector<2x1xi32>
      %lt3A_1752 = arith.cmpf olt, %broadcast_in_dim3A_1636, %broadcast_in_dim3A_1644 : vector<2x1xf32>
      %eq3A_1753 = arith.cmpf oeq, %broadcast_in_dim3A_1636, %broadcast_in_dim3A_1644 : vector<2x1xf32>
      %or3A_1754 = arith.ori %lt3A_1752, %eq3A_1753 : vector<2x1xi1>
      %convert_element_type3A_1755 = arith.extui %or3A_1754 : vector<2x1xi1> to vector<2x1xi32>
      %add3A_1756 = arith.addi %add3A_1751, %convert_element_type3A_1755 : vector<2x1xi32>
      %lt3A_1757 = arith.cmpf olt, %broadcast_in_dim3A_1652, %broadcast_in_dim3A_1644 : vector<2x1xf32>
      %convert_element_type3A_1758 = arith.extui %lt3A_1757 : vector<2x1xi1> to vector<2x1xi32>
      %add3A_1759 = arith.addi %add3A_1756, %convert_element_type3A_1758 : vector<2x1xi32>
      %lt3A_1760 = arith.cmpf olt, %broadcast_in_dim3A_1660, %broadcast_in_dim3A_1644 : vector<2x1xf32>
      %convert_element_type3A_1761 = arith.extui %lt3A_1760 : vector<2x1xi1> to vector<2x1xi32>
      %add3A_1762 = arith.addi %add3A_1759, %convert_element_type3A_1761 : vector<2x1xi32>
      %eq3A_1763 = arith.constant 2 : i32
      %eq3A_1764 = vector.broadcast %eq3A_1763 : i32 to vector<2x1xi32>
      %eq3A_1765 = arith.cmpi eq, %add3A_1762, %eq3A_1764 : vector<2x1xi32>
      %jit3A_1766 = arith.constant 0.000000e+00 : f32
      %broadcast_in_dim3A_1767 = vector.broadcast %jit3A_1766 : f32 to vector<2x1xf32>
      %select_n3A_1768 = arith.select %eq3A_1765, %broadcast_in_dim3A_1644, %broadcast_in_dim3A_1767 : vector<2x1xi1>, vector<2x1xf32>
      %add3A_1769 = arith.addf %add3A_1739, %select_n3A_1768 : vector<2x1xf32>
      %broadcast_in_dim3A_1770 = arith.constant 0 : i32
      %broadcast_in_dim3A_1771 = vector.broadcast %broadcast_in_dim3A_1770 : i32 to vector<2x1xi32>
      %lt3A_1772 = arith.cmpf olt, %broadcast_in_dim3A_1620, %broadcast_in_dim3A_1652 : vector<2x1xf32>
      %eq3A_1773 = arith.cmpf oeq, %broadcast_in_dim3A_1620, %broadcast_in_dim3A_1652 : vector<2x1xf32>
      %or3A_1774 = arith.ori %lt3A_1772, %eq3A_1773 : vector<2x1xi1>
      %convert_element_type3A_1775 = arith.extui %or3A_1774 : vector<2x1xi1> to vector<2x1xi32>
      %add3A_1776 = arith.addi %broadcast_in_dim3A_1771, %convert_element_type3A_1775 : vector<2x1xi32>
      %lt3A_1777 = arith.cmpf olt, %broadcast_in_dim3A_1628, %broadcast_in_dim3A_1652 : vector<2x1xf32>
      %eq3A_1778 = arith.cmpf oeq, %broadcast_in_dim3A_1628, %broadcast_in_dim3A_1652 : vector<2x1xf32>
      %or3A_1779 = arith.ori %lt3A_1777, %eq3A_1778 : vector<2x1xi1>
      %convert_element_type3A_1780 = arith.extui %or3A_1779 : vector<2x1xi1> to vector<2x1xi32>
      %add3A_1781 = arith.addi %add3A_1776, %convert_element_type3A_1780 : vector<2x1xi32>
      %lt3A_1782 = arith.cmpf olt, %broadcast_in_dim3A_1636, %broadcast_in_dim3A_1652 : vector<2x1xf32>
      %eq3A_1783 = arith.cmpf oeq, %broadcast_in_dim3A_1636, %broadcast_in_dim3A_1652 : vector<2x1xf32>
      %or3A_1784 = arith.ori %lt3A_1782, %eq3A_1783 : vector<2x1xi1>
      %convert_element_type3A_1785 = arith.extui %or3A_1784 : vector<2x1xi1> to vector<2x1xi32>
      %add3A_1786 = arith.addi %add3A_1781, %convert_element_type3A_1785 : vector<2x1xi32>
      %lt3A_1787 = arith.cmpf olt, %broadcast_in_dim3A_1644, %broadcast_in_dim3A_1652 : vector<2x1xf32>
      %eq3A_1788 = arith.cmpf oeq, %broadcast_in_dim3A_1644, %broadcast_in_dim3A_1652 : vector<2x1xf32>
      %or3A_1789 = arith.ori %lt3A_1787, %eq3A_1788 : vector<2x1xi1>
      %convert_element_type3A_1790 = arith.extui %or3A_1789 : vector<2x1xi1> to vector<2x1xi32>
      %add3A_1791 = arith.addi %add3A_1786, %convert_element_type3A_1790 : vector<2x1xi32>
      %lt3A_1792 = arith.cmpf olt, %broadcast_in_dim3A_1660, %broadcast_in_dim3A_1652 : vector<2x1xf32>
      %convert_element_type3A_1793 = arith.extui %lt3A_1792 : vector<2x1xi1> to vector<2x1xi32>
      %add3A_1794 = arith.addi %add3A_1791, %convert_element_type3A_1793 : vector<2x1xi32>
      %eq3A_1795 = arith.constant 2 : i32
      %eq3A_1796 = vector.broadcast %eq3A_1795 : i32 to vector<2x1xi32>
      %eq3A_1797 = arith.cmpi eq, %add3A_1794, %eq3A_1796 : vector<2x1xi32>
      %jit3A_1798 = arith.constant 0.000000e+00 : f32
      %broadcast_in_dim3A_1799 = vector.broadcast %jit3A_1798 : f32 to vector<2x1xf32>
      %select_n3A_1800 = arith.select %eq3A_1797, %broadcast_in_dim3A_1652, %broadcast_in_dim3A_1799 : vector<2x1xi1>, vector<2x1xf32>
      %add3A_1801 = arith.addf %add3A_1769, %select_n3A_1800 : vector<2x1xf32>
      %broadcast_in_dim3A_1802 = arith.constant 0 : i32
      %broadcast_in_dim3A_1803 = vector.broadcast %broadcast_in_dim3A_1802 : i32 to vector<2x1xi32>
      %lt3A_1804 = arith.cmpf olt, %broadcast_in_dim3A_1620, %broadcast_in_dim3A_1660 : vector<2x1xf32>
      %eq3A_1805 = arith.cmpf oeq, %broadcast_in_dim3A_1620, %broadcast_in_dim3A_1660 : vector<2x1xf32>
      %or3A_1806 = arith.ori %lt3A_1804, %eq3A_1805 : vector<2x1xi1>
      %convert_element_type3A_1807 = arith.extui %or3A_1806 : vector<2x1xi1> to vector<2x1xi32>
      %add3A_1808 = arith.addi %broadcast_in_dim3A_1803, %convert_element_type3A_1807 : vector<2x1xi32>
      %lt3A_1809 = arith.cmpf olt, %broadcast_in_dim3A_1628, %broadcast_in_dim3A_1660 : vector<2x1xf32>
      %eq3A_1810 = arith.cmpf oeq, %broadcast_in_dim3A_1628, %broadcast_in_dim3A_1660 : vector<2x1xf32>
      %or3A_1811 = arith.ori %lt3A_1809, %eq3A_1810 : vector<2x1xi1>
      %convert_element_type3A_1812 = arith.extui %or3A_1811 : vector<2x1xi1> to vector<2x1xi32>
      %add3A_1813 = arith.addi %add3A_1808, %convert_element_type3A_1812 : vector<2x1xi32>
      %lt3A_1814 = arith.cmpf olt, %broadcast_in_dim3A_1636, %broadcast_in_dim3A_1660 : vector<2x1xf32>
      %eq3A_1815 = arith.cmpf oeq, %broadcast_in_dim3A_1636, %broadcast_in_dim3A_1660 : vector<2x1xf32>
      %or3A_1816 = arith.ori %lt3A_1814, %eq3A_1815 : vector<2x1xi1>
      %convert_element_type3A_1817 = arith.extui %or3A_1816 : vector<2x1xi1> to vector<2x1xi32>
      %add3A_1818 = arith.addi %add3A_1813, %convert_element_type3A_1817 : vector<2x1xi32>
      %lt3A_1819 = arith.cmpf olt, %broadcast_in_dim3A_1644, %broadcast_in_dim3A_1660 : vector<2x1xf32>
      %eq3A_1820 = arith.cmpf oeq, %broadcast_in_dim3A_1644, %broadcast_in_dim3A_1660 : vector<2x1xf32>
      %or3A_1821 = arith.ori %lt3A_1819, %eq3A_1820 : vector<2x1xi1>
      %convert_element_type3A_1822 = arith.extui %or3A_1821 : vector<2x1xi1> to vector<2x1xi32>
      %add3A_1823 = arith.addi %add3A_1818, %convert_element_type3A_1822 : vector<2x1xi32>
      %lt3A_1824 = arith.cmpf olt, %broadcast_in_dim3A_1652, %broadcast_in_dim3A_1660 : vector<2x1xf32>
      %eq3A_1825 = arith.cmpf oeq, %broadcast_in_dim3A_1652, %broadcast_in_dim3A_1660 : vector<2x1xf32>
      %or3A_1826 = arith.ori %lt3A_1824, %eq3A_1825 : vector<2x1xi1>
      %convert_element_type3A_1827 = arith.extui %or3A_1826 : vector<2x1xi1> to vector<2x1xi32>
      %add3A_1828 = arith.addi %add3A_1823, %convert_element_type3A_1827 : vector<2x1xi32>
      %eq3A_1829 = arith.constant 2 : i32
      %eq3A_1830 = vector.broadcast %eq3A_1829 : i32 to vector<2x1xi32>
      %eq3A_1831 = arith.cmpi eq, %add3A_1828, %eq3A_1830 : vector<2x1xi32>
      %jit3A_1832 = arith.constant 0.000000e+00 : f32
      %broadcast_in_dim3A_1833 = vector.broadcast %jit3A_1832 : f32 to vector<2x1xf32>
      %select_n3A_1834 = arith.select %eq3A_1831, %broadcast_in_dim3A_1660, %broadcast_in_dim3A_1833 : vector<2x1xi1>, vector<2x1xf32>
      %add3A_1835 = arith.addf %add3A_1801, %select_n3A_1834 : vector<2x1xf32>
      %sub3A_1836 = arith.subf %broadcast_in_dim3A_1620, %add3A_1835 : vector<2x1xf32>
      %integer_pow3A = arith.mulf %sub3A_1836, %sub3A_1836 : vector<2x1xf32>
      %reduce_sum3A_1837 = vector.shape_cast %integer_pow3A : vector<2x1xf32> to vector<1x2x1xf32>
      %reduce_sum3A_1838 = arith.constant dense<0.000000e+00> : vector<1xf32>
      %reduce_sum3A_1839 = vector.multi_reduction <add>, %reduce_sum3A_1837, %reduce_sum3A_1838 [1, 2] : vector<1x2x1xf32> to vector<1xf32>
      %reduce_sum3A_1840 = vector.shape_cast %reduce_sum3A_1839 : vector<1xf32> to vector<1x1x1xf32>
      %reduce_sum3A_1841 = vector.extract %reduce_sum3A_1840[0, 0, 0] : f32 from vector<1x1x1xf32>
      %add3A_1842 = arith.constant 0.000000e+00 : f32
      %add3A_1843 = arith.addf %add3A_1842, %reduce_sum3A_1841 : f32
      %sub3A_1844 = arith.subf %broadcast_in_dim3A_1628, %add3A_1835 : vector<2x1xf32>
      %integer_pow3A_1845 = arith.mulf %sub3A_1844, %sub3A_1844 : vector<2x1xf32>
      %reduce_sum3A_1846 = vector.shape_cast %integer_pow3A_1845 : vector<2x1xf32> to vector<1x2x1xf32>
      %reduce_sum3A_1847 = arith.constant dense<0.000000e+00> : vector<1xf32>
      %reduce_sum3A_1848 = vector.multi_reduction <add>, %reduce_sum3A_1846, %reduce_sum3A_1847 [1, 2] : vector<1x2x1xf32> to vector<1xf32>
      %reduce_sum3A_1849 = vector.shape_cast %reduce_sum3A_1848 : vector<1xf32> to vector<1x1x1xf32>
      %reduce_sum3A_1850 = vector.extract %reduce_sum3A_1849[0, 0, 0] : f32 from vector<1x1x1xf32>
      %add3A_1851 = arith.addf %add3A_1843, %reduce_sum3A_1850 : f32
      %sub3A_1852 = arith.subf %broadcast_in_dim3A_1636, %add3A_1835 : vector<2x1xf32>
      %integer_pow3A_1853 = arith.mulf %sub3A_1852, %sub3A_1852 : vector<2x1xf32>
      %reduce_sum3A_1854 = vector.shape_cast %integer_pow3A_1853 : vector<2x1xf32> to vector<1x2x1xf32>
      %reduce_sum3A_1855 = arith.constant dense<0.000000e+00> : vector<1xf32>
      %reduce_sum3A_1856 = vector.multi_reduction <add>, %reduce_sum3A_1854, %reduce_sum3A_1855 [1, 2] : vector<1x2x1xf32> to vector<1xf32>
      %reduce_sum3A_1857 = vector.shape_cast %reduce_sum3A_1856 : vector<1xf32> to vector<1x1x1xf32>
      %reduce_sum3A_1858 = vector.extract %reduce_sum3A_1857[0, 0, 0] : f32 from vector<1x1x1xf32>
      %add3A_1859 = arith.addf %add3A_1851, %reduce_sum3A_1858 : f32
      %sub3A_1860 = arith.subf %broadcast_in_dim3A_1644, %add3A_1835 : vector<2x1xf32>
      %integer_pow3A_1861 = arith.mulf %sub3A_1860, %sub3A_1860 : vector<2x1xf32>
      %reduce_sum3A_1862 = vector.shape_cast %integer_pow3A_1861 : vector<2x1xf32> to vector<1x2x1xf32>
      %reduce_sum3A_1863 = arith.constant dense<0.000000e+00> : vector<1xf32>
      %reduce_sum3A_1864 = vector.multi_reduction <add>, %reduce_sum3A_1862, %reduce_sum3A_1863 [1, 2] : vector<1x2x1xf32> to vector<1xf32>
      %reduce_sum3A_1865 = vector.shape_cast %reduce_sum3A_1864 : vector<1xf32> to vector<1x1x1xf32>
      %reduce_sum3A_1866 = vector.extract %reduce_sum3A_1865[0, 0, 0] : f32 from vector<1x1x1xf32>
      %add3A_1867 = arith.addf %add3A_1859, %reduce_sum3A_1866 : f32
      %sub3A_1868 = arith.subf %broadcast_in_dim3A_1652, %add3A_1835 : vector<2x1xf32>
      %integer_pow3A_1869 = arith.mulf %sub3A_1868, %sub3A_1868 : vector<2x1xf32>
      %reduce_sum3A_1870 = vector.shape_cast %integer_pow3A_1869 : vector<2x1xf32> to vector<1x2x1xf32>
      %reduce_sum3A_1871 = arith.constant dense<0.000000e+00> : vector<1xf32>
      %reduce_sum3A_1872 = vector.multi_reduction <add>, %reduce_sum3A_1870, %reduce_sum3A_1871 [1, 2] : vector<1x2x1xf32> to vector<1xf32>
      %reduce_sum3A_1873 = vector.shape_cast %reduce_sum3A_1872 : vector<1xf32> to vector<1x1x1xf32>
      %reduce_sum3A_1874 = vector.extract %reduce_sum3A_1873[0, 0, 0] : f32 from vector<1x1x1xf32>
      %add3A_1875 = arith.addf %add3A_1867, %reduce_sum3A_1874 : f32
      %sub3A_1876 = arith.subf %broadcast_in_dim3A_1660, %add3A_1835 : vector<2x1xf32>
      %integer_pow3A_1877 = arith.mulf %sub3A_1876, %sub3A_1876 : vector<2x1xf32>
      %reduce_sum3A_1878 = vector.shape_cast %integer_pow3A_1877 : vector<2x1xf32> to vector<1x2x1xf32>
      %reduce_sum3A_1879 = arith.constant dense<0.000000e+00> : vector<1xf32>
      %reduce_sum3A_1880 = vector.multi_reduction <add>, %reduce_sum3A_1878, %reduce_sum3A_1879 [1, 2] : vector<1x2x1xf32> to vector<1xf32>
      %reduce_sum3A_1881 = vector.shape_cast %reduce_sum3A_1880 : vector<1xf32> to vector<1x1x1xf32>
      %reduce_sum3A_1882 = vector.extract %reduce_sum3A_1881[0, 0, 0] : f32 from vector<1x1x1xf32>
      %add3A_1883 = arith.addf %add3A_1875, %reduce_sum3A_1882 : f32
      %iota3A_1884 = tpu.iota {dimensions = array<i32: 0>} : vector<2x1xi32>
      %eq3A_1885 = arith.constant 0 : i32
      %eq3A_1886 = vector.broadcast %eq3A_1885 : i32 to vector<2x1xi32>
      %eq3A_1887 = arith.cmpi eq, %iota3A_1884, %eq3A_1886 : vector<2x1xi32>
      %iota3A_1888 = tpu.iota {dimensions = array<i32: 0>} : vector<2x1xi32>
      %eq3A_1889 = arith.constant 1 : i32
      %eq3A_1890 = vector.broadcast %eq3A_1889 : i32 to vector<2x1xi32>
      %eq3A_1891 = arith.cmpi eq, %iota3A_1888, %eq3A_1890 : vector<2x1xi32>
      %iota3A_1892 = tpu.iota {dimensions = array<i32: 1>} : vector<1x16xi32>
      %iota3A_1893 = vector.shape_cast %iota3A_1892 : vector<1x16xi32> to vector<16xi32>
      %broadcast_in_dim3A_1894 = arith.constant 0 : i32
      %broadcast_in_dim3A_1895 = vector.broadcast %broadcast_in_dim3A_1894 : i32 to vector<16xi32>
      %jit3A_1896 = arith.constant 0 : i32
      %broadcast_in_dim3A_1897 = vector.broadcast %jit3A_1896 : i32 to vector<2x1xi32>
      %select_n3A_1898 = arith.select %eq3A_1887, %broadcast_in_dim3A_1500, %broadcast_in_dim3A_1897 : vector<2x1xi1>, vector<2x1xi32>
      %reduce_sum3A_1899 = vector.shape_cast %select_n3A_1898 : vector<2x1xi32> to vector<1x2x1xi32>
      %reduce_sum3A_1900 = arith.constant dense<0> : vector<1xi32>
      %reduce_sum3A_1901 = vector.multi_reduction <add>, %reduce_sum3A_1899, %reduce_sum3A_1900 [1, 2] : vector<1x2x1xi32> to vector<1xi32>
      %reduce_sum3A_1902 = vector.shape_cast %reduce_sum3A_1901 : vector<1xi32> to vector<1x1x1xi32>
      %reduce_sum3A_1903 = vector.extract %reduce_sum3A_1902[0, 0, 0] : i32 from vector<1x1x1xi32>
      %swap3A_1904 = arith.constant 0 : index
      %swap3A_1905 = arith.constant 0 : index
      %swap3A_1906 = memref.load %arg18[%swap3A_1904, %swap3A_1905] : memref<2x6xi32, #tpu.memory_space<smem>>
      memref.store %reduce_sum3A_1903, %arg18[%swap3A_1904, %swap3A_1905] : memref<2x6xi32, #tpu.memory_space<smem>>
      %eq3A_1907 = arith.constant 0 : i32
      %eq3A_1908 = vector.broadcast %eq3A_1907 : i32 to vector<16xi32>
      %eq3A_1909 = arith.cmpi eq, %iota3A_1893, %eq3A_1908 : vector<16xi32>
      %add3A_1910 = arith.constant 0 : i32
      %add3A_1911 = arith.addi %reduce_sum3A_1903, %add3A_1910 : i32
      %broadcast_in_dim3A_1912 = vector.broadcast %add3A_1911 : i32 to vector<16xi32>
      %select_n3A_1913 = arith.select %eq3A_1909, %broadcast_in_dim3A_1912, %broadcast_in_dim3A_1895 : vector<16xi1>, vector<16xi32>
      %jit3A_1914 = arith.constant 0 : i32
      %broadcast_in_dim3A_1915 = vector.broadcast %jit3A_1914 : i32 to vector<2x1xi32>
      %select_n3A_1916 = arith.select %eq3A_1887, %broadcast_in_dim3A_1521, %broadcast_in_dim3A_1915 : vector<2x1xi1>, vector<2x1xi32>
      %reduce_sum3A_1917 = vector.shape_cast %select_n3A_1916 : vector<2x1xi32> to vector<1x2x1xi32>
      %reduce_sum3A_1918 = arith.constant dense<0> : vector<1xi32>
      %reduce_sum3A_1919 = vector.multi_reduction <add>, %reduce_sum3A_1917, %reduce_sum3A_1918 [1, 2] : vector<1x2x1xi32> to vector<1xi32>
      %reduce_sum3A_1920 = vector.shape_cast %reduce_sum3A_1919 : vector<1xi32> to vector<1x1x1xi32>
      %reduce_sum3A_1921 = vector.extract %reduce_sum3A_1920[0, 0, 0] : i32 from vector<1x1x1xi32>
      %swap3A_1922 = arith.constant 0 : index
      %swap3A_1923 = arith.constant 1 : index
      %swap3A_1924 = memref.load %arg18[%swap3A_1922, %swap3A_1923] : memref<2x6xi32, #tpu.memory_space<smem>>
      memref.store %reduce_sum3A_1921, %arg18[%swap3A_1922, %swap3A_1923] : memref<2x6xi32, #tpu.memory_space<smem>>
      %eq3A_1925 = arith.constant 1 : i32
      %eq3A_1926 = vector.broadcast %eq3A_1925 : i32 to vector<16xi32>
      %eq3A_1927 = arith.cmpi eq, %iota3A_1893, %eq3A_1926 : vector<16xi32>
      %add3A_1928 = arith.constant 0 : i32
      %add3A_1929 = arith.addi %reduce_sum3A_1921, %add3A_1928 : i32
      %broadcast_in_dim3A_1930 = vector.broadcast %add3A_1929 : i32 to vector<16xi32>
      %select_n3A_1931 = arith.select %eq3A_1927, %broadcast_in_dim3A_1930, %select_n3A_1913 : vector<16xi1>, vector<16xi32>
      %jit3A_1932 = arith.constant 0 : i32
      %broadcast_in_dim3A_1933 = vector.broadcast %jit3A_1932 : i32 to vector<2x1xi32>
      %select_n3A_1934 = arith.select %eq3A_1887, %broadcast_in_dim3A_1543, %broadcast_in_dim3A_1933 : vector<2x1xi1>, vector<2x1xi32>
      %reduce_sum3A_1935 = vector.shape_cast %select_n3A_1934 : vector<2x1xi32> to vector<1x2x1xi32>
      %reduce_sum3A_1936 = arith.constant dense<0> : vector<1xi32>
      %reduce_sum3A_1937 = vector.multi_reduction <add>, %reduce_sum3A_1935, %reduce_sum3A_1936 [1, 2] : vector<1x2x1xi32> to vector<1xi32>
      %reduce_sum3A_1938 = vector.shape_cast %reduce_sum3A_1937 : vector<1xi32> to vector<1x1x1xi32>
      %reduce_sum3A_1939 = vector.extract %reduce_sum3A_1938[0, 0, 0] : i32 from vector<1x1x1xi32>
      %swap3A_1940 = arith.constant 0 : index
      %swap3A_1941 = arith.constant 2 : index
      %swap3A_1942 = memref.load %arg18[%swap3A_1940, %swap3A_1941] : memref<2x6xi32, #tpu.memory_space<smem>>
      memref.store %reduce_sum3A_1939, %arg18[%swap3A_1940, %swap3A_1941] : memref<2x6xi32, #tpu.memory_space<smem>>
      %eq3A_1943 = arith.constant 2 : i32
      %eq3A_1944 = vector.broadcast %eq3A_1943 : i32 to vector<16xi32>
      %eq3A_1945 = arith.cmpi eq, %iota3A_1893, %eq3A_1944 : vector<16xi32>
      %add3A_1946 = arith.constant 0 : i32
      %add3A_1947 = arith.addi %reduce_sum3A_1939, %add3A_1946 : i32
      %broadcast_in_dim3A_1948 = vector.broadcast %add3A_1947 : i32 to vector<16xi32>
      %select_n3A_1949 = arith.select %eq3A_1945, %broadcast_in_dim3A_1948, %select_n3A_1931 : vector<16xi1>, vector<16xi32>
      %jit3A_1950 = arith.constant 0 : i32
      %broadcast_in_dim3A_1951 = vector.broadcast %jit3A_1950 : i32 to vector<2x1xi32>
      %select_n3A_1952 = arith.select %eq3A_1887, %broadcast_in_dim3A_1566, %broadcast_in_dim3A_1951 : vector<2x1xi1>, vector<2x1xi32>
      %reduce_sum3A_1953 = vector.shape_cast %select_n3A_1952 : vector<2x1xi32> to vector<1x2x1xi32>
      %reduce_sum3A_1954 = arith.constant dense<0> : vector<1xi32>
      %reduce_sum3A_1955 = vector.multi_reduction <add>, %reduce_sum3A_1953, %reduce_sum3A_1954 [1, 2] : vector<1x2x1xi32> to vector<1xi32>
      %reduce_sum3A_1956 = vector.shape_cast %reduce_sum3A_1955 : vector<1xi32> to vector<1x1x1xi32>
      %reduce_sum3A_1957 = vector.extract %reduce_sum3A_1956[0, 0, 0] : i32 from vector<1x1x1xi32>
      %swap3A_1958 = arith.constant 0 : index
      %swap3A_1959 = arith.constant 3 : index
      %swap3A_1960 = memref.load %arg18[%swap3A_1958, %swap3A_1959] : memref<2x6xi32, #tpu.memory_space<smem>>
      memref.store %reduce_sum3A_1957, %arg18[%swap3A_1958, %swap3A_1959] : memref<2x6xi32, #tpu.memory_space<smem>>
      %eq3A_1961 = arith.constant 3 : i32
      %eq3A_1962 = vector.broadcast %eq3A_1961 : i32 to vector<16xi32>
      %eq3A_1963 = arith.cmpi eq, %iota3A_1893, %eq3A_1962 : vector<16xi32>
      %add3A_1964 = arith.constant 0 : i32
      %add3A_1965 = arith.addi %reduce_sum3A_1957, %add3A_1964 : i32
      %broadcast_in_dim3A_1966 = vector.broadcast %add3A_1965 : i32 to vector<16xi32>
      %select_n3A_1967 = arith.select %eq3A_1963, %broadcast_in_dim3A_1966, %select_n3A_1949 : vector<16xi1>, vector<16xi32>
      %jit3A_1968 = arith.constant 0 : i32
      %broadcast_in_dim3A_1969 = vector.broadcast %jit3A_1968 : i32 to vector<2x1xi32>
      %select_n3A_1970 = arith.select %eq3A_1887, %broadcast_in_dim3A_1589, %broadcast_in_dim3A_1969 : vector<2x1xi1>, vector<2x1xi32>
      %reduce_sum3A_1971 = vector.shape_cast %select_n3A_1970 : vector<2x1xi32> to vector<1x2x1xi32>
      %reduce_sum3A_1972 = arith.constant dense<0> : vector<1xi32>
      %reduce_sum3A_1973 = vector.multi_reduction <add>, %reduce_sum3A_1971, %reduce_sum3A_1972 [1, 2] : vector<1x2x1xi32> to vector<1xi32>
      %reduce_sum3A_1974 = vector.shape_cast %reduce_sum3A_1973 : vector<1xi32> to vector<1x1x1xi32>
      %reduce_sum3A_1975 = vector.extract %reduce_sum3A_1974[0, 0, 0] : i32 from vector<1x1x1xi32>
      %swap3A_1976 = arith.constant 0 : index
      %swap3A_1977 = arith.constant 4 : index
      %swap3A_1978 = memref.load %arg18[%swap3A_1976, %swap3A_1977] : memref<2x6xi32, #tpu.memory_space<smem>>
      memref.store %reduce_sum3A_1975, %arg18[%swap3A_1976, %swap3A_1977] : memref<2x6xi32, #tpu.memory_space<smem>>
      %eq3A_1979 = arith.constant 4 : i32
      %eq3A_1980 = vector.broadcast %eq3A_1979 : i32 to vector<16xi32>
      %eq3A_1981 = arith.cmpi eq, %iota3A_1893, %eq3A_1980 : vector<16xi32>
      %add3A_1982 = arith.constant 0 : i32
      %add3A_1983 = arith.addi %reduce_sum3A_1975, %add3A_1982 : i32
      %broadcast_in_dim3A_1984 = vector.broadcast %add3A_1983 : i32 to vector<16xi32>
      %select_n3A_1985 = arith.select %eq3A_1981, %broadcast_in_dim3A_1984, %select_n3A_1967 : vector<16xi1>, vector<16xi32>
      %jit3A_1986 = arith.constant 0 : i32
      %broadcast_in_dim3A_1987 = vector.broadcast %jit3A_1986 : i32 to vector<2x1xi32>
      %select_n3A_1988 = arith.select %eq3A_1887, %broadcast_in_dim3A_1612, %broadcast_in_dim3A_1987 : vector<2x1xi1>, vector<2x1xi32>
      %reduce_sum3A_1989 = vector.shape_cast %select_n3A_1988 : vector<2x1xi32> to vector<1x2x1xi32>
      %reduce_sum3A_1990 = arith.constant dense<0> : vector<1xi32>
      %reduce_sum3A_1991 = vector.multi_reduction <add>, %reduce_sum3A_1989, %reduce_sum3A_1990 [1, 2] : vector<1x2x1xi32> to vector<1xi32>
      %reduce_sum3A_1992 = vector.shape_cast %reduce_sum3A_1991 : vector<1xi32> to vector<1x1x1xi32>
      %reduce_sum3A_1993 = vector.extract %reduce_sum3A_1992[0, 0, 0] : i32 from vector<1x1x1xi32>
      %swap3A_1994 = arith.constant 0 : index
      %swap3A_1995 = arith.constant 5 : index
      %swap3A_1996 = memref.load %arg18[%swap3A_1994, %swap3A_1995] : memref<2x6xi32, #tpu.memory_space<smem>>
      memref.store %reduce_sum3A_1993, %arg18[%swap3A_1994, %swap3A_1995] : memref<2x6xi32, #tpu.memory_space<smem>>
      %eq3A_1997 = arith.constant 5 : i32
      %eq3A_1998 = vector.broadcast %eq3A_1997 : i32 to vector<16xi32>
      %eq3A_1999 = arith.cmpi eq, %iota3A_1893, %eq3A_1998 : vector<16xi32>
      %add3A_2000 = arith.constant 0 : i32
      %add3A_2001 = arith.addi %reduce_sum3A_1993, %add3A_2000 : i32
      %broadcast_in_dim3A_2002 = vector.broadcast %add3A_2001 : i32 to vector<16xi32>
      %select_n3A_2003 = arith.select %eq3A_1999, %broadcast_in_dim3A_2002, %select_n3A_1985 : vector<16xi1>, vector<16xi32>
      %jit3A_2004 = arith.constant 0 : i32
      %broadcast_in_dim3A_2005 = vector.broadcast %jit3A_2004 : i32 to vector<2x1xi32>
      %select_n3A_2006 = arith.select %eq3A_1891, %broadcast_in_dim3A_1500, %broadcast_in_dim3A_2005 : vector<2x1xi1>, vector<2x1xi32>
      %reduce_sum3A_2007 = vector.shape_cast %select_n3A_2006 : vector<2x1xi32> to vector<1x2x1xi32>
      %reduce_sum3A_2008 = arith.constant dense<0> : vector<1xi32>
      %reduce_sum3A_2009 = vector.multi_reduction <add>, %reduce_sum3A_2007, %reduce_sum3A_2008 [1, 2] : vector<1x2x1xi32> to vector<1xi32>
      %reduce_sum3A_2010 = vector.shape_cast %reduce_sum3A_2009 : vector<1xi32> to vector<1x1x1xi32>
      %reduce_sum3A_2011 = vector.extract %reduce_sum3A_2010[0, 0, 0] : i32 from vector<1x1x1xi32>
      %swap3A_2012 = arith.constant 1 : index
      %swap3A_2013 = arith.constant 0 : index
      %swap3A_2014 = memref.load %arg18[%swap3A_2012, %swap3A_2013] : memref<2x6xi32, #tpu.memory_space<smem>>
      memref.store %reduce_sum3A_2011, %arg18[%swap3A_2012, %swap3A_2013] : memref<2x6xi32, #tpu.memory_space<smem>>
      %eq3A_2015 = arith.constant 6 : i32
      %eq3A_2016 = vector.broadcast %eq3A_2015 : i32 to vector<16xi32>
      %eq3A_2017 = arith.cmpi eq, %iota3A_1893, %eq3A_2016 : vector<16xi32>
      %add3A_2018 = arith.constant 4096 : i32
      %add3A_2019 = arith.addi %reduce_sum3A_2011, %add3A_2018 : i32
      %broadcast_in_dim3A_2020 = vector.broadcast %add3A_2019 : i32 to vector<16xi32>
      %select_n3A_2021 = arith.select %eq3A_2017, %broadcast_in_dim3A_2020, %select_n3A_2003 : vector<16xi1>, vector<16xi32>
      %jit3A_2022 = arith.constant 0 : i32
      %broadcast_in_dim3A_2023 = vector.broadcast %jit3A_2022 : i32 to vector<2x1xi32>
      %select_n3A_2024 = arith.select %eq3A_1891, %broadcast_in_dim3A_1521, %broadcast_in_dim3A_2023 : vector<2x1xi1>, vector<2x1xi32>
      %reduce_sum3A_2025 = vector.shape_cast %select_n3A_2024 : vector<2x1xi32> to vector<1x2x1xi32>
      %reduce_sum3A_2026 = arith.constant dense<0> : vector<1xi32>
      %reduce_sum3A_2027 = vector.multi_reduction <add>, %reduce_sum3A_2025, %reduce_sum3A_2026 [1, 2] : vector<1x2x1xi32> to vector<1xi32>
      %reduce_sum3A_2028 = vector.shape_cast %reduce_sum3A_2027 : vector<1xi32> to vector<1x1x1xi32>
      %reduce_sum3A_2029 = vector.extract %reduce_sum3A_2028[0, 0, 0] : i32 from vector<1x1x1xi32>
      %swap3A_2030 = arith.constant 1 : index
      %swap3A_2031 = arith.constant 1 : index
      %swap3A_2032 = memref.load %arg18[%swap3A_2030, %swap3A_2031] : memref<2x6xi32, #tpu.memory_space<smem>>
      memref.store %reduce_sum3A_2029, %arg18[%swap3A_2030, %swap3A_2031] : memref<2x6xi32, #tpu.memory_space<smem>>
      %eq3A_2033 = arith.constant 7 : i32
      %eq3A_2034 = vector.broadcast %eq3A_2033 : i32 to vector<16xi32>
      %eq3A_2035 = arith.cmpi eq, %iota3A_1893, %eq3A_2034 : vector<16xi32>
      %add3A_2036 = arith.constant 4096 : i32
      %add3A_2037 = arith.addi %reduce_sum3A_2029, %add3A_2036 : i32
      %broadcast_in_dim3A_2038 = vector.broadcast %add3A_2037 : i32 to vector<16xi32>
      %select_n3A_2039 = arith.select %eq3A_2035, %broadcast_in_dim3A_2038, %select_n3A_2021 : vector<16xi1>, vector<16xi32>
      %jit3A_2040 = arith.constant 0 : i32
      %broadcast_in_dim3A_2041 = vector.broadcast %jit3A_2040 : i32 to vector<2x1xi32>
      %select_n3A_2042 = arith.select %eq3A_1891, %broadcast_in_dim3A_1543, %broadcast_in_dim3A_2041 : vector<2x1xi1>, vector<2x1xi32>
      %reduce_sum3A_2043 = vector.shape_cast %select_n3A_2042 : vector<2x1xi32> to vector<1x2x1xi32>
      %reduce_sum3A_2044 = arith.constant dense<0> : vector<1xi32>
      %reduce_sum3A_2045 = vector.multi_reduction <add>, %reduce_sum3A_2043, %reduce_sum3A_2044 [1, 2] : vector<1x2x1xi32> to vector<1xi32>
      %reduce_sum3A_2046 = vector.shape_cast %reduce_sum3A_2045 : vector<1xi32> to vector<1x1x1xi32>
      %reduce_sum3A_2047 = vector.extract %reduce_sum3A_2046[0, 0, 0] : i32 from vector<1x1x1xi32>
      %swap3A_2048 = arith.constant 1 : index
      %swap3A_2049 = arith.constant 2 : index
      %swap3A_2050 = memref.load %arg18[%swap3A_2048, %swap3A_2049] : memref<2x6xi32, #tpu.memory_space<smem>>
      memref.store %reduce_sum3A_2047, %arg18[%swap3A_2048, %swap3A_2049] : memref<2x6xi32, #tpu.memory_space<smem>>
      %eq3A_2051 = arith.constant 8 : i32
      %eq3A_2052 = vector.broadcast %eq3A_2051 : i32 to vector<16xi32>
      %eq3A_2053 = arith.cmpi eq, %iota3A_1893, %eq3A_2052 : vector<16xi32>
      %add3A_2054 = arith.constant 4096 : i32
      %add3A_2055 = arith.addi %reduce_sum3A_2047, %add3A_2054 : i32
      %broadcast_in_dim3A_2056 = vector.broadcast %add3A_2055 : i32 to vector<16xi32>
      %select_n3A_2057 = arith.select %eq3A_2053, %broadcast_in_dim3A_2056, %select_n3A_2039 : vector<16xi1>, vector<16xi32>
      %jit3A_2058 = arith.constant 0 : i32
      %broadcast_in_dim3A_2059 = vector.broadcast %jit3A_2058 : i32 to vector<2x1xi32>
      %select_n3A_2060 = arith.select %eq3A_1891, %broadcast_in_dim3A_1566, %broadcast_in_dim3A_2059 : vector<2x1xi1>, vector<2x1xi32>
      %reduce_sum3A_2061 = vector.shape_cast %select_n3A_2060 : vector<2x1xi32> to vector<1x2x1xi32>
      %reduce_sum3A_2062 = arith.constant dense<0> : vector<1xi32>
      %reduce_sum3A_2063 = vector.multi_reduction <add>, %reduce_sum3A_2061, %reduce_sum3A_2062 [1, 2] : vector<1x2x1xi32> to vector<1xi32>
      %reduce_sum3A_2064 = vector.shape_cast %reduce_sum3A_2063 : vector<1xi32> to vector<1x1x1xi32>
      %reduce_sum3A_2065 = vector.extract %reduce_sum3A_2064[0, 0, 0] : i32 from vector<1x1x1xi32>
      %swap3A_2066 = arith.constant 1 : index
      %swap3A_2067 = arith.constant 3 : index
      %swap3A_2068 = memref.load %arg18[%swap3A_2066, %swap3A_2067] : memref<2x6xi32, #tpu.memory_space<smem>>
      memref.store %reduce_sum3A_2065, %arg18[%swap3A_2066, %swap3A_2067] : memref<2x6xi32, #tpu.memory_space<smem>>
      %eq3A_2069 = arith.constant 9 : i32
      %eq3A_2070 = vector.broadcast %eq3A_2069 : i32 to vector<16xi32>
      %eq3A_2071 = arith.cmpi eq, %iota3A_1893, %eq3A_2070 : vector<16xi32>
      %add3A_2072 = arith.constant 4096 : i32
      %add3A_2073 = arith.addi %reduce_sum3A_2065, %add3A_2072 : i32
      %broadcast_in_dim3A_2074 = vector.broadcast %add3A_2073 : i32 to vector<16xi32>
      %select_n3A_2075 = arith.select %eq3A_2071, %broadcast_in_dim3A_2074, %select_n3A_2057 : vector<16xi1>, vector<16xi32>
      %jit3A_2076 = arith.constant 0 : i32
      %broadcast_in_dim3A_2077 = vector.broadcast %jit3A_2076 : i32 to vector<2x1xi32>
      %select_n3A_2078 = arith.select %eq3A_1891, %broadcast_in_dim3A_1589, %broadcast_in_dim3A_2077 : vector<2x1xi1>, vector<2x1xi32>
      %reduce_sum3A_2079 = vector.shape_cast %select_n3A_2078 : vector<2x1xi32> to vector<1x2x1xi32>
      %reduce_sum3A_2080 = arith.constant dense<0> : vector<1xi32>
      %reduce_sum3A_2081 = vector.multi_reduction <add>, %reduce_sum3A_2079, %reduce_sum3A_2080 [1, 2] : vector<1x2x1xi32> to vector<1xi32>
      %reduce_sum3A_2082 = vector.shape_cast %reduce_sum3A_2081 : vector<1xi32> to vector<1x1x1xi32>
      %reduce_sum3A_2083 = vector.extract %reduce_sum3A_2082[0, 0, 0] : i32 from vector<1x1x1xi32>
      %swap3A_2084 = arith.constant 1 : index
      %swap3A_2085 = arith.constant 4 : index
      %swap3A_2086 = memref.load %arg18[%swap3A_2084, %swap3A_2085] : memref<2x6xi32, #tpu.memory_space<smem>>
      memref.store %reduce_sum3A_2083, %arg18[%swap3A_2084, %swap3A_2085] : memref<2x6xi32, #tpu.memory_space<smem>>
      %eq3A_2087 = arith.constant 10 : i32
      %eq3A_2088 = vector.broadcast %eq3A_2087 : i32 to vector<16xi32>
      %eq3A_2089 = arith.cmpi eq, %iota3A_1893, %eq3A_2088 : vector<16xi32>
      %add3A_2090 = arith.constant 4096 : i32
      %add3A_2091 = arith.addi %reduce_sum3A_2083, %add3A_2090 : i32
      %broadcast_in_dim3A_2092 = vector.broadcast %add3A_2091 : i32 to vector<16xi32>
      %select_n3A_2093 = arith.select %eq3A_2089, %broadcast_in_dim3A_2092, %select_n3A_2075 : vector<16xi1>, vector<16xi32>
      %jit3A_2094 = arith.constant 0 : i32
      %broadcast_in_dim3A_2095 = vector.broadcast %jit3A_2094 : i32 to vector<2x1xi32>
      %select_n3A_2096 = arith.select %eq3A_1891, %broadcast_in_dim3A_1612, %broadcast_in_dim3A_2095 : vector<2x1xi1>, vector<2x1xi32>
      %reduce_sum3A_2097 = vector.shape_cast %select_n3A_2096 : vector<2x1xi32> to vector<1x2x1xi32>
      %reduce_sum3A_2098 = arith.constant dense<0> : vector<1xi32>
      %reduce_sum3A_2099 = vector.multi_reduction <add>, %reduce_sum3A_2097, %reduce_sum3A_2098 [1, 2] : vector<1x2x1xi32> to vector<1xi32>
      %reduce_sum3A_2100 = vector.shape_cast %reduce_sum3A_2099 : vector<1xi32> to vector<1x1x1xi32>
      %reduce_sum3A_2101 = vector.extract %reduce_sum3A_2100[0, 0, 0] : i32 from vector<1x1x1xi32>
      %swap3A_2102 = arith.constant 1 : index
      %swap3A_2103 = arith.constant 5 : index
      %swap3A_2104 = memref.load %arg18[%swap3A_2102, %swap3A_2103] : memref<2x6xi32, #tpu.memory_space<smem>>
      memref.store %reduce_sum3A_2101, %arg18[%swap3A_2102, %swap3A_2103] : memref<2x6xi32, #tpu.memory_space<smem>>
      %eq3A_2105 = arith.constant 11 : i32
      %eq3A_2106 = vector.broadcast %eq3A_2105 : i32 to vector<16xi32>
      %eq3A_2107 = arith.cmpi eq, %iota3A_1893, %eq3A_2106 : vector<16xi32>
      %add3A_2108 = arith.constant 4096 : i32
      %add3A_2109 = arith.addi %reduce_sum3A_2101, %add3A_2108 : i32
      %broadcast_in_dim3A_2110 = vector.broadcast %add3A_2109 : i32 to vector<16xi32>
      %select_n3A_2111 = arith.select %eq3A_2107, %broadcast_in_dim3A_2110, %select_n3A_2093 : vector<16xi1>, vector<16xi32>
      %swap3A_2112 = arith.constant 0 : index
      %swap3A_2113 = vector.load %arg20[%swap3A_2112] : memref<16xi32, #tpu.memory_space<vmem>>, vector<16xi32>
      tpu.vector_store %arg20[%swap3A_2112], %select_n3A_2111 {strides = array<i32>} : memref<16xi32, #tpu.memory_space<vmem>>, vector<16xi32>,
      %div3A_2114 = arith.constant 1.200000e+01 : f32
      %div3A_2115 = arith.divf %add3A_1883, %div3A_2114 : f32
      %eq3A_2116 = arith.constant 0 : i32
      %eq3A_2117 = vector.broadcast %eq3A_2116 : i32 to vector<16xi32>
      %eq3A_2118 = arith.cmpi eq, %iota3A_1893, %eq3A_2117 : vector<16xi32>
      %jit3A_2119 = arith.constant 0.000000e+00 : f32
      %broadcast_in_dim3A_2120 = vector.broadcast %div3A_2115 : f32 to vector<16xf32>
      %broadcast_in_dim3A_2121 = vector.broadcast %jit3A_2119 : f32 to vector<16xf32>
      %select_n3A_2122 = arith.select %eq3A_2118, %broadcast_in_dim3A_2120, %broadcast_in_dim3A_2121 : vector<16xi1>, vector<16xf32>
      %swap3A_2123 = arith.constant 0 : index
      %swap3A_2124 = vector.load %arg21[%swap3A_2123] : memref<16xf32, #tpu.memory_space<vmem>>, vector<16xf32>
      tpu.vector_store %arg21[%swap3A_2123], %select_n3A_2122 {strides = array<i32>} : memref<16xf32, #tpu.memory_space<vmem>>, vector<16xf32>,
      %get3A_2125 = arith.constant 0 : index
      %get3A_2126 = arith.constant 0 : index
      %get3A_2127 = vector.load %arg24[%get3A_2125, %get3A_2126] : memref<2x1024xf32, #tpu.memory_space<vmem>>, vector<2x1024xf32>
      %swap3A_2128 = arith.constant 0 : index
      %swap3A_2129 = arith.constant 0 : index
      %swap3A_2130 = vector.load %arg22[%swap3A_2128, %swap3A_2129] : memref<2x1024xf32, #tpu.memory_space<vmem>>, vector<2x1024xf32>
      tpu.vector_store %arg22[%swap3A_2128, %swap3A_2129], %get3A_2127 {strides = array<i32>} : memref<2x1024xf32, #tpu.memory_space<vmem>>, vector<2x1024xf32>,
      %get3A_2131 = arith.constant 0 : index
      %get3A_2132 = arith.constant 0 : index
      %get3A_2133 = vector.load %arg25[%get3A_2131, %get3A_2132] : memref<2x1024xf32, #tpu.memory_space<vmem>>, vector<2x1024xf32>
      %swap3A_2134 = arith.constant 0 : index
      %swap3A_2135 = arith.constant 0 : index
      %swap3A_2136 = vector.load %arg23[%swap3A_2134, %swap3A_2135] : memref<2x1024xf32, #tpu.memory_space<vmem>>, vector<2x1024xf32>
      tpu.vector_store %arg23[%swap3A_2134, %swap3A_2135], %get3A_2133 {strides = array<i32>} : memref<2x1024xf32, #tpu.memory_space<vmem>>, vector<2x1024xf32>,
    } else {
    }
    return
  }
  func.func @transform_0(%arg0: i32) -> (i32, i32, i32) {
    %sub3A = arith.constant 1 : i32
    %sub3A_0 = arith.subi %arg0, %sub3A : i32
    %jit3A = arith.constant 0 : i32
    %jit3A_1 = arith.constant 7 : i32
    %max3A = arith.maxsi %jit3A, %sub3A_0 : i32
    %min3A = arith.minsi %jit3A_1, %max3A : i32
    %c0_i32 = arith.constant 0 : i32
    %c0_i32_2 = arith.constant 0 : i32
    %c0_i32_3 = arith.constant 0 : i32
    return %c0_i32, %min3A, %c0_i32_2 : i32, i32, i32
  }
  func.func @transform_1(%arg0: i32) -> (i32, i32) {
    %c0_i32 = arith.constant 0 : i32
    %c0_i32_0 = arith.constant 0 : i32
    %c0_i32_1 = arith.constant 0 : i32
    return %c0_i32, %c0_i32_0 : i32, i32
  }
  func.func @transform_2(%arg0: i32) -> (i32, i32) {
    %c0_i32 = arith.constant 0 : i32
    %c0_i32_0 = arith.constant 0 : i32
    %c0_i32_1 = arith.constant 0 : i32
    return %c0_i32, %c0_i32_0 : i32, i32
  }
  func.func @transform_3(%arg0: i32) -> i32 {
    %c0_i32 = arith.constant 0 : i32
    %c0_i32_0 = arith.constant 0 : i32
    return %c0_i32 : i32
  }
  func.func @transform_4(%arg0: i32) -> i32 {
    %c0_i32 = arith.constant 0 : i32
    %c0_i32_0 = arith.constant 0 : i32
    return %c0_i32 : i32
  }
  func.func @transform_5(%arg0: i32) -> i32 {
    %c0_i32 = arith.constant 0 : i32
    %c0_i32_0 = arith.constant 0 : i32
    return %c0_i32 : i32
  }
  func.func @transform_6(%arg0: i32) -> (i32, i32) {
    %c0_i32 = arith.constant 0 : i32
    %c0_i32_0 = arith.constant 0 : i32
    %c0_i32_1 = arith.constant 0 : i32
    return %c0_i32, %c0_i32_0 : i32, i32
  }
  func.func @transform_7(%arg0: i32) -> i32 {
    %c0_i32 = arith.constant 0 : i32
    %c0_i32_0 = arith.constant 0 : i32
    return %c0_i32 : i32
  }
  func.func @transform_8(%arg0: i32) -> (i32, i32) {
    %c0_i32 = arith.constant 0 : i32
    %c0_i32_0 = arith.constant 0 : i32
    %c0_i32_1 = arith.constant 0 : i32
    return %c0_i32, %c0_i32_0 : i32, i32
  }
  func.func @transform_9(%arg0: i32) -> i32 {
    %c0_i32 = arith.constant 0 : i32
    %c0_i32_0 = arith.constant 0 : i32
    return %c0_i32 : i32
  }
  func.func @transform_10(%arg0: i32) -> i32 {
    %c0_i32 = arith.constant 0 : i32
    %c0_i32_0 = arith.constant 0 : i32
    return %c0_i32 : i32
  }
  func.func @transform_11(%arg0: i32) -> i32 {
    %c0_i32 = arith.constant 0 : i32
    %c0_i32_0 = arith.constant 0 : i32
    return %c0_i32 : i32
  }
  func.func @transform_12(%arg0: i32) -> (i32, i32) {
    %c0_i32 = arith.constant 0 : i32
    %c0_i32_0 = arith.constant 0 : i32
    %c0_i32_1 = arith.constant 0 : i32
    return %c0_i32, %c0_i32_0 : i32, i32
  }
  func.func @transform_13(%arg0: i32) -> i32 {
    %c0_i32 = arith.constant 0 : i32
    %c0_i32_0 = arith.constant 0 : i32
    return %c0_i32 : i32
  }
  func.func @transform_14(%arg0: i32) -> (i32, i32) {
    %c0_i32 = arith.constant 0 : i32
    %c0_i32_0 = arith.constant 0 : i32
    %c0_i32_1 = arith.constant 0 : i32
    return %c0_i32, %c0_i32_0 : i32, i32
  }
  func.func @transform_15(%arg0: i32) -> i32 {
    %c0_i32 = arith.constant 0 : i32
    %c0_i32_0 = arith.constant 0 : i32
    return %c0_i32 : i32
  }
  func.func @transform_16(%arg0: i32) -> (i32, i32) {
    %c1_i32 = arith.constant 1 : i32
    %c0_i32 = arith.constant 0 : i32
    %c0_i32_0 = arith.constant 0 : i32
    return %c1_i32, %c0_i32 : i32, i32
  }
  func.func @transform_17(%arg0: i32) -> (i32, i32) {
    %c0_i32 = arith.constant 0 : i32
    %c0_i32_0 = arith.constant 0 : i32
    %c0_i32_1 = arith.constant 0 : i32
    return %c0_i32, %c0_i32_0 : i32, i32
  }
  func.func @transform_18(%arg0: i32) -> (i32, i32) {
    %c0_i32 = arith.constant 0 : i32
    %c0_i32_0 = arith.constant 0 : i32
    %c0_i32_1 = arith.constant 0 : i32
    return %c0_i32, %c0_i32_0 : i32, i32
  }
  func.func @transform_19(%arg0: i32) -> i32 {
    %c0_i32 = arith.constant 0 : i32
    %c0_i32_0 = arith.constant 0 : i32
    return %c0_i32 : i32
  }
  func.func @transform_20(%arg0: i32) -> i32 {
    %c0_i32 = arith.constant 0 : i32
    %c0_i32_0 = arith.constant 0 : i32
    return %c0_i32 : i32
  }
  func.func @transform_21(%arg0: i32) -> (i32, i32) {
    %c0_i32 = arith.constant 0 : i32
    %c0_i32_0 = arith.constant 0 : i32
    %c0_i32_1 = arith.constant 0 : i32
    return %c0_i32, %c0_i32_0 : i32, i32
  }
  func.func @transform_22(%arg0: i32) -> (i32, i32) {
    %c0_i32 = arith.constant 0 : i32
    %c0_i32_0 = arith.constant 0 : i32
    %c0_i32_1 = arith.constant 0 : i32
    return %c0_i32, %c0_i32_0 : i32, i32
  }
}

</mosaic_0001>

<sc_bundles>
// kernel: kernel.4.cloned.1.call-start
scs
__scs_entry_jumppad:
0x0: {  	(pc) =	sbr.rel $0x88, $3  }
0x1: {  	(tag) =	ssettag $0x0;
	lr =	simm.s32 $0x1  }
0x2: {  	[smem:$0x3F91] =	sst lr;
	_ =	strace $0xD0000000  }
0x3: {  	_ = 	snop  }
0x4: {  	_ = 	snop  }
0x5: {  	_ = 	snop  }
0x6: {  	_ = 	snop  }
0x7: {  	_ = 	snop  }
__scs_overlays_trampoline_lowered:
0x8: {  	[smem:$0x3FA0] =	sst s0  }
0x9: {  	[smem:$0x3FA1] =	sst s1  }
0xa: {  	[smem:$0x3FA2] =	sst s2  }
0xb: {  	[smem:$0x3FA3] =	sst s3  }
0xc: {  	[smem:$0x3FA4] =	sst s4  }
0xd: {  	[smem:$0x3FA5] =	sst s5  }
0xe: {  	[smem:$0x3FA6] =	sst s6  }
0xf: {  	[smem:$0x3FA7] =	sst s7  }
0x10: {  	[smem:$0x3FA8] =	sst s8  }
0x11: {  	[smem:$0x3FA9] =	sst s9;
	s0 =	simm.s32 @!p0 $0x0  }
0x12: {  	s1 =	sld [smem:$0x3F8F];
	s0 =	simm.s32 @p0 $0x1  }
0x13: {  	[smem:$0x3FAA] =	sst s0;
	s0 =	simm.s32 @!p1 $0x0  }
0x14: {  	s2 =	sld [smem:$0x3F8E];
	s0 =	simm.s32 @p1 $0x1  }
0x15: {  	[smem:$0x3FAB] =	sst s0;
	s0 =	simm.s32 @!p2 $0x0  }
0x16: {  	s3 =	sld [smem:$0x3FDB];
	s0 =	simm.s32 @p2 $0x1  }
0x17: {  	s4 =	simm.s32 $0x1BF5;
	[smem:$0x3FAD] =	sst s0  }
0x18: {  	s0 =	sld [smem:$0x3F90];
	_ =	swait.ge [sflag:s4], $0x0  }
0x19: {  	s7 =	sld [smem:$0x3F91]  }
0x1a: {  	s8 =	sadd.s32 $0xFFFFE003, lr  }
0x1b: {  	s9 =	sadd.s32 $0xFFFFFEF7, lr;
	s5 =	simm.s32 $0xFFFFFFFF;
	p2 =	slt.u32 s8, $0xFFFFF086  }
0x1c: {  	p1 =	slt.u32 s9, $0xF7A;
	s5 =	simm.s32 @!p2 $0x0  }
0x1d: {  	s5 =	simm.s32 @p1 $0x1;
	p0 =	seq.s32 s7, s2  }
0x1e: {  	s7 =	smul.u32 @!p0 $0xF7A, s2;
	p2 =	seq.s32 @!p0 s5, $0x0  }
0x1f: {  	s9 =	smul.u32 $0xF7A, s1;
	s8 =	simm.s32 @!p0 $0x1BF5;
	p2 =	por !p2, p0  }
0x20: {  	[sflag:s8] =	ssyncset.s32 @!p0 $0xFFFFF086;
	s6 =	sadd.s32 @!p0 s3, s7;
	s7 =	simm.s32 @!p0 $0x108  }
0x21: {  	s3 =	sadd.s32 s3, s9;
	s6 =	sadd.s32 @!p0 $0x88, s6;
	s7 =	simm.s32 @p2 $0x1082  }
0x22: {  	[simem:s7], [sflag:s8] =	dma.local @!p0 [hbm:s6], $0xF7A  }
0x23: {  	s9 =	sor.u32 $0xD0000000, s2;
	s6 =	simm.s32 $0x108;
	_ =	swait.ge @!p0 [sflag:s8], $0x0  }
0x24: {  	s3 =	sadd.s32 $0x88, s3;
	s6 =	simm.s32 @!p1 $0x1082;
	[sflag:s4] =	ssyncset.s32 $0xFFFFF086  }
0x25: {  	[simem:s6], [sflag:s4] =	dma.local [hbm:s3], $0xF7A  }
0x26: {  	[smem:$0x3F91] =	sst s1;
	(tag) =	ssettag s2;
	_ =	strace s9  }
0x27: {  	s1 =	sld [smem:$0x3FA1]  }
0x28: {  	s2 =	sld [smem:$0x3FA2]  }
0x29: {  	s4 =	sld [smem:$0x3FA4]  }
0x2a: {  	p0 =	seq.s32 s5, $0x0;
	s5 =	sld [smem:$0x3FA5]  }
0x2b: {  	s6 =	sld [smem:$0x3FA6]  }
0x2c: {  	s7 =	sld [smem:$0x3FA7]  }
0x2d: {  	s3 =	simm.s32 $0x108;
	s8 =	sld [smem:$0x3FA8]  }
0x2e: {  	s3 =	simm.s32 @!p0 $0x1082;
	s9 =	sld [smem:$0x3FA9]  }
0x2f: {  	lr =	sadd.s32 s0, s3;
	s0 =	sld [smem:$0x3FA0]  }
0x30: {  	s3 =	sld [smem:$0x3FA3]  }
0x31: {  	[smem:$0x3FAC] =	sst s10  }
0x32: {  	s10 =	sld [smem:$0x3FAA];
	_ =	sdelay $0x3  }
0x33: {  	p0 =	seq.s32 s10, $0x1;
	s10 =	sld [smem:$0x3FAC];
	_ =	sdelay $0x3  }
0x34: {  	[smem:$0x3FAC] =	sst s10  }
0x35: {  	s10 =	sld [smem:$0x3FAB];
	_ =	sdelay $0x3  }
0x36: {  	p1 =	seq.s32 s10, $0x1;
	s10 =	sld [smem:$0x3FAC];
	_ =	sdelay $0x3  }
0x37: {  	[smem:$0x3FAC] =	sst s10  }
0x38: {  	s10 =	sld [smem:$0x3FAD]  }
0x39: {  	_ = 	snop;
	(pc) =	sbr.ind lr, $3  }
0x3a: {  	_ = 	snop  }
0x3b: {  	_ = 	snop  }
0x3c: {  	p2 =	seq.s32 s10, $0x1;
	s10 =	sld [smem:$0x3FAC]  }
0x3d: {  	_ =	shalt  }
0x3e: {  	_ =	shalt  }
0x3f: {  	_ =	shalt  }
0x40: {  	_ =	shalt  }
0x41: {  	_ =	shalt  }
0x42: {  	_ =	shalt  }
0x43: {  	_ =	shalt  }
0x44: {  	_ =	shalt  }
0x45: {  	_ =	shalt  }
0x46: {  	_ =	shalt  }
0x47: {  	_ =	shalt  }
0x48: {  	_ =	shalt  }
0x49: {  	_ =	shalt  }
0x4a: {  	_ =	shalt  }
0x4b: {  	_ =	shalt  }
0x4c: {  	_ =	shalt  }
0x4d: {  	_ =	shalt  }
0x4e: {  	_ =	shalt  }
0x4f: {  	_ =	shalt  }
0x50: {  	_ =	shalt  }
0x51: {  	_ =	shalt  }
0x52: {  	_ =	shalt  }
0x53: {  	_ =	shalt  }
0x54: {  	_ =	shalt  }
0x55: {  	_ =	shalt  }
0x56: {  	_ =	shalt  }
0x57: {  	_ =	shalt  }
0x58: {  	_ =	shalt  }
0x59: {  	_ =	shalt  }
0x5a: {  	_ =	shalt  }
0x5b: {  	_ =	shalt  }
0x5c: {  	_ =	shalt  }
0x5d: {  	_ =	shalt  }
0x5e: {  	_ =	shalt  }
0x5f: {  	_ =	shalt  }
0x60: {  	_ =	shalt  }
0x61: {  	_ =	shalt  }
0x62: {  	_ =	shalt  }
0x63: {  	_ =	shalt  }
0x64: {  	_ =	shalt  }
0x65: {  	_ =	shalt  }
0x66: {  	_ =	shalt  }
0x67: {  	_ =	shalt  }
0x68: {  	_ =	shalt  }
0x69: {  	_ =	shalt  }
0x6a: {  	_ =	shalt  }
0x6b: {  	_ =	shalt  }
0x6c: {  	_ =	shalt  }
0x6d: {  	_ =	shalt  }
0x6e: {  	_ =	shalt  }
0x6f: {  	_ =	shalt  }
0x70: {  	_ =	shalt  }
0x71: {  	_ =	shalt  }
0x72: {  	_ =	shalt  }
0x73: {  	_ =	shalt  }
0x74: {  	_ =	shalt  }
0x75: {  	_ =	shalt  }
0x76: {  	_ =	shalt  }
0x77: {  	_ =	shalt  }
0x78: {  	_ =	shalt  }
0x79: {  	_ =	shalt  }
0x7a: {  	_ =	shalt  }
0x7b: {  	_ =	shalt  }
0x7c: {  	_ =	shalt  }
0x7d: {  	_ =	shalt  }
0x7e: {  	_ =	shalt  }
0x7f: {  	_ =	shalt  }
0x80: {  	_ =	shalt  }
0x81: {  	_ =	shalt  }
0x82: {  	_ =	shalt  }
0x83: {  	_ =	shalt  }
0x84: {  	_ =	shalt  }
0x85: {  	_ =	shalt  }
0x86: {  	_ =	shalt  }
0x87: {  	_ =	shalt  }
.Lfunc_end0:
.L_simem_size_0:
called_computation_lowered:
.L_overlay_start_0:
0x88: {  	s2 =	sld [smem:$0x3FD9]  }
0x89: {  	s3 =	sld [smem:$0x3FFE];
	_ =	sdelay $0x1  }
0x8a: {  	s1 =	srdreg.scid  }
0x8b: {  	s0 =	sand.u32 $0x1, s1  }
0x8c: {  	s14 =	sshll.u32 s0, $0xA;
	s2 =	sadd.s32 s3, s2  }
0x8d: {  	s2 =	sadd.s32 s2, s14  }
0x8e: {  	[smem:$0x3FB8] =	sst s2  }
0x8f: {  	_ = 	snop  }
0x90: {  	s2 =	sld [smem:$0x3FD0];
	_ =	sdelay $0x2  }
0x91: {  	s4 =	simm.s32 $0xA;
	s5 =	simm.s32 $0x10;
	s15 =	sld [smem:$0x3FC9]  }
0x92: {  	[smem:s5], [sflag:s4] =	dma.local [hbm:s2], $0x1  }
0x93: {  	_ =	swait.eq [sflag:s4], $0x1  }
0x94: {  	[sflag:s4] =	ssyncset.done $0x0  }
0x95: {  	s16 =	sld [smem:$0x10];
	[sflag:s4] =	ssyncadd.s32 $0xFFFFFFFF  }
0x96: {  	s17 =	sld [smem:$0x11];
	(tm) =	ssettm $0x1  }
0x97: {  	s18 =	sld [smem:$0x3FFB];
	_ =	sdelay $0x3  }
0x98: {  	_ =	strace s18  }
0x99: {  	s5 =	sld [smem:$0x3FFC];
	_ =	sdelay $0x3  }
0x9a: {  	_ =	strace s5  }
0x9b: {  	s5 =	sld [smem:$0x3FFD];
	_ =	sdelay $0x3  }
0x9c: {  	_ =	strace s5  }
0x9d: {  	_ =	strace $0x8FFFFFFF  }
0x9e: {  	s19 =	sld [smem:$0x3FDB];
	_ =	sdelay $0x1  }
0x9f: {  	s6 =	simm.s32 $_scs_section_size  }
0xa0: {  	s7 =	simm.s32 $_size__tile_overlayer_lowered;
	s8 =	simm.s32 $_tile_overlayer_lowered  }
0xa1: {  	s22 =	simm.s32 $0x1BFF;
	s21 =	sshll.u32 s8, $0x1;
	s5 =	sadd.s32 s6, s19  }
0xa2: {  	s9 =	simm.s32 $0x0;
	s20 =	sshll.u32 s7, $0x1;
	s7 =	sadd.s32 s21, s5  }
0xa3: {  	[timem:s9], [sflag:s22] =	dma.local [hbm:s7], s20  }
0xa4: {  	_ =	swait.ge [sflag:s22], s20  }
0xa5: {  	s6 =	ssub.s32 $0x0, s20;
	[sflag:s22] =	ssyncset.done $0x0  }
0xa6: {  	[sflag:s22] =	ssyncadd.s32 s6;
	_ =	sdelay $0x1  }
0xa7: {  	s23 =	simm.s32 $0x1B8B  }
0xa8: {  	_ =	swait.ge [sflag:s23], $0x1  }
0xa9: {  	[sflag:s23] =	ssyncset.done $0x0  }
0xaa: {  	s25 =	simm.s32 $0x1B8E;
	s24 =	sld [smem:$0x3FFE];
	[sflag:s23] =	ssyncadd.s32 $0xFFFFFFFF  }
0xab: {  	s26 =	simm.s32 $execute0_lowered;
	[smem:$0x3FD2] =	sst s25  }
0xac: {  	s7 =	sshll.u32 s26, $0x1;
	_ =	strace $0x80000046;
	[dreg:$0x1] =	wrdreg $0xFFFFFFFF  }
0xad: {  	s28 =	simm.s32 $_size_execute0_lowered;
	s5 =	sadd.s32 s5, s7;
	[dreg:$0x0] =	wrdreg $0x0  }
0xae: {  	s7 =	sshll.u32 s28, $0x1;
	[dreg:$0x2] =	wrdreg s5  }
0xaf: {  	[dreg:$0x3] =	wrdreg s7  }
0xb0: {  	[dreg:$0x4] =	wrdreg $0xC0  }
0xb1: {  	_ =	task [dreg:s9], $0x5FFFF  }
0xb2: {  	[dreg:$0x1] =	wrdreg $0xFFFFFFFF  }
0xb3: {  	[dreg:$0x0] =	wrdreg $0x60  }
0xb4: {  	[dreg:$0x2] =	wrdreg s15  }
0xb5: {  	[dreg:$0x3] =	wrdreg s24  }
0xb6: {  	[dreg:$0x4] =	wrdreg s16  }
0xb7: {  	[dreg:$0x5] =	wrdreg s17  }
0xb8: {  	[dreg:$0x6] =	wrdreg $0x9  }
0xb9: {  	_ =	task.clear_ibuf [dreg:s9], $0x7FFFF;
	_ =	strace $0x90000046  }
0xba: {  	s29 =	simm.s32 $0x9;
	_ =	strace $0x80000048  }
0xbb: {  	_ =	swait.ge [sflag:s29], $0x1  }
0xbc: {  	[sflag:s29] =	ssyncadd.s32 $0xFFFFFFFF  }
0xbd: {  	_ =	strace $0x90000048  }
0xbe: {  	_ =	sfence  }
0xbf: {  	s30 =	sld [smem:$0x0];
	_ =	sdelay $0x2  }
0xc0: {  	s31 =	sshll.u32 s1, $0xD;
	s1 =	sshrl.u32 s1, $0x2  }
0xc1: {  	s3 =	sand.u32 $0x4000, s31;
	s1 =	sadd.s32 s1, s30  }
0xc2: {  	s0 =	sor.u32 s3, s0;
	s1 =	sshll.u32 s1, $0x11  }
0xc3: {  	s0 =	sor.u32 s1, s0  }
0xc4: {  	s0 =	sadd.s32 $0x8F2B, s0  }
0xc5: {  	[sflag:s0] =	ssyncadd.remote.s32 $0x1  }
0xc6: {  	_ =	sfence.sel $0xFFFF  }
0xc7: {  	[dreg:$0x0] =	wrdreg $0xFFFFFFFF;
	(pc) =	sbr.abs _section_cstart, $3  }
0xc8: {  	[dreg:$0x1] =	wrdreg $0xFFFFFFFF  }
0xc9: {  	_ =	task.clear_ibuf [dreg:s9], $0x2FFFF;
	_ =	strace $0x9FFFFFFF  }
0xca: {  	(tm) =	ssettm $0x7FFFFFFF  }
0xcb: {  	_ =	shalt  }
tec
execute0_lowered:
.L_overlay_start_1:
0x0: {  	(tag) =	ssettag $0x1  }
0x1: {  	s4 =	rddreg [dreg:$0x0]  }
0x2: {  	s0 =	rddreg [dreg:$0x1];
	s1 =	srdreg.scid  }
0x3: {  	_ =	strace $0x80000047;
	s5 =	stileid.u32;
	s2 =	sadd.s32 $0x3000, s0  }
0x4: {  	s20 =	simm.s32 $0x0;
	s3 =	sadd.s32 $0x2E00, s0;
	[dreg:$0x5] =	wrdreg s2  }
0x5: {  	s9 =	simm.s32 $0x2;
	s25 =	sadd.s32 $0x3200, s0;
	[dreg:$0x6] =	wrdreg s3  }
0x6: {  	s1 =	sand.u32 $0x1, s1;
	s0 =	sadd.s32 $0x3400, s0;
	[dreg:$0x7] =	wrdreg s25  }
0x7: {  	v2 =	vlaneseq.u32;
	s29 =	sadd.s32 $0x100, s4;
	s24 =	ssub.s32 $0x2, s1;
	[dreg:$0x8] =	wrdreg s0  }
0x8: {  	s30 =	sadd.s32 $0x200, s4;
	v0 =	vand.u32 $0x7, v2;
	v1 =	vshrl.u32 v2, $0x3;
	[dreg:$0x9] =	wrdreg s29;
	s26 =	sshrl.u32 s24, $0x1  }
0x9: {  	s31 =	sadd.s32 $0x300, s4;
	v63 =	vor.u32 $0x8, v2;
	[dreg:$0xa] =	wrdreg s30;
	[tilespmem:$0x1FFD0] =	vst v0;
	v62 =	vmul.u32 $0x8, v1;
	s28 =	ssub.s32 s24, s26  }
0xa: {  	s1 =	sor.u32 s5, s1;
	[dreg:$0xb] =	wrdreg s31;
	[tilespmem:$0x1FFF0] =	vst v63;
	s0 =	smax.u32 s28, $0x1  }
0xb: {  	vm0 =	vmmov $0xffff;
	s2 =	simm.s32 $0x0;
	p0 =	sne.s32 s1, $0x0;
	[tilespmem:$0x1FFE0] =	vst v62;
	[dreg:$0xc] =	wrdreg s0  }
.LBB2_1:
0xc: {  	[dreg:$0xd] =	wrdreg s2  }
0xd: {  	s0 =	rddreg [dreg:$0x5]  }
0xe: {  	[tilespmem:s20], [sflag:$0x2] =	stream.linear.gather [hbm4b:s0+s20], $0x80, $0x38;
	[tilespmem:$0x5100] =	vst v63  }
0xf: {  	_ =	swait.ge [sflag:s9], $0x80  }
0x10: {  	[sflag:s9] =	ssyncset.done $0x0  }
0x11: {  	[sflag:s9] =	ssyncadd.s32 $0xFFFFFF80  }
0x12: {  	v3 =	vld [tilespmem:$0x0];
	_ =	sdelay $0x2  }
0x13: {  	v0 =	vld [tilespmem:$0x1FFD0];
	_ =	sdelay $0x1  }
0x14: {  	v4 =	vshll.u32 v3, $0x3  }
0x15: {  	v3 =	vand.u32 $0x7, v3;
	v4 =	vand.u32 $0xFFFFFFC0, v4  }
0x16: {  	v3 =	vor.u32 v3, v4  }
0x17: {  	v4 =	vperm.xlane v3, v0;
	v0 =	vld [tilespmem:$0x1FFE0];
	_ =	sdelay $0x4  }
0x18: {  	v4 =	vadd.s32 v0, v4  }
0x19: {  	v1 =	vld [tilespmem:$0x1FFF0];
	_ =	sdelay $0x2  }
0x1a: {  	s1 =	simm.s32 $0x80;
	s12 =	rddreg [dreg:$0x0]  }
0x1b: {  	[tilespmem:s1], [sflag:$0x1] =	stream.indirect_vreg.gather [hbm4b:s12+s20], $0x80, v4, vm0, $0xb8;
	[tilespmem:$0x5100] =	vst v63  }
0x1c: {  	s14 =	simm.s32 $0x880;
	s13 =	rddreg [dreg:$0x9];
	v3 =	vperm.xlane v3, v1  }
0x1d: {  	[tilespmem:s14], [sflag:$0x1] =	stream.indirect_vreg.gather [hbm4b:s13+s20], $0x80, v4, vm0, $0xb8;
	[tilespmem:$0x5100] =	vst v63  }
0x1e: {  	s3 =	simm.s32 $0x1080;
	s15 =	rddreg [dreg:$0xa];
	v3 =	vadd.s32 v0, v3  }
0x1f: {  	[tilespmem:s3], [sflag:$0x1] =	stream.indirect_vreg.gather [hbm4b:s15+s20], $0x80, v4, vm0, $0xb8;
	[tilespmem:$0x5100] =	vst v63  }
0x20: {  	s4 =	simm.s32 $0x1880;
	s16 =	rddreg [dreg:$0xb]  }
0x21: {  	[tilespmem:s4], [sflag:$0x1] =	stream.indirect_vreg.gather [hbm4b:s16+s20], $0x80, v4, vm0, $0xb8;
	[tilespmem:$0x5100] =	vst v63  }
0x22: {  	s17 =	simm.s32 $0x2080  }
0x23: {  	[tilespmem:s17], [sflag:$0x1] =	stream.indirect_vreg.gather [hbm4b:s12+s20], $0x80, v3, vm0, $0xb8;
	[tilespmem:$0x5100] =	vst v63  }
0x24: {  	s18 =	simm.s32 $0x2880  }
0x25: {  	[tilespmem:s18], [sflag:$0x1] =	stream.indirect_vreg.gather [hbm4b:s13+s20], $0x80, v3, vm0, $0xb8;
	[tilespmem:$0x5100] =	vst v63  }
0x26: {  	s19 =	simm.s32 $0x3080  }
0x27: {  	[tilespmem:s19], [sflag:$0x1] =	stream.indirect_vreg.gather [hbm4b:s15+s20], $0x80, v3, vm0, $0xb8;
	[tilespmem:$0x5100] =	vst v63  }
0x28: {  	s21 =	simm.s32 $0x3880;
	s22 =	simm.s32 $0x1  }
0x29: {  	[tilespmem:s21], [sflag:$0x1] =	stream.indirect_vreg.gather [hbm4b:s16+s20], $0x80, v3, vm0, $0xb8;
	[tilespmem:$0x5100] =	vst v63  }
0x2a: {  	_ =	swait.ge [sflag:s22], $0x4000  }
0x2b: {  	[sflag:s22] =	ssyncset.done $0x0  }
0x2c: {  	[sflag:s22] =	ssyncadd.s32 $0xFFFFC000  }
0x2d: {  	s23 =	simm.s32 $0x4080;
	s0 =	rddreg [dreg:$0x2]  }
0x2e: {  	[tilespmem:s23], [sflag:$0x2] =	stream.linear.gather [hbm4b:s0+s20], $0x800, $0x38;
	[tilespmem:$0x5100] =	vst v63  }
0x2f: {  	_ =	swait.ge [sflag:s9], $0x800  }
0x30: {  	[sflag:s9] =	ssyncset.done $0x0  }
0x31: {  	s25 =	simm.s32 $0x4880;
	s24 =	rddreg [dreg:$0x6];
	[sflag:s9] =	ssyncadd.s32 $0xFFFFF800  }
0x32: {  	[tilespmem:s25], [sflag:$0x2] =	stream.linear.gather [hbm4b:s24+s20], $0x800, $0x38;
	[tilespmem:$0x5100] =	vst v63  }
0x33: {  	s26 =	simm.s32 $0x0;
	_ =	swait.ge [sflag:s9], $0x800  }
0x34: {  	s28 =	sand.u32 $0x70, s20;
	s0 =	sand.u32 $0x3FFFFC00, s26;
	[sflag:s9] =	ssyncset.done $0x0  }
0x35: {  	s30 =	sor.u32 s28, s0;
	[sflag:s9] =	ssyncadd.s32 $0xFFFFF800  }
0x36: {  	v18 =	vld [tilespmem:s30+$0x2180]  }
0x37: {  	v5 =	vld [tilespmem:s30+$0x2100]  }
0x38: {  	v28 =	vld [tilespmem:s30+$0x200]  }
0x39: {  	v6 =	vld [tilespmem:s30+$0x2080]  }
0x3a: {  	v63 =	vld [tilespmem:s30+$0x380]  }
0x3b: {  	s31 =	simm.s32 $0x0;
	v9 =	vld [tilespmem:s30+$0x400]  }
0x3c: {  	s0 =	sand.u32 $0xFFFFFF00, s31;
	v10 =	vld [tilespmem:s30+$0x80]  }
0x3d: {  	s0 =	sor.u32 s28, s0;
	v12 =	vld [tilespmem:s30+$0x180]  }
0x3e: {  	v15 =	vld [tilespmem:s0+$0x4100]  }
0x3f: {  	v36 =	vld [tilespmem:s30+$0x100];
	v4 =	vmul.f32 v18, v5;
	v7 =	vmul.f32 v5, v6  }
0x40: {  	v33 =	vimm.f32 $0.0e+00;
	v1 =	vld [tilespmem:s0+$0x4080];
	v16 =	vmul.f32 v18, v6;
	v17 =	vmul.f32 v6, v63  }
0x41: {  	v43 =	vimm.f32 $0.0e+00;
	v23 =	vld [tilespmem:s30+$0x300];
	v62 =	vmul.f32 v5, v63;
	v21 =	vmul.f32 v9, v63  }
0x42: {  	v8 =	vimm.f32 $0.0e+00;
	v31 =	vld [tilespmem:s30+$0x280];
	v14 =	vmul.f32 v6, v9;
	v11 =	vmul.f32 v28, v10  }
0x43: {  	v3 =	vimm.f32 $0.0e+00;
	v35 =	vld [tilespmem:s30+$0x2200];
	v20 =	vmul.f32 v5, v9;
	v25 =	vmul.f32 v12, v10  }
0x44: {  	v26 =	vmul.f32 v28, v12;
	v27 =	vsub.f32 v63, v15;
	v13 =	vmul.f32 v18, v9  }
0x45: {  	v29 =	vmul.f32 v36, v10;
	v30 =	vsub.f32 v10, v1;
	v32 =	vsub.f32 v36, v1  }
0x46: {  	v48 =	vsub.f32 v18, v15;
	v37 =	vmul.f32 v23, v36;
	v2 =	vsub.f32 v6, v15  }
0x47: {  	v38 =	vsub.f32 v31, v1;
	v40 =	vsub.f32 v28, v1;
	v34 =	vmul.f32 v31, v12  }
0x48: {  	v46 =	vmul.f32 v31, v10;
	v54 =	vsub.f32 v35, v15;
	v4 =	vadd.f32 v4, v3  }
0x49: {  	v10 =	vmul.f32 v23, v10;
	v61 =	vadd.f32 v7, v3;
	v42 =	vadd.f32 v11, v3  }
0x4a: {  	v6 =	vmul.f32 v35, v6;
	v7 =	vsub.f32 v5, v15;
	v0 =	vadd.f32 v17, v3  }
0x4b: {  	v17 =	vmul.f32 v12, v36;
	v30 =	vmul.f32 v30, v30;
	v45 =	vadd.f32 v29, v3  }
0x4c: {  	v51 =	vmul.f32 v2, v2;
	v2 =	vsub.f32 v12, v1;
	v50 =	vmul.f32 v27, v27  }
0x4d: {  	v12 =	vmul.f32 v23, v12;
	v41 =	vadd.f32 v10, v3;
	v10 =	vmul.f32 v23, v31  }
0x4e: {  	v47 =	vld [tilespmem:s0+$0x4880];
	v44 =	vadd.f32 v25, v3;
	v58 =	vmul.f32 v40, v40;
	v5 =	vmul.f32 v35, v5  }
0x4f: {  	v6 =	vadd.f32 v6, v3;
	v40 =	vimm.f32 $0.0e+00;
	v27 =	vimm.f32 $0.0e+00  }
0x50: {  	[tilespmem:$0x1FFA0] =	vst v0;
	v49 =	vmul.f32 v7, v7;
	v0 =	vadd.f32 v16, v3;
	v39 =	vadd.f32 v17, v3  }
0x51: {  	v16 =	vmul.f32 v32, v32;
	v17 =	vsub.f32 v23, v1;
	v22 =	vadd.f32 v10, v3  }
0x52: {  	v59 =	vmul.f32 v2, v2;
	v5 =	vadd.f32 v5, v3;
	v32 =	vimm.f32 $0.0e+00  }
0x53: {  	v10 =	vimm.f32 $0.0e+00;
	[tilespmem:$0x1FFB0] =	vst v0;
	v0 =	vadd.f32 v26, v3;
	v26 =	vmul.f32 v30, v47  }
0x54: {  	v30 =	vsub.f32 v9, v15;
	v9 =	vmul.f32 v35, v9;
	v16 =	vmul.f32 v16, v47  }
0x55: {  	v56 =	vmul.f32 v17, v17;
	v15 =	vimm.f32 $0.0e+00;
	v17 =	vimm.f32 $0.0e+00  }
0x56: {  	[tilespmem:$0x1FFC0] =	vst v0;
	v0 =	vadd.f32 v26, v3;
	v26 =	vadd.f32 v12, v3;
	v12 =	vmul.f32 v23, v28  }
0x57: {  	v23 =	vmul.f32 v38, v38;
	v7 =	vadd.f32 v9, v3;
	v9 =	vmul.f32 v35, v18  }
0x58: {  	v53 =	vmul.f32 v30, v30;
	v29 =	vadd.f32 v12, v3;
	v12 =	vmul.f32 v35, v63  }
0x59: {  	v38 =	vimm.f32 $0.0e+00;
	v57 =	vadd.f32 v0, v16;
	v55 =	vmul.f32 v23, v47  }
0x5a: {  	s29 =	simm.s32 $0x10;
	s1 =	simm.s32 $0x1;
	v52 =	vld [tilespmem:s0+$0x4900];
	v35 =	vimm.f32 $0.0e+00;
	v16 =	vimm.f32 $0.0e+00;
	v12 =	vadd.f32 v12, v3  }
.LBB2_2:
0x5b: {  	s0 =	sshll.u32 s1, $0x7;
	s3 =	smov.u32 s1  }
0x5c: {  	v58 =	vmul.f32 v58, v47;
	s3 =	sand.u32 $0x70, s29;
	s0 =	sand.u32 $0x3FFFFC00, s0  }
0x5d: {  	v60 =	vmul.f32 v31, v36;
	v3 =	vadd.f32 v9, v3;
	v9 =	vmul.f32 v59, v47;
	s0 =	sor.u32 s3, s0  }
0x5e: {  	v33 =	vadd.f32 v37, v33;
	v37 =	vmul.f32 v56, v47;
	v35 =	vadd.f32 v34, v35;
	v47 =	vld [tilespmem:s0+$0x2180]  }
0x5f: {  	v36 =	vmul.f32 v28, v36;
	v38 =	vadd.f32 v60, v38;
	v60 =	vadd.f32 v57, v9;
	v9 =	vld [tilespmem:s0+$0x2100]  }
0x60: {  	v31 =	vmul.f32 v31, v28;
	v43 =	vadd.f32 v46, v43;
	v8 =	vadd.f32 v13, v8;
	v28 =	vld [tilespmem:s0+$0x200]  }
0x61: {  	s2 =	sshll.u32 s1, $0x5;
	v27 =	vadd.f32 v21, v27;
	v15 =	vadd.f32 v14, v15;
	v19 =	vld [tilespmem:s0+$0x380]  }
0x62: {  	v10 =	vadd.f32 v20, v10;
	v25 =	vadd.f32 v62, v17;
	s2 =	sand.u32 $0xFFFFFF00, s2;
	v48 =	vmul.f32 v48, v48;
	v57 =	vld [tilespmem:s0+$0x80]  }
0x63: {  	s31 =	sor.u32 s3, s2;
	v40 =	vadd.f32 v36, v40;
	v32 =	vadd.f32 v31, v32;
	v31 =	vmul.f32 v18, v63;
	v36 =	vld [tilespmem:s0+$0x100]  }
0x64: {  	v51 =	vmul.f32 v51, v52;
	v13 =	vmul.f32 v53, v52;
	v53 =	vld [tilespmem:s31+$0x4100];
	v34 =	vadd.f32 v60, v58  }
0x65: {  	v30 =	vmovc v26;
	v26 =	vmov v22;
	v49 =	vmul.f32 v49, v52;
	v60 =	vmul.f32 v54, v54;
	v54 =	vld [tilespmem:s0+$0x2080]  }
0x66: {  	v1 =	vld [tilespmem:$0x1FFA0];
	v22 =	vmovc v15;
	v56 =	vmul.f32 v48, v52;
	v11 =	vmul.f32 v50, v52;
	v34 =	vadd.f32 v34, v55  }
0x67: {  	v23 =	vadd.f32 v31, v16;
	v15 =	vmovc v8;
	v58 =	vld [tilespmem:s0+$0x180];
	v46 =	vmul.f32 v60, v52;
	v8 =	vmul.f32 v9, v19  }
0x68: {  	v55 =	vld [tilespmem:s0+$0x400];
	v18 =	vmovc v47;
	v48 =	vmul.f32 v28, v57;
	v0 =	vmul.f32 v36, v57;
	v24 =	vadd.f32 v34, v37  }
0x69: {  	v59 =	vld [tilespmem:s0+$0x300];
	v14 =	vmul.f32 v18, v9;
	v62 =	vsub.f32 v19, v53;
	v63 =	vsub.f32 v9, v53  }
0x6a: {  	v52 =	vld [tilespmem:s31+$0x4080];
	v31 =	vmul.f32 v9, v54;
	v34 =	vmul.f32 v18, v54;
	v42 =	vadd.f32 v48, v42  }
0x6b: {  	v17 =	vmovc v12;
	v37 =	vmul.f32 v54, v19;
	v48 =	vsub.f32 v18, v53;
	v45 =	vadd.f32 v0, v45  }
0x6c: {  	v12 =	vmovc v7;
	v50 =	vmul.f32 v28, v58;
	v11 =	vadd.f32 v24, v11;
	v4 =	vadd.f32 v14, v4;
	v14 =	vld [tilespmem:$0x1FFB0]  }
0x6d: {  	v16 =	vmovc v10;
	v21 =	vmul.f32 v55, v19;
	v10 =	vmul.f32 v54, v55;
	v24 =	vadd.f32 v31, v61  }
0x6e: {  	v20 =	vmovc v3;
	v47 =	vld [tilespmem:s31+$0x4880];
	v61 =	vmul.f32 v58, v57;
	v3 =	vmul.f32 v18, v55;
	v1 =	vadd.f32 v37, v1  }
0x6f: {  	v7 =	vmovc v6;
	v31 =	vld [tilespmem:s0+$0x280];
	v2 =	vsub.f32 v57, v52;
	v37 =	vmul.f32 v59, v36;
	v11 =	vadd.f32 v11, v13  }
0x70: {  	v0 =	vsub.f32 v58, v52;
	v13 =	vsub.f32 v54, v53;
	[tilespmem:$0x1FFA0] =	vst v1;
	v1 =	vmul.f32 v58, v36  }
0x71: {  	v6 =	vmovc v5;
	v2 =	vmul.f32 v2, v2;
	v51 =	vadd.f32 v11, v51;
	v14 =	vadd.f32 v34, v14  }
0x72: {  	v5 =	vmovc v4;
	v4 =	vmul.f32 v9, v55;
	v44 =	vadd.f32 v61, v44;
	v11 =	vsub.f32 v36, v52  }
0x73: {  	v2 =	vmul.f32 v2, v47;
	v39 =	vadd.f32 v1, v39;
	v51 =	vadd.f32 v51, v49;
	[tilespmem:$0x1FFB0] =	vst v14;
	v14 =	vld [tilespmem:$0x1FFC0]  }
0x74: {  	v49 =	vmul.f32 v63, v63;
	v11 =	vmul.f32 v11, v11;
	v63 =	vsub.f32 v31, v52  }
0x75: {  	v34 =	vmul.f32 v31, v58;
	v58 =	vmul.f32 v59, v58;
	v56 =	vadd.f32 v51, v56  }
0x76: {  	v51 =	vmul.f32 v13, v13;
	v13 =	vsub.f32 v28, v52;
	v11 =	vmul.f32 v11, v47  }
0x77: {  	v60 =	vld [tilespmem:s0+$0x2200];
	v1 =	vadd.f32 v56, v46;
	v46 =	vmul.f32 v31, v57;
	v56 =	vmul.f32 v59, v57  }
0x78: {  	v61 =	vmovc v24;
	v57 =	vsub.f32 v59, v52;
	v14 =	vadd.f32 v50, v14;
	v50 =	vmul.f32 v62, v62  }
0x79: {  	v62 =	vmovc v8;
	v8 =	vmovc v15;
	v15 =	vmov v22;
	v1 =	vadd.f32 v2, v1;
	v41 =	vadd.f32 v56, v41  }
0x7a: {  	v22 =	vmovc v26;
	v2 =	vmul.f32 v59, v31;
	v26 =	vadd.f32 v58, v30;
	v58 =	vmul.f32 v59, v28  }
0x7b: {  	v59 =	vmul.f32 v63, v63;
	v56 =	vmul.f32 v57, v57;
	[tilespmem:$0x1FFC0] =	vst v14;
	v14 =	vsub.f32 v55, v53  }
0x7c: {  	v63 =	vmovc v19;
	v55 =	vmul.f32 v60, v55;
	v22 =	vadd.f32 v2, v22;
	v57 =	vadd.f32 v1, v11  }
0x7d: {  	p1 =	sne.s32 s1, $0x3F;
	v29 =	vadd.f32 v58, v29;
	v1 =	vmul.f32 v60, v19;
	v58 =	vmul.f32 v13, v13;
	v13 =	vmovc v3  }
.Ltmp0:
0x7e: {  	v3 =	vmovc v20;
	v20 =	vmovc v4;
	v4 =	vmov v5;
	v5 =	vmov v6;
	v6 =	vmov v7;
	(pc) =	sbr.rel @p1 .LBB2_2-.Ltmp0, $4  }
0x7f: {  	v7 =	vmovc v12;
	v2 =	vmul.f32 v60, v54;
	v54 =	vsub.f32 v60, v53;
	v11 =	vmul.f32 v60, v9  }
0x80: {  	v12 =	vmovc v17;
	v9 =	vmul.f32 v60, v18;
	v7 =	vadd.f32 v55, v7;
	v55 =	vmul.f32 v59, v47  }
0x81: {  	s30 =	sadd.s32 $0x1, s1;
	v17 =	vmovc v25;
	v12 =	vadd.f32 v1, v12;
	v6 =	vadd.f32 v2, v6;
	v59 =	vmul.f32 v0, v0  }
0x82: {  	s29 =	sadd.s32 $0x10, s29;
	s1 =	smov.u32 s30;
	v52 =	vld [tilespmem:s31+$0x4900];
	v53 =	vmul.f32 v14, v14;
	v5 =	vadd.f32 v11, v5;
	v14 =	vmovc v10;
	v10 =	vmovc v16;
	v16 =	vmov v23  }
0x83: {  	v0 =	vmul.f32 v59, v47;
	_ =	sdelay $0x1  }
0x84: {  	v1 =	vmul.f32 v58, v47;
	v0 =	vadd.f32 v57, v0;
	_ =	sdelay $0x1  }
0x85: {  	v0 =	vadd.f32 v0, v1;
	_ =	sdelay $0x1  }
0x86: {  	v60 =	vmul.f32 v56, v47;
	v0 =	vadd.f32 v0, v55;
	_ =	sdelay $0x1  }
0x87: {  	v2 =	vmul.f32 v50, v52;
	v0 =	vadd.f32 v0, v60;
	_ =	sdelay $0x1  }
0x88: {  	v11 =	vmul.f32 v53, v52;
	v0 =	vadd.f32 v0, v2;
	_ =	sdelay $0x1  }
0x89: {  	v19 =	vmul.f32 v51, v52;
	v0 =	vadd.f32 v0, v11;
	_ =	sdelay $0x1  }
0x8a: {  	v23 =	vmul.f32 v49, v52;
	v11 =	vmul.f32 v48, v48;
	v0 =	vadd.f32 v0, v19;
	_ =	sdelay $0x1  }
0x8b: {  	v25 =	vmul.f32 v54, v54;
	v24 =	vmul.f32 v11, v52;
	v0 =	vadd.f32 v0, v23;
	_ =	sdelay $0x1  }
0x8c: {  	v30 =	vmul.f32 v25, v52;
	v0 =	vadd.f32 v0, v24;
	_ =	sdelay $0x1  }
0x8d: {  	v0 =	vadd.f32 v0, v30;
	_ =	sdelay $0x1  }
0x8e: {  	(v2sf) =	vpush v0, $0x0  }
0x8f: {  	(v2sf) =	vpush v0, $0x1  }
0x90: {  	(v2sf) =	vpush v0, $0x2;
	_ =	sdelay $0xc  }
0x91: {  	s0 =	spop (v2sf)  }
0x92: {  	s1 =	spop (v2sf);
	(v2sf) =	vpush v0, $0x3  }
0x93: {  	s2 =	spop (v2sf);
	(v2sf) =	vpush v0, $0x4  }
0x94: {  	(v2sf) =	vpush v0, $0x5  }
0x95: {  	(v2sf) =	vpush v0, $0x6  }
0x96: {  	(v2sf) =	vpush v0, $0x7  }
0x97: {  	(v2sf) =	vpush v0, $0x8  }
0x98: {  	(v2sf) =	vpush v0, $0x9  }
0x99: {  	(v2sf) =	vpush v0, $0xA  }
0x9a: {  	(v2sf) =	vpush v0, $0xB  }
0x9b: {  	(v2sf) =	vpush v0, $0xC  }
0x9c: {  	(v2sf) =	vpush v0, $0xD  }
0x9d: {  	(v2sf) =	vpush v0, $0xE  }
0x9e: {  	(v2sf) =	vpush v0, $0xF  }
0x9f: {  	(v2sf) =	vpush v45, $0x0  }
0xa0: {  	(v2sf) =	vpush v45, $0x1  }
0xa1: {  	s3 =	spop (v2sf);
	(v2sf) =	vpush v45, $0x2  }
0xa2: {  	s4 =	spop (v2sf)  }
0xa3: {  	s0 =	sadd.f32 s1, s0;
	(v2sf) =	vpush v45, $0x3  }
0xa4: {  	s5 =	spop (v2sf);
	(v2sf) =	vpush v45, $0x4  }
0xa5: {  	s0 =	sadd.f32 s0, s2;
	s6 =	spop (v2sf);
	(v2sf) =	vpush v45, $0x5  }
0xa6: {  	s7 =	spop (v2sf);
	(v2sf) =	vpush v45, $0x6  }
0xa7: {  	s0 =	sadd.f32 s0, s3;
	s8 =	spop (v2sf);
	(v2sf) =	vpush v45, $0x7  }
0xa8: {  	s9 =	spop (v2sf);
	(v2sf) =	vpush v45, $0x8  }
0xa9: {  	s0 =	sadd.f32 s0, s4;
	s10 =	spop (v2sf);
	(v2sf) =	vpush v45, $0x9  }
0xaa: {  	s11 =	spop (v2sf);
	(v2sf) =	vpush v45, $0xA  }
0xab: {  	s0 =	sadd.f32 s0, s5;
	s12 =	spop (v2sf);
	(v2sf) =	vpush v45, $0xB  }
0xac: {  	s15 =	spop (v2sf);
	(v2sf) =	vpush v45, $0xC  }
0xad: {  	s0 =	sadd.f32 s0, s6;
	s16 =	spop (v2sf);
	(v2sf) =	vpush v45, $0xD  }
0xae: {  	s31 =	spop (v2sf);
	(v2sf) =	vpush v45, $0xE  }
0xaf: {  	s0 =	sadd.f32 s0, s7;
	s2 =	spop (v2sf);
	(v2sf) =	vpush v45, $0xF  }
0xb0: {  	s3 =	spop (v2sf);
	(v2sf) =	vpush v44, $0x0  }
0xb1: {  	s0 =	sadd.f32 s0, s8;
	s17 =	spop (v2sf);
	(v2sf) =	vpush v44, $0x1  }
0xb2: {  	s13 =	spop (v2sf)  }
0xb3: {  	s0 =	sadd.f32 s0, s9;
	(v2sf) =	vpush v44, $0x2;
	s18 =	spop (v2sf)  }
0xb4: {  	[dreg:$0xe] =	wrdreg s31;
	(v2sf) =	vpush v44, $0x3;
	s14 =	spop (v2sf)  }
0xb5: {  	s0 =	sadd.f32 s0, s10;
	(v2sf) =	vpush v44, $0x4;
	s19 =	spop (v2sf)  }
0xb6: {  	s2 =	sadd.f32 s3, s2;
	(v2sf) =	vpush v44, $0x5;
	s24 =	spop (v2sf)  }
0xb7: {  	s10 =	sadd.f32 s0, s11;
	(v2sf) =	vpush v44, $0x6;
	s20 =	spop (v2sf)  }
0xb8: {  	s22 =	sadd.f32 s2, s17;
	(v2sf) =	vpush v44, $0x7;
	s8 =	spop (v2sf)  }
0xb9: {  	s10 =	sadd.f32 s10, s12;
	(v2sf) =	vpush v44, $0x8;
	s21 =	spop (v2sf)  }
0xba: {  	s5 =	sadd.f32 s22, s13;
	(v2sf) =	vpush v44, $0x9;
	s4 =	spop (v2sf)  }
0xbb: {  	s10 =	sadd.f32 s10, s15;
	(v2sf) =	vpush v44, $0xA;
	s1 =	spop (v2sf)  }
0xbc: {  	s5 =	sadd.f32 s5, s18;
	(v2sf) =	vpush v44, $0xB;
	s3 =	spop (v2sf)  }
0xbd: {  	s10 =	sadd.f32 s10, s16;
	(v2sf) =	vpush v44, $0xC;
	s23 =	spop (v2sf)  }
0xbe: {  	s5 =	sadd.f32 s5, s14;
	(v2sf) =	vpush v44, $0xD;
	s0 =	spop (v2sf)  }
0xbf: {  	[dreg:$0xf] =	wrdreg s10;
	(v2sf) =	vpush v44, $0xE;
	s25 =	spop (v2sf)  }
0xc0: {  	s5 =	sadd.f32 s5, s19;
	(v2sf) =	vpush v44, $0xF;
	s26 =	spop (v2sf)  }
0xc1: {  	(v2sf) =	vpush v42, $0x0;
	s9 =	sadd.f32 s26, s25  }
0xc2: {  	s5 =	sadd.f32 s5, s24;
	s28 =	spop (v2sf);
	(v2sf) =	vpush v42, $0x1  }
0xc3: {  	s29 =	spop (v2sf);
	(v2sf) =	vpush v42, $0x2;
	s9 =	sadd.f32 s9, s28  }
0xc4: {  	s5 =	sadd.f32 s5, s20;
	s30 =	spop (v2sf);
	(v2sf) =	vpush v42, $0x3  }
0xc5: {  	s31 =	spop (v2sf);
	(v2sf) =	vpush v42, $0x4;
	s9 =	sadd.f32 s9, s29  }
0xc6: {  	s5 =	sadd.f32 s5, s8;
	s13 =	spop (v2sf);
	(v2sf) =	vpush v42, $0x5  }
0xc7: {  	s14 =	spop (v2sf);
	(v2sf) =	vpush v42, $0x6;
	s6 =	sadd.f32 s9, s30  }
0xc8: {  	s5 =	sadd.f32 s5, s21;
	s17 =	spop (v2sf);
	(v2sf) =	vpush v42, $0x7  }
0xc9: {  	s22 =	spop (v2sf);
	(v2sf) =	vpush v42, $0x8;
	s6 =	sadd.f32 s6, s31  }
0xca: {  	s4 =	sadd.f32 s5, s4;
	s24 =	spop (v2sf);
	(v2sf) =	vpush v42, $0x9  }
0xcb: {  	s25 =	spop (v2sf);
	(v2sf) =	vpush v42, $0xA;
	s6 =	sadd.f32 s6, s13  }
0xcc: {  	s1 =	sadd.f32 s4, s1;
	s8 =	spop (v2sf);
	(v2sf) =	vpush v42, $0xB  }
0xcd: {  	s18 =	spop (v2sf);
	(v2sf) =	vpush v42, $0xC;
	s6 =	sadd.f32 s6, s14  }
0xce: {  	s1 =	sadd.f32 s1, s3;
	s19 =	spop (v2sf);
	(v2sf) =	vpush v42, $0xD  }
0xcf: {  	v46 =	vadd.f32 v46, v43;
	s10 =	spop (v2sf);
	(v2sf) =	vpush v42, $0xE;
	s20 =	sadd.f32 s6, s17  }
0xd0: {  	s1 =	sadd.f32 s1, s23;
	s26 =	spop (v2sf);
	(v2sf) =	vpush v42, $0xF  }
0xd1: {  	s28 =	spop (v2sf);
	(v2sf) =	vpush v46, $0x0;
	s3 =	sadd.f32 s20, s22  }
0xd2: {  	s0 =	sadd.f32 s1, s0;
	s29 =	spop (v2sf);
	(v2sf) =	vpush v46, $0x1  }
0xd3: {  	s30 =	spop (v2sf);
	s13 =	sadd.f32 s3, s24  }
0xd4: {  	s14 =	smul.f32 s0, s0;
	(v2sf) =	vpush v46, $0x2;
	s31 =	spop (v2sf)  }
0xd5: {  	(v2sf) =	vpush v46, $0x3;
	s21 =	spop (v2sf);
	s24 =	sadd.f32 s13, s25  }
0xd6: {  	(v2sf) =	vpush v46, $0x4;
	s23 =	spop (v2sf);
	s25 =	sadd.f32 s28, s26  }
0xd7: {  	(v2sf) =	vpush v46, $0x5;
	s12 =	spop (v2sf);
	s0 =	sadd.f32 s24, s8  }
0xd8: {  	(v2sf) =	vpush v46, $0x6;
	s20 =	spop (v2sf);
	s4 =	sadd.f32 s25, s29  }
0xd9: {  	(v2sf) =	vpush v46, $0x7;
	s17 =	spop (v2sf);
	s26 =	sadd.f32 s0, s18  }
0xda: {  	(v2sf) =	vpush v46, $0x8;
	s22 =	spop (v2sf);
	s4 =	sadd.f32 s4, s30  }
0xdb: {  	(v2sf) =	vpush v46, $0x9;
	s15 =	spop (v2sf);
	s5 =	sadd.f32 s26, s19  }
0xdc: {  	(v2sf) =	vpush v46, $0xA;
	s1 =	spop (v2sf);
	s4 =	sadd.f32 s4, s31  }
0xdd: {  	(v2sf) =	vpush v46, $0xB;
	s3 =	spop (v2sf);
	s5 =	sadd.f32 s5, s10  }
0xde: {  	(v2sf) =	vpush v46, $0xC;
	s2 =	spop (v2sf);
	s4 =	sadd.f32 s4, s21  }
0xdf: {  	(v2sf) =	vpush v46, $0xD;
	s0 =	spop (v2sf);
	s5 =	smul.f32 s5, s5  }
0xe0: {  	(v2sf) =	vpush v46, $0xE;
	s28 =	spop (v2sf);
	s4 =	sadd.f32 s4, s23  }
0xe1: {  	(v2sf) =	vpush v46, $0xF;
	s29 =	spop (v2sf);
	s5 =	sadd.f32 s5, s14  }
0xe2: {  	(v2sf) =	vpush v41, $0x0;
	s8 =	sadd.f32 s29, s28  }
0xe3: {  	s30 =	spop (v2sf);
	(v2sf) =	vpush v41, $0x1;
	s4 =	sadd.f32 s4, s12  }
0xe4: {  	s31 =	spop (v2sf);
	(v2sf) =	vpush v41, $0x2;
	s8 =	sadd.f32 s8, s30  }
0xe5: {  	s16 =	spop (v2sf);
	(v2sf) =	vpush v41, $0x3;
	s4 =	sadd.f32 s4, s20  }
0xe6: {  	s18 =	spop (v2sf);
	(v2sf) =	vpush v41, $0x4;
	s10 =	sadd.f32 s8, s31  }
0xe7: {  	s23 =	spop (v2sf);
	s4 =	sadd.f32 s4, s17  }
0xe8: {  	(v2sf) =	vpush v41, $0x5;
	s24 =	spop (v2sf);
	s10 =	sadd.f32 s10, s16  }
0xe9: {  	(v2sf) =	vpush v41, $0x6;
	s25 =	spop (v2sf);
	s4 =	sadd.f32 s4, s22  }
0xea: {  	(v2sf) =	vpush v41, $0x7;
	s19 =	spop (v2sf);
	s10 =	sadd.f32 s10, s18  }
0xeb: {  	(v2sf) =	vpush v41, $0x8;
	s13 =	spop (v2sf);
	s4 =	sadd.f32 s4, s15  }
0xec: {  	(v2sf) =	vpush v41, $0x9;
	s14 =	spop (v2sf);
	s26 =	sadd.f32 s10, s23  }
0xed: {  	(v2sf) =	vpush v41, $0xA;
	s17 =	spop (v2sf);
	s1 =	sadd.f32 s4, s1  }
0xee: {  	(v2sf) =	vpush v41, $0xB;
	s20 =	spop (v2sf);
	s30 =	sadd.f32 s26, s24  }
0xef: {  	(v2sf) =	vpush v41, $0xC;
	s8 =	spop (v2sf);
	s1 =	sadd.f32 s1, s3  }
0xf0: {  	(v2sf) =	vpush v41, $0xD;
	s6 =	spop (v2sf);
	s12 =	sadd.f32 s30, s25  }
0xf1: {  	(v2sf) =	vpush v41, $0xE;
	s15 =	spop (v2sf);
	s1 =	sadd.f32 s1, s2  }
0xf2: {  	(v2sf) =	vpush v41, $0xF;
	s21 =	spop (v2sf);
	s2 =	sadd.f32 s12, s19  }
0xf3: {  	(v2sf) =	vpush v39, $0x0;
	s22 =	spop (v2sf);
	s0 =	sadd.f32 s1, s0  }
0xf4: {  	(v2sf) =	vpush v39, $0x1;
	s28 =	spop (v2sf);
	s2 =	sadd.f32 s2, s13  }
0xf5: {  	s15 =	sadd.f32 s21, s15;
	(v2sf) =	vpush v39, $0x2;
	s29 =	spop (v2sf)  }
0xf6: {  	(v2sf) =	vpush v39, $0x3;
	s0 =	smul.f32 s0, s0;
	s14 =	sadd.f32 s2, s14  }
0xf7: {  	s11 =	sadd.f32 s15, s22;
	s31 =	spop (v2sf);
	(v2sf) =	vpush v39, $0x4  }
0xf8: {  	s23 =	spop (v2sf);
	(v2sf) =	vpush v39, $0x5;
	s16 =	sadd.f32 s14, s17  }
0xf9: {  	s13 =	sadd.f32 s0, s5;
	s24 =	spop (v2sf);
	(v2sf) =	vpush v39, $0x6  }
0xfa: {  	s25 =	spop (v2sf);
	(v2sf) =	vpush v39, $0x7;
	s12 =	sadd.f32 s16, s20  }
0xfb: {  	s10 =	sadd.f32 s11, s28;
	s1 =	spop (v2sf);
	(v2sf) =	vpush v39, $0x8  }
0xfc: {  	s7 =	spop (v2sf);
	(v2sf) =	vpush v39, $0x9;
	s8 =	sadd.f32 s12, s8  }
0xfd: {  	s10 =	sadd.f32 s10, s29;
	s4 =	spop (v2sf);
	(v2sf) =	vpush v39, $0xA  }
0xfe: {  	s5 =	spop (v2sf);
	(v2sf) =	vpush v39, $0xB;
	s6 =	sadd.f32 s8, s6  }
0xff: {  	v47 =	vmul.f32 v28, v36;
	s30 =	sadd.f32 s10, s31;
	s3 =	spop (v2sf);
	(v2sf) =	vpush v39, $0xC  }
0x100: {  	s2 =	spop (v2sf);
	(v2sf) =	vpush v39, $0xD;
	s6 =	smul.f32 s6, s6  }
0x101: {  	v0 =	vadd.f32 v47, v40;
	s8 =	sadd.f32 s30, s23;
	s0 =	spop (v2sf);
	(v2sf) =	vpush v39, $0xE  }
0x102: {  	s17 =	spop (v2sf);
	(v2sf) =	vpush v39, $0xF;
	s12 =	sadd.f32 s6, s13  }
0x103: {  	s19 =	spop (v2sf);
	(v2sf) =	vpush v0, $0x0;
	s13 =	sadd.f32 s8, s24  }
0x104: {  	s20 =	spop (v2sf);
	(v2sf) =	vpush v0, $0x1;
	s14 =	sadd.f32 s19, s17  }
0x105: {  	s21 =	spop (v2sf);
	(v2sf) =	vpush v0, $0x2;
	s6 =	sadd.f32 s13, s25  }
0x106: {  	s28 =	spop (v2sf);
	(v2sf) =	vpush v0, $0x3;
	s15 =	sadd.f32 s14, s20  }
0x107: {  	s29 =	spop (v2sf);
	(v2sf) =	vpush v0, $0x4;
	s1 =	sadd.f32 s6, s1  }
0x108: {  	s31 =	spop (v2sf);
	s9 =	sadd.f32 s15, s21  }
0x109: {  	(v2sf) =	vpush v0, $0x5;
	s18 =	spop (v2sf);
	s1 =	sadd.f32 s1, s7  }
0x10a: {  	(v2sf) =	vpush v0, $0x6;
	s22 =	spop (v2sf);
	s19 =	sadd.f32 s9, s28  }
0x10b: {  	(v2sf) =	vpush v0, $0x7;
	s23 =	spop (v2sf);
	s1 =	sadd.f32 s1, s4  }
0x10c: {  	(v2sf) =	vpush v0, $0x8;
	s24 =	spop (v2sf);
	s28 =	sadd.f32 s19, s29  }
0x10d: {  	(v2sf) =	vpush v0, $0x9;
	s26 =	spop (v2sf);
	s1 =	sadd.f32 s1, s5  }
0x10e: {  	(v2sf) =	vpush v0, $0xA;
	s17 =	spop (v2sf);
	s4 =	sadd.f32 s28, s31  }
0x10f: {  	(v2sf) =	vpush v0, $0xB;
	s8 =	spop (v2sf);
	s1 =	sadd.f32 s1, s3  }
0x110: {  	v48 =	vmul.f32 v31, v36;
	(v2sf) =	vpush v0, $0xC;
	s16 =	spop (v2sf);
	s7 =	sadd.f32 s4, s18  }
0x111: {  	(v2sf) =	vpush v0, $0xD;
	s6 =	spop (v2sf);
	s2 =	sadd.f32 s1, s2  }
0x112: {  	v1 =	vadd.f32 v48, v38;
	(v2sf) =	vpush v0, $0xE;
	s11 =	spop (v2sf);
	s3 =	sadd.f32 s7, s22  }
0x113: {  	(v2sf) =	vpush v0, $0xF;
	s20 =	spop (v2sf);
	s0 =	sadd.f32 s2, s0  }
0x114: {  	(v2sf) =	vpush v1, $0x0;
	s25 =	spop (v2sf);
	s13 =	sadd.f32 s3, s23  }
0x115: {  	(v2sf) =	vpush v1, $0x1;
	s11 =	sadd.f32 s20, s11;
	s29 =	spop (v2sf)  }
0x116: {  	(v2sf) =	vpush v1, $0x2;
	s30 =	spop (v2sf);
	s14 =	sadd.f32 s13, s24  }
0x117: {  	(v2sf) =	vpush v1, $0x3;
	s0 =	smul.f32 s0, s0;
	s11 =	sadd.f32 s11, s25  }
0x118: {  	s10 =	spop (v2sf);
	(v2sf) =	vpush v1, $0x4;
	s18 =	sadd.f32 s14, s26  }
0x119: {  	s31 =	spop (v2sf);
	(v2sf) =	vpush v1, $0x5;
	s12 =	sadd.f32 s0, s12  }
0x11a: {  	s9 =	spop (v2sf);
	(v2sf) =	vpush v1, $0x6;
	s17 =	sadd.f32 s18, s17  }
0x11b: {  	s11 =	sadd.f32 s11, s29;
	s1 =	spop (v2sf);
	(v2sf) =	vpush v1, $0x7  }
0x11c: {  	s7 =	spop (v2sf);
	(v2sf) =	vpush v1, $0x8;
	s8 =	sadd.f32 s17, s8  }
0x11d: {  	s11 =	sadd.f32 s11, s30;
	s4 =	spop (v2sf);
	(v2sf) =	vpush v1, $0x9  }
0x11e: {  	s15 =	spop (v2sf);
	(v2sf) =	vpush v1, $0xA;
	s8 =	sadd.f32 s8, s16  }
0x11f: {  	s10 =	sadd.f32 s11, s10;
	s5 =	spop (v2sf);
	(v2sf) =	vpush v1, $0xB  }
0x120: {  	s3 =	spop (v2sf);
	(v2sf) =	vpush v1, $0xC;
	s6 =	sadd.f32 s8, s6  }
0x121: {  	s2 =	spop (v2sf);
	(v2sf) =	vpush v1, $0xD;
	s8 =	sadd.f32 s10, s31  }
0x122: {  	v49 =	vadd.f32 v37, v33;
	s0 =	spop (v2sf);
	(v2sf) =	vpush v1, $0xE;
	s6 =	smul.f32 s6, s6  }
0x123: {  	s22 =	spop (v2sf);
	(v2sf) =	vpush v1, $0xF;
	s9 =	sadd.f32 s8, s9  }
0x124: {  	s13 =	spop (v2sf);
	(v2sf) =	vpush v49, $0x0;
	s20 =	sadd.f32 s6, s12  }
0x125: {  	s14 =	spop (v2sf);
	(v2sf) =	vpush v49, $0x1;
	s13 =	sadd.f32 s13, s22  }
0x126: {  	s1 =	sadd.f32 s9, s1;
	s28 =	spop (v2sf);
	(v2sf) =	vpush v49, $0x2  }
0x127: {  	s23 =	spop (v2sf);
	(v2sf) =	vpush v49, $0x3;
	s14 =	sadd.f32 s13, s14  }
0x128: {  	s1 =	sadd.f32 s1, s7;
	s24 =	spop (v2sf);
	(v2sf) =	vpush v49, $0x4  }
0x129: {  	s29 =	spop (v2sf);
	(v2sf) =	vpush v49, $0x5;
	s19 =	sadd.f32 s14, s28  }
0x12a: {  	s1 =	sadd.f32 s1, s4;
	s30 =	spop (v2sf);
	(v2sf) =	vpush v49, $0x6  }
0x12b: {  	s11 =	spop (v2sf);
	(v2sf) =	vpush v49, $0x7;
	s28 =	sadd.f32 s19, s23  }
0x12c: {  	s1 =	sadd.f32 s1, s15;
	s26 =	spop (v2sf);
	(v2sf) =	vpush v49, $0x8  }
0x12d: {  	s10 =	spop (v2sf);
	(v2sf) =	vpush v49, $0x9;
	s4 =	sadd.f32 s28, s24  }
0x12e: {  	s5 =	sadd.f32 s1, s5;
	s12 =	spop (v2sf);
	(v2sf) =	vpush v49, $0xA  }
0x12f: {  	v50 =	vld [tilespmem:$0x1FFC0];
	s8 =	spop (v2sf);
	(v2sf) =	vpush v49, $0xB;
	s29 =	sadd.f32 s4, s29  }
0x130: {  	s3 =	sadd.f32 s5, s3;
	s6 =	spop (v2sf);
	(v2sf) =	vpush v49, $0xC  }
0x131: {  	s18 =	spop (v2sf);
	(v2sf) =	vpush v49, $0xD;
	s30 =	sadd.f32 s29, s30  }
0x132: {  	s2 =	sadd.f32 s3, s2;
	s16 =	spop (v2sf);
	(v2sf) =	vpush v49, $0xE  }
0x133: {  	s22 =	spop (v2sf);
	(v2sf) =	vpush v49, $0xF;
	s5 =	sadd.f32 s30, s11  }
0x134: {  	s0 =	sadd.f32 s2, s0;
	s31 =	spop (v2sf);
	(v2sf) =	vpush v50, $0x0  }
0x135: {  	s14 =	spop (v2sf);
	(v2sf) =	vpush v50, $0x1;
	s11 =	sadd.f32 s5, s26  }
0x136: {  	s5 =	smul.f32 s0, s0;
	s21 =	spop (v2sf);
	(v2sf) =	vpush v50, $0x2  }
0x137: {  	s0 =	sadd.f32 s31, s22;
	s13 =	spop (v2sf);
	(v2sf) =	vpush v50, $0x3  }
0x138: {  	s10 =	sadd.f32 s11, s10;
	s9 =	spop (v2sf);
	(v2sf) =	vpush v50, $0x4  }
0x139: {  	s23 =	sadd.f32 s5, s20;
	s1 =	spop (v2sf);
	(v2sf) =	vpush v50, $0x5  }
0x13a: {  	s10 =	sadd.f32 s10, s12;
	s7 =	spop (v2sf);
	(v2sf) =	vpush v50, $0x6  }
0x13b: {  	s12 =	sadd.f32 s0, s14;
	s4 =	spop (v2sf);
	(v2sf) =	vpush v50, $0x7  }
0x13c: {  	s8 =	sadd.f32 s10, s8;
	s19 =	spop (v2sf);
	(v2sf) =	vpush v50, $0x8  }
0x13d: {  	s12 =	sadd.f32 s12, s21;
	s17 =	spop (v2sf);
	(v2sf) =	vpush v50, $0x9  }
0x13e: {  	s6 =	sadd.f32 s8, s6;
	s15 =	spop (v2sf);
	(v2sf) =	vpush v50, $0xA  }
0x13f: {  	s8 =	sadd.f32 s12, s13;
	s3 =	spop (v2sf);
	(v2sf) =	vpush v50, $0xB  }
0x140: {  	s6 =	sadd.f32 s6, s18;
	s2 =	spop (v2sf);
	(v2sf) =	vpush v50, $0xC  }
0x141: {  	s8 =	sadd.f32 s8, s9;
	s30 =	spop (v2sf);
	(v2sf) =	vpush v50, $0xD  }
0x142: {  	v51 =	vadd.f32 v34, v35;
	s6 =	sadd.f32 s6, s16;
	s29 =	spop (v2sf);
	(v2sf) =	vpush v50, $0xE  }
0x143: {  	s1 =	sadd.f32 s8, s1;
	s24 =	spop (v2sf);
	(v2sf) =	vpush v50, $0xF  }
0x144: {  	s20 =	smul.f32 s6, s6;
	s25 =	spop (v2sf);
	(v2sf) =	vpush v51, $0x0  }
0x145: {  	s1 =	sadd.f32 s1, s7;
	s31 =	spop (v2sf);
	(v2sf) =	vpush v51, $0x1  }
0x146: {  	s23 =	sadd.f32 s20, s23;
	s5 =	spop (v2sf);
	(v2sf) =	vpush v51, $0x2  }
0x147: {  	s21 =	sadd.f32 s25, s24;
	s14 =	spop (v2sf);
	(v2sf) =	vpush v51, $0x3  }
0x148: {  	s1 =	sadd.f32 s1, s4;
	s28 =	spop (v2sf);
	(v2sf) =	vpush v51, $0x4  }
0x149: {  	s24 =	sadd.f32 s21, s31;
	s0 =	spop (v2sf);
	(v2sf) =	vpush v51, $0x5  }
0x14a: {  	s1 =	sadd.f32 s1, s19;
	s18 =	spop (v2sf);
	(v2sf) =	vpush v51, $0x6  }
0x14b: {  	s8 =	sadd.f32 s24, s5;
	s13 =	spop (v2sf);
	(v2sf) =	vpush v51, $0x7  }
0x14c: {  	s25 =	sadd.f32 s1, s17;
	s12 =	spop (v2sf);
	(v2sf) =	vpush v51, $0x8  }
0x14d: {  	s14 =	sadd.f32 s8, s14;
	s26 =	spop (v2sf);
	(v2sf) =	vpush v51, $0x9  }
0x14e: {  	s10 =	sadd.f32 s25, s15;
	(v2sf) =	vpush v51, $0xA;
	s6 =	spop (v2sf)  }
0x14f: {  	s14 =	sadd.f32 s14, s28;
	(v2sf) =	vpush v51, $0xB;
	s22 =	spop (v2sf)  }
0x150: {  	s3 =	sadd.f32 s10, s3;
	(v2sf) =	vpush v51, $0xC;
	s20 =	spop (v2sf)  }
0x151: {  	s0 =	sadd.f32 s14, s0;
	(v2sf) =	vpush v51, $0xD;
	s7 =	spop (v2sf)  }
0x152: {  	s2 =	sadd.f32 s3, s2;
	(v2sf) =	vpush v51, $0xE;
	s16 =	spop (v2sf)  }
0x153: {  	s0 =	sadd.f32 s0, s18;
	(v2sf) =	vpush v51, $0xF;
	s9 =	spop (v2sf)  }
0x154: {  	s3 =	sadd.f32 s2, s30;
	(v2sf) =	vpush v26, $0x0;
	s11 =	spop (v2sf)  }
0x155: {  	s28 =	sadd.f32 s0, s13;
	(v2sf) =	vpush v26, $0x1;
	s31 =	spop (v2sf)  }
0x156: {  	s3 =	sadd.f32 s3, s29;
	(v2sf) =	vpush v26, $0x2;
	s4 =	spop (v2sf)  }
0x157: {  	s10 =	sadd.f32 s28, s12;
	(v2sf) =	vpush v26, $0x3;
	s5 =	spop (v2sf)  }
0x158: {  	s3 =	smul.f32 s3, s3;
	(v2sf) =	vpush v26, $0x4;
	s8 =	spop (v2sf)  }
0x159: {  	s9 =	sadd.f32 s11, s9;
	(v2sf) =	vpush v26, $0x5;
	s25 =	spop (v2sf)  }
0x15a: {  	s10 =	sadd.f32 s10, s26;
	(v2sf) =	vpush v26, $0x6;
	s24 =	spop (v2sf)  }
0x15b: {  	s3 =	sadd.f32 s3, s23;
	(v2sf) =	vpush v26, $0x7;
	s21 =	spop (v2sf)  }
0x15c: {  	s9 =	sadd.f32 s9, s31;
	(v2sf) =	vpush v26, $0x8;
	s19 =	spop (v2sf)  }
0x15d: {  	s6 =	sadd.f32 s10, s6;
	(v2sf) =	vpush v26, $0x9;
	s17 =	spop (v2sf)  }
0x15e: {  	s4 =	sadd.f32 s9, s4;
	(v2sf) =	vpush v26, $0xA;
	s15 =	spop (v2sf)  }
0x15f: {  	s6 =	sadd.f32 s6, s22;
	(v2sf) =	vpush v26, $0xB;
	s30 =	spop (v2sf)  }
0x160: {  	v52 =	vmul.f32 v31, v28;
	s5 =	sadd.f32 s4, s5;
	(v2sf) =	vpush v26, $0xC;
	s13 =	spop (v2sf)  }
0x161: {  	s6 =	sadd.f32 s6, s20;
	(v2sf) =	vpush v26, $0xD;
	s29 =	spop (v2sf)  }
0x162: {  	v0 =	vadd.f32 v52, v32;
	s5 =	sadd.f32 s5, s8;
	(v2sf) =	vpush v26, $0xE;
	s1 =	spop (v2sf)  }
0x163: {  	s6 =	sadd.f32 s6, s7;
	(v2sf) =	vpush v26, $0xF;
	s14 =	spop (v2sf)  }
0x164: {  	s5 =	sadd.f32 s5, s25;
	(v2sf) =	vpush v0, $0x0;
	s2 =	spop (v2sf)  }
0x165: {  	s6 =	sadd.f32 s6, s16;
	(v2sf) =	vpush v0, $0x1;
	s28 =	spop (v2sf)  }
0x166: {  	[dreg:$0x11] =	wrdreg s29;
	(v2sf) =	vpush v0, $0x2;
	s29 =	spop (v2sf)  }
0x167: {  	s5 =	sadd.f32 s5, s24;
	(v2sf) =	vpush v0, $0x3;
	s0 =	spop (v2sf)  }
0x168: {  	[dreg:$0x10] =	wrdreg s1;
	(v2sf) =	vpush v0, $0x4;
	s12 =	spop (v2sf)  }
0x169: {  	s6 =	smul.f32 s6, s6;
	(v2sf) =	vpush v0, $0x5;
	s1 =	spop (v2sf)  }
0x16a: {  	s5 =	sadd.f32 s5, s21;
	(v2sf) =	vpush v0, $0x6;
	s23 =	spop (v2sf)  }
0x16b: {  	s11 =	sadd.f32 s6, s3;
	(v2sf) =	vpush v0, $0x7;
	s31 =	spop (v2sf)  }
0x16c: {  	s26 =	sadd.f32 s2, s14;
	(v2sf) =	vpush v0, $0x8;
	s7 =	spop (v2sf)  }
0x16d: {  	s5 =	sadd.f32 s5, s19;
	(v2sf) =	vpush v0, $0x9;
	s4 =	spop (v2sf)  }
0x16e: {  	s6 =	sadd.f32 s26, s28;
	(v2sf) =	vpush v0, $0xA;
	s22 =	spop (v2sf)  }
0x16f: {  	s5 =	sadd.f32 s5, s17;
	(v2sf) =	vpush v0, $0xB;
	s20 =	spop (v2sf)  }
0x170: {  	s29 =	sadd.f32 s6, s29;
	(v2sf) =	vpush v0, $0xC;
	s18 =	spop (v2sf)  }
0x171: {  	s28 =	rddreg [dreg:$0x11];
	(v2sf) =	vpush v0, $0xD;
	s16 =	spop (v2sf)  }
0x172: {  	s0 =	sadd.f32 s29, s0;
	(v2sf) =	vpush v0, $0xE;
	s3 =	spop (v2sf)  }
0x173: {  	s5 =	sadd.f32 s5, s15;
	(v2sf) =	vpush v0, $0xF;
	s9 =	spop (v2sf)  }
0x174: {  	s0 =	sadd.f32 s0, s12;
	(v2sf) =	vpush v29, $0x0;
	s2 =	spop (v2sf)  }
0x175: {  	s5 =	sadd.f32 s5, s30;
	(v2sf) =	vpush v29, $0x1;
	s10 =	spop (v2sf)  }
0x176: {  	s0 =	sadd.f32 s0, s1;
	(v2sf) =	vpush v29, $0x2;
	s14 =	spop (v2sf)  }
0x177: {  	s13 =	sadd.f32 s5, s13;
	(v2sf) =	vpush v29, $0x3;
	s8 =	spop (v2sf)  }
0x178: {  	s0 =	sadd.f32 s0, s23;
	(v2sf) =	vpush v29, $0x4;
	s6 =	spop (v2sf)  }
0x179: {  	s1 =	sadd.f32 s13, s28;
	(v2sf) =	vpush v29, $0x5;
	s26 =	spop (v2sf)  }
0x17a: {  	s29 =	sadd.f32 s0, s31;
	(v2sf) =	vpush v29, $0x6;
	s25 =	spop (v2sf)  }
0x17b: {  	s31 =	rddreg [dreg:$0x10];
	(v2sf) =	vpush v29, $0x7;
	s24 =	spop (v2sf)  }
0x17c: {  	s1 =	sadd.f32 s1, s31;
	(v2sf) =	vpush v29, $0x8;
	s21 =	spop (v2sf)  }
0x17d: {  	s7 =	sadd.f32 s29, s7;
	(v2sf) =	vpush v29, $0x9;
	s19 =	spop (v2sf)  }
0x17e: {  	s2 =	sadd.f32 s2, s9;
	(v2sf) =	vpush v29, $0xA;
	s17 =	spop (v2sf)  }
0x17f: {  	s1 =	smul.f32 s1, s1;
	(v2sf) =	vpush v29, $0xB;
	s12 =	spop (v2sf)  }
0x180: {  	s4 =	sadd.f32 s7, s4;
	(v2sf) =	vpush v29, $0xC;
	s15 =	spop (v2sf)  }
0x181: {  	s2 =	sadd.f32 s2, s10;
	(v2sf) =	vpush v29, $0xD;
	s5 =	spop (v2sf)  }
0x182: {  	s31 =	sadd.f32 s1, s11;
	(v2sf) =	vpush v29, $0xE;
	s30 =	spop (v2sf)  }
0x183: {  	s4 =	sadd.f32 s4, s22;
	(v2sf) =	vpush v29, $0xF;
	s23 =	spop (v2sf)  }
0x184: {  	s2 =	sadd.f32 s2, s14;
	(v2sf) =	vpush v22, $0x0;
	s13 =	spop (v2sf)  }
0x185: {  	s4 =	sadd.f32 s4, s20;
	(v2sf) =	vpush v22, $0x1;
	s28 =	spop (v2sf)  }
0x186: {  	s2 =	sadd.f32 s2, s8;
	(v2sf) =	vpush v22, $0x2;
	s7 =	spop (v2sf)  }
0x187: {  	s4 =	sadd.f32 s4, s18;
	(v2sf) =	vpush v22, $0x3;
	s1 =	spop (v2sf)  }
0x188: {  	s2 =	sadd.f32 s2, s6;
	(v2sf) =	vpush v22, $0x4;
	s11 =	spop (v2sf)  }
0x189: {  	s4 =	sadd.f32 s4, s16;
	(v2sf) =	vpush v22, $0x5;
	s9 =	spop (v2sf)  }
0x18a: {  	s2 =	sadd.f32 s2, s26;
	(v2sf) =	vpush v22, $0x6;
	s20 =	spop (v2sf)  }
0x18b: {  	s29 =	sadd.f32 s4, s3;
	(v2sf) =	vpush v22, $0x7;
	s10 =	spop (v2sf)  }
0x18c: {  	s2 =	sadd.f32 s2, s25;
	(v2sf) =	vpush v22, $0x8;
	s18 =	spop (v2sf)  }
0x18d: {  	[dreg:$0x12] =	wrdreg s30;
	(v2sf) =	vpush v22, $0x9;
	s14 =	spop (v2sf)  }
0x18e: {  	s2 =	sadd.f32 s2, s24;
	(v2sf) =	vpush v22, $0xA;
	s22 =	spop (v2sf)  }
0x18f: {  	s6 =	sadd.f32 s13, s23;
	(v2sf) =	vpush v22, $0xB;
	s8 =	spop (v2sf)  }
0x190: {  	s2 =	sadd.f32 s2, s21;
	(v2sf) =	vpush v22, $0xC;
	s30 =	spop (v2sf)  }
0x191: {  	s3 =	sadd.f32 s6, s28;
	s0 =	spop (v2sf)  }
0x192: {  	s2 =	sadd.f32 s2, s19;
	s13 =	spop (v2sf)  }
0x193: {  	s3 =	sadd.f32 s3, s7;
	s23 =	spop (v2sf)  }
0x194: {  	s19 =	smul.f32 s29, s29;
	s26 =	spop (v2sf)  }
0x195: {  	s1 =	sadd.f32 s3, s1;
	s25 =	spop (v2sf)  }
0x196: {  	s2 =	sadd.f32 s2, s17;
	s7 =	spop (v2sf)  }
0x197: {  	s3 =	sadd.f32 s1, s11;
	s24 =	spop (v2sf)  }
0x198: {  	s12 =	sadd.f32 s2, s12;
	s28 =	spop (v2sf)  }
0x199: {  	s3 =	sadd.f32 s3, s9;
	s21 =	spop (v2sf)  }
0x19a: {  	s17 =	sadd.f32 s12, s15;
	s1 =	spop (v2sf)  }
0x19b: {  	s9 =	sadd.f32 s3, s20;
	s6 =	spop (v2sf)  }
0x19c: {  	s5 =	sadd.f32 s17, s5;
	s4 =	spop (v2sf)  }
0x19d: {  	s9 =	sadd.f32 s9, s10;
	(v2sf) =	vpush v22, $0xD;
	s16 =	spop (v2sf)  }
0x19e: {  	v53 =	vadd.f32 v21, v27;
	s10 =	sadd.f32 s19, s31;
	s3 =	spop (v2sf);
	(v2sf) =	vpush v22, $0xE  }
0x19f: {  	s9 =	sadd.f32 s9, s18;
	s2 =	spop (v2sf);
	(v2sf) =	vpush v22, $0xF  }
0x1a0: {  	s18 =	rddreg [dreg:$0x12];
	(v2sf) =	vpush v53, $0x0  }
0x1a1: {  	s9 =	sadd.f32 s9, s14;
	(v2sf) =	vpush v53, $0x1  }
0x1a2: {  	s5 =	sadd.f32 s5, s18  }
0x1a3: {  	s9 =	sadd.f32 s9, s22;
	(v2sf) =	vpush v53, $0x2  }
0x1a4: {  	s29 =	sadd.f32 s26, s23;
	s5 =	smul.f32 s5, s5  }
0x1a5: {  	s8 =	sadd.f32 s9, s8;
	(v2sf) =	vpush v53, $0x3  }
0x1a6: {  	s20 =	sadd.f32 s5, s10;
	(v2sf) =	vpush v53, $0x4  }
0x1a7: {  	s22 =	sadd.f32 s8, s30;
	(v2sf) =	vpush v53, $0x5  }
0x1a8: {  	s30 =	sadd.f32 s29, s25;
	(v2sf) =	vpush v53, $0x6  }
0x1a9: {  	s0 =	sadd.f32 s22, s0;
	(v2sf) =	vpush v53, $0x7  }
0x1aa: {  	s5 =	sadd.f32 s30, s7;
	(v2sf) =	vpush v53, $0x8  }
0x1ab: {  	s0 =	sadd.f32 s0, s13;
	(v2sf) =	vpush v53, $0x9  }
0x1ac: {  	s12 =	sadd.f32 s5, s24;
	(v2sf) =	vpush v53, $0xA;
	s31 =	spop (v2sf)  }
0x1ad: {  	s0 =	smul.f32 s0, s0;
	v54 =	vld [tilespmem:$0x1FFA0];
	(v2sf) =	vpush v53, $0xB;
	s8 =	spop (v2sf)  }
0x1ae: {  	s10 =	sadd.f32 s12, s28;
	(v2sf) =	vpush v53, $0xC;
	s5 =	spop (v2sf)  }
0x1af: {  	s0 =	sadd.f32 s0, s20;
	(v2sf) =	vpush v53, $0xD;
	s13 =	spop (v2sf)  }
0x1b0: {  	s10 =	sadd.f32 s10, s21;
	(v2sf) =	vpush v53, $0xE;
	s14 =	spop (v2sf)  }
0x1b1: {  	(v2sf) =	vpush v53, $0xF;
	s9 =	sadd.f32 s14, s13  }
0x1b2: {  	s1 =	sadd.f32 s10, s1;
	s15 =	spop (v2sf);
	(v2sf) =	vpush v54, $0x0  }
0x1b3: {  	(v2sf) =	vpush v54, $0x1;
	s9 =	sadd.f32 s9, s15  }
0x1b4: {  	s1 =	sadd.f32 s1, s6;
	s17 =	spop (v2sf);
	(v2sf) =	vpush v54, $0x2  }
0x1b5: {  	s18 =	spop (v2sf);
	(v2sf) =	vpush v54, $0x3;
	s9 =	sadd.f32 s9, s17  }
0x1b6: {  	s1 =	sadd.f32 s1, s4;
	s19 =	spop (v2sf);
	(v2sf) =	vpush v54, $0x4  }
0x1b7: {  	s20 =	spop (v2sf);
	(v2sf) =	vpush v54, $0x5;
	s9 =	sadd.f32 s9, s18  }
0x1b8: {  	s1 =	sadd.f32 s1, s16;
	s21 =	spop (v2sf);
	(v2sf) =	vpush v54, $0x6  }
0x1b9: {  	s22 =	spop (v2sf);
	(v2sf) =	vpush v54, $0x7;
	s6 =	sadd.f32 s9, s19  }
0x1ba: {  	s1 =	sadd.f32 s1, s3;
	s23 =	spop (v2sf);
	(v2sf) =	vpush v54, $0x8  }
0x1bb: {  	s24 =	spop (v2sf);
	(v2sf) =	vpush v54, $0x9;
	s6 =	sadd.f32 s6, s20  }
0x1bc: {  	s1 =	sadd.f32 s1, s2;
	s25 =	spop (v2sf);
	(v2sf) =	vpush v54, $0xA  }
0x1bd: {  	s26 =	spop (v2sf);
	(v2sf) =	vpush v54, $0xB;
	s4 =	sadd.f32 s6, s21  }
0x1be: {  	s1 =	sadd.f32 s1, s31;
	s28 =	spop (v2sf);
	(v2sf) =	vpush v54, $0xC  }
0x1bf: {  	s29 =	spop (v2sf);
	(v2sf) =	vpush v54, $0xD;
	s4 =	sadd.f32 s4, s22  }
0x1c0: {  	v55 =	vadd.f32 v62, v17;
	s1 =	sadd.f32 s1, s8;
	s30 =	spop (v2sf);
	(v2sf) =	vpush v54, $0xE  }
0x1c1: {  	s31 =	spop (v2sf);
	(v2sf) =	vpush v54, $0xF;
	s4 =	sadd.f32 s4, s23  }
0x1c2: {  	s1 =	sadd.f32 s1, s5;
	s12 =	spop (v2sf);
	(v2sf) =	vpush v55, $0x0  }
0x1c3: {  	s13 =	spop (v2sf);
	(v2sf) =	vpush v55, $0x1;
	s4 =	sadd.f32 s4, s24  }
0x1c4: {  	s1 =	smul.f32 s1, s1;
	s14 =	spop (v2sf)  }
0x1c5: {  	(v2sf) =	vpush v55, $0x2;
	s15 =	spop (v2sf);
	s3 =	sadd.f32 s4, s25  }
0x1c6: {  	s0 =	sadd.f32 s1, s0;
	s16 =	spop (v2sf)  }
0x1c7: {  	(v2sf) =	vpush v55, $0x3;
	s17 =	spop (v2sf);
	s3 =	sadd.f32 s3, s26  }
0x1c8: {  	s21 =	sadd.f32 s12, s31;
	s18 =	spop (v2sf)  }
0x1c9: {  	(v2sf) =	vpush v55, $0x4;
	s20 =	spop (v2sf);
	s19 =	sadd.f32 s3, s28  }
0x1ca: {  	(v2sf) =	vpush v55, $0x5;
	s22 =	spop (v2sf);
	s3 =	sadd.f32 s21, s13  }
0x1cb: {  	(v2sf) =	vpush v55, $0x6;
	s23 =	spop (v2sf);
	s1 =	sadd.f32 s19, s29  }
0x1cc: {  	(v2sf) =	vpush v55, $0x7;
	s24 =	spop (v2sf);
	s3 =	sadd.f32 s3, s14  }
0x1cd: {  	(v2sf) =	vpush v55, $0x8;
	s25 =	spop (v2sf);
	s1 =	sadd.f32 s1, s30  }
0x1ce: {  	(v2sf) =	vpush v55, $0x9;
	s26 =	spop (v2sf);
	s3 =	sadd.f32 s3, s15  }
0x1cf: {  	(v2sf) =	vpush v55, $0xA;
	s29 =	spop (v2sf);
	s28 =	smul.f32 s1, s1  }
0x1d0: {  	(v2sf) =	vpush v55, $0xB;
	s1 =	spop (v2sf);
	s3 =	sadd.f32 s3, s16  }
0x1d1: {  	v56 =	vmul.f32 v18, v63;
	(v2sf) =	vpush v55, $0xC;
	s30 =	spop (v2sf);
	s0 =	sadd.f32 s28, s0  }
0x1d2: {  	(v2sf) =	vpush v55, $0xD;
	s31 =	spop (v2sf);
	s3 =	sadd.f32 s3, s17  }
0x1d3: {  	v1 =	vadd.f32 v56, v16;
	(v2sf) =	vpush v55, $0xE;
	s4 =	sadd.f32 s31, s30  }
0x1d4: {  	(v2sf) =	vpush v55, $0xF;
	s12 =	spop (v2sf);
	s3 =	sadd.f32 s3, s18  }
0x1d5: {  	(v2sf) =	vpush v1, $0x0;
	s4 =	sadd.f32 s4, s12  }
0x1d6: {  	s13 =	spop (v2sf);
	(v2sf) =	vpush v1, $0x1;
	s2 =	sadd.f32 s3, s20  }
0x1d7: {  	(v2sf) =	vpush v1, $0x2;
	s4 =	sadd.f32 s4, s13  }
0x1d8: {  	s15 =	spop (v2sf);
	(v2sf) =	vpush v1, $0x3;
	s2 =	sadd.f32 s2, s22  }
0x1d9: {  	s16 =	spop (v2sf);
	(v2sf) =	vpush v1, $0x4;
	s4 =	sadd.f32 s4, s15  }
0x1da: {  	s17 =	spop (v2sf);
	(v2sf) =	vpush v1, $0x5;
	s2 =	sadd.f32 s2, s23  }
0x1db: {  	s18 =	spop (v2sf);
	(v2sf) =	vpush v1, $0x6;
	s3 =	sadd.f32 s4, s16  }
0x1dc: {  	s19 =	spop (v2sf);
	(v2sf) =	vpush v1, $0x7;
	s2 =	sadd.f32 s2, s24  }
0x1dd: {  	s20 =	spop (v2sf);
	(v2sf) =	vpush v1, $0x8;
	s3 =	sadd.f32 s3, s17  }
0x1de: {  	s21 =	spop (v2sf);
	(v2sf) =	vpush v1, $0x9;
	s2 =	sadd.f32 s2, s25  }
0x1df: {  	s22 =	spop (v2sf);
	(v2sf) =	vpush v1, $0xA;
	s3 =	sadd.f32 s3, s18  }
0x1e0: {  	s23 =	spop (v2sf);
	(v2sf) =	vpush v1, $0xB;
	s2 =	sadd.f32 s2, s26  }
0x1e1: {  	s24 =	spop (v2sf);
	(v2sf) =	vpush v1, $0xC;
	s3 =	sadd.f32 s3, s19  }
0x1e2: {  	s25 =	spop (v2sf);
	(v2sf) =	vpush v1, $0xD;
	s2 =	sadd.f32 s2, s29  }
0x1e3: {  	s26 =	spop (v2sf);
	(v2sf) =	vpush v1, $0xE;
	s3 =	sadd.f32 s3, s20  }
0x1e4: {  	s28 =	spop (v2sf);
	(v2sf) =	vpush v1, $0xF;
	s1 =	sadd.f32 s2, s1  }
0x1e5: {  	s29 =	spop (v2sf);
	(v2sf) =	vpush v12, $0x0;
	s3 =	sadd.f32 s3, s21  }
0x1e6: {  	s30 =	spop (v2sf);
	(v2sf) =	vpush v12, $0x1;
	s18 =	sadd.f32 s29, s28  }
0x1e7: {  	s31 =	spop (v2sf);
	s1 =	smul.f32 s1, s1  }
0x1e8: {  	(v2sf) =	vpush v12, $0x2;
	s3 =	sadd.f32 s3, s22;
	s12 =	spop (v2sf)  }
0x1e9: {  	s6 =	sadd.f32 s18, s30;
	s13 =	spop (v2sf)  }
0x1ea: {  	(v2sf) =	vpush v12, $0x3;
	s0 =	sadd.f32 s1, s0;
	s14 =	spop (v2sf)  }
0x1eb: {  	s3 =	sadd.f32 s3, s23;
	(v2sf) =	vpush v12, $0x4;
	s15 =	spop (v2sf)  }
0x1ec: {  	s2 =	sadd.f32 s6, s31;
	(v2sf) =	vpush v12, $0x5;
	s17 =	spop (v2sf)  }
0x1ed: {  	s16 =	sadd.f32 s3, s24;
	(v2sf) =	vpush v12, $0x6;
	s19 =	spop (v2sf)  }
0x1ee: {  	s2 =	sadd.f32 s2, s12;
	(v2sf) =	vpush v12, $0x7;
	s20 =	spop (v2sf)  }
0x1ef: {  	s1 =	sadd.f32 s16, s25;
	s21 =	spop (v2sf);
	(v2sf) =	vpush v12, $0x8  }
0x1f0: {  	s2 =	sadd.f32 s2, s13;
	s22 =	spop (v2sf);
	(v2sf) =	vpush v12, $0x9  }
0x1f1: {  	s1 =	sadd.f32 s1, s26;
	s23 =	spop (v2sf);
	(v2sf) =	vpush v12, $0xA  }
0x1f2: {  	s2 =	sadd.f32 s2, s14;
	s25 =	spop (v2sf);
	(v2sf) =	vpush v12, $0xB  }
0x1f3: {  	s24 =	smul.f32 s1, s1;
	s1 =	spop (v2sf);
	(v2sf) =	vpush v12, $0xC  }
0x1f4: {  	s2 =	sadd.f32 s2, s15;
	s26 =	spop (v2sf);
	(v2sf) =	vpush v12, $0xD  }
0x1f5: {  	v57 =	vadd.f32 v14, v15;
	s0 =	sadd.f32 s24, s0;
	s28 =	spop (v2sf);
	(v2sf) =	vpush v12, $0xE  }
0x1f6: {  	s2 =	sadd.f32 s2, s17;
	(v2sf) =	vpush v12, $0xF  }
0x1f7: {  	s10 =	sadd.f32 s28, s26;
	s29 =	spop (v2sf);
	(v2sf) =	vpush v57, $0x0  }
0x1f8: {  	s2 =	sadd.f32 s2, s19;
	(v2sf) =	vpush v57, $0x1  }
0x1f9: {  	s8 =	sadd.f32 s10, s29;
	s30 =	spop (v2sf);
	(v2sf) =	vpush v57, $0x2  }
0x1fa: {  	s2 =	sadd.f32 s2, s20;
	s31 =	spop (v2sf);
	(v2sf) =	vpush v57, $0x3  }
0x1fb: {  	s8 =	sadd.f32 s8, s30;
	s11 =	spop (v2sf);
	(v2sf) =	vpush v57, $0x4  }
0x1fc: {  	s2 =	sadd.f32 s2, s21;
	s12 =	spop (v2sf);
	(v2sf) =	vpush v57, $0x5  }
0x1fd: {  	s8 =	sadd.f32 s8, s31;
	s13 =	spop (v2sf);
	(v2sf) =	vpush v57, $0x6  }
0x1fe: {  	s2 =	sadd.f32 s2, s22;
	s15 =	spop (v2sf);
	(v2sf) =	vpush v57, $0x7  }
0x1ff: {  	s3 =	sadd.f32 s8, s11;
	s16 =	spop (v2sf);
	(v2sf) =	vpush v57, $0x8  }
0x200: {  	s2 =	sadd.f32 s2, s23;
	s17 =	spop (v2sf);
	(v2sf) =	vpush v57, $0x9  }
0x201: {  	s3 =	sadd.f32 s3, s12;
	s18 =	spop (v2sf);
	(v2sf) =	vpush v57, $0xA  }
0x202: {  	s2 =	sadd.f32 s2, s25;
	s19 =	spop (v2sf);
	(v2sf) =	vpush v57, $0xB  }
0x203: {  	s3 =	sadd.f32 s3, s13;
	s20 =	spop (v2sf);
	(v2sf) =	vpush v57, $0xC  }
0x204: {  	s1 =	sadd.f32 s2, s1;
	s21 =	spop (v2sf);
	(v2sf) =	vpush v57, $0xD  }
0x205: {  	v58 =	vadd.f32 v20, v10;
	s3 =	sadd.f32 s3, s15;
	s22 =	spop (v2sf);
	(v2sf) =	vpush v57, $0xE  }
0x206: {  	s1 =	smul.f32 s1, s1;
	s23 =	spop (v2sf);
	(v2sf) =	vpush v57, $0xF  }
0x207: {  	s3 =	sadd.f32 s3, s16;
	s24 =	spop (v2sf);
	(v2sf) =	vpush v58, $0x0  }
0x208: {  	s0 =	sadd.f32 s1, s0;
	s25 =	spop (v2sf);
	(v2sf) =	vpush v58, $0x1  }
0x209: {  	s3 =	sadd.f32 s3, s17;
	s26 =	spop (v2sf)  }
0x20a: {  	s4 =	sadd.f32 s24, s23;
	(v2sf) =	vpush v58, $0x2;
	s28 =	spop (v2sf)  }
0x20b: {  	s3 =	sadd.f32 s3, s18;
	s29 =	spop (v2sf)  }
0x20c: {  	(v2sf) =	vpush v58, $0x3;
	s4 =	sadd.f32 s4, s25;
	s30 =	spop (v2sf)  }
0x20d: {  	(v2sf) =	vpush v58, $0x4;
	s3 =	sadd.f32 s3, s19;
	s31 =	spop (v2sf)  }
0x20e: {  	(v2sf) =	vpush v58, $0x5;
	s2 =	sadd.f32 s4, s26;
	s5 =	spop (v2sf)  }
0x20f: {  	(v2sf) =	vpush v58, $0x6;
	s3 =	sadd.f32 s3, s20;
	s15 =	spop (v2sf)  }
0x210: {  	s2 =	sadd.f32 s2, s28;
	(v2sf) =	vpush v58, $0x7;
	s16 =	spop (v2sf)  }
0x211: {  	s1 =	sadd.f32 s3, s21;
	(v2sf) =	vpush v58, $0x8;
	s17 =	spop (v2sf)  }
0x212: {  	s2 =	sadd.f32 s2, s29;
	(v2sf) =	vpush v58, $0x9;
	s18 =	spop (v2sf)  }
0x213: {  	s1 =	sadd.f32 s1, s22;
	(v2sf) =	vpush v58, $0xA;
	s19 =	spop (v2sf)  }
0x214: {  	s2 =	sadd.f32 s2, s30;
	(v2sf) =	vpush v58, $0xB;
	s14 =	spop (v2sf)  }
0x215: {  	s20 =	smul.f32 s1, s1;
	(v2sf) =	vpush v58, $0xC;
	s1 =	spop (v2sf)  }
0x216: {  	(v2sf) =	vpush v58, $0xD;
	s21 =	spop (v2sf)  }
0x217: {  	v59 =	vadd.f32 v13, v8;
	s2 =	sadd.f32 s2, s31;
	(v2sf) =	vpush v58, $0xE;
	s22 =	spop (v2sf)  }
0x218: {  	(v2sf) =	vpush v58, $0xF;
	s7 =	sadd.f32 s22, s21  }
0x219: {  	s0 =	sadd.f32 s20, s0;
	(v2sf) =	vpush v59, $0x0;
	s23 =	spop (v2sf)  }
0x21a: {  	(v2sf) =	vpush v59, $0x1;
	s7 =	sadd.f32 s7, s23  }
0x21b: {  	s2 =	sadd.f32 s2, s5;
	s24 =	spop (v2sf);
	(v2sf) =	vpush v59, $0x2  }
0x21c: {  	s25 =	spop (v2sf);
	(v2sf) =	vpush v59, $0x3;
	s7 =	sadd.f32 s7, s24  }
0x21d: {  	s2 =	sadd.f32 s2, s15;
	s26 =	spop (v2sf);
	(v2sf) =	vpush v59, $0x4  }
0x21e: {  	s28 =	spop (v2sf);
	(v2sf) =	vpush v59, $0x5;
	s7 =	sadd.f32 s7, s25  }
0x21f: {  	s2 =	sadd.f32 s2, s16;
	s29 =	spop (v2sf);
	(v2sf) =	vpush v59, $0x6  }
0x220: {  	s30 =	spop (v2sf);
	(v2sf) =	vpush v59, $0x7;
	s7 =	sadd.f32 s7, s26  }
0x221: {  	s2 =	sadd.f32 s2, s17;
	s31 =	spop (v2sf);
	(v2sf) =	vpush v59, $0x8  }
0x222: {  	s12 =	spop (v2sf);
	(v2sf) =	vpush v59, $0x9;
	s3 =	sadd.f32 s7, s28  }
0x223: {  	s2 =	sadd.f32 s2, s18;
	s13 =	spop (v2sf);
	(v2sf) =	vpush v59, $0xA  }
0x224: {  	s15 =	spop (v2sf);
	(v2sf) =	vpush v59, $0xB;
	s3 =	sadd.f32 s3, s29  }
0x225: {  	s2 =	sadd.f32 s2, s19;
	s16 =	spop (v2sf);
	(v2sf) =	vpush v59, $0xC  }
0x226: {  	s17 =	spop (v2sf);
	(v2sf) =	vpush v59, $0xD;
	s3 =	sadd.f32 s3, s30  }
0x227: {  	s2 =	sadd.f32 s2, s14;
	s18 =	spop (v2sf);
	(v2sf) =	vpush v59, $0xE  }
0x228: {  	s19 =	spop (v2sf);
	(v2sf) =	vpush v59, $0xF;
	s3 =	sadd.f32 s3, s31  }
0x229: {  	s1 =	sadd.f32 s2, s1;
	s20 =	spop (v2sf);
	(v2sf) =	vpush v7, $0x0  }
0x22a: {  	s21 =	spop (v2sf);
	(v2sf) =	vpush v7, $0x1;
	s3 =	sadd.f32 s3, s12  }
0x22b: {  	s1 =	smul.f32 s1, s1;
	s22 =	spop (v2sf)  }
0x22c: {  	(v2sf) =	vpush v7, $0x2;
	s23 =	spop (v2sf);
	s24 =	sadd.f32 s3, s13  }
0x22d: {  	s0 =	sadd.f32 s1, s0;
	(v2sf) =	vpush v7, $0x3;
	s25 =	spop (v2sf)  }
0x22e: {  	(v2sf) =	vpush v7, $0x4;
	s26 =	spop (v2sf);
	s2 =	sadd.f32 s24, s15  }
0x22f: {  	(v2sf) =	vpush v7, $0x5;
	s28 =	spop (v2sf);
	s15 =	sadd.f32 s20, s19  }
0x230: {  	(v2sf) =	vpush v7, $0x6;
	s29 =	spop (v2sf);
	s30 =	sadd.f32 s2, s16  }
0x231: {  	(v2sf) =	vpush v7, $0x7;
	s31 =	spop (v2sf);
	s2 =	sadd.f32 s15, s21  }
0x232: {  	(v2sf) =	vpush v7, $0x8;
	s16 =	spop (v2sf);
	s1 =	sadd.f32 s30, s17  }
0x233: {  	(v2sf) =	vpush v7, $0x9;
	s17 =	spop (v2sf);
	s8 =	sadd.f32 s2, s22  }
0x234: {  	(v2sf) =	vpush v7, $0xA;
	s9 =	spop (v2sf);
	s5 =	sadd.f32 s1, s18  }
0x235: {  	(v2sf) =	vpush v7, $0xB;
	s12 =	spop (v2sf);
	s8 =	sadd.f32 s8, s23  }
0x236: {  	(v2sf) =	vpush v7, $0xC;
	s1 =	spop (v2sf);
	s5 =	smul.f32 s5, s5  }
0x237: {  	(v2sf) =	vpush v7, $0xD;
	s2 =	spop (v2sf);
	s3 =	sadd.f32 s8, s25  }
0x238: {  	(v2sf) =	vpush v7, $0xE;
	s18 =	spop (v2sf);
	s0 =	sadd.f32 s5, s0  }
0x239: {  	(v2sf) =	vpush v7, $0xF;
	s19 =	spop (v2sf);
	s3 =	sadd.f32 s3, s26  }
0x23a: {  	(v2sf) =	vpush v61, $0x0;
	s5 =	sadd.f32 s19, s18  }
0x23b: {  	s20 =	spop (v2sf);
	(v2sf) =	vpush v61, $0x1;
	s3 =	sadd.f32 s3, s28  }
0x23c: {  	s21 =	spop (v2sf);
	s5 =	sadd.f32 s5, s20  }
0x23d: {  	(v2sf) =	vpush v61, $0x2;
	s22 =	spop (v2sf);
	s3 =	sadd.f32 s3, s29  }
0x23e: {  	(v2sf) =	vpush v61, $0x3;
	s23 =	spop (v2sf);
	s5 =	sadd.f32 s5, s21  }
0x23f: {  	(v2sf) =	vpush v61, $0x4;
	s24 =	spop (v2sf);
	s3 =	sadd.f32 s3, s31  }
0x240: {  	(v2sf) =	vpush v61, $0x5;
	s25 =	spop (v2sf);
	s5 =	sadd.f32 s5, s22  }
0x241: {  	(v2sf) =	vpush v61, $0x6;
	s26 =	spop (v2sf);
	s3 =	sadd.f32 s3, s16  }
0x242: {  	(v2sf) =	vpush v61, $0x7;
	s28 =	spop (v2sf);
	s5 =	sadd.f32 s5, s23  }
0x243: {  	(v2sf) =	vpush v61, $0x8;
	s29 =	spop (v2sf);
	s3 =	sadd.f32 s3, s17  }
0x244: {  	(v2sf) =	vpush v61, $0x9;
	s30 =	spop (v2sf);
	s5 =	sadd.f32 s5, s24  }
0x245: {  	(v2sf) =	vpush v61, $0xA;
	s31 =	spop (v2sf);
	s3 =	sadd.f32 s3, s9  }
0x246: {  	v60 =	vld [tilespmem:$0x1FFB0];
	(v2sf) =	vpush v61, $0xB;
	s15 =	spop (v2sf);
	s5 =	sadd.f32 s5, s25  }
0x247: {  	(v2sf) =	vpush v61, $0xC;
	s16 =	spop (v2sf);
	s3 =	sadd.f32 s3, s12  }
0x248: {  	(v2sf) =	vpush v61, $0xD;
	s17 =	spop (v2sf);
	s5 =	sadd.f32 s5, s26  }
0x249: {  	(v2sf) =	vpush v61, $0xE;
	s18 =	spop (v2sf);
	s1 =	sadd.f32 s3, s1  }
0x24a: {  	(v2sf) =	vpush v61, $0xF;
	s19 =	spop (v2sf);
	s5 =	sadd.f32 s5, s28  }
0x24b: {  	(v2sf) =	vpush v60, $0x0;
	s9 =	sadd.f32 s19, s18  }
0x24c: {  	s20 =	spop (v2sf);
	(v2sf) =	vpush v60, $0x1;
	s1 =	sadd.f32 s1, s2  }
0x24d: {  	s21 =	spop (v2sf);
	(v2sf) =	vpush v60, $0x2;
	s23 =	sadd.f32 s5, s29  }
0x24e: {  	s22 =	spop (v2sf);
	(v2sf) =	vpush v60, $0x3;
	s12 =	sadd.f32 s9, s20  }
0x24f: {  	s24 =	spop (v2sf);
	(v2sf) =	vpush v60, $0x4;
	s1 =	smul.f32 s1, s1  }
0x250: {  	s25 =	spop (v2sf);
	(v2sf) =	vpush v60, $0x5;
	s26 =	sadd.f32 s23, s30  }
0x251: {  	s6 =	sadd.f32 s12, s21;
	s28 =	spop (v2sf);
	(v2sf) =	vpush v60, $0x6  }
0x252: {  	s0 =	sadd.f32 s1, s0;
	s29 =	spop (v2sf);
	(v2sf) =	vpush v60, $0x7  }
0x253: {  	s2 =	sadd.f32 s26, s31;
	s30 =	spop (v2sf);
	(v2sf) =	vpush v60, $0x8  }
0x254: {  	s6 =	sadd.f32 s6, s22;
	s31 =	spop (v2sf);
	(v2sf) =	vpush v60, $0x9  }
0x255: {  	s2 =	sadd.f32 s2, s15;
	s10 =	spop (v2sf);
	(v2sf) =	vpush v60, $0xA  }
0x256: {  	s5 =	sadd.f32 s6, s24;
	s1 =	spop (v2sf);
	(v2sf) =	vpush v60, $0xB  }
0x257: {  	s2 =	sadd.f32 s2, s16;
	s4 =	spop (v2sf);
	(v2sf) =	vpush v60, $0xC  }
0x258: {  	s5 =	sadd.f32 s5, s25;
	s3 =	spop (v2sf);
	(v2sf) =	vpush v60, $0xD  }
0x259: {  	s13 =	sadd.f32 s2, s17;
	s2 =	spop (v2sf);
	(v2sf) =	vpush v60, $0xE  }
0x25a: {  	s5 =	sadd.f32 s5, s28;
	s14 =	spop (v2sf);
	(v2sf) =	vpush v60, $0xF  }
0x25b: {  	s9 =	smul.f32 s13, s13;
	s19 =	spop (v2sf);
	(v2sf) =	vpush v6, $0x0  }
0x25c: {  	s5 =	sadd.f32 s5, s29;
	s20 =	spop (v2sf);
	(v2sf) =	vpush v6, $0x1  }
0x25d: {  	s7 =	sadd.f32 s19, s14;
	s21 =	spop (v2sf);
	(v2sf) =	vpush v6, $0x2  }
0x25e: {  	s0 =	sadd.f32 s9, s0;
	s22 =	spop (v2sf);
	(v2sf) =	vpush v6, $0x3  }
0x25f: {  	s7 =	sadd.f32 s7, s20;
	s23 =	spop (v2sf);
	(v2sf) =	vpush v6, $0x4  }
0x260: {  	s5 =	sadd.f32 s5, s30;
	s24 =	spop (v2sf);
	(v2sf) =	vpush v6, $0x5  }
0x261: {  	s7 =	sadd.f32 s7, s21;
	s25 =	spop (v2sf);
	(v2sf) =	vpush v6, $0x6  }
0x262: {  	s5 =	sadd.f32 s5, s31;
	s26 =	spop (v2sf);
	(v2sf) =	vpush v6, $0x7  }
0x263: {  	s6 =	sadd.f32 s7, s22;
	s28 =	spop (v2sf);
	(v2sf) =	vpush v6, $0x8  }
0x264: {  	s5 =	sadd.f32 s5, s10;
	s29 =	spop (v2sf);
	(v2sf) =	vpush v6, $0x9  }
0x265: {  	s6 =	sadd.f32 s6, s23;
	s15 =	spop (v2sf);
	(v2sf) =	vpush v6, $0xA  }
0x266: {  	s1 =	sadd.f32 s5, s1;
	s16 =	spop (v2sf);
	(v2sf) =	vpush v6, $0xB  }
0x267: {  	s6 =	sadd.f32 s6, s24;
	s30 =	spop (v2sf);
	(v2sf) =	vpush v6, $0xC  }
0x268: {  	s1 =	sadd.f32 s1, s4;
	s31 =	spop (v2sf);
	(v2sf) =	vpush v6, $0xD  }
0x269: {  	s6 =	sadd.f32 s6, s25;
	s11 =	spop (v2sf);
	(v2sf) =	vpush v6, $0xE  }
0x26a: {  	s1 =	sadd.f32 s1, s3;
	s17 =	spop (v2sf);
	(v2sf) =	vpush v6, $0xF  }
0x26b: {  	s20 =	sadd.f32 s6, s26;
	s18 =	spop (v2sf);
	(v2sf) =	vpush v4, $0x0  }
0x26c: {  	s1 =	sadd.f32 s1, s2;
	s19 =	spop (v2sf);
	(v2sf) =	vpush v4, $0x1  }
0x26d: {  	s23 =	sadd.f32 s20, s28;
	s21 =	spop (v2sf);
	(v2sf) =	vpush v4, $0x2  }
0x26e: {  	s10 =	sadd.f32 s18, s17;
	s22 =	spop (v2sf);
	(v2sf) =	vpush v4, $0x3  }
0x26f: {  	s26 =	sadd.f32 s23, s29;
	s24 =	spop (v2sf);
	(v2sf) =	vpush v4, $0x4  }
0x270: {  	s29 =	smul.f32 s1, s1;
	s25 =	spop (v2sf);
	(v2sf) =	vpush v4, $0x5  }
0x271: {  	s10 =	sadd.f32 s10, s19;
	s14 =	spop (v2sf);
	(v2sf) =	vpush v4, $0x6  }
0x272: {  	s28 =	sadd.f32 s26, s15;
	s20 =	spop (v2sf);
	(v2sf) =	vpush v4, $0x7  }
0x273: {  	s3 =	sadd.f32 s29, s0;
	s7 =	spop (v2sf);
	(v2sf) =	vpush v4, $0x8  }
0x274: {  	s8 =	sadd.f32 s10, s21;
	s1 =	spop (v2sf);
	(v2sf) =	vpush v4, $0x9  }
0x275: {  	s2 =	sadd.f32 s28, s16;
	s6 =	spop (v2sf);
	(v2sf) =	vpush v4, $0xA  }
0x276: {  	s8 =	sadd.f32 s8, s22;
	s4 =	spop (v2sf);
	(v2sf) =	vpush v4, $0xB  }
0x277: {  	s30 =	sadd.f32 s2, s30;
	s5 =	spop (v2sf);
	(v2sf) =	vpush v4, $0xC  }
0x278: {  	s8 =	sadd.f32 s8, s24;
	s2 =	spop (v2sf);
	(v2sf) =	vpush v4, $0xD  }
0x279: {  	s12 =	sadd.f32 s30, s31;
	s0 =	spop (v2sf);
	(v2sf) =	vpush v4, $0xE  }
0x27a: {  	s8 =	sadd.f32 s8, s25;
	s31 =	spop (v2sf);
	(v2sf) =	vpush v4, $0xF  }
0x27b: {  	s11 =	sadd.f32 s12, s11;
	s15 =	spop (v2sf);
	(v2sf) =	vpush v5, $0x0  }
0x27c: {  	s8 =	sadd.f32 s8, s14;
	s16 =	spop (v2sf);
	(v2sf) =	vpush v5, $0x1  }
0x27d: {  	s11 =	smul.f32 s11, s11;
	s17 =	spop (v2sf);
	(v2sf) =	vpush v5, $0x2  }
0x27e: {  	s8 =	sadd.f32 s8, s20;
	s21 =	spop (v2sf);
	(v2sf) =	vpush v5, $0x3  }
0x27f: {  	s3 =	sadd.f32 s11, s3;
	s22 =	spop (v2sf);
	(v2sf) =	vpush v5, $0x4  }
0x280: {  	s12 =	sadd.f32 s15, s31;
	s23 =	spop (v2sf);
	(v2sf) =	vpush v5, $0x5  }
0x281: {  	s7 =	sadd.f32 s8, s7;
	s24 =	spop (v2sf);
	(v2sf) =	vpush v5, $0x6  }
0x282: {  	s10 =	sadd.f32 s12, s16;
	s25 =	spop (v2sf);
	(v2sf) =	vpush v5, $0x7  }
0x283: {  	s1 =	sadd.f32 s7, s1;
	s26 =	spop (v2sf);
	(v2sf) =	vpush v5, $0x8  }
0x284: {  	s10 =	sadd.f32 s10, s17;
	s14 =	spop (v2sf);
	(v2sf) =	vpush v5, $0x9  }
0x285: {  	s1 =	sadd.f32 s1, s6;
	s19 =	spop (v2sf);
	(v2sf) =	vpush v5, $0xA  }
0x286: {  	s10 =	sadd.f32 s10, s21;
	s18 =	spop (v2sf);
	(v2sf) =	vpush v5, $0xB  }
0x287: {  	s1 =	sadd.f32 s1, s4;
	s28 =	spop (v2sf);
	(v2sf) =	vpush v5, $0xC  }
0x288: {  	s10 =	sadd.f32 s10, s22;
	s29 =	spop (v2sf);
	(v2sf) =	vpush v5, $0xD  }
0x289: {  	v61 =	vadd.f32 v9, v3;
	s1 =	sadd.f32 s1, s5;
	s11 =	spop (v2sf);
	(v2sf) =	vpush v5, $0xE  }
0x28a: {  	s9 =	sadd.f32 s10, s23;
	s30 =	spop (v2sf);
	(v2sf) =	vpush v5, $0xF  }
0x28b: {  	s1 =	sadd.f32 s1, s2;
	s31 =	spop (v2sf);
	(v2sf) =	vpush v61, $0x0  }
0x28c: {  	s9 =	sadd.f32 s9, s24;
	s20 =	spop (v2sf);
	(v2sf) =	vpush v61, $0x1  }
0x28d: {  	s0 =	sadd.f32 s1, s0;
	s21 =	spop (v2sf);
	(v2sf) =	vpush v61, $0x2  }
0x28e: {  	s9 =	sadd.f32 s9, s25;
	s22 =	spop (v2sf);
	(v2sf) =	vpush v61, $0x3  }
0x28f: {  	s0 =	smul.f32 s0, s0;
	s23 =	spop (v2sf);
	(v2sf) =	vpush v61, $0x4  }
0x290: {  	s9 =	sadd.f32 s9, s26;
	s24 =	spop (v2sf);
	(v2sf) =	vpush v61, $0x5  }
0x291: {  	s0 =	sadd.f32 s0, s3;
	s25 =	spop (v2sf);
	(v2sf) =	vpush v61, $0x6  }
0x292: {  	s7 =	sadd.f32 s31, s30;
	s26 =	spop (v2sf);
	(v2sf) =	vpush v61, $0x7  }
0x293: {  	s9 =	sadd.f32 s9, s14;
	s14 =	spop (v2sf)  }
0x294: {  	s6 =	sadd.f32 s7, s20;
	(v2sf) =	vpush v61, $0x8;
	s1 =	spop (v2sf)  }
0x295: {  	s9 =	sadd.f32 s9, s19;
	(v2sf) =	vpush v61, $0x9;
	s15 =	spop (v2sf)  }
0x296: {  	s6 =	sadd.f32 s6, s21;
	(v2sf) =	vpush v61, $0xA;
	s19 =	spop (v2sf)  }
0x297: {  	s9 =	sadd.f32 s9, s18;
	(v2sf) =	vpush v61, $0xB;
	s18 =	spop (v2sf)  }
0x298: {  	s4 =	sadd.f32 s6, s22;
	(v2sf) =	vpush v61, $0xC;
	s3 =	spop (v2sf)  }
0x299: {  	s9 =	sadd.f32 s9, s28;
	(v2sf) =	vpush v61, $0xD;
	s16 =	spop (v2sf)  }
0x29a: {  	s4 =	sadd.f32 s4, s23;
	(v2sf) =	vpush v61, $0xE;
	s28 =	spop (v2sf)  }
0x29b: {  	s8 =	sadd.f32 s9, s29;
	(v2sf) =	vpush v61, $0xF;
	s29 =	spop (v2sf)  }
0x29c: {  	s4 =	sadd.f32 s4, s24;
	s30 =	spop (v2sf)  }
0x29d: {  	s9 =	sadd.f32 s29, s28;
	s31 =	spop (v2sf)  }
0x29e: {  	s8 =	sadd.f32 s8, s11;
	s20 =	spop (v2sf)  }
0x29f: {  	s7 =	sadd.f32 s9, s30;
	s21 =	spop (v2sf)  }
0x2a0: {  	s29 =	rddreg [dreg:$0x7];
	s30 =	simm.s32 $0x0;
	s22 =	spop (v2sf)  }
0x2a1: {  	s7 =	sadd.f32 s7, s31;
	s31 =	simm.s32 $0x5080;
	s9 =	spop (v2sf)  }
0x2a2: {  	[tilespmem:s31], [sflag:$0x2] =	stream.linear.gather [hbm4b:s29+s30], $0x80, $0x38;
	[tilespmem:$0x5100] =	vst v63  }
0x2a3: {  	s4 =	sadd.f32 s4, s25;
	s17 =	spop (v2sf)  }
0x2a4: {  	s7 =	sadd.f32 s7, s20;
	s11 =	spop (v2sf)  }
0x2a5: {  	s2 =	sadd.f32 s4, s26;
	s5 =	spop (v2sf)  }
0x2a6: {  	s7 =	sadd.f32 s7, s21;
	s23 =	spop (v2sf)  }
0x2a7: {  	s2 =	sadd.f32 s2, s14;
	s24 =	spop (v2sf)  }
0x2a8: {  	s6 =	sadd.f32 s7, s22;
	s25 =	spop (v2sf)  }
0x2a9: {  	s1 =	sadd.f32 s2, s1;
	s26 =	spop (v2sf)  }
0x2aa: {  	s6 =	sadd.f32 s6, s9;
	s9 =	simm.s32 $0x2;
	s28 =	spop (v2sf)  }
0x2ab: {  	_ =	swait.ge [sflag:s9], $0x80  }
0x2ac: {  	s1 =	sadd.f32 s1, s15;
	[sflag:s9] =	ssyncset.done $0x0  }
0x2ad: {  	s6 =	sadd.f32 s6, s17;
	[sflag:s9] =	ssyncadd.s32 $0xFFFFFF80  }
0x2ae: {  	s1 =	sadd.f32 s1, s19;
	v62 =	vld [tilespmem:$0x5080]  }
0x2af: {  	s21 =	sadd.f32 s6, s11  }
0x2b0: {  	s1 =	sadd.f32 s1, s18  }
0x2b1: {  	s2 =	sadd.f32 s21, s5  }
0x2b2: {  	s1 =	sadd.f32 s1, s3  }
0x2b3: {  	s2 =	sadd.f32 s2, s23;
	(v2sf) =	vpush v62, $0x0  }
0x2b4: {  	s22 =	smul.f32 s8, s8;
	s1 =	sadd.f32 s1, s16  }
0x2b5: {  	s2 =	sadd.f32 s2, s24  }
0x2b6: {  	s0 =	sadd.f32 s22, s0  }
0x2b7: {  	s2 =	sadd.f32 s2, s25  }
0x2b8: {  	s23 =	rddreg [dreg:$0xe]  }
0x2b9: {  	s2 =	sadd.f32 s2, s26  }
0x2ba: {  	s24 =	rddreg [dreg:$0xf]  }
0x2bb: {  	s1 =	smul.f32 s1, s1;
	s2 =	sadd.f32 s2, s28  }
0x2bc: {  	s3 =	sadd.f32 s24, s23  }
0x2bd: {  	s0 =	sadd.f32 s1, s0;
	s25 =	smul.f32 s2, s2  }
0x2be: {  	s26 =	smul.f32 $8.333333580e-02, s3  }
0x2bf: {  	s0 =	sadd.f32 s25, s0  }
0x2c0: {  	s28 =	smul.f32 $1.000000010e-01, s26  }
0x2c1: {  	s0 =	smul.f32 $1.388888900e-02, s0  }
0x2c2: {  	s29 =	spop (v2sf)  }
0x2c3: {  	s0 =	smul.f32 $5.000000070e-02, s0;
	s1 =	sadd.f32 s29, s28  }
0x2c4: {  	_ = 	snop  }
0x2c5: {  	s0 =	sadd.f32 s1, s0;
	_ =	sdelay $0x1  }
0x2c6: {  	v63 =	vmov s0  }
0x2c7: {  	s2 =	rddreg [dreg:$0x8];
	s1 =	simm.s32 @!p0 $0x80;
	s0 =	simm.s32 @!p0 $0x0;
	[tilespmem:$0x5080] =	vst v63  }
0x2c8: {  	[hbm4b:s2+s0] =	stream.linear.scatter @!p0 [tilespmem:s1], [sflag:$0x2], $0x4000, $0x38;
	[tilespmem:$0x5100] =	vst v63  }
0x2c9: {  	s1 =	simm.s32 @!p0 $0x2  }
0x2ca: {  	_ =	swait.ge @!p0 [sflag:s1], $0x4000  }
0x2cb: {  	[sflag:s1] =	ssyncset.done @!p0 $0x0  }
0x2cc: {  	[sflag:s1] =	ssyncadd.s32 @!p0 $0xFFFFC000  }
0x2cd: {  	s2 =	simm.s32 @!p0 $0x5080;
	s3 =	rddreg [dreg:$0x3]  }
0x2ce: {  	[hbm4b:s3+s0] =	stream.linear.scatter @!p0 [tilespmem:s2], [sflag:$0x2], $0x80, $0x38;
	[tilespmem:$0x5100] =	vst v63  }
0x2cf: {  	_ =	swait.ge @!p0 [sflag:s1], $0x80  }
0x2d0: {  	s30 =	rddreg [dreg:$0xd]  }
0x2d1: {  	s31 =	rddreg [dreg:$0xc];
	s2 =	sadd.s32 $0x1, s30  }
0x2d2: {  	p1 =	sne.s32 s2, s31  }
.Ltmp1:
0x2d3: {  	_ = 	snop;
	(pc) =	sbr.rel @p1 .LBB2_1-.Ltmp1, $3  }
0x2d4: {  	_ =	sdelay $0x1  }
0x2d5: {  	[sflag:s1] =	ssyncset.done @!p0 $0x0  }
0x2d6: {  	s20 =	simm.s32 $0x0;
	[sflag:s1] =	ssyncadd.s32 @!p0 $0xFFFFFF80  }
0x2d7: {  	_ =	sfence.sel $0x180000  }
0x2d8: {  	[bflag:$0x0] =	sbarrier.arrive $0xFFFF  }
0x2d9: {  	_ =	strace $0x90000047  }
0x2da: {  	s0 =	stileid.u32;
	[bflag:$0x2] =	sbarrier.arrive $0xFFFF  }
0x2db: {  	p0 =	sne.s32 s0, $0x0;
	s0 =	rddreg [dreg:$0x4]  }
0x2dc: {  	s0 =	sadd.s32 @!p0 $0x100000, s0  }
0x2dd: {  	[sflag:s0] =	ssyncadd.tile.s32 @!p0 $0x1;
	_ =	shalt  }
.Lfunc_end2:
_tile_overlayer_lowered:
.L_overlay_start_2:
0x2de: {  	(tag) =	ssettag $0x2  }
0x2df: {  	s0 =	rddreg [dreg:$0x0];
	s2 =	stileid.u32  }
0x2e0: {  	s1 =	rddreg [dreg:$0x1];
	p0 =	sne.s32 s2, $0x0  }
0x2e1: {  	s3 =	rddreg [dreg:$0x2];
	[bflag:$0x3] =	sbarrier.arrive $0xFFFF;
	s2 =	simm.s32 @!p0 $0x1C02  }
0x2e2: {  	[timem:s3], [sflag:s2] =	dma.local @!p0 [hbm:s0], s1  }
0x2e3: {  	s0 =	simm.s32 @!p0 $0x2  }
0x2e4: {  	_ =	swait.ge @!p0 [sflag:s0], s1  }
0x2e5: {  	s1 =	ssub.s32 @!p0 $0x0, s1;
	[sflag:s0] =	ssyncset.done @!p0 $0x0  }
0x2e6: {  	[sflag:s0] =	ssyncadd.s32 @!p0 s1  }
0x2e7: {  	[bflag:$0x3] =	sbarrier.arrive $0xFFFF  }
0x2e8: {  	_ =	shalt  }

</sc_bundles>
